<compile_context>
chip_gen: v7x
topology: tpu7x:2x2x1
jax: 0.10.2.dev20260603
libtpu: 0.0.44.dev20260713+nightly
codegen_flags: <defaults>
</compile_context>

<pallas_src>
import jax
import jax.numpy as jnp
from jax import lax
from jax.experimental import pallas as pl
from jax.experimental.pallas import tpu as pltpu
from jax.experimental.pallas import tpu_sc as plsc

B = 4
S = 8192
D = 1024
N = B * S
MAXPOS = 8192
L = 16
NC, NS = 2, 16
NW = NC * NS
TPW = N // NW
CH = 8
NCHUNK = TPW // CH
DV = D // L
NBUF = 4


def _body(x_hbm, pos_hbm, mask_hbm, pe_hbm, out_hbm, idx_v, mask_v, xbuf, pebuf,
          lsem, ssem):
    wid = lax.axis_index("s") * NC + lax.axis_index("c")
    base = wid * TPW

    pltpu.sync_copy(pos_hbm.at[pl.ds(base, TPW)], idx_v)
    pltpu.sync_copy(mask_hbm.at[pl.ds(base, TPW)], mask_v.at[pl.ds(0, TPW)])

    def clip_body(i, _):
        v = idx_v[pl.ds(i * L, L)]
        idx_v[pl.ds(i * L, L)] = jnp.clip(v, 0, MAXPOS - 1)
        return 0

    lax.fori_loop(0, TPW // L, clip_body, 0)

    def issue_loads(c, b):
        row0 = base + c * CH
        off = pl.multiple_of(c * CH, 8)
        pltpu.async_copy(x_hbm.at[pl.ds(row0, CH)], xbuf.at[b], lsem.at[b])
        pltpu.async_copy(pe_hbm.at[idx_v.at[pl.ds(off, CH)]], pebuf.at[b],
                         lsem.at[b])

    def wait_loads(c, b):
        row0 = base + c * CH
        off = pl.multiple_of(c * CH, 8)
        pltpu.make_async_copy(x_hbm.at[pl.ds(row0, CH)], xbuf.at[b],
                              lsem.at[b]).wait()
        pltpu.make_async_copy(pe_hbm.at[idx_v.at[pl.ds(off, CH)]], pebuf.at[b],
                              lsem.at[b]).wait()

    def issue_store(c, b):
        row0 = base + c * CH
        pltpu.async_copy(xbuf.at[b], out_hbm.at[pl.ds(row0, CH)], ssem.at[b])

    def wait_store(c, b):
        row0 = base + c * CH
        pltpu.make_async_copy(xbuf.at[b], out_hbm.at[pl.ds(row0, CH)],
                              ssem.at[b]).wait()

    def compute(c, b):
        def row_body(r, _):
            tok = c * CH + r
            m = mask_v[pl.ds(tok, L)][0]
            for j in range(DV):
                pe_vec = pebuf[b, r, pl.ds(j * L, L)]
                plsc.addupdate(xbuf.at[b, r, pl.ds(j * L, L)], pe_vec * m)
            return 0

        lax.fori_loop(0, CH, row_body, 0)

    for b in range(NBUF - 1):
        issue_loads(b, b)

    def chunk_body(c, _):
        b = lax.rem(c, NBUF)

        def sub(bs):
            wait_loads(c, bs)
            compute(c, bs)
            issue_store(c, bs)
            f = c + NBUF - 1
            fb = (bs + NBUF - 1) % NBUF

            @pl.when(f < NCHUNK)
            def _():
                @pl.when(f >= NBUF)
                def _():
                    wait_store(f - NBUF, fb)

                issue_loads(f, fb)

        for bs in range(NBUF):
            @pl.when(b == bs)
            def _(bs=bs):
                sub(bs)

        return 0

    lax.fori_loop(0, NCHUNK, chunk_body, 0)

    for k in range(NBUF):
        c = NCHUNK - NBUF + k
        wait_store(c, c % NBUF)


@jax.jit
def _run(xf, pos, maskf, pe):
    mesh = plsc.VectorSubcoreMesh(
        core_axis_name="c", subcore_axis_name="s", num_cores=NC, num_subcores=NS
    )
    return pl.kernel(
        _body,
        out_type=jax.ShapeDtypeStruct((N, D), jnp.float32),
        mesh=mesh,
        compiler_params=pltpu.CompilerParams(needs_layout_passes=False),
        scratch_types=[
            pltpu.VMEM((TPW,), jnp.int32),
            pltpu.VMEM((TPW + L,), jnp.float32),
            pltpu.VMEM((NBUF, CH, D), jnp.float32),
            pltpu.VMEM((NBUF, CH, D), jnp.float32),
            pltpu.SemaphoreType.DMA((NBUF,)),
            pltpu.SemaphoreType.DMA((NBUF,)),
        ],
    )(xf, pos, maskf, pe)


def kernel(x, positions, token_mask, pe):
    xf = x.reshape(N, D)
    pos = positions.reshape(N).astype(jnp.int32)
    maskf = token_mask.reshape(N).astype(jnp.float32)
    out = _run(xf, pos, maskf, pe)
    return out.reshape(B, S, D)

# --- scband reference (transcript-rebuilt; emitter-appended) ---
"""Pipeline reference for scband-temporal-positional-encoding-48722109006438 (READ-ONLY COPY).

The authoritative reference and input builder live on the scoring server;
editing this copy changes nothing except your own understanding.
"""

import jax, jax.numpy as jnp
import numpy as np
import math

MAX_POSITION = 8192
EMBED_DIM = 1024

def make_pe():
    position = np.arange(MAX_POSITION)[:, None].astype(np.float32)
    div_term = np.exp(np.arange(0, EMBED_DIM, 2).astype(np.float32) * -(math.log(10000.0) / EMBED_DIM))
    pe = np.zeros((MAX_POSITION, EMBED_DIM), dtype=np.float32)
    pe[:, 0::2] = np.sin(position * div_term)
    pe[:, 1::2] = np.cos(position * div_term)
    return jnp.asarray(pe)

def setup_inputs(seed: int = 0) -> dict:
    key = jax.random.key(seed)
    k1, k2, k3 = jax.random.split(key, 3)
    x = jax.random.normal(k1, (4, 8192, EMBED_DIM), dtype=jnp.float32)
    positions = jax.random.randint(k2, (4, 8192), 0, MAX_POSITION, dtype=jnp.int64) if jax.config.jax_enable_x64 else jax.random.randint(k2, (4, 8192), 0, MAX_POSITION).astype(jnp.int32)
    token_mask = jax.random.randint(k3, (4, 8192), 0, 2).astype(bool)
    pe = make_pe()
    return {"x": x, "positions": positions, "token_mask": token_mask, "pe": pe}

def reference(x, positions, token_mask, pe):
    # dropout is identity in eval mode
    positions = jnp.clip(positions, 0, MAX_POSITION - 1)
    pos_encodings = jnp.take(pe, positions, axis=0)  # (B, S, D) gather
    pos_encodings = pos_encodings * token_mask[..., None].astype(jnp.float32)
    return x + pos_encodings

if __name__ == "__main__":
    import jax
    _d = setup_inputs()
    print(jax.jit(kernel)(*tuple(_d.values())))

</pallas_src>

<mosaic_0001>
#map = affine_map<(d0, d1) -> (0, 0)>
#map1 = affine_map<(d0, d1) -> (0)>
module attributes {stable_mosaic.version = 14 : i64} {
  func.func @_body(%arg0: i32, %arg1: i32, %arg2: memref<32768x1024xf32, #tpu.memory_space<hbm>>, %arg3: memref<32768xi32, #tpu.memory_space<hbm>>, %arg4: memref<32768xf32, #tpu.memory_space<hbm>>, %arg5: memref<8192x1024xf32, #tpu.memory_space<hbm>>, %arg6: memref<32768x1024xf32, #tpu.memory_space<hbm>>, %arg7: memref<1024xi32, #tpu.memory_space<vmem>>, %arg8: memref<1040xf32, #tpu.memory_space<vmem>>, %arg9: memref<4x8x1024xf32, #tpu.memory_space<vmem>>, %arg10: memref<4x8x1024xf32, #tpu.memory_space<vmem>>, %arg11: memref<4x!tpu.dma_semaphore, #tpu.memory_space<semaphore_mem>>, %arg12: memref<4x!tpu.dma_semaphore, #tpu.memory_space<semaphore_mem>>) attributes {dimension_semantics = [#tpu.dimension_semantics<core_parallel>, #tpu.dimension_semantics<subcore_parallel>], iteration_bounds = array<i64: 2, 16>, scalar_prefetch = 0 : i64, scratch_operands = 6 : i64, tpu.core_type = #tpu.core_type<sc_vector_subcore>, window_params = [{transform_indices = #map}, {transform_indices = #map1}, {transform_indices = #map1}, {transform_indices = #map}, {transform_indices = #map}]} {
    %mul3A = arith.constant 2 : i32
    %mul3A_0 = arith.muli %arg1, %mul3A : i32
    %add3A = arith.addi %mul3A_0, %arg0 : i32
    %mul3A_1 = arith.constant 1024 : i32
    %mul3A_2 = arith.muli %add3A, %mul3A_1 : i32
    "tpu.region"() ({
      %run_scoped3A = tpu.sem_alloc : memref<!tpu.dma_semaphore, #tpu.memory_space<semaphore_mem>>
      %dma_start3A_181 = tpu.memref_slice %arg3[%mul3A_2] : memref<32768xi32, #tpu.memory_space<hbm>> -> memref<1024xi32, #tpu.memory_space<hbm>>
      %dma_start3A_182 = tpu.memref_slice %arg3[%mul3A_2] : memref<32768xi32, #tpu.memory_space<hbm>> -> memref<1024xi32, #tpu.memory_space<hbm>>
      tpu.enqueue_dma source(%dma_start3A_182 : memref<1024xi32, #tpu.memory_space<hbm>>) target(%arg7 : memref<1024xi32, #tpu.memory_space<vmem>>) target_semaphore(%run_scoped3A : memref<!tpu.dma_semaphore, #tpu.memory_space<semaphore_mem>>)
      %dma_wait3A_183 = tpu.memref_slice %arg3[%mul3A_2] : memref<32768xi32, #tpu.memory_space<hbm>> -> memref<1024xi32, #tpu.memory_space<hbm>>
      %dma_wait3A_184 = tpu.memref_slice %arg3[%mul3A_2] : memref<32768xi32, #tpu.memory_space<hbm>> -> memref<1024xi32, #tpu.memory_space<hbm>>
      tpu.wait_dma2 semaphore(%run_scoped3A : memref<!tpu.dma_semaphore, #tpu.memory_space<semaphore_mem>>) src(%dma_wait3A_184 : memref<1024xi32, #tpu.memory_space<hbm>>) dst(%arg7 : memref<1024xi32, #tpu.memory_space<vmem>>)
      tpu.yield
    }) : () -> ()
    "tpu.region"() ({
      %run_scoped3A = tpu.sem_alloc : memref<!tpu.dma_semaphore, #tpu.memory_space<semaphore_mem>>
      %dma_start3A_181 = arith.constant 0 : i32
      %dma_start3A_182 = tpu.memref_slice %arg8[%dma_start3A_181] : memref<1040xf32, #tpu.memory_space<vmem>> -> memref<1024xf32, #tpu.memory_space<vmem>>
      %dma_start3A_183 = tpu.memref_slice %arg4[%mul3A_2] : memref<32768xf32, #tpu.memory_space<hbm>> -> memref<1024xf32, #tpu.memory_space<hbm>>
      %dma_start3A_184 = arith.constant 0 : i32
      %dma_start3A_185 = tpu.memref_slice %arg8[%dma_start3A_184] : memref<1040xf32, #tpu.memory_space<vmem>> -> memref<1024xf32, #tpu.memory_space<vmem>>
      %dma_start3A_186 = tpu.memref_slice %arg4[%mul3A_2] : memref<32768xf32, #tpu.memory_space<hbm>> -> memref<1024xf32, #tpu.memory_space<hbm>>
      tpu.enqueue_dma source(%dma_start3A_186 : memref<1024xf32, #tpu.memory_space<hbm>>) target(%dma_start3A_185 : memref<1024xf32, #tpu.memory_space<vmem>>) target_semaphore(%run_scoped3A : memref<!tpu.dma_semaphore, #tpu.memory_space<semaphore_mem>>)
      %dma_wait3A_187 = arith.constant 0 : i32
      %dma_wait3A_188 = tpu.memref_slice %arg8[%dma_wait3A_187] : memref<1040xf32, #tpu.memory_space<vmem>> -> memref<1024xf32, #tpu.memory_space<vmem>>
      %dma_wait3A_189 = tpu.memref_slice %arg4[%mul3A_2] : memref<32768xf32, #tpu.memory_space<hbm>> -> memref<1024xf32, #tpu.memory_space<hbm>>
      %dma_wait3A_190 = arith.constant 0 : i32
      %dma_wait3A_191 = tpu.memref_slice %arg8[%dma_wait3A_190] : memref<1040xf32, #tpu.memory_space<vmem>> -> memref<1024xf32, #tpu.memory_space<vmem>>
      %dma_wait3A_192 = tpu.memref_slice %arg4[%mul3A_2] : memref<32768xf32, #tpu.memory_space<hbm>> -> memref<1024xf32, #tpu.memory_space<hbm>>
      tpu.wait_dma2 semaphore(%run_scoped3A : memref<!tpu.dma_semaphore, #tpu.memory_space<semaphore_mem>>) src(%dma_wait3A_192 : memref<1024xf32, #tpu.memory_space<hbm>>) dst(%dma_wait3A_191 : memref<1024xf32, #tpu.memory_space<vmem>>)
      tpu.yield
    }) : () -> ()
    %scan3A = arith.constant 0 : i32
    %scan3A_3 = arith.constant 0 : i32
    %scan3A_4 = arith.constant 64 : i32
    %scan3A_5 = arith.addi %scan3A_3, %scan3A_4 : i32
    %scan3A_6 = arith.constant 1 : i32
    %scan3A_7 = scf.for %scan3A_181 = %scan3A_3 to %scan3A_5 step %scan3A_6 iter_args(%scan3A_182 = %scan3A) -> (i32)  : i32 {
      %mul3A_183 = arith.constant 16 : i32
      %mul3A_184 = arith.muli %scan3A_181, %mul3A_183 : i32
      %get3A = arith.index_cast %mul3A_184 : i32 to index
      %get3A_185 = tpu.vector_load %arg7[%get3A] {strides = array<i32>} : memref<1024xi32, #tpu.memory_space<vmem>>, vector<16xi32>,
      %jit3A = arith.constant 0 : i32
      %jit3A_186 = arith.constant 8191 : i32
      %max3A = vector.broadcast %jit3A : i32 to vector<16xi32>
      %max3A_187 = arith.maxsi %max3A, %get3A_185 : vector<16xi32>
      %min3A = vector.broadcast %jit3A_186 : i32 to vector<16xi32>
      %min3A_188 = arith.minsi %min3A, %max3A_187 : vector<16xi32>
      %mul3A_189 = arith.constant 16 : i32
      %mul3A_190 = arith.muli %scan3A_181, %mul3A_189 : i32
      %swap3A = arith.index_cast %mul3A_190 : i32 to index
      %swap3A_191 = tpu.vector_load %arg7[%swap3A] {strides = array<i32>} : memref<1024xi32, #tpu.memory_space<vmem>>, vector<16xi32>,
      tpu.vector_store %arg7[%swap3A], %min3A_188 {strides = array<i32>} : memref<1024xi32, #tpu.memory_space<vmem>>, vector<16xi32>,
      %scan3A_192 = arith.constant 0 : i32
      scf.yield %scan3A_192 : i32
    }
    %scan3A_8 = arith.constant 64 : i32
    %add3A_9 = arith.constant 0 : i32
    %add3A_10 = arith.addi %mul3A_2, %add3A_9 : i32
    %multiple_of3A = arith.constant 0 : i32
    %multiple_of3A_11 = tpu.assume_multiple %multiple_of3A, 8 : i32
    %dma_start3A = arith.constant 0 : i32
    %dma_start3A_12 = arith.constant 0 : i32
    %dma_start3A_13 = arith.constant 0 : i32
    %dma_start3A_14 = arith.constant 0 : i32
    %dma_start3A_15 = tpu.memref_slice %arg9[%dma_start3A, %dma_start3A_13, %dma_start3A_14] : memref<4x8x1024xf32, #tpu.memory_space<vmem>> -> memref<1x8x1024xf32, #tpu.memory_space<vmem>>
    %dma_start3A_16 = tpu.memref_squeeze %dma_start3A_15 : memref<1x8x1024xf32, #tpu.memory_space<vmem>> -> memref<8x1024xf32, #tpu.memory_space<vmem>>
    %dma_start3A_17 = arith.constant 0 : i32
    %dma_start3A_18 = tpu.memref_slice %arg2[%add3A_10, %dma_start3A_17] : memref<32768x1024xf32, #tpu.memory_space<hbm>> -> memref<8x1024xf32, #tpu.memory_space<hbm>>
    %dma_start3A_19 = tpu.memref_slice %arg11[%dma_start3A_12] : memref<4x!tpu.dma_semaphore, #tpu.memory_space<semaphore_mem>> -> memref<1x!tpu.dma_semaphore, #tpu.memory_space<semaphore_mem>>
    %dma_start3A_20 = tpu.memref_squeeze %dma_start3A_19 : memref<1x!tpu.dma_semaphore, #tpu.memory_space<semaphore_mem>> -> memref<!tpu.dma_semaphore, #tpu.memory_space<semaphore_mem>>
    %dma_start3A_21 = arith.constant 0 : i32
    %dma_start3A_22 = arith.constant 0 : i32
    %dma_start3A_23 = tpu.memref_slice %arg9[%dma_start3A, %dma_start3A_21, %dma_start3A_22] : memref<4x8x1024xf32, #tpu.memory_space<vmem>> -> memref<1x8x1024xf32, #tpu.memory_space<vmem>>
    %dma_start3A_24 = tpu.memref_squeeze %dma_start3A_23 : memref<1x8x1024xf32, #tpu.memory_space<vmem>> -> memref<8x1024xf32, #tpu.memory_space<vmem>>
    %dma_start3A_25 = arith.constant 0 : i32
    %dma_start3A_26 = tpu.memref_slice %arg2[%add3A_10, %dma_start3A_25] : memref<32768x1024xf32, #tpu.memory_space<hbm>> -> memref<8x1024xf32, #tpu.memory_space<hbm>>
    tpu.enqueue_dma source(%dma_start3A_26 : memref<8x1024xf32, #tpu.memory_space<hbm>>) target(%dma_start3A_24 : memref<8x1024xf32, #tpu.memory_space<vmem>>) target_semaphore(%dma_start3A_20 : memref<!tpu.dma_semaphore, #tpu.memory_space<semaphore_mem>>)
    %dma_start3A_27 = arith.constant 0 : i32
    %dma_start3A_28 = arith.constant 0 : i32
    %dma_start3A_29 = arith.constant 0 : i32
    %dma_start3A_30 = arith.constant 0 : i32
    %dma_start3A_31 = tpu.memref_slice %arg10[%dma_start3A_27, %dma_start3A_29, %dma_start3A_30] : memref<4x8x1024xf32, #tpu.memory_space<vmem>> -> memref<1x8x1024xf32, #tpu.memory_space<vmem>>
    %dma_start3A_32 = tpu.memref_squeeze %dma_start3A_31 : memref<1x8x1024xf32, #tpu.memory_space<vmem>> -> memref<8x1024xf32, #tpu.memory_space<vmem>>
    %dma_start3A_33 = tpu.memref_slice %arg7[%multiple_of3A_11] : memref<1024xi32, #tpu.memory_space<vmem>> -> memref<8xi32, #tpu.memory_space<vmem>>
    %dma_start3A_34 = arith.constant 0 : i32
    %dma_start3A_35 = arith.constant 0 : i32
    %dma_start3A_36 = tpu.memref_slice %arg5[%dma_start3A_34, %dma_start3A_35] : memref<8192x1024xf32, #tpu.memory_space<hbm>> -> memref<8192x1024xf32, #tpu.memory_space<hbm>>
    %dma_start3A_37 = tpu.memref_slice %arg11[%dma_start3A_28] : memref<4x!tpu.dma_semaphore, #tpu.memory_space<semaphore_mem>> -> memref<1x!tpu.dma_semaphore, #tpu.memory_space<semaphore_mem>>
    %dma_start3A_38 = tpu.memref_squeeze %dma_start3A_37 : memref<1x!tpu.dma_semaphore, #tpu.memory_space<semaphore_mem>> -> memref<!tpu.dma_semaphore, #tpu.memory_space<semaphore_mem>>
    tpu.enqueue_indirect_dma source(%dma_start3A_36 : memref<8192x1024xf32, #tpu.memory_space<hbm>>) target(%dma_start3A_32 : memref<8x1024xf32, #tpu.memory_space<vmem>>) offsets(%dma_start3A_33 : memref<8xi32, #tpu.memory_space<vmem>>) semaphore(%dma_start3A_38 : memref<!tpu.dma_semaphore, #tpu.memory_space<semaphore_mem>>)
    %add3A_39 = arith.constant 8 : i32
    %add3A_40 = arith.addi %mul3A_2, %add3A_39 : i32
    %multiple_of3A_41 = arith.constant 8 : i32
    %multiple_of3A_42 = tpu.assume_multiple %multiple_of3A_41, 8 : i32
    %dma_start3A_43 = arith.constant 1 : i32
    %dma_start3A_44 = arith.constant 1 : i32
    %dma_start3A_45 = arith.constant 0 : i32
    %dma_start3A_46 = arith.constant 0 : i32
    %dma_start3A_47 = tpu.memref_slice %arg9[%dma_start3A_43, %dma_start3A_45, %dma_start3A_46] : memref<4x8x1024xf32, #tpu.memory_space<vmem>> -> memref<1x8x1024xf32, #tpu.memory_space<vmem>>
    %dma_start3A_48 = tpu.memref_squeeze %dma_start3A_47 : memref<1x8x1024xf32, #tpu.memory_space<vmem>> -> memref<8x1024xf32, #tpu.memory_space<vmem>>
    %dma_start3A_49 = arith.constant 0 : i32
    %dma_start3A_50 = tpu.memref_slice %arg2[%add3A_40, %dma_start3A_49] : memref<32768x1024xf32, #tpu.memory_space<hbm>> -> memref<8x1024xf32, #tpu.memory_space<hbm>>
    %dma_start3A_51 = tpu.memref_slice %arg11[%dma_start3A_44] : memref<4x!tpu.dma_semaphore, #tpu.memory_space<semaphore_mem>> -> memref<1x!tpu.dma_semaphore, #tpu.memory_space<semaphore_mem>>
    %dma_start3A_52 = tpu.memref_squeeze %dma_start3A_51 : memref<1x!tpu.dma_semaphore, #tpu.memory_space<semaphore_mem>> -> memref<!tpu.dma_semaphore, #tpu.memory_space<semaphore_mem>>
    %dma_start3A_53 = arith.constant 0 : i32
    %dma_start3A_54 = arith.constant 0 : i32
    %dma_start3A_55 = tpu.memref_slice %arg9[%dma_start3A_43, %dma_start3A_53, %dma_start3A_54] : memref<4x8x1024xf32, #tpu.memory_space<vmem>> -> memref<1x8x1024xf32, #tpu.memory_space<vmem>>
    %dma_start3A_56 = tpu.memref_squeeze %dma_start3A_55 : memref<1x8x1024xf32, #tpu.memory_space<vmem>> -> memref<8x1024xf32, #tpu.memory_space<vmem>>
    %dma_start3A_57 = arith.constant 0 : i32
    %dma_start3A_58 = tpu.memref_slice %arg2[%add3A_40, %dma_start3A_57] : memref<32768x1024xf32, #tpu.memory_space<hbm>> -> memref<8x1024xf32, #tpu.memory_space<hbm>>
    tpu.enqueue_dma source(%dma_start3A_58 : memref<8x1024xf32, #tpu.memory_space<hbm>>) target(%dma_start3A_56 : memref<8x1024xf32, #tpu.memory_space<vmem>>) target_semaphore(%dma_start3A_52 : memref<!tpu.dma_semaphore, #tpu.memory_space<semaphore_mem>>)
    %dma_start3A_59 = arith.constant 1 : i32
    %dma_start3A_60 = arith.constant 1 : i32
    %dma_start3A_61 = arith.constant 0 : i32
    %dma_start3A_62 = arith.constant 0 : i32
    %dma_start3A_63 = tpu.memref_slice %arg10[%dma_start3A_59, %dma_start3A_61, %dma_start3A_62] : memref<4x8x1024xf32, #tpu.memory_space<vmem>> -> memref<1x8x1024xf32, #tpu.memory_space<vmem>>
    %dma_start3A_64 = tpu.memref_squeeze %dma_start3A_63 : memref<1x8x1024xf32, #tpu.memory_space<vmem>> -> memref<8x1024xf32, #tpu.memory_space<vmem>>
    %dma_start3A_65 = tpu.memref_slice %arg7[%multiple_of3A_42] : memref<1024xi32, #tpu.memory_space<vmem>> -> memref<8xi32, #tpu.memory_space<vmem>>
    %dma_start3A_66 = arith.constant 0 : i32
    %dma_start3A_67 = arith.constant 0 : i32
    %dma_start3A_68 = tpu.memref_slice %arg5[%dma_start3A_66, %dma_start3A_67] : memref<8192x1024xf32, #tpu.memory_space<hbm>> -> memref<8192x1024xf32, #tpu.memory_space<hbm>>
    %dma_start3A_69 = tpu.memref_slice %arg11[%dma_start3A_60] : memref<4x!tpu.dma_semaphore, #tpu.memory_space<semaphore_mem>> -> memref<1x!tpu.dma_semaphore, #tpu.memory_space<semaphore_mem>>
    %dma_start3A_70 = tpu.memref_squeeze %dma_start3A_69 : memref<1x!tpu.dma_semaphore, #tpu.memory_space<semaphore_mem>> -> memref<!tpu.dma_semaphore, #tpu.memory_space<semaphore_mem>>
    tpu.enqueue_indirect_dma source(%dma_start3A_68 : memref<8192x1024xf32, #tpu.memory_space<hbm>>) target(%dma_start3A_64 : memref<8x1024xf32, #tpu.memory_space<vmem>>) offsets(%dma_start3A_65 : memref<8xi32, #tpu.memory_space<vmem>>) semaphore(%dma_start3A_70 : memref<!tpu.dma_semaphore, #tpu.memory_space<semaphore_mem>>)
    %add3A_71 = arith.constant 16 : i32
    %add3A_72 = arith.addi %mul3A_2, %add3A_71 : i32
    %multiple_of3A_73 = arith.constant 16 : i32
    %multiple_of3A_74 = tpu.assume_multiple %multiple_of3A_73, 8 : i32
    %dma_start3A_75 = arith.constant 2 : i32
    %dma_start3A_76 = arith.constant 2 : i32
    %dma_start3A_77 = arith.constant 0 : i32
    %dma_start3A_78 = arith.constant 0 : i32
    %dma_start3A_79 = tpu.memref_slice %arg9[%dma_start3A_75, %dma_start3A_77, %dma_start3A_78] : memref<4x8x1024xf32, #tpu.memory_space<vmem>> -> memref<1x8x1024xf32, #tpu.memory_space<vmem>>
    %dma_start3A_80 = tpu.memref_squeeze %dma_start3A_79 : memref<1x8x1024xf32, #tpu.memory_space<vmem>> -> memref<8x1024xf32, #tpu.memory_space<vmem>>
    %dma_start3A_81 = arith.constant 0 : i32
    %dma_start3A_82 = tpu.memref_slice %arg2[%add3A_72, %dma_start3A_81] : memref<32768x1024xf32, #tpu.memory_space<hbm>> -> memref<8x1024xf32, #tpu.memory_space<hbm>>
    %dma_start3A_83 = tpu.memref_slice %arg11[%dma_start3A_76] : memref<4x!tpu.dma_semaphore, #tpu.memory_space<semaphore_mem>> -> memref<1x!tpu.dma_semaphore, #tpu.memory_space<semaphore_mem>>
    %dma_start3A_84 = tpu.memref_squeeze %dma_start3A_83 : memref<1x!tpu.dma_semaphore, #tpu.memory_space<semaphore_mem>> -> memref<!tpu.dma_semaphore, #tpu.memory_space<semaphore_mem>>
    %dma_start3A_85 = arith.constant 0 : i32
    %dma_start3A_86 = arith.constant 0 : i32
    %dma_start3A_87 = tpu.memref_slice %arg9[%dma_start3A_75, %dma_start3A_85, %dma_start3A_86] : memref<4x8x1024xf32, #tpu.memory_space<vmem>> -> memref<1x8x1024xf32, #tpu.memory_space<vmem>>
    %dma_start3A_88 = tpu.memref_squeeze %dma_start3A_87 : memref<1x8x1024xf32, #tpu.memory_space<vmem>> -> memref<8x1024xf32, #tpu.memory_space<vmem>>
    %dma_start3A_89 = arith.constant 0 : i32
    %dma_start3A_90 = tpu.memref_slice %arg2[%add3A_72, %dma_start3A_89] : memref<32768x1024xf32, #tpu.memory_space<hbm>> -> memref<8x1024xf32, #tpu.memory_space<hbm>>
    tpu.enqueue_dma source(%dma_start3A_90 : memref<8x1024xf32, #tpu.memory_space<hbm>>) target(%dma_start3A_88 : memref<8x1024xf32, #tpu.memory_space<vmem>>) target_semaphore(%dma_start3A_84 : memref<!tpu.dma_semaphore, #tpu.memory_space<semaphore_mem>>)
    %dma_start3A_91 = arith.constant 2 : i32
    %dma_start3A_92 = arith.constant 2 : i32
    %dma_start3A_93 = arith.constant 0 : i32
    %dma_start3A_94 = arith.constant 0 : i32
    %dma_start3A_95 = tpu.memref_slice %arg10[%dma_start3A_91, %dma_start3A_93, %dma_start3A_94] : memref<4x8x1024xf32, #tpu.memory_space<vmem>> -> memref<1x8x1024xf32, #tpu.memory_space<vmem>>
    %dma_start3A_96 = tpu.memref_squeeze %dma_start3A_95 : memref<1x8x1024xf32, #tpu.memory_space<vmem>> -> memref<8x1024xf32, #tpu.memory_space<vmem>>
    %dma_start3A_97 = tpu.memref_slice %arg7[%multiple_of3A_74] : memref<1024xi32, #tpu.memory_space<vmem>> -> memref<8xi32, #tpu.memory_space<vmem>>
    %dma_start3A_98 = arith.constant 0 : i32
    %dma_start3A_99 = arith.constant 0 : i32
    %dma_start3A_100 = tpu.memref_slice %arg5[%dma_start3A_98, %dma_start3A_99] : memref<8192x1024xf32, #tpu.memory_space<hbm>> -> memref<8192x1024xf32, #tpu.memory_space<hbm>>
    %dma_start3A_101 = tpu.memref_slice %arg11[%dma_start3A_92] : memref<4x!tpu.dma_semaphore, #tpu.memory_space<semaphore_mem>> -> memref<1x!tpu.dma_semaphore, #tpu.memory_space<semaphore_mem>>
    %dma_start3A_102 = tpu.memref_squeeze %dma_start3A_101 : memref<1x!tpu.dma_semaphore, #tpu.memory_space<semaphore_mem>> -> memref<!tpu.dma_semaphore, #tpu.memory_space<semaphore_mem>>
    tpu.enqueue_indirect_dma source(%dma_start3A_100 : memref<8192x1024xf32, #tpu.memory_space<hbm>>) target(%dma_start3A_96 : memref<8x1024xf32, #tpu.memory_space<vmem>>) offsets(%dma_start3A_97 : memref<8xi32, #tpu.memory_space<vmem>>) semaphore(%dma_start3A_102 : memref<!tpu.dma_semaphore, #tpu.memory_space<semaphore_mem>>)
    %scan3A_103 = arith.constant 0 : i32
    %scan3A_104 = arith.constant 0 : i32
    %scan3A_105 = arith.constant 128 : i32
    %scan3A_106 = arith.addi %scan3A_104, %scan3A_105 : i32
    %scan3A_107 = arith.constant 1 : i32
    %scan3A_108 = scf.for %scan3A_181 = %scan3A_104 to %scan3A_106 step %scan3A_107 iter_args(%scan3A_182 = %scan3A_103) -> (i32)  : i32 {
      %rem3A = arith.constant 4 : i32
      %rem3A_183 = arith.remsi %scan3A_181, %rem3A : i32
      %eq3A = arith.constant 0 : i32
      %eq3A_184 = arith.cmpi eq, %rem3A_183, %eq3A : i32
      %convert_element_type3A = arith.extui %eq3A_184 : i1 to i32
      %cond3A = arith.constant 0 : i32
      %cond3A_185 = arith.cmpi ne, %convert_element_type3A, %cond3A : i32
      scf.if %cond3A_185 {
        %mul3A_202 = arith.constant 8 : i32
        %mul3A_203 = arith.muli %scan3A_181, %mul3A_202 : i32
        %add3A_204 = arith.addi %mul3A_2, %mul3A_203 : i32
        %mul3A_205 = arith.constant 8 : i32
        %mul3A_206 = arith.muli %scan3A_181, %mul3A_205 : i32
        %multiple_of3A_207 = tpu.assume_multiple %mul3A_206, 8 : i32
        %dma_wait3A_208 = arith.constant 0 : i32
        %dma_wait3A_209 = arith.constant 0 : i32
        %dma_wait3A_210 = arith.constant 0 : i32
        %dma_wait3A_211 = arith.constant 0 : i32
        %dma_wait3A_212 = tpu.memref_slice %arg9[%dma_wait3A_208, %dma_wait3A_210, %dma_wait3A_211] : memref<4x8x1024xf32, #tpu.memory_space<vmem>> -> memref<1x8x1024xf32, #tpu.memory_space<vmem>>
        %dma_wait3A_213 = tpu.memref_squeeze %dma_wait3A_212 : memref<1x8x1024xf32, #tpu.memory_space<vmem>> -> memref<8x1024xf32, #tpu.memory_space<vmem>>
        %dma_wait3A_214 = arith.constant 0 : i32
        %dma_wait3A_215 = tpu.memref_slice %arg2[%add3A_204, %dma_wait3A_214] : memref<32768x1024xf32, #tpu.memory_space<hbm>> -> memref<8x1024xf32, #tpu.memory_space<hbm>>
        %dma_wait3A_216 = tpu.memref_slice %arg11[%dma_wait3A_209] : memref<4x!tpu.dma_semaphore, #tpu.memory_space<semaphore_mem>> -> memref<1x!tpu.dma_semaphore, #tpu.memory_space<semaphore_mem>>
        %dma_wait3A_217 = tpu.memref_squeeze %dma_wait3A_216 : memref<1x!tpu.dma_semaphore, #tpu.memory_space<semaphore_mem>> -> memref<!tpu.dma_semaphore, #tpu.memory_space<semaphore_mem>>
        %dma_wait3A_218 = arith.constant 0 : i32
        %dma_wait3A_219 = arith.constant 0 : i32
        %dma_wait3A_220 = tpu.memref_slice %arg9[%dma_wait3A_208, %dma_wait3A_218, %dma_wait3A_219] : memref<4x8x1024xf32, #tpu.memory_space<vmem>> -> memref<1x8x1024xf32, #tpu.memory_space<vmem>>
        %dma_wait3A_221 = tpu.memref_squeeze %dma_wait3A_220 : memref<1x8x1024xf32, #tpu.memory_space<vmem>> -> memref<8x1024xf32, #tpu.memory_space<vmem>>
        %dma_wait3A_222 = arith.constant 0 : i32
        %dma_wait3A_223 = tpu.memref_slice %arg2[%add3A_204, %dma_wait3A_222] : memref<32768x1024xf32, #tpu.memory_space<hbm>> -> memref<8x1024xf32, #tpu.memory_space<hbm>>
        tpu.wait_dma2 semaphore(%dma_wait3A_217 : memref<!tpu.dma_semaphore, #tpu.memory_space<semaphore_mem>>) src(%dma_wait3A_223 : memref<8x1024xf32, #tpu.memory_space<hbm>>) dst(%dma_wait3A_221 : memref<8x1024xf32, #tpu.memory_space<vmem>>)
        %dma_wait3A_224 = arith.constant 0 : i32
        %dma_wait3A_225 = arith.constant 0 : i32
        %dma_wait3A_226 = arith.constant 0 : i32
        %dma_wait3A_227 = arith.constant 0 : i32
        %dma_wait3A_228 = tpu.memref_slice %arg10[%dma_wait3A_224, %dma_wait3A_226, %dma_wait3A_227] : memref<4x8x1024xf32, #tpu.memory_space<vmem>> -> memref<1x8x1024xf32, #tpu.memory_space<vmem>>
        %dma_wait3A_229 = tpu.memref_squeeze %dma_wait3A_228 : memref<1x8x1024xf32, #tpu.memory_space<vmem>> -> memref<8x1024xf32, #tpu.memory_space<vmem>>
        %dma_wait3A_230 = tpu.memref_slice %arg7[%multiple_of3A_207] : memref<1024xi32, #tpu.memory_space<vmem>> -> memref<8xi32, #tpu.memory_space<vmem>>
        %dma_wait3A_231 = arith.constant 0 : i32
        %dma_wait3A_232 = arith.constant 0 : i32
        %dma_wait3A_233 = tpu.memref_slice %arg5[%dma_wait3A_231, %dma_wait3A_232] : memref<8192x1024xf32, #tpu.memory_space<hbm>> -> memref<8192x1024xf32, #tpu.memory_space<hbm>>
        %dma_wait3A_234 = tpu.memref_slice %arg11[%dma_wait3A_225] : memref<4x!tpu.dma_semaphore, #tpu.memory_space<semaphore_mem>> -> memref<1x!tpu.dma_semaphore, #tpu.memory_space<semaphore_mem>>
        %dma_wait3A_235 = tpu.memref_squeeze %dma_wait3A_234 : memref<1x!tpu.dma_semaphore, #tpu.memory_space<semaphore_mem>> -> memref<!tpu.dma_semaphore, #tpu.memory_space<semaphore_mem>>
        tpu.wait_indirect_dma semaphore(%dma_wait3A_235 : memref<!tpu.dma_semaphore, #tpu.memory_space<semaphore_mem>>) src(%dma_wait3A_233 : memref<8192x1024xf32, #tpu.memory_space<hbm>>) dst(%dma_wait3A_229 : memref<8x1024xf32, #tpu.memory_space<vmem>>)
        %scan3A_236 = arith.constant 0 : i32
        %scan3A_237 = arith.constant 0 : i32
        %scan3A_238 = arith.constant 8 : i32
        %scan3A_239 = arith.addi %scan3A_237, %scan3A_238 : i32
        %scan3A_240 = arith.constant 1 : i32
        %scan3A_241 = scf.for %scan3A_269 = %scan3A_237 to %scan3A_239 step %scan3A_240 iter_args(%scan3A_270 = %scan3A_236) -> (i32)  : i32 {
          %mul3A_271 = arith.constant 8 : i32
          %mul3A_272 = arith.muli %scan3A_181, %mul3A_271 : i32
          %add3A_273 = arith.addi %mul3A_272, %scan3A_269 : i32
          %get3A = arith.index_cast %add3A_273 : i32 to index
          %get3A_274 = tpu.vector_load %arg8[%get3A] {strides = array<i32>} : memref<1040xf32, #tpu.memory_space<vmem>>, vector<16xf32>,
          %slice3A = vector.extract_strided_slice %get3A_274 {offsets = [0], sizes = [1], strides = [1]} : vector<16xf32> to vector<1xf32>
          %squeeze3A = vector.extract %slice3A[0] : f32 from vector<1xf32>
          %get3A_275 = arith.constant 0 : i32
          %get3A_276 = arith.index_cast %get3A_275 : i32 to index
          %get3A_277 = arith.index_cast %scan3A_269 : i32 to index
          %get3A_278 = arith.constant 0 : index
          %get3A_279 = tpu.vector_load %arg10[%get3A_276, %get3A_277, %get3A_278] {strides = array<i32>} : memref<4x8x1024xf32, #tpu.memory_space<vmem>>, vector<16xf32>,
          %mul3A_280 = vector.broadcast %squeeze3A : f32 to vector<16xf32>
          %mul3A_281 = arith.mulf %get3A_279, %mul3A_280 : vector<16xf32>
          %swap3A = arith.constant 0 : i32
          %swap3A_282 = arith.index_cast %swap3A : i32 to index
          %swap3A_283 = arith.index_cast %scan3A_269 : i32 to index
          %swap3A_284 = arith.constant 0 : index
          %swap3A_285 = tpu.vector_load %arg9[%swap3A_282, %swap3A_283, %swap3A_284] {strides = array<i32>} : memref<4x8x1024xf32, #tpu.memory_space<vmem>>, vector<16xf32>,
          tpu.vector_store %arg9[%swap3A_282, %swap3A_283, %swap3A_284], %mul3A_281 {add = true, strides = array<i32>} : memref<4x8x1024xf32, #tpu.memory_space<vmem>>, vector<16xf32>,
          %get3A_286 = arith.constant 0 : i32
          %get3A_287 = arith.index_cast %get3A_286 : i32 to index
          %get3A_288 = arith.index_cast %scan3A_269 : i32 to index
          %get3A_289 = arith.constant 16 : index
          %get3A_290 = tpu.vector_load %arg10[%get3A_287, %get3A_288, %get3A_289] {strides = array<i32>} : memref<4x8x1024xf32, #tpu.memory_space<vmem>>, vector<16xf32>,
          %mul3A_291 = vector.broadcast %squeeze3A : f32 to vector<16xf32>
          %mul3A_292 = arith.mulf %get3A_290, %mul3A_291 : vector<16xf32>
          %swap3A_293 = arith.constant 0 : i32
          %swap3A_294 = arith.index_cast %swap3A_293 : i32 to index
          %swap3A_295 = arith.index_cast %scan3A_269 : i32 to index
          %swap3A_296 = arith.constant 16 : index
          %swap3A_297 = tpu.vector_load %arg9[%swap3A_294, %swap3A_295, %swap3A_296] {strides = array<i32>} : memref<4x8x1024xf32, #tpu.memory_space<vmem>>, vector<16xf32>,
          tpu.vector_store %arg9[%swap3A_294, %swap3A_295, %swap3A_296], %mul3A_292 {add = true, strides = array<i32>} : memref<4x8x1024xf32, #tpu.memory_space<vmem>>, vector<16xf32>,
          %get3A_298 = arith.constant 0 : i32
          %get3A_299 = arith.index_cast %get3A_298 : i32 to index
          %get3A_300 = arith.index_cast %scan3A_269 : i32 to index
          %get3A_301 = arith.constant 32 : index
          %get3A_302 = tpu.vector_load %arg10[%get3A_299, %get3A_300, %get3A_301] {strides = array<i32>} : memref<4x8x1024xf32, #tpu.memory_space<vmem>>, vector<16xf32>,
          %mul3A_303 = vector.broadcast %squeeze3A : f32 to vector<16xf32>
          %mul3A_304 = arith.mulf %get3A_302, %mul3A_303 : vector<16xf32>
          %swap3A_305 = arith.constant 0 : i32
          %swap3A_306 = arith.index_cast %swap3A_305 : i32 to index
          %swap3A_307 = arith.index_cast %scan3A_269 : i32 to index
          %swap3A_308 = arith.constant 32 : index
          %swap3A_309 = tpu.vector_load %arg9[%swap3A_306, %swap3A_307, %swap3A_308] {strides = array<i32>} : memref<4x8x1024xf32, #tpu.memory_space<vmem>>, vector<16xf32>,
          tpu.vector_store %arg9[%swap3A_306, %swap3A_307, %swap3A_308], %mul3A_304 {add = true, strides = array<i32>} : memref<4x8x1024xf32, #tpu.memory_space<vmem>>, vector<16xf32>,
          %get3A_310 = arith.constant 0 : i32
          %get3A_311 = arith.index_cast %get3A_310 : i32 to index
          %get3A_312 = arith.index_cast %scan3A_269 : i32 to index
          %get3A_313 = arith.constant 48 : index
          %get3A_314 = tpu.vector_load %arg10[%get3A_311, %get3A_312, %get3A_313] {strides = array<i32>} : memref<4x8x1024xf32, #tpu.memory_space<vmem>>, vector<16xf32>,
          %mul3A_315 = vector.broadcast %squeeze3A : f32 to vector<16xf32>
          %mul3A_316 = arith.mulf %get3A_314, %mul3A_315 : vector<16xf32>
          %swap3A_317 = arith.constant 0 : i32
          %swap3A_318 = arith.index_cast %swap3A_317 : i32 to index
          %swap3A_319 = arith.index_cast %scan3A_269 : i32 to index
          %swap3A_320 = arith.constant 48 : index
          %swap3A_321 = tpu.vector_load %arg9[%swap3A_318, %swap3A_319, %swap3A_320] {strides = array<i32>} : memref<4x8x1024xf32, #tpu.memory_space<vmem>>, vector<16xf32>,
          tpu.vector_store %arg9[%swap3A_318, %swap3A_319, %swap3A_320], %mul3A_316 {add = true, strides = array<i32>} : memref<4x8x1024xf32, #tpu.memory_space<vmem>>, vector<16xf32>,
          %get3A_322 = arith.constant 0 : i32
          %get3A_323 = arith.index_cast %get3A_322 : i32 to index
          %get3A_324 = arith.index_cast %scan3A_269 : i32 to index
          %get3A_325 = arith.constant 64 : index
          %get3A_326 = tpu.vector_load %arg10[%get3A_323, %get3A_324, %get3A_325] {strides = array<i32>} : memref<4x8x1024xf32, #tpu.memory_space<vmem>>, vector<16xf32>,
          %mul3A_327 = vector.broadcast %squeeze3A : f32 to vector<16xf32>
          %mul3A_328 = arith.mulf %get3A_326, %mul3A_327 : vector<16xf32>
          %swap3A_329 = arith.constant 0 : i32
          %swap3A_330 = arith.index_cast %swap3A_329 : i32 to index
          %swap3A_331 = arith.index_cast %scan3A_269 : i32 to index
          %swap3A_332 = arith.constant 64 : index
          %swap3A_333 = tpu.vector_load %arg9[%swap3A_330, %swap3A_331, %swap3A_332] {strides = array<i32>} : memref<4x8x1024xf32, #tpu.memory_space<vmem>>, vector<16xf32>,
          tpu.vector_store %arg9[%swap3A_330, %swap3A_331, %swap3A_332], %mul3A_328 {add = true, strides = array<i32>} : memref<4x8x1024xf32, #tpu.memory_space<vmem>>, vector<16xf32>,
          %get3A_334 = arith.constant 0 : i32
          %get3A_335 = arith.index_cast %get3A_334 : i32 to index
          %get3A_336 = arith.index_cast %scan3A_269 : i32 to index
          %get3A_337 = arith.constant 80 : index
          %get3A_338 = tpu.vector_load %arg10[%get3A_335, %get3A_336, %get3A_337] {strides = array<i32>} : memref<4x8x1024xf32, #tpu.memory_space<vmem>>, vector<16xf32>,
          %mul3A_339 = vector.broadcast %squeeze3A : f32 to vector<16xf32>
          %mul3A_340 = arith.mulf %get3A_338, %mul3A_339 : vector<16xf32>
          %swap3A_341 = arith.constant 0 : i32
          %swap3A_342 = arith.index_cast %swap3A_341 : i32 to index
          %swap3A_343 = arith.index_cast %scan3A_269 : i32 to index
          %swap3A_344 = arith.constant 80 : index
          %swap3A_345 = tpu.vector_load %arg9[%swap3A_342, %swap3A_343, %swap3A_344] {strides = array<i32>} : memref<4x8x1024xf32, #tpu.memory_space<vmem>>, vector<16xf32>,
          tpu.vector_store %arg9[%swap3A_342, %swap3A_343, %swap3A_344], %mul3A_340 {add = true, strides = array<i32>} : memref<4x8x1024xf32, #tpu.memory_space<vmem>>, vector<16xf32>,
          %get3A_346 = arith.constant 0 : i32
          %get3A_347 = arith.index_cast %get3A_346 : i32 to index
          %get3A_348 = arith.index_cast %scan3A_269 : i32 to index
          %get3A_349 = arith.constant 96 : index
          %get3A_350 = tpu.vector_load %arg10[%get3A_347, %get3A_348, %get3A_349] {strides = array<i32>} : memref<4x8x1024xf32, #tpu.memory_space<vmem>>, vector<16xf32>,
          %mul3A_351 = vector.broadcast %squeeze3A : f32 to vector<16xf32>
          %mul3A_352 = arith.mulf %get3A_350, %mul3A_351 : vector<16xf32>
          %swap3A_353 = arith.constant 0 : i32
          %swap3A_354 = arith.index_cast %swap3A_353 : i32 to index
          %swap3A_355 = arith.index_cast %scan3A_269 : i32 to index
          %swap3A_356 = arith.constant 96 : index
          %swap3A_357 = tpu.vector_load %arg9[%swap3A_354, %swap3A_355, %swap3A_356] {strides = array<i32>} : memref<4x8x1024xf32, #tpu.memory_space<vmem>>, vector<16xf32>,
          tpu.vector_store %arg9[%swap3A_354, %swap3A_355, %swap3A_356], %mul3A_352 {add = true, strides = array<i32>} : memref<4x8x1024xf32, #tpu.memory_space<vmem>>, vector<16xf32>,
          %get3A_358 = arith.constant 0 : i32
          %get3A_359 = arith.index_cast %get3A_358 : i32 to index
          %get3A_360 = arith.index_cast %scan3A_269 : i32 to index
          %get3A_361 = arith.constant 112 : index
          %get3A_362 = tpu.vector_load %arg10[%get3A_359, %get3A_360, %get3A_361] {strides = array<i32>} : memref<4x8x1024xf32, #tpu.memory_space<vmem>>, vector<16xf32>,
          %mul3A_363 = vector.broadcast %squeeze3A : f32 to vector<16xf32>
          %mul3A_364 = arith.mulf %get3A_362, %mul3A_363 : vector<16xf32>
          %swap3A_365 = arith.constant 0 : i32
          %swap3A_366 = arith.index_cast %swap3A_365 : i32 to index
          %swap3A_367 = arith.index_cast %scan3A_269 : i32 to index
          %swap3A_368 = arith.constant 112 : index
          %swap3A_369 = tpu.vector_load %arg9[%swap3A_366, %swap3A_367, %swap3A_368] {strides = array<i32>} : memref<4x8x1024xf32, #tpu.memory_space<vmem>>, vector<16xf32>,
          tpu.vector_store %arg9[%swap3A_366, %swap3A_367, %swap3A_368], %mul3A_364 {add = true, strides = array<i32>} : memref<4x8x1024xf32, #tpu.memory_space<vmem>>, vector<16xf32>,
          %get3A_370 = arith.constant 0 : i32
          %get3A_371 = arith.index_cast %get3A_370 : i32 to index
          %get3A_372 = arith.index_cast %scan3A_269 : i32 to index
          %get3A_373 = arith.constant 128 : index
          %get3A_374 = tpu.vector_load %arg10[%get3A_371, %get3A_372, %get3A_373] {strides = array<i32>} : memref<4x8x1024xf32, #tpu.memory_space<vmem>>, vector<16xf32>,
          %mul3A_375 = vector.broadcast %squeeze3A : f32 to vector<16xf32>
          %mul3A_376 = arith.mulf %get3A_374, %mul3A_375 : vector<16xf32>
          %swap3A_377 = arith.constant 0 : i32
          %swap3A_378 = arith.index_cast %swap3A_377 : i32 to index
          %swap3A_379 = arith.index_cast %scan3A_269 : i32 to index
          %swap3A_380 = arith.constant 128 : index
          %swap3A_381 = tpu.vector_load %arg9[%swap3A_378, %swap3A_379, %swap3A_380] {strides = array<i32>} : memref<4x8x1024xf32, #tpu.memory_space<vmem>>, vector<16xf32>,
          tpu.vector_store %arg9[%swap3A_378, %swap3A_379, %swap3A_380], %mul3A_376 {add = true, strides = array<i32>} : memref<4x8x1024xf32, #tpu.memory_space<vmem>>, vector<16xf32>,
          %get3A_382 = arith.constant 0 : i32
          %get3A_383 = arith.index_cast %get3A_382 : i32 to index
          %get3A_384 = arith.index_cast %scan3A_269 : i32 to index
          %get3A_385 = arith.constant 144 : index
          %get3A_386 = tpu.vector_load %arg10[%get3A_383, %get3A_384, %get3A_385] {strides = array<i32>} : memref<4x8x1024xf32, #tpu.memory_space<vmem>>, vector<16xf32>,
          %mul3A_387 = vector.broadcast %squeeze3A : f32 to vector<16xf32>
          %mul3A_388 = arith.mulf %get3A_386, %mul3A_387 : vector<16xf32>
          %swap3A_389 = arith.constant 0 : i32
          %swap3A_390 = arith.index_cast %swap3A_389 : i32 to index
          %swap3A_391 = arith.index_cast %scan3A_269 : i32 to index
          %swap3A_392 = arith.constant 144 : index
          %swap3A_393 = tpu.vector_load %arg9[%swap3A_390, %swap3A_391, %swap3A_392] {strides = array<i32>} : memref<4x8x1024xf32, #tpu.memory_space<vmem>>, vector<16xf32>,
          tpu.vector_store %arg9[%swap3A_390, %swap3A_391, %swap3A_392], %mul3A_388 {add = true, strides = array<i32>} : memref<4x8x1024xf32, #tpu.memory_space<vmem>>, vector<16xf32>,
          %get3A_394 = arith.constant 0 : i32
          %get3A_395 = arith.index_cast %get3A_394 : i32 to index
          %get3A_396 = arith.index_cast %scan3A_269 : i32 to index
          %get3A_397 = arith.constant 160 : index
          %get3A_398 = tpu.vector_load %arg10[%get3A_395, %get3A_396, %get3A_397] {strides = array<i32>} : memref<4x8x1024xf32, #tpu.memory_space<vmem>>, vector<16xf32>,
          %mul3A_399 = vector.broadcast %squeeze3A : f32 to vector<16xf32>
          %mul3A_400 = arith.mulf %get3A_398, %mul3A_399 : vector<16xf32>
          %swap3A_401 = arith.constant 0 : i32
          %swap3A_402 = arith.index_cast %swap3A_401 : i32 to index
          %swap3A_403 = arith.index_cast %scan3A_269 : i32 to index
          %swap3A_404 = arith.constant 160 : index
          %swap3A_405 = tpu.vector_load %arg9[%swap3A_402, %swap3A_403, %swap3A_404] {strides = array<i32>} : memref<4x8x1024xf32, #tpu.memory_space<vmem>>, vector<16xf32>,
          tpu.vector_store %arg9[%swap3A_402, %swap3A_403, %swap3A_404], %mul3A_400 {add = true, strides = array<i32>} : memref<4x8x1024xf32, #tpu.memory_space<vmem>>, vector<16xf32>,
          %get3A_406 = arith.constant 0 : i32
          %get3A_407 = arith.index_cast %get3A_406 : i32 to index
          %get3A_408 = arith.index_cast %scan3A_269 : i32 to index
          %get3A_409 = arith.constant 176 : index
          %get3A_410 = tpu.vector_load %arg10[%get3A_407, %get3A_408, %get3A_409] {strides = array<i32>} : memref<4x8x1024xf32, #tpu.memory_space<vmem>>, vector<16xf32>,
          %mul3A_411 = vector.broadcast %squeeze3A : f32 to vector<16xf32>
          %mul3A_412 = arith.mulf %get3A_410, %mul3A_411 : vector<16xf32>
          %swap3A_413 = arith.constant 0 : i32
          %swap3A_414 = arith.index_cast %swap3A_413 : i32 to index
          %swap3A_415 = arith.index_cast %scan3A_269 : i32 to index
          %swap3A_416 = arith.constant 176 : index
          %swap3A_417 = tpu.vector_load %arg9[%swap3A_414, %swap3A_415, %swap3A_416] {strides = array<i32>} : memref<4x8x1024xf32, #tpu.memory_space<vmem>>, vector<16xf32>,
          tpu.vector_store %arg9[%swap3A_414, %swap3A_415, %swap3A_416], %mul3A_412 {add = true, strides = array<i32>} : memref<4x8x1024xf32, #tpu.memory_space<vmem>>, vector<16xf32>,
          %get3A_418 = arith.constant 0 : i32
          %get3A_419 = arith.index_cast %get3A_418 : i32 to index
          %get3A_420 = arith.index_cast %scan3A_269 : i32 to index
          %get3A_421 = arith.constant 192 : index
          %get3A_422 = tpu.vector_load %arg10[%get3A_419, %get3A_420, %get3A_421] {strides = array<i32>} : memref<4x8x1024xf32, #tpu.memory_space<vmem>>, vector<16xf32>,
          %mul3A_423 = vector.broadcast %squeeze3A : f32 to vector<16xf32>
          %mul3A_424 = arith.mulf %get3A_422, %mul3A_423 : vector<16xf32>
          %swap3A_425 = arith.constant 0 : i32
          %swap3A_426 = arith.index_cast %swap3A_425 : i32 to index
          %swap3A_427 = arith.index_cast %scan3A_269 : i32 to index
          %swap3A_428 = arith.constant 192 : index
          %swap3A_429 = tpu.vector_load %arg9[%swap3A_426, %swap3A_427, %swap3A_428] {strides = array<i32>} : memref<4x8x1024xf32, #tpu.memory_space<vmem>>, vector<16xf32>,
          tpu.vector_store %arg9[%swap3A_426, %swap3A_427, %swap3A_428], %mul3A_424 {add = true, strides = array<i32>} : memref<4x8x1024xf32, #tpu.memory_space<vmem>>, vector<16xf32>,
          %get3A_430 = arith.constant 0 : i32
          %get3A_431 = arith.index_cast %get3A_430 : i32 to index
          %get3A_432 = arith.index_cast %scan3A_269 : i32 to index
          %get3A_433 = arith.constant 208 : index
          %get3A_434 = tpu.vector_load %arg10[%get3A_431, %get3A_432, %get3A_433] {strides = array<i32>} : memref<4x8x1024xf32, #tpu.memory_space<vmem>>, vector<16xf32>,
          %mul3A_435 = vector.broadcast %squeeze3A : f32 to vector<16xf32>
          %mul3A_436 = arith.mulf %get3A_434, %mul3A_435 : vector<16xf32>
          %swap3A_437 = arith.constant 0 : i32
          %swap3A_438 = arith.index_cast %swap3A_437 : i32 to index
          %swap3A_439 = arith.index_cast %scan3A_269 : i32 to index
          %swap3A_440 = arith.constant 208 : index
          %swap3A_441 = tpu.vector_load %arg9[%swap3A_438, %swap3A_439, %swap3A_440] {strides = array<i32>} : memref<4x8x1024xf32, #tpu.memory_space<vmem>>, vector<16xf32>,
          tpu.vector_store %arg9[%swap3A_438, %swap3A_439, %swap3A_440], %mul3A_436 {add = true, strides = array<i32>} : memref<4x8x1024xf32, #tpu.memory_space<vmem>>, vector<16xf32>,
          %get3A_442 = arith.constant 0 : i32
          %get3A_443 = arith.index_cast %get3A_442 : i32 to index
          %get3A_444 = arith.index_cast %scan3A_269 : i32 to index
          %get3A_445 = arith.constant 224 : index
          %get3A_446 = tpu.vector_load %arg10[%get3A_443, %get3A_444, %get3A_445] {strides = array<i32>} : memref<4x8x1024xf32, #tpu.memory_space<vmem>>, vector<16xf32>,
          %mul3A_447 = vector.broadcast %squeeze3A : f32 to vector<16xf32>
          %mul3A_448 = arith.mulf %get3A_446, %mul3A_447 : vector<16xf32>
          %swap3A_449 = arith.constant 0 : i32
          %swap3A_450 = arith.index_cast %swap3A_449 : i32 to index
          %swap3A_451 = arith.index_cast %scan3A_269 : i32 to index
          %swap3A_452 = arith.constant 224 : index
          %swap3A_453 = tpu.vector_load %arg9[%swap3A_450, %swap3A_451, %swap3A_452] {strides = array<i32>} : memref<4x8x1024xf32, #tpu.memory_space<vmem>>, vector<16xf32>,
          tpu.vector_store %arg9[%swap3A_450, %swap3A_451, %swap3A_452], %mul3A_448 {add = true, strides = array<i32>} : memref<4x8x1024xf32, #tpu.memory_space<vmem>>, vector<16xf32>,
          %get3A_454 = arith.constant 0 : i32
          %get3A_455 = arith.index_cast %get3A_454 : i32 to index
          %get3A_456 = arith.index_cast %scan3A_269 : i32 to index
          %get3A_457 = arith.constant 240 : index
          %get3A_458 = tpu.vector_load %arg10[%get3A_455, %get3A_456, %get3A_457] {strides = array<i32>} : memref<4x8x1024xf32, #tpu.memory_space<vmem>>, vector<16xf32>,
          %mul3A_459 = vector.broadcast %squeeze3A : f32 to vector<16xf32>
          %mul3A_460 = arith.mulf %get3A_458, %mul3A_459 : vector<16xf32>
          %swap3A_461 = arith.constant 0 : i32
          %swap3A_462 = arith.index_cast %swap3A_461 : i32 to index
          %swap3A_463 = arith.index_cast %scan3A_269 : i32 to index
          %swap3A_464 = arith.constant 240 : index
          %swap3A_465 = tpu.vector_load %arg9[%swap3A_462, %swap3A_463, %swap3A_464] {strides = array<i32>} : memref<4x8x1024xf32, #tpu.memory_space<vmem>>, vector<16xf32>,
          tpu.vector_store %arg9[%swap3A_462, %swap3A_463, %swap3A_464], %mul3A_460 {add = true, strides = array<i32>} : memref<4x8x1024xf32, #tpu.memory_space<vmem>>, vector<16xf32>,
          %get3A_466 = arith.constant 0 : i32
          %get3A_467 = arith.index_cast %get3A_466 : i32 to index
          %get3A_468 = arith.index_cast %scan3A_269 : i32 to index
          %get3A_469 = arith.constant 256 : index
          %get3A_470 = tpu.vector_load %arg10[%get3A_467, %get3A_468, %get3A_469] {strides = array<i32>} : memref<4x8x1024xf32, #tpu.memory_space<vmem>>, vector<16xf32>,
          %mul3A_471 = vector.broadcast %squeeze3A : f32 to vector<16xf32>
          %mul3A_472 = arith.mulf %get3A_470, %mul3A_471 : vector<16xf32>
          %swap3A_473 = arith.constant 0 : i32
          %swap3A_474 = arith.index_cast %swap3A_473 : i32 to index
          %swap3A_475 = arith.index_cast %scan3A_269 : i32 to index
          %swap3A_476 = arith.constant 256 : index
          %swap3A_477 = tpu.vector_load %arg9[%swap3A_474, %swap3A_475, %swap3A_476] {strides = array<i32>} : memref<4x8x1024xf32, #tpu.memory_space<vmem>>, vector<16xf32>,
          tpu.vector_store %arg9[%swap3A_474, %swap3A_475, %swap3A_476], %mul3A_472 {add = true, strides = array<i32>} : memref<4x8x1024xf32, #tpu.memory_space<vmem>>, vector<16xf32>,
          %get3A_478 = arith.constant 0 : i32
          %get3A_479 = arith.index_cast %get3A_478 : i32 to index
          %get3A_480 = arith.index_cast %scan3A_269 : i32 to index
          %get3A_481 = arith.constant 272 : index
          %get3A_482 = tpu.vector_load %arg10[%get3A_479, %get3A_480, %get3A_481] {strides = array<i32>} : memref<4x8x1024xf32, #tpu.memory_space<vmem>>, vector<16xf32>,
          %mul3A_483 = vector.broadcast %squeeze3A : f32 to vector<16xf32>
          %mul3A_484 = arith.mulf %get3A_482, %mul3A_483 : vector<16xf32>
          %swap3A_485 = arith.constant 0 : i32
          %swap3A_486 = arith.index_cast %swap3A_485 : i32 to index
          %swap3A_487 = arith.index_cast %scan3A_269 : i32 to index
          %swap3A_488 = arith.constant 272 : index
          %swap3A_489 = tpu.vector_load %arg9[%swap3A_486, %swap3A_487, %swap3A_488] {strides = array<i32>} : memref<4x8x1024xf32, #tpu.memory_space<vmem>>, vector<16xf32>,
          tpu.vector_store %arg9[%swap3A_486, %swap3A_487, %swap3A_488], %mul3A_484 {add = true, strides = array<i32>} : memref<4x8x1024xf32, #tpu.memory_space<vmem>>, vector<16xf32>,
          %get3A_490 = arith.constant 0 : i32
          %get3A_491 = arith.index_cast %get3A_490 : i32 to index
          %get3A_492 = arith.index_cast %scan3A_269 : i32 to index
          %get3A_493 = arith.constant 288 : index
          %get3A_494 = tpu.vector_load %arg10[%get3A_491, %get3A_492, %get3A_493] {strides = array<i32>} : memref<4x8x1024xf32, #tpu.memory_space<vmem>>, vector<16xf32>,
          %mul3A_495 = vector.broadcast %squeeze3A : f32 to vector<16xf32>
          %mul3A_496 = arith.mulf %get3A_494, %mul3A_495 : vector<16xf32>
          %swap3A_497 = arith.constant 0 : i32
          %swap3A_498 = arith.index_cast %swap3A_497 : i32 to index
          %swap3A_499 = arith.index_cast %scan3A_269 : i32 to index
          %swap3A_500 = arith.constant 288 : index
          %swap3A_501 = tpu.vector_load %arg9[%swap3A_498, %swap3A_499, %swap3A_500] {strides = array<i32>} : memref<4x8x1024xf32, #tpu.memory_space<vmem>>, vector<16xf32>,
          tpu.vector_store %arg9[%swap3A_498, %swap3A_499, %swap3A_500], %mul3A_496 {add = true, strides = array<i32>} : memref<4x8x1024xf32, #tpu.memory_space<vmem>>, vector<16xf32>,
          %get3A_502 = arith.constant 0 : i32
          %get3A_503 = arith.index_cast %get3A_502 : i32 to index
          %get3A_504 = arith.index_cast %scan3A_269 : i32 to index
          %get3A_505 = arith.constant 304 : index
          %get3A_506 = tpu.vector_load %arg10[%get3A_503, %get3A_504, %get3A_505] {strides = array<i32>} : memref<4x8x1024xf32, #tpu.memory_space<vmem>>, vector<16xf32>,
          %mul3A_507 = vector.broadcast %squeeze3A : f32 to vector<16xf32>
          %mul3A_508 = arith.mulf %get3A_506, %mul3A_507 : vector<16xf32>
          %swap3A_509 = arith.constant 0 : i32
          %swap3A_510 = arith.index_cast %swap3A_509 : i32 to index
          %swap3A_511 = arith.index_cast %scan3A_269 : i32 to index
          %swap3A_512 = arith.constant 304 : index
          %swap3A_513 = tpu.vector_load %arg9[%swap3A_510, %swap3A_511, %swap3A_512] {strides = array<i32>} : memref<4x8x1024xf32, #tpu.memory_space<vmem>>, vector<16xf32>,
          tpu.vector_store %arg9[%swap3A_510, %swap3A_511, %swap3A_512], %mul3A_508 {add = true, strides = array<i32>} : memref<4x8x1024xf32, #tpu.memory_space<vmem>>, vector<16xf32>,
          %get3A_514 = arith.constant 0 : i32
          %get3A_515 = arith.index_cast %get3A_514 : i32 to index
          %get3A_516 = arith.index_cast %scan3A_269 : i32 to index
          %get3A_517 = arith.constant 320 : index
          %get3A_518 = tpu.vector_load %arg10[%get3A_515, %get3A_516, %get3A_517] {strides = array<i32>} : memref<4x8x1024xf32, #tpu.memory_space<vmem>>, vector<16xf32>,
          %mul3A_519 = vector.broadcast %squeeze3A : f32 to vector<16xf32>
          %mul3A_520 = arith.mulf %get3A_518, %mul3A_519 : vector<16xf32>
          %swap3A_521 = arith.constant 0 : i32
          %swap3A_522 = arith.index_cast %swap3A_521 : i32 to index
          %swap3A_523 = arith.index_cast %scan3A_269 : i32 to index
          %swap3A_524 = arith.constant 320 : index
          %swap3A_525 = tpu.vector_load %arg9[%swap3A_522, %swap3A_523, %swap3A_524] {strides = array<i32>} : memref<4x8x1024xf32, #tpu.memory_space<vmem>>, vector<16xf32>,
          tpu.vector_store %arg9[%swap3A_522, %swap3A_523, %swap3A_524], %mul3A_520 {add = true, strides = array<i32>} : memref<4x8x1024xf32, #tpu.memory_space<vmem>>, vector<16xf32>,
          %get3A_526 = arith.constant 0 : i32
          %get3A_527 = arith.index_cast %get3A_526 : i32 to index
          %get3A_528 = arith.index_cast %scan3A_269 : i32 to index
          %get3A_529 = arith.constant 336 : index
          %get3A_530 = tpu.vector_load %arg10[%get3A_527, %get3A_528, %get3A_529] {strides = array<i32>} : memref<4x8x1024xf32, #tpu.memory_space<vmem>>, vector<16xf32>,
          %mul3A_531 = vector.broadcast %squeeze3A : f32 to vector<16xf32>
          %mul3A_532 = arith.mulf %get3A_530, %mul3A_531 : vector<16xf32>
          %swap3A_533 = arith.constant 0 : i32
          %swap3A_534 = arith.index_cast %swap3A_533 : i32 to index
          %swap3A_535 = arith.index_cast %scan3A_269 : i32 to index
          %swap3A_536 = arith.constant 336 : index
          %swap3A_537 = tpu.vector_load %arg9[%swap3A_534, %swap3A_535, %swap3A_536] {strides = array<i32>} : memref<4x8x1024xf32, #tpu.memory_space<vmem>>, vector<16xf32>,
          tpu.vector_store %arg9[%swap3A_534, %swap3A_535, %swap3A_536], %mul3A_532 {add = true, strides = array<i32>} : memref<4x8x1024xf32, #tpu.memory_space<vmem>>, vector<16xf32>,
          %get3A_538 = arith.constant 0 : i32
          %get3A_539 = arith.index_cast %get3A_538 : i32 to index
          %get3A_540 = arith.index_cast %scan3A_269 : i32 to index
          %get3A_541 = arith.constant 352 : index
          %get3A_542 = tpu.vector_load %arg10[%get3A_539, %get3A_540, %get3A_541] {strides = array<i32>} : memref<4x8x1024xf32, #tpu.memory_space<vmem>>, vector<16xf32>,
          %mul3A_543 = vector.broadcast %squeeze3A : f32 to vector<16xf32>
          %mul3A_544 = arith.mulf %get3A_542, %mul3A_543 : vector<16xf32>
          %swap3A_545 = arith.constant 0 : i32
          %swap3A_546 = arith.index_cast %swap3A_545 : i32 to index
          %swap3A_547 = arith.index_cast %scan3A_269 : i32 to index
          %swap3A_548 = arith.constant 352 : index
          %swap3A_549 = tpu.vector_load %arg9[%swap3A_546, %swap3A_547, %swap3A_548] {strides = array<i32>} : memref<4x8x1024xf32, #tpu.memory_space<vmem>>, vector<16xf32>,
          tpu.vector_store %arg9[%swap3A_546, %swap3A_547, %swap3A_548], %mul3A_544 {add = true, strides = array<i32>} : memref<4x8x1024xf32, #tpu.memory_space<vmem>>, vector<16xf32>,
          %get3A_550 = arith.constant 0 : i32
          %get3A_551 = arith.index_cast %get3A_550 : i32 to index
          %get3A_552 = arith.index_cast %scan3A_269 : i32 to index
          %get3A_553 = arith.constant 368 : index
          %get3A_554 = tpu.vector_load %arg10[%get3A_551, %get3A_552, %get3A_553] {strides = array<i32>} : memref<4x8x1024xf32, #tpu.memory_space<vmem>>, vector<16xf32>,
          %mul3A_555 = vector.broadcast %squeeze3A : f32 to vector<16xf32>
          %mul3A_556 = arith.mulf %get3A_554, %mul3A_555 : vector<16xf32>
          %swap3A_557 = arith.constant 0 : i32
          %swap3A_558 = arith.index_cast %swap3A_557 : i32 to index
          %swap3A_559 = arith.index_cast %scan3A_269 : i32 to index
          %swap3A_560 = arith.constant 368 : index
          %swap3A_561 = tpu.vector_load %arg9[%swap3A_558, %swap3A_559, %swap3A_560] {strides = array<i32>} : memref<4x8x1024xf32, #tpu.memory_space<vmem>>, vector<16xf32>,
          tpu.vector_store %arg9[%swap3A_558, %swap3A_559, %swap3A_560], %mul3A_556 {add = true, strides = array<i32>} : memref<4x8x1024xf32, #tpu.memory_space<vmem>>, vector<16xf32>,
          %get3A_562 = arith.constant 0 : i32
          %get3A_563 = arith.index_cast %get3A_562 : i32 to index
          %get3A_564 = arith.index_cast %scan3A_269 : i32 to index
          %get3A_565 = arith.constant 384 : index
          %get3A_566 = tpu.vector_load %arg10[%get3A_563, %get3A_564, %get3A_565] {strides = array<i32>} : memref<4x8x1024xf32, #tpu.memory_space<vmem>>, vector<16xf32>,
          %mul3A_567 = vector.broadcast %squeeze3A : f32 to vector<16xf32>
          %mul3A_568 = arith.mulf %get3A_566, %mul3A_567 : vector<16xf32>
          %swap3A_569 = arith.constant 0 : i32
          %swap3A_570 = arith.index_cast %swap3A_569 : i32 to index
          %swap3A_571 = arith.index_cast %scan3A_269 : i32 to index
          %swap3A_572 = arith.constant 384 : index
          %swap3A_573 = tpu.vector_load %arg9[%swap3A_570, %swap3A_571, %swap3A_572] {strides = array<i32>} : memref<4x8x1024xf32, #tpu.memory_space<vmem>>, vector<16xf32>,
          tpu.vector_store %arg9[%swap3A_570, %swap3A_571, %swap3A_572], %mul3A_568 {add = true, strides = array<i32>} : memref<4x8x1024xf32, #tpu.memory_space<vmem>>, vector<16xf32>,
          %get3A_574 = arith.constant 0 : i32
          %get3A_575 = arith.index_cast %get3A_574 : i32 to index
          %get3A_576 = arith.index_cast %scan3A_269 : i32 to index
          %get3A_577 = arith.constant 400 : index
          %get3A_578 = tpu.vector_load %arg10[%get3A_575, %get3A_576, %get3A_577] {strides = array<i32>} : memref<4x8x1024xf32, #tpu.memory_space<vmem>>, vector<16xf32>,
          %mul3A_579 = vector.broadcast %squeeze3A : f32 to vector<16xf32>
          %mul3A_580 = arith.mulf %get3A_578, %mul3A_579 : vector<16xf32>
          %swap3A_581 = arith.constant 0 : i32
          %swap3A_582 = arith.index_cast %swap3A_581 : i32 to index
          %swap3A_583 = arith.index_cast %scan3A_269 : i32 to index
          %swap3A_584 = arith.constant 400 : index
          %swap3A_585 = tpu.vector_load %arg9[%swap3A_582, %swap3A_583, %swap3A_584] {strides = array<i32>} : memref<4x8x1024xf32, #tpu.memory_space<vmem>>, vector<16xf32>,
          tpu.vector_store %arg9[%swap3A_582, %swap3A_583, %swap3A_584], %mul3A_580 {add = true, strides = array<i32>} : memref<4x8x1024xf32, #tpu.memory_space<vmem>>, vector<16xf32>,
          %get3A_586 = arith.constant 0 : i32
          %get3A_587 = arith.index_cast %get3A_586 : i32 to index
          %get3A_588 = arith.index_cast %scan3A_269 : i32 to index
          %get3A_589 = arith.constant 416 : index
          %get3A_590 = tpu.vector_load %arg10[%get3A_587, %get3A_588, %get3A_589] {strides = array<i32>} : memref<4x8x1024xf32, #tpu.memory_space<vmem>>, vector<16xf32>,
          %mul3A_591 = vector.broadcast %squeeze3A : f32 to vector<16xf32>
          %mul3A_592 = arith.mulf %get3A_590, %mul3A_591 : vector<16xf32>
          %swap3A_593 = arith.constant 0 : i32
          %swap3A_594 = arith.index_cast %swap3A_593 : i32 to index
          %swap3A_595 = arith.index_cast %scan3A_269 : i32 to index
          %swap3A_596 = arith.constant 416 : index
          %swap3A_597 = tpu.vector_load %arg9[%swap3A_594, %swap3A_595, %swap3A_596] {strides = array<i32>} : memref<4x8x1024xf32, #tpu.memory_space<vmem>>, vector<16xf32>,
          tpu.vector_store %arg9[%swap3A_594, %swap3A_595, %swap3A_596], %mul3A_592 {add = true, strides = array<i32>} : memref<4x8x1024xf32, #tpu.memory_space<vmem>>, vector<16xf32>,
          %get3A_598 = arith.constant 0 : i32
          %get3A_599 = arith.index_cast %get3A_598 : i32 to index
          %get3A_600 = arith.index_cast %scan3A_269 : i32 to index
          %get3A_601 = arith.constant 432 : index
          %get3A_602 = tpu.vector_load %arg10[%get3A_599, %get3A_600, %get3A_601] {strides = array<i32>} : memref<4x8x1024xf32, #tpu.memory_space<vmem>>, vector<16xf32>,
          %mul3A_603 = vector.broadcast %squeeze3A : f32 to vector<16xf32>
          %mul3A_604 = arith.mulf %get3A_602, %mul3A_603 : vector<16xf32>
          %swap3A_605 = arith.constant 0 : i32
          %swap3A_606 = arith.index_cast %swap3A_605 : i32 to index
          %swap3A_607 = arith.index_cast %scan3A_269 : i32 to index
          %swap3A_608 = arith.constant 432 : index
          %swap3A_609 = tpu.vector_load %arg9[%swap3A_606, %swap3A_607, %swap3A_608] {strides = array<i32>} : memref<4x8x1024xf32, #tpu.memory_space<vmem>>, vector<16xf32>,
          tpu.vector_store %arg9[%swap3A_606, %swap3A_607, %swap3A_608], %mul3A_604 {add = true, strides = array<i32>} : memref<4x8x1024xf32, #tpu.memory_space<vmem>>, vector<16xf32>,
          %get3A_610 = arith.constant 0 : i32
          %get3A_611 = arith.index_cast %get3A_610 : i32 to index
          %get3A_612 = arith.index_cast %scan3A_269 : i32 to index
          %get3A_613 = arith.constant 448 : index
          %get3A_614 = tpu.vector_load %arg10[%get3A_611, %get3A_612, %get3A_613] {strides = array<i32>} : memref<4x8x1024xf32, #tpu.memory_space<vmem>>, vector<16xf32>,
          %mul3A_615 = vector.broadcast %squeeze3A : f32 to vector<16xf32>
          %mul3A_616 = arith.mulf %get3A_614, %mul3A_615 : vector<16xf32>
          %swap3A_617 = arith.constant 0 : i32
          %swap3A_618 = arith.index_cast %swap3A_617 : i32 to index
          %swap3A_619 = arith.index_cast %scan3A_269 : i32 to index
          %swap3A_620 = arith.constant 448 : index
          %swap3A_621 = tpu.vector_load %arg9[%swap3A_618, %swap3A_619, %swap3A_620] {strides = array<i32>} : memref<4x8x1024xf32, #tpu.memory_space<vmem>>, vector<16xf32>,
          tpu.vector_store %arg9[%swap3A_618, %swap3A_619, %swap3A_620], %mul3A_616 {add = true, strides = array<i32>} : memref<4x8x1024xf32, #tpu.memory_space<vmem>>, vector<16xf32>,
          %get3A_622 = arith.constant 0 : i32
          %get3A_623 = arith.index_cast %get3A_622 : i32 to index
          %get3A_624 = arith.index_cast %scan3A_269 : i32 to index
          %get3A_625 = arith.constant 464 : index
          %get3A_626 = tpu.vector_load %arg10[%get3A_623, %get3A_624, %get3A_625] {strides = array<i32>} : memref<4x8x1024xf32, #tpu.memory_space<vmem>>, vector<16xf32>,
          %mul3A_627 = vector.broadcast %squeeze3A : f32 to vector<16xf32>
          %mul3A_628 = arith.mulf %get3A_626, %mul3A_627 : vector<16xf32>
          %swap3A_629 = arith.constant 0 : i32
          %swap3A_630 = arith.index_cast %swap3A_629 : i32 to index
          %swap3A_631 = arith.index_cast %scan3A_269 : i32 to index
          %swap3A_632 = arith.constant 464 : index
          %swap3A_633 = tpu.vector_load %arg9[%swap3A_630, %swap3A_631, %swap3A_632] {strides = array<i32>} : memref<4x8x1024xf32, #tpu.memory_space<vmem>>, vector<16xf32>,
          tpu.vector_store %arg9[%swap3A_630, %swap3A_631, %swap3A_632], %mul3A_628 {add = true, strides = array<i32>} : memref<4x8x1024xf32, #tpu.memory_space<vmem>>, vector<16xf32>,
          %get3A_634 = arith.constant 0 : i32
          %get3A_635 = arith.index_cast %get3A_634 : i32 to index
          %get3A_636 = arith.index_cast %scan3A_269 : i32 to index
          %get3A_637 = arith.constant 480 : index
          %get3A_638 = tpu.vector_load %arg10[%get3A_635, %get3A_636, %get3A_637] {strides = array<i32>} : memref<4x8x1024xf32, #tpu.memory_space<vmem>>, vector<16xf32>,
          %mul3A_639 = vector.broadcast %squeeze3A : f32 to vector<16xf32>
          %mul3A_640 = arith.mulf %get3A_638, %mul3A_639 : vector<16xf32>
          %swap3A_641 = arith.constant 0 : i32
          %swap3A_642 = arith.index_cast %swap3A_641 : i32 to index
          %swap3A_643 = arith.index_cast %scan3A_269 : i32 to index
          %swap3A_644 = arith.constant 480 : index
          %swap3A_645 = tpu.vector_load %arg9[%swap3A_642, %swap3A_643, %swap3A_644] {strides = array<i32>} : memref<4x8x1024xf32, #tpu.memory_space<vmem>>, vector<16xf32>,
          tpu.vector_store %arg9[%swap3A_642, %swap3A_643, %swap3A_644], %mul3A_640 {add = true, strides = array<i32>} : memref<4x8x1024xf32, #tpu.memory_space<vmem>>, vector<16xf32>,
          %get3A_646 = arith.constant 0 : i32
          %get3A_647 = arith.index_cast %get3A_646 : i32 to index
          %get3A_648 = arith.index_cast %scan3A_269 : i32 to index
          %get3A_649 = arith.constant 496 : index
          %get3A_650 = tpu.vector_load %arg10[%get3A_647, %get3A_648, %get3A_649] {strides = array<i32>} : memref<4x8x1024xf32, #tpu.memory_space<vmem>>, vector<16xf32>,
          %mul3A_651 = vector.broadcast %squeeze3A : f32 to vector<16xf32>
          %mul3A_652 = arith.mulf %get3A_650, %mul3A_651 : vector<16xf32>
          %swap3A_653 = arith.constant 0 : i32
          %swap3A_654 = arith.index_cast %swap3A_653 : i32 to index
          %swap3A_655 = arith.index_cast %scan3A_269 : i32 to index
          %swap3A_656 = arith.constant 496 : index
          %swap3A_657 = tpu.vector_load %arg9[%swap3A_654, %swap3A_655, %swap3A_656] {strides = array<i32>} : memref<4x8x1024xf32, #tpu.memory_space<vmem>>, vector<16xf32>,
          tpu.vector_store %arg9[%swap3A_654, %swap3A_655, %swap3A_656], %mul3A_652 {add = true, strides = array<i32>} : memref<4x8x1024xf32, #tpu.memory_space<vmem>>, vector<16xf32>,
          %get3A_658 = arith.constant 0 : i32
          %get3A_659 = arith.index_cast %get3A_658 : i32 to index
          %get3A_660 = arith.index_cast %scan3A_269 : i32 to index
          %get3A_661 = arith.constant 512 : index
          %get3A_662 = tpu.vector_load %arg10[%get3A_659, %get3A_660, %get3A_661] {strides = array<i32>} : memref<4x8x1024xf32, #tpu.memory_space<vmem>>, vector<16xf32>,
          %mul3A_663 = vector.broadcast %squeeze3A : f32 to vector<16xf32>
          %mul3A_664 = arith.mulf %get3A_662, %mul3A_663 : vector<16xf32>
          %swap3A_665 = arith.constant 0 : i32
          %swap3A_666 = arith.index_cast %swap3A_665 : i32 to index
          %swap3A_667 = arith.index_cast %scan3A_269 : i32 to index
          %swap3A_668 = arith.constant 512 : index
          %swap3A_669 = tpu.vector_load %arg9[%swap3A_666, %swap3A_667, %swap3A_668] {strides = array<i32>} : memref<4x8x1024xf32, #tpu.memory_space<vmem>>, vector<16xf32>,
          tpu.vector_store %arg9[%swap3A_666, %swap3A_667, %swap3A_668], %mul3A_664 {add = true, strides = array<i32>} : memref<4x8x1024xf32, #tpu.memory_space<vmem>>, vector<16xf32>,
          %get3A_670 = arith.constant 0 : i32
          %get3A_671 = arith.index_cast %get3A_670 : i32 to index
          %get3A_672 = arith.index_cast %scan3A_269 : i32 to index
          %get3A_673 = arith.constant 528 : index
          %get3A_674 = tpu.vector_load %arg10[%get3A_671, %get3A_672, %get3A_673] {strides = array<i32>} : memref<4x8x1024xf32, #tpu.memory_space<vmem>>, vector<16xf32>,
          %mul3A_675 = vector.broadcast %squeeze3A : f32 to vector<16xf32>
          %mul3A_676 = arith.mulf %get3A_674, %mul3A_675 : vector<16xf32>
          %swap3A_677 = arith.constant 0 : i32
          %swap3A_678 = arith.index_cast %swap3A_677 : i32 to index
          %swap3A_679 = arith.index_cast %scan3A_269 : i32 to index
          %swap3A_680 = arith.constant 528 : index
          %swap3A_681 = tpu.vector_load %arg9[%swap3A_678, %swap3A_679, %swap3A_680] {strides = array<i32>} : memref<4x8x1024xf32, #tpu.memory_space<vmem>>, vector<16xf32>,
          tpu.vector_store %arg9[%swap3A_678, %swap3A_679, %swap3A_680], %mul3A_676 {add = true, strides = array<i32>} : memref<4x8x1024xf32, #tpu.memory_space<vmem>>, vector<16xf32>,
          %get3A_682 = arith.constant 0 : i32
          %get3A_683 = arith.index_cast %get3A_682 : i32 to index
          %get3A_684 = arith.index_cast %scan3A_269 : i32 to index
          %get3A_685 = arith.constant 544 : index
          %get3A_686 = tpu.vector_load %arg10[%get3A_683, %get3A_684, %get3A_685] {strides = array<i32>} : memref<4x8x1024xf32, #tpu.memory_space<vmem>>, vector<16xf32>,
          %mul3A_687 = vector.broadcast %squeeze3A : f32 to vector<16xf32>
          %mul3A_688 = arith.mulf %get3A_686, %mul3A_687 : vector<16xf32>
          %swap3A_689 = arith.constant 0 : i32
          %swap3A_690 = arith.index_cast %swap3A_689 : i32 to index
          %swap3A_691 = arith.index_cast %scan3A_269 : i32 to index
          %swap3A_692 = arith.constant 544 : index
          %swap3A_693 = tpu.vector_load %arg9[%swap3A_690, %swap3A_691, %swap3A_692] {strides = array<i32>} : memref<4x8x1024xf32, #tpu.memory_space<vmem>>, vector<16xf32>,
          tpu.vector_store %arg9[%swap3A_690, %swap3A_691, %swap3A_692], %mul3A_688 {add = true, strides = array<i32>} : memref<4x8x1024xf32, #tpu.memory_space<vmem>>, vector<16xf32>,
          %get3A_694 = arith.constant 0 : i32
          %get3A_695 = arith.index_cast %get3A_694 : i32 to index
          %get3A_696 = arith.index_cast %scan3A_269 : i32 to index
          %get3A_697 = arith.constant 560 : index
          %get3A_698 = tpu.vector_load %arg10[%get3A_695, %get3A_696, %get3A_697] {strides = array<i32>} : memref<4x8x1024xf32, #tpu.memory_space<vmem>>, vector<16xf32>,
          %mul3A_699 = vector.broadcast %squeeze3A : f32 to vector<16xf32>
          %mul3A_700 = arith.mulf %get3A_698, %mul3A_699 : vector<16xf32>
          %swap3A_701 = arith.constant 0 : i32
          %swap3A_702 = arith.index_cast %swap3A_701 : i32 to index
          %swap3A_703 = arith.index_cast %scan3A_269 : i32 to index
          %swap3A_704 = arith.constant 560 : index
          %swap3A_705 = tpu.vector_load %arg9[%swap3A_702, %swap3A_703, %swap3A_704] {strides = array<i32>} : memref<4x8x1024xf32, #tpu.memory_space<vmem>>, vector<16xf32>,
          tpu.vector_store %arg9[%swap3A_702, %swap3A_703, %swap3A_704], %mul3A_700 {add = true, strides = array<i32>} : memref<4x8x1024xf32, #tpu.memory_space<vmem>>, vector<16xf32>,
          %get3A_706 = arith.constant 0 : i32
          %get3A_707 = arith.index_cast %get3A_706 : i32 to index
          %get3A_708 = arith.index_cast %scan3A_269 : i32 to index
          %get3A_709 = arith.constant 576 : index
          %get3A_710 = tpu.vector_load %arg10[%get3A_707, %get3A_708, %get3A_709] {strides = array<i32>} : memref<4x8x1024xf32, #tpu.memory_space<vmem>>, vector<16xf32>,
          %mul3A_711 = vector.broadcast %squeeze3A : f32 to vector<16xf32>
          %mul3A_712 = arith.mulf %get3A_710, %mul3A_711 : vector<16xf32>
          %swap3A_713 = arith.constant 0 : i32
          %swap3A_714 = arith.index_cast %swap3A_713 : i32 to index
          %swap3A_715 = arith.index_cast %scan3A_269 : i32 to index
          %swap3A_716 = arith.constant 576 : index
          %swap3A_717 = tpu.vector_load %arg9[%swap3A_714, %swap3A_715, %swap3A_716] {strides = array<i32>} : memref<4x8x1024xf32, #tpu.memory_space<vmem>>, vector<16xf32>,
          tpu.vector_store %arg9[%swap3A_714, %swap3A_715, %swap3A_716], %mul3A_712 {add = true, strides = array<i32>} : memref<4x8x1024xf32, #tpu.memory_space<vmem>>, vector<16xf32>,
          %get3A_718 = arith.constant 0 : i32
          %get3A_719 = arith.index_cast %get3A_718 : i32 to index
          %get3A_720 = arith.index_cast %scan3A_269 : i32 to index
          %get3A_721 = arith.constant 592 : index
          %get3A_722 = tpu.vector_load %arg10[%get3A_719, %get3A_720, %get3A_721] {strides = array<i32>} : memref<4x8x1024xf32, #tpu.memory_space<vmem>>, vector<16xf32>,
          %mul3A_723 = vector.broadcast %squeeze3A : f32 to vector<16xf32>
          %mul3A_724 = arith.mulf %get3A_722, %mul3A_723 : vector<16xf32>
          %swap3A_725 = arith.constant 0 : i32
          %swap3A_726 = arith.index_cast %swap3A_725 : i32 to index
          %swap3A_727 = arith.index_cast %scan3A_269 : i32 to index
          %swap3A_728 = arith.constant 592 : index
          %swap3A_729 = tpu.vector_load %arg9[%swap3A_726, %swap3A_727, %swap3A_728] {strides = array<i32>} : memref<4x8x1024xf32, #tpu.memory_space<vmem>>, vector<16xf32>,
          tpu.vector_store %arg9[%swap3A_726, %swap3A_727, %swap3A_728], %mul3A_724 {add = true, strides = array<i32>} : memref<4x8x1024xf32, #tpu.memory_space<vmem>>, vector<16xf32>,
          %get3A_730 = arith.constant 0 : i32
          %get3A_731 = arith.index_cast %get3A_730 : i32 to index
          %get3A_732 = arith.index_cast %scan3A_269 : i32 to index
          %get3A_733 = arith.constant 608 : index
          %get3A_734 = tpu.vector_load %arg10[%get3A_731, %get3A_732, %get3A_733] {strides = array<i32>} : memref<4x8x1024xf32, #tpu.memory_space<vmem>>, vector<16xf32>,
          %mul3A_735 = vector.broadcast %squeeze3A : f32 to vector<16xf32>
          %mul3A_736 = arith.mulf %get3A_734, %mul3A_735 : vector<16xf32>
          %swap3A_737 = arith.constant 0 : i32
          %swap3A_738 = arith.index_cast %swap3A_737 : i32 to index
          %swap3A_739 = arith.index_cast %scan3A_269 : i32 to index
          %swap3A_740 = arith.constant 608 : index
          %swap3A_741 = tpu.vector_load %arg9[%swap3A_738, %swap3A_739, %swap3A_740] {strides = array<i32>} : memref<4x8x1024xf32, #tpu.memory_space<vmem>>, vector<16xf32>,
          tpu.vector_store %arg9[%swap3A_738, %swap3A_739, %swap3A_740], %mul3A_736 {add = true, strides = array<i32>} : memref<4x8x1024xf32, #tpu.memory_space<vmem>>, vector<16xf32>,
          %get3A_742 = arith.constant 0 : i32
          %get3A_743 = arith.index_cast %get3A_742 : i32 to index
          %get3A_744 = arith.index_cast %scan3A_269 : i32 to index
          %get3A_745 = arith.constant 624 : index
          %get3A_746 = tpu.vector_load %arg10[%get3A_743, %get3A_744, %get3A_745] {strides = array<i32>} : memref<4x8x1024xf32, #tpu.memory_space<vmem>>, vector<16xf32>,
          %mul3A_747 = vector.broadcast %squeeze3A : f32 to vector<16xf32>
          %mul3A_748 = arith.mulf %get3A_746, %mul3A_747 : vector<16xf32>
          %swap3A_749 = arith.constant 0 : i32
          %swap3A_750 = arith.index_cast %swap3A_749 : i32 to index
          %swap3A_751 = arith.index_cast %scan3A_269 : i32 to index
          %swap3A_752 = arith.constant 624 : index
          %swap3A_753 = tpu.vector_load %arg9[%swap3A_750, %swap3A_751, %swap3A_752] {strides = array<i32>} : memref<4x8x1024xf32, #tpu.memory_space<vmem>>, vector<16xf32>,
          tpu.vector_store %arg9[%swap3A_750, %swap3A_751, %swap3A_752], %mul3A_748 {add = true, strides = array<i32>} : memref<4x8x1024xf32, #tpu.memory_space<vmem>>, vector<16xf32>,
          %get3A_754 = arith.constant 0 : i32
          %get3A_755 = arith.index_cast %get3A_754 : i32 to index
          %get3A_756 = arith.index_cast %scan3A_269 : i32 to index
          %get3A_757 = arith.constant 640 : index
          %get3A_758 = tpu.vector_load %arg10[%get3A_755, %get3A_756, %get3A_757] {strides = array<i32>} : memref<4x8x1024xf32, #tpu.memory_space<vmem>>, vector<16xf32>,
          %mul3A_759 = vector.broadcast %squeeze3A : f32 to vector<16xf32>
          %mul3A_760 = arith.mulf %get3A_758, %mul3A_759 : vector<16xf32>
          %swap3A_761 = arith.constant 0 : i32
          %swap3A_762 = arith.index_cast %swap3A_761 : i32 to index
          %swap3A_763 = arith.index_cast %scan3A_269 : i32 to index
          %swap3A_764 = arith.constant 640 : index
          %swap3A_765 = tpu.vector_load %arg9[%swap3A_762, %swap3A_763, %swap3A_764] {strides = array<i32>} : memref<4x8x1024xf32, #tpu.memory_space<vmem>>, vector<16xf32>,
          tpu.vector_store %arg9[%swap3A_762, %swap3A_763, %swap3A_764], %mul3A_760 {add = true, strides = array<i32>} : memref<4x8x1024xf32, #tpu.memory_space<vmem>>, vector<16xf32>,
          %get3A_766 = arith.constant 0 : i32
          %get3A_767 = arith.index_cast %get3A_766 : i32 to index
          %get3A_768 = arith.index_cast %scan3A_269 : i32 to index
          %get3A_769 = arith.constant 656 : index
          %get3A_770 = tpu.vector_load %arg10[%get3A_767, %get3A_768, %get3A_769] {strides = array<i32>} : memref<4x8x1024xf32, #tpu.memory_space<vmem>>, vector<16xf32>,
          %mul3A_771 = vector.broadcast %squeeze3A : f32 to vector<16xf32>
          %mul3A_772 = arith.mulf %get3A_770, %mul3A_771 : vector<16xf32>
          %swap3A_773 = arith.constant 0 : i32
          %swap3A_774 = arith.index_cast %swap3A_773 : i32 to index
          %swap3A_775 = arith.index_cast %scan3A_269 : i32 to index
          %swap3A_776 = arith.constant 656 : index
          %swap3A_777 = tpu.vector_load %arg9[%swap3A_774, %swap3A_775, %swap3A_776] {strides = array<i32>} : memref<4x8x1024xf32, #tpu.memory_space<vmem>>, vector<16xf32>,
          tpu.vector_store %arg9[%swap3A_774, %swap3A_775, %swap3A_776], %mul3A_772 {add = true, strides = array<i32>} : memref<4x8x1024xf32, #tpu.memory_space<vmem>>, vector<16xf32>,
          %get3A_778 = arith.constant 0 : i32
          %get3A_779 = arith.index_cast %get3A_778 : i32 to index
          %get3A_780 = arith.index_cast %scan3A_269 : i32 to index
          %get3A_781 = arith.constant 672 : index
          %get3A_782 = tpu.vector_load %arg10[%get3A_779, %get3A_780, %get3A_781] {strides = array<i32>} : memref<4x8x1024xf32, #tpu.memory_space<vmem>>, vector<16xf32>,
          %mul3A_783 = vector.broadcast %squeeze3A : f32 to vector<16xf32>
          %mul3A_784 = arith.mulf %get3A_782, %mul3A_783 : vector<16xf32>
          %swap3A_785 = arith.constant 0 : i32
          %swap3A_786 = arith.index_cast %swap3A_785 : i32 to index
          %swap3A_787 = arith.index_cast %scan3A_269 : i32 to index
          %swap3A_788 = arith.constant 672 : index
          %swap3A_789 = tpu.vector_load %arg9[%swap3A_786, %swap3A_787, %swap3A_788] {strides = array<i32>} : memref<4x8x1024xf32, #tpu.memory_space<vmem>>, vector<16xf32>,
          tpu.vector_store %arg9[%swap3A_786, %swap3A_787, %swap3A_788], %mul3A_784 {add = true, strides = array<i32>} : memref<4x8x1024xf32, #tpu.memory_space<vmem>>, vector<16xf32>,
          %get3A_790 = arith.constant 0 : i32
          %get3A_791 = arith.index_cast %get3A_790 : i32 to index
          %get3A_792 = arith.index_cast %scan3A_269 : i32 to index
          %get3A_793 = arith.constant 688 : index
          %get3A_794 = tpu.vector_load %arg10[%get3A_791, %get3A_792, %get3A_793] {strides = array<i32>} : memref<4x8x1024xf32, #tpu.memory_space<vmem>>, vector<16xf32>,
          %mul3A_795 = vector.broadcast %squeeze3A : f32 to vector<16xf32>
          %mul3A_796 = arith.mulf %get3A_794, %mul3A_795 : vector<16xf32>
          %swap3A_797 = arith.constant 0 : i32
          %swap3A_798 = arith.index_cast %swap3A_797 : i32 to index
          %swap3A_799 = arith.index_cast %scan3A_269 : i32 to index
          %swap3A_800 = arith.constant 688 : index
          %swap3A_801 = tpu.vector_load %arg9[%swap3A_798, %swap3A_799, %swap3A_800] {strides = array<i32>} : memref<4x8x1024xf32, #tpu.memory_space<vmem>>, vector<16xf32>,
          tpu.vector_store %arg9[%swap3A_798, %swap3A_799, %swap3A_800], %mul3A_796 {add = true, strides = array<i32>} : memref<4x8x1024xf32, #tpu.memory_space<vmem>>, vector<16xf32>,
          %get3A_802 = arith.constant 0 : i32
          %get3A_803 = arith.index_cast %get3A_802 : i32 to index
          %get3A_804 = arith.index_cast %scan3A_269 : i32 to index
          %get3A_805 = arith.constant 704 : index
          %get3A_806 = tpu.vector_load %arg10[%get3A_803, %get3A_804, %get3A_805] {strides = array<i32>} : memref<4x8x1024xf32, #tpu.memory_space<vmem>>, vector<16xf32>,
          %mul3A_807 = vector.broadcast %squeeze3A : f32 to vector<16xf32>
          %mul3A_808 = arith.mulf %get3A_806, %mul3A_807 : vector<16xf32>
          %swap3A_809 = arith.constant 0 : i32
          %swap3A_810 = arith.index_cast %swap3A_809 : i32 to index
          %swap3A_811 = arith.index_cast %scan3A_269 : i32 to index
          %swap3A_812 = arith.constant 704 : index
          %swap3A_813 = tpu.vector_load %arg9[%swap3A_810, %swap3A_811, %swap3A_812] {strides = array<i32>} : memref<4x8x1024xf32, #tpu.memory_space<vmem>>, vector<16xf32>,
          tpu.vector_store %arg9[%swap3A_810, %swap3A_811, %swap3A_812], %mul3A_808 {add = true, strides = array<i32>} : memref<4x8x1024xf32, #tpu.memory_space<vmem>>, vector<16xf32>,
          %get3A_814 = arith.constant 0 : i32
          %get3A_815 = arith.index_cast %get3A_814 : i32 to index
          %get3A_816 = arith.index_cast %scan3A_269 : i32 to index
          %get3A_817 = arith.constant 720 : index
          %get3A_818 = tpu.vector_load %arg10[%get3A_815, %get3A_816, %get3A_817] {strides = array<i32>} : memref<4x8x1024xf32, #tpu.memory_space<vmem>>, vector<16xf32>,
          %mul3A_819 = vector.broadcast %squeeze3A : f32 to vector<16xf32>
          %mul3A_820 = arith.mulf %get3A_818, %mul3A_819 : vector<16xf32>
          %swap3A_821 = arith.constant 0 : i32
          %swap3A_822 = arith.index_cast %swap3A_821 : i32 to index
          %swap3A_823 = arith.index_cast %scan3A_269 : i32 to index
          %swap3A_824 = arith.constant 720 : index
          %swap3A_825 = tpu.vector_load %arg9[%swap3A_822, %swap3A_823, %swap3A_824] {strides = array<i32>} : memref<4x8x1024xf32, #tpu.memory_space<vmem>>, vector<16xf32>,
          tpu.vector_store %arg9[%swap3A_822, %swap3A_823, %swap3A_824], %mul3A_820 {add = true, strides = array<i32>} : memref<4x8x1024xf32, #tpu.memory_space<vmem>>, vector<16xf32>,
          %get3A_826 = arith.constant 0 : i32
          %get3A_827 = arith.index_cast %get3A_826 : i32 to index
          %get3A_828 = arith.index_cast %scan3A_269 : i32 to index
          %get3A_829 = arith.constant 736 : index
          %get3A_830 = tpu.vector_load %arg10[%get3A_827, %get3A_828, %get3A_829] {strides = array<i32>} : memref<4x8x1024xf32, #tpu.memory_space<vmem>>, vector<16xf32>,
          %mul3A_831 = vector.broadcast %squeeze3A : f32 to vector<16xf32>
          %mul3A_832 = arith.mulf %get3A_830, %mul3A_831 : vector<16xf32>
          %swap3A_833 = arith.constant 0 : i32
          %swap3A_834 = arith.index_cast %swap3A_833 : i32 to index
          %swap3A_835 = arith.index_cast %scan3A_269 : i32 to index
          %swap3A_836 = arith.constant 736 : index
          %swap3A_837 = tpu.vector_load %arg9[%swap3A_834, %swap3A_835, %swap3A_836] {strides = array<i32>} : memref<4x8x1024xf32, #tpu.memory_space<vmem>>, vector<16xf32>,
          tpu.vector_store %arg9[%swap3A_834, %swap3A_835, %swap3A_836], %mul3A_832 {add = true, strides = array<i32>} : memref<4x8x1024xf32, #tpu.memory_space<vmem>>, vector<16xf32>,
          %get3A_838 = arith.constant 0 : i32
          %get3A_839 = arith.index_cast %get3A_838 : i32 to index
          %get3A_840 = arith.index_cast %scan3A_269 : i32 to index
          %get3A_841 = arith.constant 752 : index
          %get3A_842 = tpu.vector_load %arg10[%get3A_839, %get3A_840, %get3A_841] {strides = array<i32>} : memref<4x8x1024xf32, #tpu.memory_space<vmem>>, vector<16xf32>,
          %mul3A_843 = vector.broadcast %squeeze3A : f32 to vector<16xf32>
          %mul3A_844 = arith.mulf %get3A_842, %mul3A_843 : vector<16xf32>
          %swap3A_845 = arith.constant 0 : i32
          %swap3A_846 = arith.index_cast %swap3A_845 : i32 to index
          %swap3A_847 = arith.index_cast %scan3A_269 : i32 to index
          %swap3A_848 = arith.constant 752 : index
          %swap3A_849 = tpu.vector_load %arg9[%swap3A_846, %swap3A_847, %swap3A_848] {strides = array<i32>} : memref<4x8x1024xf32, #tpu.memory_space<vmem>>, vector<16xf32>,
          tpu.vector_store %arg9[%swap3A_846, %swap3A_847, %swap3A_848], %mul3A_844 {add = true, strides = array<i32>} : memref<4x8x1024xf32, #tpu.memory_space<vmem>>, vector<16xf32>,
          %get3A_850 = arith.constant 0 : i32
          %get3A_851 = arith.index_cast %get3A_850 : i32 to index
          %get3A_852 = arith.index_cast %scan3A_269 : i32 to index
          %get3A_853 = arith.constant 768 : index
          %get3A_854 = tpu.vector_load %arg10[%get3A_851, %get3A_852, %get3A_853] {strides = array<i32>} : memref<4x8x1024xf32, #tpu.memory_space<vmem>>, vector<16xf32>,
          %mul3A_855 = vector.broadcast %squeeze3A : f32 to vector<16xf32>
          %mul3A_856 = arith.mulf %get3A_854, %mul3A_855 : vector<16xf32>
          %swap3A_857 = arith.constant 0 : i32
          %swap3A_858 = arith.index_cast %swap3A_857 : i32 to index
          %swap3A_859 = arith.index_cast %scan3A_269 : i32 to index
          %swap3A_860 = arith.constant 768 : index
          %swap3A_861 = tpu.vector_load %arg9[%swap3A_858, %swap3A_859, %swap3A_860] {strides = array<i32>} : memref<4x8x1024xf32, #tpu.memory_space<vmem>>, vector<16xf32>,
          tpu.vector_store %arg9[%swap3A_858, %swap3A_859, %swap3A_860], %mul3A_856 {add = true, strides = array<i32>} : memref<4x8x1024xf32, #tpu.memory_space<vmem>>, vector<16xf32>,
          %get3A_862 = arith.constant 0 : i32
          %get3A_863 = arith.index_cast %get3A_862 : i32 to index
          %get3A_864 = arith.index_cast %scan3A_269 : i32 to index
          %get3A_865 = arith.constant 784 : index
          %get3A_866 = tpu.vector_load %arg10[%get3A_863, %get3A_864, %get3A_865] {strides = array<i32>} : memref<4x8x1024xf32, #tpu.memory_space<vmem>>, vector<16xf32>,
          %mul3A_867 = vector.broadcast %squeeze3A : f32 to vector<16xf32>
          %mul3A_868 = arith.mulf %get3A_866, %mul3A_867 : vector<16xf32>
          %swap3A_869 = arith.constant 0 : i32
          %swap3A_870 = arith.index_cast %swap3A_869 : i32 to index
          %swap3A_871 = arith.index_cast %scan3A_269 : i32 to index
          %swap3A_872 = arith.constant 784 : index
          %swap3A_873 = tpu.vector_load %arg9[%swap3A_870, %swap3A_871, %swap3A_872] {strides = array<i32>} : memref<4x8x1024xf32, #tpu.memory_space<vmem>>, vector<16xf32>,
          tpu.vector_store %arg9[%swap3A_870, %swap3A_871, %swap3A_872], %mul3A_868 {add = true, strides = array<i32>} : memref<4x8x1024xf32, #tpu.memory_space<vmem>>, vector<16xf32>,
          %get3A_874 = arith.constant 0 : i32
          %get3A_875 = arith.index_cast %get3A_874 : i32 to index
          %get3A_876 = arith.index_cast %scan3A_269 : i32 to index
          %get3A_877 = arith.constant 800 : index
          %get3A_878 = tpu.vector_load %arg10[%get3A_875, %get3A_876, %get3A_877] {strides = array<i32>} : memref<4x8x1024xf32, #tpu.memory_space<vmem>>, vector<16xf32>,
          %mul3A_879 = vector.broadcast %squeeze3A : f32 to vector<16xf32>
          %mul3A_880 = arith.mulf %get3A_878, %mul3A_879 : vector<16xf32>
          %swap3A_881 = arith.constant 0 : i32
          %swap3A_882 = arith.index_cast %swap3A_881 : i32 to index
          %swap3A_883 = arith.index_cast %scan3A_269 : i32 to index
          %swap3A_884 = arith.constant 800 : index
          %swap3A_885 = tpu.vector_load %arg9[%swap3A_882, %swap3A_883, %swap3A_884] {strides = array<i32>} : memref<4x8x1024xf32, #tpu.memory_space<vmem>>, vector<16xf32>,
          tpu.vector_store %arg9[%swap3A_882, %swap3A_883, %swap3A_884], %mul3A_880 {add = true, strides = array<i32>} : memref<4x8x1024xf32, #tpu.memory_space<vmem>>, vector<16xf32>,
          %get3A_886 = arith.constant 0 : i32
          %get3A_887 = arith.index_cast %get3A_886 : i32 to index
          %get3A_888 = arith.index_cast %scan3A_269 : i32 to index
          %get3A_889 = arith.constant 816 : index
          %get3A_890 = tpu.vector_load %arg10[%get3A_887, %get3A_888, %get3A_889] {strides = array<i32>} : memref<4x8x1024xf32, #tpu.memory_space<vmem>>, vector<16xf32>,
          %mul3A_891 = vector.broadcast %squeeze3A : f32 to vector<16xf32>
          %mul3A_892 = arith.mulf %get3A_890, %mul3A_891 : vector<16xf32>
          %swap3A_893 = arith.constant 0 : i32
          %swap3A_894 = arith.index_cast %swap3A_893 : i32 to index
          %swap3A_895 = arith.index_cast %scan3A_269 : i32 to index
          %swap3A_896 = arith.constant 816 : index
          %swap3A_897 = tpu.vector_load %arg9[%swap3A_894, %swap3A_895, %swap3A_896] {strides = array<i32>} : memref<4x8x1024xf32, #tpu.memory_space<vmem>>, vector<16xf32>,
          tpu.vector_store %arg9[%swap3A_894, %swap3A_895, %swap3A_896], %mul3A_892 {add = true, strides = array<i32>} : memref<4x8x1024xf32, #tpu.memory_space<vmem>>, vector<16xf32>,
          %get3A_898 = arith.constant 0 : i32
          %get3A_899 = arith.index_cast %get3A_898 : i32 to index
          %get3A_900 = arith.index_cast %scan3A_269 : i32 to index
          %get3A_901 = arith.constant 832 : index
          %get3A_902 = tpu.vector_load %arg10[%get3A_899, %get3A_900, %get3A_901] {strides = array<i32>} : memref<4x8x1024xf32, #tpu.memory_space<vmem>>, vector<16xf32>,
          %mul3A_903 = vector.broadcast %squeeze3A : f32 to vector<16xf32>
          %mul3A_904 = arith.mulf %get3A_902, %mul3A_903 : vector<16xf32>
          %swap3A_905 = arith.constant 0 : i32
          %swap3A_906 = arith.index_cast %swap3A_905 : i32 to index
          %swap3A_907 = arith.index_cast %scan3A_269 : i32 to index
          %swap3A_908 = arith.constant 832 : index
          %swap3A_909 = tpu.vector_load %arg9[%swap3A_906, %swap3A_907, %swap3A_908] {strides = array<i32>} : memref<4x8x1024xf32, #tpu.memory_space<vmem>>, vector<16xf32>,
          tpu.vector_store %arg9[%swap3A_906, %swap3A_907, %swap3A_908], %mul3A_904 {add = true, strides = array<i32>} : memref<4x8x1024xf32, #tpu.memory_space<vmem>>, vector<16xf32>,
          %get3A_910 = arith.constant 0 : i32
          %get3A_911 = arith.index_cast %get3A_910 : i32 to index
          %get3A_912 = arith.index_cast %scan3A_269 : i32 to index
          %get3A_913 = arith.constant 848 : index
          %get3A_914 = tpu.vector_load %arg10[%get3A_911, %get3A_912, %get3A_913] {strides = array<i32>} : memref<4x8x1024xf32, #tpu.memory_space<vmem>>, vector<16xf32>,
          %mul3A_915 = vector.broadcast %squeeze3A : f32 to vector<16xf32>
          %mul3A_916 = arith.mulf %get3A_914, %mul3A_915 : vector<16xf32>
          %swap3A_917 = arith.constant 0 : i32
          %swap3A_918 = arith.index_cast %swap3A_917 : i32 to index
          %swap3A_919 = arith.index_cast %scan3A_269 : i32 to index
          %swap3A_920 = arith.constant 848 : index
          %swap3A_921 = tpu.vector_load %arg9[%swap3A_918, %swap3A_919, %swap3A_920] {strides = array<i32>} : memref<4x8x1024xf32, #tpu.memory_space<vmem>>, vector<16xf32>,
          tpu.vector_store %arg9[%swap3A_918, %swap3A_919, %swap3A_920], %mul3A_916 {add = true, strides = array<i32>} : memref<4x8x1024xf32, #tpu.memory_space<vmem>>, vector<16xf32>,
          %get3A_922 = arith.constant 0 : i32
          %get3A_923 = arith.index_cast %get3A_922 : i32 to index
          %get3A_924 = arith.index_cast %scan3A_269 : i32 to index
          %get3A_925 = arith.constant 864 : index
          %get3A_926 = tpu.vector_load %arg10[%get3A_923, %get3A_924, %get3A_925] {strides = array<i32>} : memref<4x8x1024xf32, #tpu.memory_space<vmem>>, vector<16xf32>,
          %mul3A_927 = vector.broadcast %squeeze3A : f32 to vector<16xf32>
          %mul3A_928 = arith.mulf %get3A_926, %mul3A_927 : vector<16xf32>
          %swap3A_929 = arith.constant 0 : i32
          %swap3A_930 = arith.index_cast %swap3A_929 : i32 to index
          %swap3A_931 = arith.index_cast %scan3A_269 : i32 to index
          %swap3A_932 = arith.constant 864 : index
          %swap3A_933 = tpu.vector_load %arg9[%swap3A_930, %swap3A_931, %swap3A_932] {strides = array<i32>} : memref<4x8x1024xf32, #tpu.memory_space<vmem>>, vector<16xf32>,
          tpu.vector_store %arg9[%swap3A_930, %swap3A_931, %swap3A_932], %mul3A_928 {add = true, strides = array<i32>} : memref<4x8x1024xf32, #tpu.memory_space<vmem>>, vector<16xf32>,
          %get3A_934 = arith.constant 0 : i32
          %get3A_935 = arith.index_cast %get3A_934 : i32 to index
          %get3A_936 = arith.index_cast %scan3A_269 : i32 to index
          %get3A_937 = arith.constant 880 : index
          %get3A_938 = tpu.vector_load %arg10[%get3A_935, %get3A_936, %get3A_937] {strides = array<i32>} : memref<4x8x1024xf32, #tpu.memory_space<vmem>>, vector<16xf32>,
          %mul3A_939 = vector.broadcast %squeeze3A : f32 to vector<16xf32>
          %mul3A_940 = arith.mulf %get3A_938, %mul3A_939 : vector<16xf32>
          %swap3A_941 = arith.constant 0 : i32
          %swap3A_942 = arith.index_cast %swap3A_941 : i32 to index
          %swap3A_943 = arith.index_cast %scan3A_269 : i32 to index
          %swap3A_944 = arith.constant 880 : index
          %swap3A_945 = tpu.vector_load %arg9[%swap3A_942, %swap3A_943, %swap3A_944] {strides = array<i32>} : memref<4x8x1024xf32, #tpu.memory_space<vmem>>, vector<16xf32>,
          tpu.vector_store %arg9[%swap3A_942, %swap3A_943, %swap3A_944], %mul3A_940 {add = true, strides = array<i32>} : memref<4x8x1024xf32, #tpu.memory_space<vmem>>, vector<16xf32>,
          %get3A_946 = arith.constant 0 : i32
          %get3A_947 = arith.index_cast %get3A_946 : i32 to index
          %get3A_948 = arith.index_cast %scan3A_269 : i32 to index
          %get3A_949 = arith.constant 896 : index
          %get3A_950 = tpu.vector_load %arg10[%get3A_947, %get3A_948, %get3A_949] {strides = array<i32>} : memref<4x8x1024xf32, #tpu.memory_space<vmem>>, vector<16xf32>,
          %mul3A_951 = vector.broadcast %squeeze3A : f32 to vector<16xf32>
          %mul3A_952 = arith.mulf %get3A_950, %mul3A_951 : vector<16xf32>
          %swap3A_953 = arith.constant 0 : i32
          %swap3A_954 = arith.index_cast %swap3A_953 : i32 to index
          %swap3A_955 = arith.index_cast %scan3A_269 : i32 to index
          %swap3A_956 = arith.constant 896 : index
          %swap3A_957 = tpu.vector_load %arg9[%swap3A_954, %swap3A_955, %swap3A_956] {strides = array<i32>} : memref<4x8x1024xf32, #tpu.memory_space<vmem>>, vector<16xf32>,
          tpu.vector_store %arg9[%swap3A_954, %swap3A_955, %swap3A_956], %mul3A_952 {add = true, strides = array<i32>} : memref<4x8x1024xf32, #tpu.memory_space<vmem>>, vector<16xf32>,
          %get3A_958 = arith.constant 0 : i32
          %get3A_959 = arith.index_cast %get3A_958 : i32 to index
          %get3A_960 = arith.index_cast %scan3A_269 : i32 to index
          %get3A_961 = arith.constant 912 : index
          %get3A_962 = tpu.vector_load %arg10[%get3A_959, %get3A_960, %get3A_961] {strides = array<i32>} : memref<4x8x1024xf32, #tpu.memory_space<vmem>>, vector<16xf32>,
          %mul3A_963 = vector.broadcast %squeeze3A : f32 to vector<16xf32>
          %mul3A_964 = arith.mulf %get3A_962, %mul3A_963 : vector<16xf32>
          %swap3A_965 = arith.constant 0 : i32
          %swap3A_966 = arith.index_cast %swap3A_965 : i32 to index
          %swap3A_967 = arith.index_cast %scan3A_269 : i32 to index
          %swap3A_968 = arith.constant 912 : index
          %swap3A_969 = tpu.vector_load %arg9[%swap3A_966, %swap3A_967, %swap3A_968] {strides = array<i32>} : memref<4x8x1024xf32, #tpu.memory_space<vmem>>, vector<16xf32>,
          tpu.vector_store %arg9[%swap3A_966, %swap3A_967, %swap3A_968], %mul3A_964 {add = true, strides = array<i32>} : memref<4x8x1024xf32, #tpu.memory_space<vmem>>, vector<16xf32>,
          %get3A_970 = arith.constant 0 : i32
          %get3A_971 = arith.index_cast %get3A_970 : i32 to index
          %get3A_972 = arith.index_cast %scan3A_269 : i32 to index
          %get3A_973 = arith.constant 928 : index
          %get3A_974 = tpu.vector_load %arg10[%get3A_971, %get3A_972, %get3A_973] {strides = array<i32>} : memref<4x8x1024xf32, #tpu.memory_space<vmem>>, vector<16xf32>,
          %mul3A_975 = vector.broadcast %squeeze3A : f32 to vector<16xf32>
          %mul3A_976 = arith.mulf %get3A_974, %mul3A_975 : vector<16xf32>
          %swap3A_977 = arith.constant 0 : i32
          %swap3A_978 = arith.index_cast %swap3A_977 : i32 to index
          %swap3A_979 = arith.index_cast %scan3A_269 : i32 to index
          %swap3A_980 = arith.constant 928 : index
          %swap3A_981 = tpu.vector_load %arg9[%swap3A_978, %swap3A_979, %swap3A_980] {strides = array<i32>} : memref<4x8x1024xf32, #tpu.memory_space<vmem>>, vector<16xf32>,
          tpu.vector_store %arg9[%swap3A_978, %swap3A_979, %swap3A_980], %mul3A_976 {add = true, strides = array<i32>} : memref<4x8x1024xf32, #tpu.memory_space<vmem>>, vector<16xf32>,
          %get3A_982 = arith.constant 0 : i32
          %get3A_983 = arith.index_cast %get3A_982 : i32 to index
          %get3A_984 = arith.index_cast %scan3A_269 : i32 to index
          %get3A_985 = arith.constant 944 : index
          %get3A_986 = tpu.vector_load %arg10[%get3A_983, %get3A_984, %get3A_985] {strides = array<i32>} : memref<4x8x1024xf32, #tpu.memory_space<vmem>>, vector<16xf32>,
          %mul3A_987 = vector.broadcast %squeeze3A : f32 to vector<16xf32>
          %mul3A_988 = arith.mulf %get3A_986, %mul3A_987 : vector<16xf32>
          %swap3A_989 = arith.constant 0 : i32
          %swap3A_990 = arith.index_cast %swap3A_989 : i32 to index
          %swap3A_991 = arith.index_cast %scan3A_269 : i32 to index
          %swap3A_992 = arith.constant 944 : index
          %swap3A_993 = tpu.vector_load %arg9[%swap3A_990, %swap3A_991, %swap3A_992] {strides = array<i32>} : memref<4x8x1024xf32, #tpu.memory_space<vmem>>, vector<16xf32>,
          tpu.vector_store %arg9[%swap3A_990, %swap3A_991, %swap3A_992], %mul3A_988 {add = true, strides = array<i32>} : memref<4x8x1024xf32, #tpu.memory_space<vmem>>, vector<16xf32>,
          %get3A_994 = arith.constant 0 : i32
          %get3A_995 = arith.index_cast %get3A_994 : i32 to index
          %get3A_996 = arith.index_cast %scan3A_269 : i32 to index
          %get3A_997 = arith.constant 960 : index
          %get3A_998 = tpu.vector_load %arg10[%get3A_995, %get3A_996, %get3A_997] {strides = array<i32>} : memref<4x8x1024xf32, #tpu.memory_space<vmem>>, vector<16xf32>,
          %mul3A_999 = vector.broadcast %squeeze3A : f32 to vector<16xf32>
          %mul3A_1000 = arith.mulf %get3A_998, %mul3A_999 : vector<16xf32>
          %swap3A_1001 = arith.constant 0 : i32
          %swap3A_1002 = arith.index_cast %swap3A_1001 : i32 to index
          %swap3A_1003 = arith.index_cast %scan3A_269 : i32 to index
          %swap3A_1004 = arith.constant 960 : index
          %swap3A_1005 = tpu.vector_load %arg9[%swap3A_1002, %swap3A_1003, %swap3A_1004] {strides = array<i32>} : memref<4x8x1024xf32, #tpu.memory_space<vmem>>, vector<16xf32>,
          tpu.vector_store %arg9[%swap3A_1002, %swap3A_1003, %swap3A_1004], %mul3A_1000 {add = true, strides = array<i32>} : memref<4x8x1024xf32, #tpu.memory_space<vmem>>, vector<16xf32>,
          %get3A_1006 = arith.constant 0 : i32
          %get3A_1007 = arith.index_cast %get3A_1006 : i32 to index
          %get3A_1008 = arith.index_cast %scan3A_269 : i32 to index
          %get3A_1009 = arith.constant 976 : index
          %get3A_1010 = tpu.vector_load %arg10[%get3A_1007, %get3A_1008, %get3A_1009] {strides = array<i32>} : memref<4x8x1024xf32, #tpu.memory_space<vmem>>, vector<16xf32>,
          %mul3A_1011 = vector.broadcast %squeeze3A : f32 to vector<16xf32>
          %mul3A_1012 = arith.mulf %get3A_1010, %mul3A_1011 : vector<16xf32>
          %swap3A_1013 = arith.constant 0 : i32
          %swap3A_1014 = arith.index_cast %swap3A_1013 : i32 to index
          %swap3A_1015 = arith.index_cast %scan3A_269 : i32 to index
          %swap3A_1016 = arith.constant 976 : index
          %swap3A_1017 = tpu.vector_load %arg9[%swap3A_1014, %swap3A_1015, %swap3A_1016] {strides = array<i32>} : memref<4x8x1024xf32, #tpu.memory_space<vmem>>, vector<16xf32>,
          tpu.vector_store %arg9[%swap3A_1014, %swap3A_1015, %swap3A_1016], %mul3A_1012 {add = true, strides = array<i32>} : memref<4x8x1024xf32, #tpu.memory_space<vmem>>, vector<16xf32>,
          %get3A_1018 = arith.constant 0 : i32
          %get3A_1019 = arith.index_cast %get3A_1018 : i32 to index
          %get3A_1020 = arith.index_cast %scan3A_269 : i32 to index
          %get3A_1021 = arith.constant 992 : index
          %get3A_1022 = tpu.vector_load %arg10[%get3A_1019, %get3A_1020, %get3A_1021] {strides = array<i32>} : memref<4x8x1024xf32, #tpu.memory_space<vmem>>, vector<16xf32>,
          %mul3A_1023 = vector.broadcast %squeeze3A : f32 to vector<16xf32>
          %mul3A_1024 = arith.mulf %get3A_1022, %mul3A_1023 : vector<16xf32>
          %swap3A_1025 = arith.constant 0 : i32
          %swap3A_1026 = arith.index_cast %swap3A_1025 : i32 to index
          %swap3A_1027 = arith.index_cast %scan3A_269 : i32 to index
          %swap3A_1028 = arith.constant 992 : index
          %swap3A_1029 = tpu.vector_load %arg9[%swap3A_1026, %swap3A_1027, %swap3A_1028] {strides = array<i32>} : memref<4x8x1024xf32, #tpu.memory_space<vmem>>, vector<16xf32>,
          tpu.vector_store %arg9[%swap3A_1026, %swap3A_1027, %swap3A_1028], %mul3A_1024 {add = true, strides = array<i32>} : memref<4x8x1024xf32, #tpu.memory_space<vmem>>, vector<16xf32>,
          %get3A_1030 = arith.constant 0 : i32
          %get3A_1031 = arith.index_cast %get3A_1030 : i32 to index
          %get3A_1032 = arith.index_cast %scan3A_269 : i32 to index
          %get3A_1033 = arith.constant 1008 : index
          %get3A_1034 = tpu.vector_load %arg10[%get3A_1031, %get3A_1032, %get3A_1033] {strides = array<i32>} : memref<4x8x1024xf32, #tpu.memory_space<vmem>>, vector<16xf32>,
          %mul3A_1035 = vector.broadcast %squeeze3A : f32 to vector<16xf32>
          %mul3A_1036 = arith.mulf %get3A_1034, %mul3A_1035 : vector<16xf32>
          %swap3A_1037 = arith.constant 0 : i32
          %swap3A_1038 = arith.index_cast %swap3A_1037 : i32 to index
          %swap3A_1039 = arith.index_cast %scan3A_269 : i32 to index
          %swap3A_1040 = arith.constant 1008 : index
          %swap3A_1041 = tpu.vector_load %arg9[%swap3A_1038, %swap3A_1039, %swap3A_1040] {strides = array<i32>} : memref<4x8x1024xf32, #tpu.memory_space<vmem>>, vector<16xf32>,
          tpu.vector_store %arg9[%swap3A_1038, %swap3A_1039, %swap3A_1040], %mul3A_1036 {add = true, strides = array<i32>} : memref<4x8x1024xf32, #tpu.memory_space<vmem>>, vector<16xf32>,
          %scan3A_1042 = arith.constant 0 : i32
          scf.yield %scan3A_1042 : i32
        }
        %scan3A_242 = arith.constant 8 : i32
        %mul3A_243 = arith.constant 8 : i32
        %mul3A_244 = arith.muli %scan3A_181, %mul3A_243 : i32
        %add3A_245 = arith.addi %mul3A_2, %mul3A_244 : i32
        %dma_start3A_246 = arith.constant 0 : i32
        %dma_start3A_247 = arith.constant 0 : i32
        %dma_start3A_248 = arith.constant 0 : i32
        %dma_start3A_249 = arith.constant 0 : i32
        %dma_start3A_250 = tpu.memref_slice %arg9[%dma_start3A_246, %dma_start3A_248, %dma_start3A_249] : memref<4x8x1024xf32, #tpu.memory_space<vmem>> -> memref<1x8x1024xf32, #tpu.memory_space<vmem>>
        %dma_start3A_251 = tpu.memref_squeeze %dma_start3A_250 : memref<1x8x1024xf32, #tpu.memory_space<vmem>> -> memref<8x1024xf32, #tpu.memory_space<vmem>>
        %dma_start3A_252 = arith.constant 0 : i32
        %dma_start3A_253 = tpu.memref_slice %arg6[%add3A_245, %dma_start3A_252] : memref<32768x1024xf32, #tpu.memory_space<hbm>> -> memref<8x1024xf32, #tpu.memory_space<hbm>>
        %dma_start3A_254 = tpu.memref_slice %arg12[%dma_start3A_247] : memref<4x!tpu.dma_semaphore, #tpu.memory_space<semaphore_mem>> -> memref<1x!tpu.dma_semaphore, #tpu.memory_space<semaphore_mem>>
        %dma_start3A_255 = tpu.memref_squeeze %dma_start3A_254 : memref<1x!tpu.dma_semaphore, #tpu.memory_space<semaphore_mem>> -> memref<!tpu.dma_semaphore, #tpu.memory_space<semaphore_mem>>
        %dma_start3A_256 = arith.constant 0 : i32
        %dma_start3A_257 = tpu.memref_slice %arg6[%add3A_245, %dma_start3A_256] : memref<32768x1024xf32, #tpu.memory_space<hbm>> -> memref<8x1024xf32, #tpu.memory_space<hbm>>
        %dma_start3A_258 = arith.constant 0 : i32
        %dma_start3A_259 = arith.constant 0 : i32
        %dma_start3A_260 = tpu.memref_slice %arg9[%dma_start3A_246, %dma_start3A_258, %dma_start3A_259] : memref<4x8x1024xf32, #tpu.memory_space<vmem>> -> memref<1x8x1024xf32, #tpu.memory_space<vmem>>
        %dma_start3A_261 = tpu.memref_squeeze %dma_start3A_260 : memref<1x8x1024xf32, #tpu.memory_space<vmem>> -> memref<8x1024xf32, #tpu.memory_space<vmem>>
        tpu.enqueue_dma source(%dma_start3A_261 : memref<8x1024xf32, #tpu.memory_space<vmem>>) target(%dma_start3A_257 : memref<8x1024xf32, #tpu.memory_space<hbm>>) target_semaphore(%dma_start3A_255 : memref<!tpu.dma_semaphore, #tpu.memory_space<semaphore_mem>>)
        %add3A_262 = arith.constant 4 : i32
        %add3A_263 = arith.addi %scan3A_181, %add3A_262 : i32
        %sub3A = arith.constant 1 : i32
        %sub3A_264 = arith.subi %add3A_263, %sub3A : i32
        %lt3A = arith.constant 128 : i32
        %lt3A_265 = arith.cmpi slt, %sub3A_264, %lt3A : i32
        %convert_element_type3A_266 = arith.extui %lt3A_265 : i1 to i32
        %cond3A_267 = arith.constant 0 : i32
        %cond3A_268 = arith.cmpi ne, %convert_element_type3A_266, %cond3A_267 : i32
        scf.if %cond3A_268 {
          %ge3A = arith.constant 4 : i32
          %ge3A_269 = arith.cmpi sge, %sub3A_264, %ge3A : i32
          %convert_element_type3A_270 = arith.extui %ge3A_269 : i1 to i32
          %cond3A_271 = arith.constant 0 : i32
          %cond3A_272 = arith.cmpi ne, %convert_element_type3A_270, %cond3A_271 : i32
          scf.if %cond3A_272 {
            %sub3A_307 = arith.constant 4 : i32
            %sub3A_308 = arith.subi %sub3A_264, %sub3A_307 : i32
            %mul3A_309 = arith.constant 8 : i32
            %mul3A_310 = arith.muli %sub3A_308, %mul3A_309 : i32
            %add3A_311 = arith.addi %mul3A_2, %mul3A_310 : i32
            %dma_wait3A_312 = arith.constant 3 : i32
            %dma_wait3A_313 = arith.constant 3 : i32
            %dma_wait3A_314 = arith.constant 0 : i32
            %dma_wait3A_315 = arith.constant 0 : i32
            %dma_wait3A_316 = tpu.memref_slice %arg9[%dma_wait3A_312, %dma_wait3A_314, %dma_wait3A_315] : memref<4x8x1024xf32, #tpu.memory_space<vmem>> -> memref<1x8x1024xf32, #tpu.memory_space<vmem>>
            %dma_wait3A_317 = tpu.memref_squeeze %dma_wait3A_316 : memref<1x8x1024xf32, #tpu.memory_space<vmem>> -> memref<8x1024xf32, #tpu.memory_space<vmem>>
            %dma_wait3A_318 = arith.constant 0 : i32
            %dma_wait3A_319 = tpu.memref_slice %arg6[%add3A_311, %dma_wait3A_318] : memref<32768x1024xf32, #tpu.memory_space<hbm>> -> memref<8x1024xf32, #tpu.memory_space<hbm>>
            %dma_wait3A_320 = tpu.memref_slice %arg12[%dma_wait3A_313] : memref<4x!tpu.dma_semaphore, #tpu.memory_space<semaphore_mem>> -> memref<1x!tpu.dma_semaphore, #tpu.memory_space<semaphore_mem>>
            %dma_wait3A_321 = tpu.memref_squeeze %dma_wait3A_320 : memref<1x!tpu.dma_semaphore, #tpu.memory_space<semaphore_mem>> -> memref<!tpu.dma_semaphore, #tpu.memory_space<semaphore_mem>>
            %dma_wait3A_322 = arith.constant 0 : i32
            %dma_wait3A_323 = tpu.memref_slice %arg6[%add3A_311, %dma_wait3A_322] : memref<32768x1024xf32, #tpu.memory_space<hbm>> -> memref<8x1024xf32, #tpu.memory_space<hbm>>
            %dma_wait3A_324 = arith.constant 0 : i32
            %dma_wait3A_325 = arith.constant 0 : i32
            %dma_wait3A_326 = tpu.memref_slice %arg9[%dma_wait3A_312, %dma_wait3A_324, %dma_wait3A_325] : memref<4x8x1024xf32, #tpu.memory_space<vmem>> -> memref<1x8x1024xf32, #tpu.memory_space<vmem>>
            %dma_wait3A_327 = tpu.memref_squeeze %dma_wait3A_326 : memref<1x8x1024xf32, #tpu.memory_space<vmem>> -> memref<8x1024xf32, #tpu.memory_space<vmem>>
            tpu.wait_dma2 semaphore(%dma_wait3A_321 : memref<!tpu.dma_semaphore, #tpu.memory_space<semaphore_mem>>) src(%dma_wait3A_327 : memref<8x1024xf32, #tpu.memory_space<vmem>>) dst(%dma_wait3A_323 : memref<8x1024xf32, #tpu.memory_space<hbm>>)
          } else {
          }
          %mul3A_273 = arith.constant 8 : i32
          %mul3A_274 = arith.muli %sub3A_264, %mul3A_273 : i32
          %add3A_275 = arith.addi %mul3A_2, %mul3A_274 : i32
          %mul3A_276 = arith.constant 8 : i32
          %mul3A_277 = arith.muli %sub3A_264, %mul3A_276 : i32
          %multiple_of3A_278 = tpu.assume_multiple %mul3A_277, 8 : i32
          %dma_start3A_279 = arith.constant 3 : i32
          %dma_start3A_280 = arith.constant 3 : i32
          %dma_start3A_281 = arith.constant 0 : i32
          %dma_start3A_282 = arith.constant 0 : i32
          %dma_start3A_283 = tpu.memref_slice %arg9[%dma_start3A_279, %dma_start3A_281, %dma_start3A_282] : memref<4x8x1024xf32, #tpu.memory_space<vmem>> -> memref<1x8x1024xf32, #tpu.memory_space<vmem>>
          %dma_start3A_284 = tpu.memref_squeeze %dma_start3A_283 : memref<1x8x1024xf32, #tpu.memory_space<vmem>> -> memref<8x1024xf32, #tpu.memory_space<vmem>>
          %dma_start3A_285 = arith.constant 0 : i32
          %dma_start3A_286 = tpu.memref_slice %arg2[%add3A_275, %dma_start3A_285] : memref<32768x1024xf32, #tpu.memory_space<hbm>> -> memref<8x1024xf32, #tpu.memory_space<hbm>>
          %dma_start3A_287 = tpu.memref_slice %arg11[%dma_start3A_280] : memref<4x!tpu.dma_semaphore, #tpu.memory_space<semaphore_mem>> -> memref<1x!tpu.dma_semaphore, #tpu.memory_space<semaphore_mem>>
          %dma_start3A_288 = tpu.memref_squeeze %dma_start3A_287 : memref<1x!tpu.dma_semaphore, #tpu.memory_space<semaphore_mem>> -> memref<!tpu.dma_semaphore, #tpu.memory_space<semaphore_mem>>
          %dma_start3A_289 = arith.constant 0 : i32
          %dma_start3A_290 = arith.constant 0 : i32
          %dma_start3A_291 = tpu.memref_slice %arg9[%dma_start3A_279, %dma_start3A_289, %dma_start3A_290] : memref<4x8x1024xf32, #tpu.memory_space<vmem>> -> memref<1x8x1024xf32, #tpu.memory_space<vmem>>
          %dma_start3A_292 = tpu.memref_squeeze %dma_start3A_291 : memref<1x8x1024xf32, #tpu.memory_space<vmem>> -> memref<8x1024xf32, #tpu.memory_space<vmem>>
          %dma_start3A_293 = arith.constant 0 : i32
          %dma_start3A_294 = tpu.memref_slice %arg2[%add3A_275, %dma_start3A_293] : memref<32768x1024xf32, #tpu.memory_space<hbm>> -> memref<8x1024xf32, #tpu.memory_space<hbm>>
          tpu.enqueue_dma source(%dma_start3A_294 : memref<8x1024xf32, #tpu.memory_space<hbm>>) target(%dma_start3A_292 : memref<8x1024xf32, #tpu.memory_space<vmem>>) target_semaphore(%dma_start3A_288 : memref<!tpu.dma_semaphore, #tpu.memory_space<semaphore_mem>>)
          %dma_start3A_295 = arith.constant 3 : i32
          %dma_start3A_296 = arith.constant 3 : i32
          %dma_start3A_297 = arith.constant 0 : i32
          %dma_start3A_298 = arith.constant 0 : i32
          %dma_start3A_299 = tpu.memref_slice %arg10[%dma_start3A_295, %dma_start3A_297, %dma_start3A_298] : memref<4x8x1024xf32, #tpu.memory_space<vmem>> -> memref<1x8x1024xf32, #tpu.memory_space<vmem>>
          %dma_start3A_300 = tpu.memref_squeeze %dma_start3A_299 : memref<1x8x1024xf32, #tpu.memory_space<vmem>> -> memref<8x1024xf32, #tpu.memory_space<vmem>>
          %dma_start3A_301 = tpu.memref_slice %arg7[%multiple_of3A_278] : memref<1024xi32, #tpu.memory_space<vmem>> -> memref<8xi32, #tpu.memory_space<vmem>>
          %dma_start3A_302 = arith.constant 0 : i32
          %dma_start3A_303 = arith.constant 0 : i32
          %dma_start3A_304 = tpu.memref_slice %arg5[%dma_start3A_302, %dma_start3A_303] : memref<8192x1024xf32, #tpu.memory_space<hbm>> -> memref<8192x1024xf32, #tpu.memory_space<hbm>>
          %dma_start3A_305 = tpu.memref_slice %arg11[%dma_start3A_296] : memref<4x!tpu.dma_semaphore, #tpu.memory_space<semaphore_mem>> -> memref<1x!tpu.dma_semaphore, #tpu.memory_space<semaphore_mem>>
          %dma_start3A_306 = tpu.memref_squeeze %dma_start3A_305 : memref<1x!tpu.dma_semaphore, #tpu.memory_space<semaphore_mem>> -> memref<!tpu.dma_semaphore, #tpu.memory_space<semaphore_mem>>
          tpu.enqueue_indirect_dma source(%dma_start3A_304 : memref<8192x1024xf32, #tpu.memory_space<hbm>>) target(%dma_start3A_300 : memref<8x1024xf32, #tpu.memory_space<vmem>>) offsets(%dma_start3A_301 : memref<8xi32, #tpu.memory_space<vmem>>) semaphore(%dma_start3A_306 : memref<!tpu.dma_semaphore, #tpu.memory_space<semaphore_mem>>)
        } else {
        }
      } else {
      }
      %eq3A_186 = arith.constant 1 : i32
      %eq3A_187 = arith.cmpi eq, %rem3A_183, %eq3A_186 : i32
      %convert_element_type3A_188 = arith.extui %eq3A_187 : i1 to i32
      %cond3A_189 = arith.constant 0 : i32
      %cond3A_190 = arith.cmpi ne, %convert_element_type3A_188, %cond3A_189 : i32
      scf.if %cond3A_190 {
        %mul3A_202 = arith.constant 8 : i32
        %mul3A_203 = arith.muli %scan3A_181, %mul3A_202 : i32
        %add3A_204 = arith.addi %mul3A_2, %mul3A_203 : i32
        %mul3A_205 = arith.constant 8 : i32
        %mul3A_206 = arith.muli %scan3A_181, %mul3A_205 : i32
        %multiple_of3A_207 = tpu.assume_multiple %mul3A_206, 8 : i32
        %dma_wait3A_208 = arith.constant 1 : i32
        %dma_wait3A_209 = arith.constant 1 : i32
        %dma_wait3A_210 = arith.constant 0 : i32
        %dma_wait3A_211 = arith.constant 0 : i32
        %dma_wait3A_212 = tpu.memref_slice %arg9[%dma_wait3A_208, %dma_wait3A_210, %dma_wait3A_211] : memref<4x8x1024xf32, #tpu.memory_space<vmem>> -> memref<1x8x1024xf32, #tpu.memory_space<vmem>>
        %dma_wait3A_213 = tpu.memref_squeeze %dma_wait3A_212 : memref<1x8x1024xf32, #tpu.memory_space<vmem>> -> memref<8x1024xf32, #tpu.memory_space<vmem>>
        %dma_wait3A_214 = arith.constant 0 : i32
        %dma_wait3A_215 = tpu.memref_slice %arg2[%add3A_204, %dma_wait3A_214] : memref<32768x1024xf32, #tpu.memory_space<hbm>> -> memref<8x1024xf32, #tpu.memory_space<hbm>>
        %dma_wait3A_216 = tpu.memref_slice %arg11[%dma_wait3A_209] : memref<4x!tpu.dma_semaphore, #tpu.memory_space<semaphore_mem>> -> memref<1x!tpu.dma_semaphore, #tpu.memory_space<semaphore_mem>>
        %dma_wait3A_217 = tpu.memref_squeeze %dma_wait3A_216 : memref<1x!tpu.dma_semaphore, #tpu.memory_space<semaphore_mem>> -> memref<!tpu.dma_semaphore, #tpu.memory_space<semaphore_mem>>
        %dma_wait3A_218 = arith.constant 0 : i32
        %dma_wait3A_219 = arith.constant 0 : i32
        %dma_wait3A_220 = tpu.memref_slice %arg9[%dma_wait3A_208, %dma_wait3A_218, %dma_wait3A_219] : memref<4x8x1024xf32, #tpu.memory_space<vmem>> -> memref<1x8x1024xf32, #tpu.memory_space<vmem>>
        %dma_wait3A_221 = tpu.memref_squeeze %dma_wait3A_220 : memref<1x8x1024xf32, #tpu.memory_space<vmem>> -> memref<8x1024xf32, #tpu.memory_space<vmem>>
        %dma_wait3A_222 = arith.constant 0 : i32
        %dma_wait3A_223 = tpu.memref_slice %arg2[%add3A_204, %dma_wait3A_222] : memref<32768x1024xf32, #tpu.memory_space<hbm>> -> memref<8x1024xf32, #tpu.memory_space<hbm>>
        tpu.wait_dma2 semaphore(%dma_wait3A_217 : memref<!tpu.dma_semaphore, #tpu.memory_space<semaphore_mem>>) src(%dma_wait3A_223 : memref<8x1024xf32, #tpu.memory_space<hbm>>) dst(%dma_wait3A_221 : memref<8x1024xf32, #tpu.memory_space<vmem>>)
        %dma_wait3A_224 = arith.constant 1 : i32
        %dma_wait3A_225 = arith.constant 1 : i32
        %dma_wait3A_226 = arith.constant 0 : i32
        %dma_wait3A_227 = arith.constant 0 : i32
        %dma_wait3A_228 = tpu.memref_slice %arg10[%dma_wait3A_224, %dma_wait3A_226, %dma_wait3A_227] : memref<4x8x1024xf32, #tpu.memory_space<vmem>> -> memref<1x8x1024xf32, #tpu.memory_space<vmem>>
        %dma_wait3A_229 = tpu.memref_squeeze %dma_wait3A_228 : memref<1x8x1024xf32, #tpu.memory_space<vmem>> -> memref<8x1024xf32, #tpu.memory_space<vmem>>
        %dma_wait3A_230 = tpu.memref_slice %arg7[%multiple_of3A_207] : memref<1024xi32, #tpu.memory_space<vmem>> -> memref<8xi32, #tpu.memory_space<vmem>>
        %dma_wait3A_231 = arith.constant 0 : i32
        %dma_wait3A_232 = arith.constant 0 : i32
        %dma_wait3A_233 = tpu.memref_slice %arg5[%dma_wait3A_231, %dma_wait3A_232] : memref<8192x1024xf32, #tpu.memory_space<hbm>> -> memref<8192x1024xf32, #tpu.memory_space<hbm>>
        %dma_wait3A_234 = tpu.memref_slice %arg11[%dma_wait3A_225] : memref<4x!tpu.dma_semaphore, #tpu.memory_space<semaphore_mem>> -> memref<1x!tpu.dma_semaphore, #tpu.memory_space<semaphore_mem>>
        %dma_wait3A_235 = tpu.memref_squeeze %dma_wait3A_234 : memref<1x!tpu.dma_semaphore, #tpu.memory_space<semaphore_mem>> -> memref<!tpu.dma_semaphore, #tpu.memory_space<semaphore_mem>>
        tpu.wait_indirect_dma semaphore(%dma_wait3A_235 : memref<!tpu.dma_semaphore, #tpu.memory_space<semaphore_mem>>) src(%dma_wait3A_233 : memref<8192x1024xf32, #tpu.memory_space<hbm>>) dst(%dma_wait3A_229 : memref<8x1024xf32, #tpu.memory_space<vmem>>)
        %scan3A_236 = arith.constant 0 : i32
        %scan3A_237 = arith.constant 0 : i32
        %scan3A_238 = arith.constant 8 : i32
        %scan3A_239 = arith.addi %scan3A_237, %scan3A_238 : i32
        %scan3A_240 = arith.constant 1 : i32
        %scan3A_241 = scf.for %scan3A_269 = %scan3A_237 to %scan3A_239 step %scan3A_240 iter_args(%scan3A_270 = %scan3A_236) -> (i32)  : i32 {
          %mul3A_271 = arith.constant 8 : i32
          %mul3A_272 = arith.muli %scan3A_181, %mul3A_271 : i32
          %add3A_273 = arith.addi %mul3A_272, %scan3A_269 : i32
          %get3A = arith.index_cast %add3A_273 : i32 to index
          %get3A_274 = tpu.vector_load %arg8[%get3A] {strides = array<i32>} : memref<1040xf32, #tpu.memory_space<vmem>>, vector<16xf32>,
          %slice3A = vector.extract_strided_slice %get3A_274 {offsets = [0], sizes = [1], strides = [1]} : vector<16xf32> to vector<1xf32>
          %squeeze3A = vector.extract %slice3A[0] : f32 from vector<1xf32>
          %get3A_275 = arith.constant 1 : i32
          %get3A_276 = arith.index_cast %get3A_275 : i32 to index
          %get3A_277 = arith.index_cast %scan3A_269 : i32 to index
          %get3A_278 = arith.constant 0 : index
          %get3A_279 = tpu.vector_load %arg10[%get3A_276, %get3A_277, %get3A_278] {strides = array<i32>} : memref<4x8x1024xf32, #tpu.memory_space<vmem>>, vector<16xf32>,
          %mul3A_280 = vector.broadcast %squeeze3A : f32 to vector<16xf32>
          %mul3A_281 = arith.mulf %get3A_279, %mul3A_280 : vector<16xf32>
          %swap3A = arith.constant 1 : i32
          %swap3A_282 = arith.index_cast %swap3A : i32 to index
          %swap3A_283 = arith.index_cast %scan3A_269 : i32 to index
          %swap3A_284 = arith.constant 0 : index
          %swap3A_285 = tpu.vector_load %arg9[%swap3A_282, %swap3A_283, %swap3A_284] {strides = array<i32>} : memref<4x8x1024xf32, #tpu.memory_space<vmem>>, vector<16xf32>,
          tpu.vector_store %arg9[%swap3A_282, %swap3A_283, %swap3A_284], %mul3A_281 {add = true, strides = array<i32>} : memref<4x8x1024xf32, #tpu.memory_space<vmem>>, vector<16xf32>,
          %get3A_286 = arith.constant 1 : i32
          %get3A_287 = arith.index_cast %get3A_286 : i32 to index
          %get3A_288 = arith.index_cast %scan3A_269 : i32 to index
          %get3A_289 = arith.constant 16 : index
          %get3A_290 = tpu.vector_load %arg10[%get3A_287, %get3A_288, %get3A_289] {strides = array<i32>} : memref<4x8x1024xf32, #tpu.memory_space<vmem>>, vector<16xf32>,
          %mul3A_291 = vector.broadcast %squeeze3A : f32 to vector<16xf32>
          %mul3A_292 = arith.mulf %get3A_290, %mul3A_291 : vector<16xf32>
          %swap3A_293 = arith.constant 1 : i32
          %swap3A_294 = arith.index_cast %swap3A_293 : i32 to index
          %swap3A_295 = arith.index_cast %scan3A_269 : i32 to index
          %swap3A_296 = arith.constant 16 : index
          %swap3A_297 = tpu.vector_load %arg9[%swap3A_294, %swap3A_295, %swap3A_296] {strides = array<i32>} : memref<4x8x1024xf32, #tpu.memory_space<vmem>>, vector<16xf32>,
          tpu.vector_store %arg9[%swap3A_294, %swap3A_295, %swap3A_296], %mul3A_292 {add = true, strides = array<i32>} : memref<4x8x1024xf32, #tpu.memory_space<vmem>>, vector<16xf32>,
          %get3A_298 = arith.constant 1 : i32
          %get3A_299 = arith.index_cast %get3A_298 : i32 to index
          %get3A_300 = arith.index_cast %scan3A_269 : i32 to index
          %get3A_301 = arith.constant 32 : index
          %get3A_302 = tpu.vector_load %arg10[%get3A_299, %get3A_300, %get3A_301] {strides = array<i32>} : memref<4x8x1024xf32, #tpu.memory_space<vmem>>, vector<16xf32>,
          %mul3A_303 = vector.broadcast %squeeze3A : f32 to vector<16xf32>
          %mul3A_304 = arith.mulf %get3A_302, %mul3A_303 : vector<16xf32>
          %swap3A_305 = arith.constant 1 : i32
          %swap3A_306 = arith.index_cast %swap3A_305 : i32 to index
          %swap3A_307 = arith.index_cast %scan3A_269 : i32 to index
          %swap3A_308 = arith.constant 32 : index
          %swap3A_309 = tpu.vector_load %arg9[%swap3A_306, %swap3A_307, %swap3A_308] {strides = array<i32>} : memref<4x8x1024xf32, #tpu.memory_space<vmem>>, vector<16xf32>,
          tpu.vector_store %arg9[%swap3A_306, %swap3A_307, %swap3A_308], %mul3A_304 {add = true, strides = array<i32>} : memref<4x8x1024xf32, #tpu.memory_space<vmem>>, vector<16xf32>,
          %get3A_310 = arith.constant 1 : i32
          %get3A_311 = arith.index_cast %get3A_310 : i32 to index
          %get3A_312 = arith.index_cast %scan3A_269 : i32 to index
          %get3A_313 = arith.constant 48 : index
          %get3A_314 = tpu.vector_load %arg10[%get3A_311, %get3A_312, %get3A_313] {strides = array<i32>} : memref<4x8x1024xf32, #tpu.memory_space<vmem>>, vector<16xf32>,
          %mul3A_315 = vector.broadcast %squeeze3A : f32 to vector<16xf32>
          %mul3A_316 = arith.mulf %get3A_314, %mul3A_315 : vector<16xf32>
          %swap3A_317 = arith.constant 1 : i32
          %swap3A_318 = arith.index_cast %swap3A_317 : i32 to index
          %swap3A_319 = arith.index_cast %scan3A_269 : i32 to index
          %swap3A_320 = arith.constant 48 : index
          %swap3A_321 = tpu.vector_load %arg9[%swap3A_318, %swap3A_319, %swap3A_320] {strides = array<i32>} : memref<4x8x1024xf32, #tpu.memory_space<vmem>>, vector<16xf32>,
          tpu.vector_store %arg9[%swap3A_318, %swap3A_319, %swap3A_320], %mul3A_316 {add = true, strides = array<i32>} : memref<4x8x1024xf32, #tpu.memory_space<vmem>>, vector<16xf32>,
          %get3A_322 = arith.constant 1 : i32
          %get3A_323 = arith.index_cast %get3A_322 : i32 to index
          %get3A_324 = arith.index_cast %scan3A_269 : i32 to index
          %get3A_325 = arith.constant 64 : index
          %get3A_326 = tpu.vector_load %arg10[%get3A_323, %get3A_324, %get3A_325] {strides = array<i32>} : memref<4x8x1024xf32, #tpu.memory_space<vmem>>, vector<16xf32>,
          %mul3A_327 = vector.broadcast %squeeze3A : f32 to vector<16xf32>
          %mul3A_328 = arith.mulf %get3A_326, %mul3A_327 : vector<16xf32>
          %swap3A_329 = arith.constant 1 : i32
          %swap3A_330 = arith.index_cast %swap3A_329 : i32 to index
          %swap3A_331 = arith.index_cast %scan3A_269 : i32 to index
          %swap3A_332 = arith.constant 64 : index
          %swap3A_333 = tpu.vector_load %arg9[%swap3A_330, %swap3A_331, %swap3A_332] {strides = array<i32>} : memref<4x8x1024xf32, #tpu.memory_space<vmem>>, vector<16xf32>,
          tpu.vector_store %arg9[%swap3A_330, %swap3A_331, %swap3A_332], %mul3A_328 {add = true, strides = array<i32>} : memref<4x8x1024xf32, #tpu.memory_space<vmem>>, vector<16xf32>,
          %get3A_334 = arith.constant 1 : i32
          %get3A_335 = arith.index_cast %get3A_334 : i32 to index
          %get3A_336 = arith.index_cast %scan3A_269 : i32 to index
          %get3A_337 = arith.constant 80 : index
          %get3A_338 = tpu.vector_load %arg10[%get3A_335, %get3A_336, %get3A_337] {strides = array<i32>} : memref<4x8x1024xf32, #tpu.memory_space<vmem>>, vector<16xf32>,
          %mul3A_339 = vector.broadcast %squeeze3A : f32 to vector<16xf32>
          %mul3A_340 = arith.mulf %get3A_338, %mul3A_339 : vector<16xf32>
          %swap3A_341 = arith.constant 1 : i32
          %swap3A_342 = arith.index_cast %swap3A_341 : i32 to index
          %swap3A_343 = arith.index_cast %scan3A_269 : i32 to index
          %swap3A_344 = arith.constant 80 : index
          %swap3A_345 = tpu.vector_load %arg9[%swap3A_342, %swap3A_343, %swap3A_344] {strides = array<i32>} : memref<4x8x1024xf32, #tpu.memory_space<vmem>>, vector<16xf32>,
          tpu.vector_store %arg9[%swap3A_342, %swap3A_343, %swap3A_344], %mul3A_340 {add = true, strides = array<i32>} : memref<4x8x1024xf32, #tpu.memory_space<vmem>>, vector<16xf32>,
          %get3A_346 = arith.constant 1 : i32
          %get3A_347 = arith.index_cast %get3A_346 : i32 to index
          %get3A_348 = arith.index_cast %scan3A_269 : i32 to index
          %get3A_349 = arith.constant 96 : index
          %get3A_350 = tpu.vector_load %arg10[%get3A_347, %get3A_348, %get3A_349] {strides = array<i32>} : memref<4x8x1024xf32, #tpu.memory_space<vmem>>, vector<16xf32>,
          %mul3A_351 = vector.broadcast %squeeze3A : f32 to vector<16xf32>
          %mul3A_352 = arith.mulf %get3A_350, %mul3A_351 : vector<16xf32>
          %swap3A_353 = arith.constant 1 : i32
          %swap3A_354 = arith.index_cast %swap3A_353 : i32 to index
          %swap3A_355 = arith.index_cast %scan3A_269 : i32 to index
          %swap3A_356 = arith.constant 96 : index
          %swap3A_357 = tpu.vector_load %arg9[%swap3A_354, %swap3A_355, %swap3A_356] {strides = array<i32>} : memref<4x8x1024xf32, #tpu.memory_space<vmem>>, vector<16xf32>,
          tpu.vector_store %arg9[%swap3A_354, %swap3A_355, %swap3A_356], %mul3A_352 {add = true, strides = array<i32>} : memref<4x8x1024xf32, #tpu.memory_space<vmem>>, vector<16xf32>,
          %get3A_358 = arith.constant 1 : i32
          %get3A_359 = arith.index_cast %get3A_358 : i32 to index
          %get3A_360 = arith.index_cast %scan3A_269 : i32 to index
          %get3A_361 = arith.constant 112 : index
          %get3A_362 = tpu.vector_load %arg10[%get3A_359, %get3A_360, %get3A_361] {strides = array<i32>} : memref<4x8x1024xf32, #tpu.memory_space<vmem>>, vector<16xf32>,
          %mul3A_363 = vector.broadcast %squeeze3A : f32 to vector<16xf32>
          %mul3A_364 = arith.mulf %get3A_362, %mul3A_363 : vector<16xf32>
          %swap3A_365 = arith.constant 1 : i32
          %swap3A_366 = arith.index_cast %swap3A_365 : i32 to index
          %swap3A_367 = arith.index_cast %scan3A_269 : i32 to index
          %swap3A_368 = arith.constant 112 : index
          %swap3A_369 = tpu.vector_load %arg9[%swap3A_366, %swap3A_367, %swap3A_368] {strides = array<i32>} : memref<4x8x1024xf32, #tpu.memory_space<vmem>>, vector<16xf32>,
          tpu.vector_store %arg9[%swap3A_366, %swap3A_367, %swap3A_368], %mul3A_364 {add = true, strides = array<i32>} : memref<4x8x1024xf32, #tpu.memory_space<vmem>>, vector<16xf32>,
          %get3A_370 = arith.constant 1 : i32
          %get3A_371 = arith.index_cast %get3A_370 : i32 to index
          %get3A_372 = arith.index_cast %scan3A_269 : i32 to index
          %get3A_373 = arith.constant 128 : index
          %get3A_374 = tpu.vector_load %arg10[%get3A_371, %get3A_372, %get3A_373] {strides = array<i32>} : memref<4x8x1024xf32, #tpu.memory_space<vmem>>, vector<16xf32>,
          %mul3A_375 = vector.broadcast %squeeze3A : f32 to vector<16xf32>
          %mul3A_376 = arith.mulf %get3A_374, %mul3A_375 : vector<16xf32>
          %swap3A_377 = arith.constant 1 : i32
          %swap3A_378 = arith.index_cast %swap3A_377 : i32 to index
          %swap3A_379 = arith.index_cast %scan3A_269 : i32 to index
          %swap3A_380 = arith.constant 128 : index
          %swap3A_381 = tpu.vector_load %arg9[%swap3A_378, %swap3A_379, %swap3A_380] {strides = array<i32>} : memref<4x8x1024xf32, #tpu.memory_space<vmem>>, vector<16xf32>,
          tpu.vector_store %arg9[%swap3A_378, %swap3A_379, %swap3A_380], %mul3A_376 {add = true, strides = array<i32>} : memref<4x8x1024xf32, #tpu.memory_space<vmem>>, vector<16xf32>,
          %get3A_382 = arith.constant 1 : i32
          %get3A_383 = arith.index_cast %get3A_382 : i32 to index
          %get3A_384 = arith.index_cast %scan3A_269 : i32 to index
          %get3A_385 = arith.constant 144 : index
          %get3A_386 = tpu.vector_load %arg10[%get3A_383, %get3A_384, %get3A_385] {strides = array<i32>} : memref<4x8x1024xf32, #tpu.memory_space<vmem>>, vector<16xf32>,
          %mul3A_387 = vector.broadcast %squeeze3A : f32 to vector<16xf32>
          %mul3A_388 = arith.mulf %get3A_386, %mul3A_387 : vector<16xf32>
          %swap3A_389 = arith.constant 1 : i32
          %swap3A_390 = arith.index_cast %swap3A_389 : i32 to index
          %swap3A_391 = arith.index_cast %scan3A_269 : i32 to index
          %swap3A_392 = arith.constant 144 : index
          %swap3A_393 = tpu.vector_load %arg9[%swap3A_390, %swap3A_391, %swap3A_392] {strides = array<i32>} : memref<4x8x1024xf32, #tpu.memory_space<vmem>>, vector<16xf32>,
          tpu.vector_store %arg9[%swap3A_390, %swap3A_391, %swap3A_392], %mul3A_388 {add = true, strides = array<i32>} : memref<4x8x1024xf32, #tpu.memory_space<vmem>>, vector<16xf32>,
          %get3A_394 = arith.constant 1 : i32
          %get3A_395 = arith.index_cast %get3A_394 : i32 to index
          %get3A_396 = arith.index_cast %scan3A_269 : i32 to index
          %get3A_397 = arith.constant 160 : index
          %get3A_398 = tpu.vector_load %arg10[%get3A_395, %get3A_396, %get3A_397] {strides = array<i32>} : memref<4x8x1024xf32, #tpu.memory_space<vmem>>, vector<16xf32>,
          %mul3A_399 = vector.broadcast %squeeze3A : f32 to vector<16xf32>
          %mul3A_400 = arith.mulf %get3A_398, %mul3A_399 : vector<16xf32>
          %swap3A_401 = arith.constant 1 : i32
          %swap3A_402 = arith.index_cast %swap3A_401 : i32 to index
          %swap3A_403 = arith.index_cast %scan3A_269 : i32 to index
          %swap3A_404 = arith.constant 160 : index
          %swap3A_405 = tpu.vector_load %arg9[%swap3A_402, %swap3A_403, %swap3A_404] {strides = array<i32>} : memref<4x8x1024xf32, #tpu.memory_space<vmem>>, vector<16xf32>,
          tpu.vector_store %arg9[%swap3A_402, %swap3A_403, %swap3A_404], %mul3A_400 {add = true, strides = array<i32>} : memref<4x8x1024xf32, #tpu.memory_space<vmem>>, vector<16xf32>,
          %get3A_406 = arith.constant 1 : i32
          %get3A_407 = arith.index_cast %get3A_406 : i32 to index
          %get3A_408 = arith.index_cast %scan3A_269 : i32 to index
          %get3A_409 = arith.constant 176 : index
          %get3A_410 = tpu.vector_load %arg10[%get3A_407, %get3A_408, %get3A_409] {strides = array<i32>} : memref<4x8x1024xf32, #tpu.memory_space<vmem>>, vector<16xf32>,
          %mul3A_411 = vector.broadcast %squeeze3A : f32 to vector<16xf32>
          %mul3A_412 = arith.mulf %get3A_410, %mul3A_411 : vector<16xf32>
          %swap3A_413 = arith.constant 1 : i32
          %swap3A_414 = arith.index_cast %swap3A_413 : i32 to index
          %swap3A_415 = arith.index_cast %scan3A_269 : i32 to index
          %swap3A_416 = arith.constant 176 : index
          %swap3A_417 = tpu.vector_load %arg9[%swap3A_414, %swap3A_415, %swap3A_416] {strides = array<i32>} : memref<4x8x1024xf32, #tpu.memory_space<vmem>>, vector<16xf32>,
          tpu.vector_store %arg9[%swap3A_414, %swap3A_415, %swap3A_416], %mul3A_412 {add = true, strides = array<i32>} : memref<4x8x1024xf32, #tpu.memory_space<vmem>>, vector<16xf32>,
          %get3A_418 = arith.constant 1 : i32
          %get3A_419 = arith.index_cast %get3A_418 : i32 to index
          %get3A_420 = arith.index_cast %scan3A_269 : i32 to index
          %get3A_421 = arith.constant 192 : index
          %get3A_422 = tpu.vector_load %arg10[%get3A_419, %get3A_420, %get3A_421] {strides = array<i32>} : memref<4x8x1024xf32, #tpu.memory_space<vmem>>, vector<16xf32>,
          %mul3A_423 = vector.broadcast %squeeze3A : f32 to vector<16xf32>
          %mul3A_424 = arith.mulf %get3A_422, %mul3A_423 : vector<16xf32>
          %swap3A_425 = arith.constant 1 : i32
          %swap3A_426 = arith.index_cast %swap3A_425 : i32 to index
          %swap3A_427 = arith.index_cast %scan3A_269 : i32 to index
          %swap3A_428 = arith.constant 192 : index
          %swap3A_429 = tpu.vector_load %arg9[%swap3A_426, %swap3A_427, %swap3A_428] {strides = array<i32>} : memref<4x8x1024xf32, #tpu.memory_space<vmem>>, vector<16xf32>,
          tpu.vector_store %arg9[%swap3A_426, %swap3A_427, %swap3A_428], %mul3A_424 {add = true, strides = array<i32>} : memref<4x8x1024xf32, #tpu.memory_space<vmem>>, vector<16xf32>,
          %get3A_430 = arith.constant 1 : i32
          %get3A_431 = arith.index_cast %get3A_430 : i32 to index
          %get3A_432 = arith.index_cast %scan3A_269 : i32 to index
          %get3A_433 = arith.constant 208 : index
          %get3A_434 = tpu.vector_load %arg10[%get3A_431, %get3A_432, %get3A_433] {strides = array<i32>} : memref<4x8x1024xf32, #tpu.memory_space<vmem>>, vector<16xf32>,
          %mul3A_435 = vector.broadcast %squeeze3A : f32 to vector<16xf32>
          %mul3A_436 = arith.mulf %get3A_434, %mul3A_435 : vector<16xf32>
          %swap3A_437 = arith.constant 1 : i32
          %swap3A_438 = arith.index_cast %swap3A_437 : i32 to index
          %swap3A_439 = arith.index_cast %scan3A_269 : i32 to index
          %swap3A_440 = arith.constant 208 : index
          %swap3A_441 = tpu.vector_load %arg9[%swap3A_438, %swap3A_439, %swap3A_440] {strides = array<i32>} : memref<4x8x1024xf32, #tpu.memory_space<vmem>>, vector<16xf32>,
          tpu.vector_store %arg9[%swap3A_438, %swap3A_439, %swap3A_440], %mul3A_436 {add = true, strides = array<i32>} : memref<4x8x1024xf32, #tpu.memory_space<vmem>>, vector<16xf32>,
          %get3A_442 = arith.constant 1 : i32
          %get3A_443 = arith.index_cast %get3A_442 : i32 to index
          %get3A_444 = arith.index_cast %scan3A_269 : i32 to index
          %get3A_445 = arith.constant 224 : index
          %get3A_446 = tpu.vector_load %arg10[%get3A_443, %get3A_444, %get3A_445] {strides = array<i32>} : memref<4x8x1024xf32, #tpu.memory_space<vmem>>, vector<16xf32>,
          %mul3A_447 = vector.broadcast %squeeze3A : f32 to vector<16xf32>
          %mul3A_448 = arith.mulf %get3A_446, %mul3A_447 : vector<16xf32>
          %swap3A_449 = arith.constant 1 : i32
          %swap3A_450 = arith.index_cast %swap3A_449 : i32 to index
          %swap3A_451 = arith.index_cast %scan3A_269 : i32 to index
          %swap3A_452 = arith.constant 224 : index
          %swap3A_453 = tpu.vector_load %arg9[%swap3A_450, %swap3A_451, %swap3A_452] {strides = array<i32>} : memref<4x8x1024xf32, #tpu.memory_space<vmem>>, vector<16xf32>,
          tpu.vector_store %arg9[%swap3A_450, %swap3A_451, %swap3A_452], %mul3A_448 {add = true, strides = array<i32>} : memref<4x8x1024xf32, #tpu.memory_space<vmem>>, vector<16xf32>,
          %get3A_454 = arith.constant 1 : i32
          %get3A_455 = arith.index_cast %get3A_454 : i32 to index
          %get3A_456 = arith.index_cast %scan3A_269 : i32 to index
          %get3A_457 = arith.constant 240 : index
          %get3A_458 = tpu.vector_load %arg10[%get3A_455, %get3A_456, %get3A_457] {strides = array<i32>} : memref<4x8x1024xf32, #tpu.memory_space<vmem>>, vector<16xf32>,
          %mul3A_459 = vector.broadcast %squeeze3A : f32 to vector<16xf32>
          %mul3A_460 = arith.mulf %get3A_458, %mul3A_459 : vector<16xf32>
          %swap3A_461 = arith.constant 1 : i32
          %swap3A_462 = arith.index_cast %swap3A_461 : i32 to index
          %swap3A_463 = arith.index_cast %scan3A_269 : i32 to index
          %swap3A_464 = arith.constant 240 : index
          %swap3A_465 = tpu.vector_load %arg9[%swap3A_462, %swap3A_463, %swap3A_464] {strides = array<i32>} : memref<4x8x1024xf32, #tpu.memory_space<vmem>>, vector<16xf32>,
          tpu.vector_store %arg9[%swap3A_462, %swap3A_463, %swap3A_464], %mul3A_460 {add = true, strides = array<i32>} : memref<4x8x1024xf32, #tpu.memory_space<vmem>>, vector<16xf32>,
          %get3A_466 = arith.constant 1 : i32
          %get3A_467 = arith.index_cast %get3A_466 : i32 to index
          %get3A_468 = arith.index_cast %scan3A_269 : i32 to index
          %get3A_469 = arith.constant 256 : index
          %get3A_470 = tpu.vector_load %arg10[%get3A_467, %get3A_468, %get3A_469] {strides = array<i32>} : memref<4x8x1024xf32, #tpu.memory_space<vmem>>, vector<16xf32>,
          %mul3A_471 = vector.broadcast %squeeze3A : f32 to vector<16xf32>
          %mul3A_472 = arith.mulf %get3A_470, %mul3A_471 : vector<16xf32>
          %swap3A_473 = arith.constant 1 : i32
          %swap3A_474 = arith.index_cast %swap3A_473 : i32 to index
          %swap3A_475 = arith.index_cast %scan3A_269 : i32 to index
          %swap3A_476 = arith.constant 256 : index
          %swap3A_477 = tpu.vector_load %arg9[%swap3A_474, %swap3A_475, %swap3A_476] {strides = array<i32>} : memref<4x8x1024xf32, #tpu.memory_space<vmem>>, vector<16xf32>,
          tpu.vector_store %arg9[%swap3A_474, %swap3A_475, %swap3A_476], %mul3A_472 {add = true, strides = array<i32>} : memref<4x8x1024xf32, #tpu.memory_space<vmem>>, vector<16xf32>,
          %get3A_478 = arith.constant 1 : i32
          %get3A_479 = arith.index_cast %get3A_478 : i32 to index
          %get3A_480 = arith.index_cast %scan3A_269 : i32 to index
          %get3A_481 = arith.constant 272 : index
          %get3A_482 = tpu.vector_load %arg10[%get3A_479, %get3A_480, %get3A_481] {strides = array<i32>} : memref<4x8x1024xf32, #tpu.memory_space<vmem>>, vector<16xf32>,
          %mul3A_483 = vector.broadcast %squeeze3A : f32 to vector<16xf32>
          %mul3A_484 = arith.mulf %get3A_482, %mul3A_483 : vector<16xf32>
          %swap3A_485 = arith.constant 1 : i32
          %swap3A_486 = arith.index_cast %swap3A_485 : i32 to index
          %swap3A_487 = arith.index_cast %scan3A_269 : i32 to index
          %swap3A_488 = arith.constant 272 : index
          %swap3A_489 = tpu.vector_load %arg9[%swap3A_486, %swap3A_487, %swap3A_488] {strides = array<i32>} : memref<4x8x1024xf32, #tpu.memory_space<vmem>>, vector<16xf32>,
          tpu.vector_store %arg9[%swap3A_486, %swap3A_487, %swap3A_488], %mul3A_484 {add = true, strides = array<i32>} : memref<4x8x1024xf32, #tpu.memory_space<vmem>>, vector<16xf32>,
          %get3A_490 = arith.constant 1 : i32
          %get3A_491 = arith.index_cast %get3A_490 : i32 to index
          %get3A_492 = arith.index_cast %scan3A_269 : i32 to index
          %get3A_493 = arith.constant 288 : index
          %get3A_494 = tpu.vector_load %arg10[%get3A_491, %get3A_492, %get3A_493] {strides = array<i32>} : memref<4x8x1024xf32, #tpu.memory_space<vmem>>, vector<16xf32>,
          %mul3A_495 = vector.broadcast %squeeze3A : f32 to vector<16xf32>
          %mul3A_496 = arith.mulf %get3A_494, %mul3A_495 : vector<16xf32>
          %swap3A_497 = arith.constant 1 : i32
          %swap3A_498 = arith.index_cast %swap3A_497 : i32 to index
          %swap3A_499 = arith.index_cast %scan3A_269 : i32 to index
          %swap3A_500 = arith.constant 288 : index
          %swap3A_501 = tpu.vector_load %arg9[%swap3A_498, %swap3A_499, %swap3A_500] {strides = array<i32>} : memref<4x8x1024xf32, #tpu.memory_space<vmem>>, vector<16xf32>,
          tpu.vector_store %arg9[%swap3A_498, %swap3A_499, %swap3A_500], %mul3A_496 {add = true, strides = array<i32>} : memref<4x8x1024xf32, #tpu.memory_space<vmem>>, vector<16xf32>,
          %get3A_502 = arith.constant 1 : i32
          %get3A_503 = arith.index_cast %get3A_502 : i32 to index
          %get3A_504 = arith.index_cast %scan3A_269 : i32 to index
          %get3A_505 = arith.constant 304 : index
          %get3A_506 = tpu.vector_load %arg10[%get3A_503, %get3A_504, %get3A_505] {strides = array<i32>} : memref<4x8x1024xf32, #tpu.memory_space<vmem>>, vector<16xf32>,
          %mul3A_507 = vector.broadcast %squeeze3A : f32 to vector<16xf32>
          %mul3A_508 = arith.mulf %get3A_506, %mul3A_507 : vector<16xf32>
          %swap3A_509 = arith.constant 1 : i32
          %swap3A_510 = arith.index_cast %swap3A_509 : i32 to index
          %swap3A_511 = arith.index_cast %scan3A_269 : i32 to index
          %swap3A_512 = arith.constant 304 : index
          %swap3A_513 = tpu.vector_load %arg9[%swap3A_510, %swap3A_511, %swap3A_512] {strides = array<i32>} : memref<4x8x1024xf32, #tpu.memory_space<vmem>>, vector<16xf32>,
          tpu.vector_store %arg9[%swap3A_510, %swap3A_511, %swap3A_512], %mul3A_508 {add = true, strides = array<i32>} : memref<4x8x1024xf32, #tpu.memory_space<vmem>>, vector<16xf32>,
          %get3A_514 = arith.constant 1 : i32
          %get3A_515 = arith.index_cast %get3A_514 : i32 to index
          %get3A_516 = arith.index_cast %scan3A_269 : i32 to index
          %get3A_517 = arith.constant 320 : index
          %get3A_518 = tpu.vector_load %arg10[%get3A_515, %get3A_516, %get3A_517] {strides = array<i32>} : memref<4x8x1024xf32, #tpu.memory_space<vmem>>, vector<16xf32>,
          %mul3A_519 = vector.broadcast %squeeze3A : f32 to vector<16xf32>
          %mul3A_520 = arith.mulf %get3A_518, %mul3A_519 : vector<16xf32>
          %swap3A_521 = arith.constant 1 : i32
          %swap3A_522 = arith.index_cast %swap3A_521 : i32 to index
          %swap3A_523 = arith.index_cast %scan3A_269 : i32 to index
          %swap3A_524 = arith.constant 320 : index
          %swap3A_525 = tpu.vector_load %arg9[%swap3A_522, %swap3A_523, %swap3A_524] {strides = array<i32>} : memref<4x8x1024xf32, #tpu.memory_space<vmem>>, vector<16xf32>,
          tpu.vector_store %arg9[%swap3A_522, %swap3A_523, %swap3A_524], %mul3A_520 {add = true, strides = array<i32>} : memref<4x8x1024xf32, #tpu.memory_space<vmem>>, vector<16xf32>,
          %get3A_526 = arith.constant 1 : i32
          %get3A_527 = arith.index_cast %get3A_526 : i32 to index
          %get3A_528 = arith.index_cast %scan3A_269 : i32 to index
          %get3A_529 = arith.constant 336 : index
          %get3A_530 = tpu.vector_load %arg10[%get3A_527, %get3A_528, %get3A_529] {strides = array<i32>} : memref<4x8x1024xf32, #tpu.memory_space<vmem>>, vector<16xf32>,
          %mul3A_531 = vector.broadcast %squeeze3A : f32 to vector<16xf32>
          %mul3A_532 = arith.mulf %get3A_530, %mul3A_531 : vector<16xf32>
          %swap3A_533 = arith.constant 1 : i32
          %swap3A_534 = arith.index_cast %swap3A_533 : i32 to index
          %swap3A_535 = arith.index_cast %scan3A_269 : i32 to index
          %swap3A_536 = arith.constant 336 : index
          %swap3A_537 = tpu.vector_load %arg9[%swap3A_534, %swap3A_535, %swap3A_536] {strides = array<i32>} : memref<4x8x1024xf32, #tpu.memory_space<vmem>>, vector<16xf32>,
          tpu.vector_store %arg9[%swap3A_534, %swap3A_535, %swap3A_536], %mul3A_532 {add = true, strides = array<i32>} : memref<4x8x1024xf32, #tpu.memory_space<vmem>>, vector<16xf32>,
          %get3A_538 = arith.constant 1 : i32
          %get3A_539 = arith.index_cast %get3A_538 : i32 to index
          %get3A_540 = arith.index_cast %scan3A_269 : i32 to index
          %get3A_541 = arith.constant 352 : index
          %get3A_542 = tpu.vector_load %arg10[%get3A_539, %get3A_540, %get3A_541] {strides = array<i32>} : memref<4x8x1024xf32, #tpu.memory_space<vmem>>, vector<16xf32>,
          %mul3A_543 = vector.broadcast %squeeze3A : f32 to vector<16xf32>
          %mul3A_544 = arith.mulf %get3A_542, %mul3A_543 : vector<16xf32>
          %swap3A_545 = arith.constant 1 : i32
          %swap3A_546 = arith.index_cast %swap3A_545 : i32 to index
          %swap3A_547 = arith.index_cast %scan3A_269 : i32 to index
          %swap3A_548 = arith.constant 352 : index
          %swap3A_549 = tpu.vector_load %arg9[%swap3A_546, %swap3A_547, %swap3A_548] {strides = array<i32>} : memref<4x8x1024xf32, #tpu.memory_space<vmem>>, vector<16xf32>,
          tpu.vector_store %arg9[%swap3A_546, %swap3A_547, %swap3A_548], %mul3A_544 {add = true, strides = array<i32>} : memref<4x8x1024xf32, #tpu.memory_space<vmem>>, vector<16xf32>,
          %get3A_550 = arith.constant 1 : i32
          %get3A_551 = arith.index_cast %get3A_550 : i32 to index
          %get3A_552 = arith.index_cast %scan3A_269 : i32 to index
          %get3A_553 = arith.constant 368 : index
          %get3A_554 = tpu.vector_load %arg10[%get3A_551, %get3A_552, %get3A_553] {strides = array<i32>} : memref<4x8x1024xf32, #tpu.memory_space<vmem>>, vector<16xf32>,
          %mul3A_555 = vector.broadcast %squeeze3A : f32 to vector<16xf32>
          %mul3A_556 = arith.mulf %get3A_554, %mul3A_555 : vector<16xf32>
          %swap3A_557 = arith.constant 1 : i32
          %swap3A_558 = arith.index_cast %swap3A_557 : i32 to index
          %swap3A_559 = arith.index_cast %scan3A_269 : i32 to index
          %swap3A_560 = arith.constant 368 : index
          %swap3A_561 = tpu.vector_load %arg9[%swap3A_558, %swap3A_559, %swap3A_560] {strides = array<i32>} : memref<4x8x1024xf32, #tpu.memory_space<vmem>>, vector<16xf32>,
          tpu.vector_store %arg9[%swap3A_558, %swap3A_559, %swap3A_560], %mul3A_556 {add = true, strides = array<i32>} : memref<4x8x1024xf32, #tpu.memory_space<vmem>>, vector<16xf32>,
          %get3A_562 = arith.constant 1 : i32
          %get3A_563 = arith.index_cast %get3A_562 : i32 to index
          %get3A_564 = arith.index_cast %scan3A_269 : i32 to index
          %get3A_565 = arith.constant 384 : index
          %get3A_566 = tpu.vector_load %arg10[%get3A_563, %get3A_564, %get3A_565] {strides = array<i32>} : memref<4x8x1024xf32, #tpu.memory_space<vmem>>, vector<16xf32>,
          %mul3A_567 = vector.broadcast %squeeze3A : f32 to vector<16xf32>
          %mul3A_568 = arith.mulf %get3A_566, %mul3A_567 : vector<16xf32>
          %swap3A_569 = arith.constant 1 : i32
          %swap3A_570 = arith.index_cast %swap3A_569 : i32 to index
          %swap3A_571 = arith.index_cast %scan3A_269 : i32 to index
          %swap3A_572 = arith.constant 384 : index
          %swap3A_573 = tpu.vector_load %arg9[%swap3A_570, %swap3A_571, %swap3A_572] {strides = array<i32>} : memref<4x8x1024xf32, #tpu.memory_space<vmem>>, vector<16xf32>,
          tpu.vector_store %arg9[%swap3A_570, %swap3A_571, %swap3A_572], %mul3A_568 {add = true, strides = array<i32>} : memref<4x8x1024xf32, #tpu.memory_space<vmem>>, vector<16xf32>,
          %get3A_574 = arith.constant 1 : i32
          %get3A_575 = arith.index_cast %get3A_574 : i32 to index
          %get3A_576 = arith.index_cast %scan3A_269 : i32 to index
          %get3A_577 = arith.constant 400 : index
          %get3A_578 = tpu.vector_load %arg10[%get3A_575, %get3A_576, %get3A_577] {strides = array<i32>} : memref<4x8x1024xf32, #tpu.memory_space<vmem>>, vector<16xf32>,
          %mul3A_579 = vector.broadcast %squeeze3A : f32 to vector<16xf32>
          %mul3A_580 = arith.mulf %get3A_578, %mul3A_579 : vector<16xf32>
          %swap3A_581 = arith.constant 1 : i32
          %swap3A_582 = arith.index_cast %swap3A_581 : i32 to index
          %swap3A_583 = arith.index_cast %scan3A_269 : i32 to index
          %swap3A_584 = arith.constant 400 : index
          %swap3A_585 = tpu.vector_load %arg9[%swap3A_582, %swap3A_583, %swap3A_584] {strides = array<i32>} : memref<4x8x1024xf32, #tpu.memory_space<vmem>>, vector<16xf32>,
          tpu.vector_store %arg9[%swap3A_582, %swap3A_583, %swap3A_584], %mul3A_580 {add = true, strides = array<i32>} : memref<4x8x1024xf32, #tpu.memory_space<vmem>>, vector<16xf32>,
          %get3A_586 = arith.constant 1 : i32
          %get3A_587 = arith.index_cast %get3A_586 : i32 to index
          %get3A_588 = arith.index_cast %scan3A_269 : i32 to index
          %get3A_589 = arith.constant 416 : index
          %get3A_590 = tpu.vector_load %arg10[%get3A_587, %get3A_588, %get3A_589] {strides = array<i32>} : memref<4x8x1024xf32, #tpu.memory_space<vmem>>, vector<16xf32>,
          %mul3A_591 = vector.broadcast %squeeze3A : f32 to vector<16xf32>
          %mul3A_592 = arith.mulf %get3A_590, %mul3A_591 : vector<16xf32>
          %swap3A_593 = arith.constant 1 : i32
          %swap3A_594 = arith.index_cast %swap3A_593 : i32 to index
          %swap3A_595 = arith.index_cast %scan3A_269 : i32 to index
          %swap3A_596 = arith.constant 416 : index
          %swap3A_597 = tpu.vector_load %arg9[%swap3A_594, %swap3A_595, %swap3A_596] {strides = array<i32>} : memref<4x8x1024xf32, #tpu.memory_space<vmem>>, vector<16xf32>,
          tpu.vector_store %arg9[%swap3A_594, %swap3A_595, %swap3A_596], %mul3A_592 {add = true, strides = array<i32>} : memref<4x8x1024xf32, #tpu.memory_space<vmem>>, vector<16xf32>,
          %get3A_598 = arith.constant 1 : i32
          %get3A_599 = arith.index_cast %get3A_598 : i32 to index
          %get3A_600 = arith.index_cast %scan3A_269 : i32 to index
          %get3A_601 = arith.constant 432 : index
          %get3A_602 = tpu.vector_load %arg10[%get3A_599, %get3A_600, %get3A_601] {strides = array<i32>} : memref<4x8x1024xf32, #tpu.memory_space<vmem>>, vector<16xf32>,
          %mul3A_603 = vector.broadcast %squeeze3A : f32 to vector<16xf32>
          %mul3A_604 = arith.mulf %get3A_602, %mul3A_603 : vector<16xf32>
          %swap3A_605 = arith.constant 1 : i32
          %swap3A_606 = arith.index_cast %swap3A_605 : i32 to index
          %swap3A_607 = arith.index_cast %scan3A_269 : i32 to index
          %swap3A_608 = arith.constant 432 : index
          %swap3A_609 = tpu.vector_load %arg9[%swap3A_606, %swap3A_607, %swap3A_608] {strides = array<i32>} : memref<4x8x1024xf32, #tpu.memory_space<vmem>>, vector<16xf32>,
          tpu.vector_store %arg9[%swap3A_606, %swap3A_607, %swap3A_608], %mul3A_604 {add = true, strides = array<i32>} : memref<4x8x1024xf32, #tpu.memory_space<vmem>>, vector<16xf32>,
          %get3A_610 = arith.constant 1 : i32
          %get3A_611 = arith.index_cast %get3A_610 : i32 to index
          %get3A_612 = arith.index_cast %scan3A_269 : i32 to index
          %get3A_613 = arith.constant 448 : index
          %get3A_614 = tpu.vector_load %arg10[%get3A_611, %get3A_612, %get3A_613] {strides = array<i32>} : memref<4x8x1024xf32, #tpu.memory_space<vmem>>, vector<16xf32>,
          %mul3A_615 = vector.broadcast %squeeze3A : f32 to vector<16xf32>
          %mul3A_616 = arith.mulf %get3A_614, %mul3A_615 : vector<16xf32>
          %swap3A_617 = arith.constant 1 : i32
          %swap3A_618 = arith.index_cast %swap3A_617 : i32 to index
          %swap3A_619 = arith.index_cast %scan3A_269 : i32 to index
          %swap3A_620 = arith.constant 448 : index
          %swap3A_621 = tpu.vector_load %arg9[%swap3A_618, %swap3A_619, %swap3A_620] {strides = array<i32>} : memref<4x8x1024xf32, #tpu.memory_space<vmem>>, vector<16xf32>,
          tpu.vector_store %arg9[%swap3A_618, %swap3A_619, %swap3A_620], %mul3A_616 {add = true, strides = array<i32>} : memref<4x8x1024xf32, #tpu.memory_space<vmem>>, vector<16xf32>,
          %get3A_622 = arith.constant 1 : i32
          %get3A_623 = arith.index_cast %get3A_622 : i32 to index
          %get3A_624 = arith.index_cast %scan3A_269 : i32 to index
          %get3A_625 = arith.constant 464 : index
          %get3A_626 = tpu.vector_load %arg10[%get3A_623, %get3A_624, %get3A_625] {strides = array<i32>} : memref<4x8x1024xf32, #tpu.memory_space<vmem>>, vector<16xf32>,
          %mul3A_627 = vector.broadcast %squeeze3A : f32 to vector<16xf32>
          %mul3A_628 = arith.mulf %get3A_626, %mul3A_627 : vector<16xf32>
          %swap3A_629 = arith.constant 1 : i32
          %swap3A_630 = arith.index_cast %swap3A_629 : i32 to index
          %swap3A_631 = arith.index_cast %scan3A_269 : i32 to index
          %swap3A_632 = arith.constant 464 : index
          %swap3A_633 = tpu.vector_load %arg9[%swap3A_630, %swap3A_631, %swap3A_632] {strides = array<i32>} : memref<4x8x1024xf32, #tpu.memory_space<vmem>>, vector<16xf32>,
          tpu.vector_store %arg9[%swap3A_630, %swap3A_631, %swap3A_632], %mul3A_628 {add = true, strides = array<i32>} : memref<4x8x1024xf32, #tpu.memory_space<vmem>>, vector<16xf32>,
          %get3A_634 = arith.constant 1 : i32
          %get3A_635 = arith.index_cast %get3A_634 : i32 to index
          %get3A_636 = arith.index_cast %scan3A_269 : i32 to index
          %get3A_637 = arith.constant 480 : index
          %get3A_638 = tpu.vector_load %arg10[%get3A_635, %get3A_636, %get3A_637] {strides = array<i32>} : memref<4x8x1024xf32, #tpu.memory_space<vmem>>, vector<16xf32>,
          %mul3A_639 = vector.broadcast %squeeze3A : f32 to vector<16xf32>
          %mul3A_640 = arith.mulf %get3A_638, %mul3A_639 : vector<16xf32>
          %swap3A_641 = arith.constant 1 : i32
          %swap3A_642 = arith.index_cast %swap3A_641 : i32 to index
          %swap3A_643 = arith.index_cast %scan3A_269 : i32 to index
          %swap3A_644 = arith.constant 480 : index
          %swap3A_645 = tpu.vector_load %arg9[%swap3A_642, %swap3A_643, %swap3A_644] {strides = array<i32>} : memref<4x8x1024xf32, #tpu.memory_space<vmem>>, vector<16xf32>,
          tpu.vector_store %arg9[%swap3A_642, %swap3A_643, %swap3A_644], %mul3A_640 {add = true, strides = array<i32>} : memref<4x8x1024xf32, #tpu.memory_space<vmem>>, vector<16xf32>,
          %get3A_646 = arith.constant 1 : i32
          %get3A_647 = arith.index_cast %get3A_646 : i32 to index
          %get3A_648 = arith.index_cast %scan3A_269 : i32 to index
          %get3A_649 = arith.constant 496 : index
          %get3A_650 = tpu.vector_load %arg10[%get3A_647, %get3A_648, %get3A_649] {strides = array<i32>} : memref<4x8x1024xf32, #tpu.memory_space<vmem>>, vector<16xf32>,
          %mul3A_651 = vector.broadcast %squeeze3A : f32 to vector<16xf32>
          %mul3A_652 = arith.mulf %get3A_650, %mul3A_651 : vector<16xf32>
          %swap3A_653 = arith.constant 1 : i32
          %swap3A_654 = arith.index_cast %swap3A_653 : i32 to index
          %swap3A_655 = arith.index_cast %scan3A_269 : i32 to index
          %swap3A_656 = arith.constant 496 : index
          %swap3A_657 = tpu.vector_load %arg9[%swap3A_654, %swap3A_655, %swap3A_656] {strides = array<i32>} : memref<4x8x1024xf32, #tpu.memory_space<vmem>>, vector<16xf32>,
          tpu.vector_store %arg9[%swap3A_654, %swap3A_655, %swap3A_656], %mul3A_652 {add = true, strides = array<i32>} : memref<4x8x1024xf32, #tpu.memory_space<vmem>>, vector<16xf32>,
          %get3A_658 = arith.constant 1 : i32
          %get3A_659 = arith.index_cast %get3A_658 : i32 to index
          %get3A_660 = arith.index_cast %scan3A_269 : i32 to index
          %get3A_661 = arith.constant 512 : index
          %get3A_662 = tpu.vector_load %arg10[%get3A_659, %get3A_660, %get3A_661] {strides = array<i32>} : memref<4x8x1024xf32, #tpu.memory_space<vmem>>, vector<16xf32>,
          %mul3A_663 = vector.broadcast %squeeze3A : f32 to vector<16xf32>
          %mul3A_664 = arith.mulf %get3A_662, %mul3A_663 : vector<16xf32>
          %swap3A_665 = arith.constant 1 : i32
          %swap3A_666 = arith.index_cast %swap3A_665 : i32 to index
          %swap3A_667 = arith.index_cast %scan3A_269 : i32 to index
          %swap3A_668 = arith.constant 512 : index
          %swap3A_669 = tpu.vector_load %arg9[%swap3A_666, %swap3A_667, %swap3A_668] {strides = array<i32>} : memref<4x8x1024xf32, #tpu.memory_space<vmem>>, vector<16xf32>,
          tpu.vector_store %arg9[%swap3A_666, %swap3A_667, %swap3A_668], %mul3A_664 {add = true, strides = array<i32>} : memref<4x8x1024xf32, #tpu.memory_space<vmem>>, vector<16xf32>,
          %get3A_670 = arith.constant 1 : i32
          %get3A_671 = arith.index_cast %get3A_670 : i32 to index
          %get3A_672 = arith.index_cast %scan3A_269 : i32 to index
          %get3A_673 = arith.constant 528 : index
          %get3A_674 = tpu.vector_load %arg10[%get3A_671, %get3A_672, %get3A_673] {strides = array<i32>} : memref<4x8x1024xf32, #tpu.memory_space<vmem>>, vector<16xf32>,
          %mul3A_675 = vector.broadcast %squeeze3A : f32 to vector<16xf32>
          %mul3A_676 = arith.mulf %get3A_674, %mul3A_675 : vector<16xf32>
          %swap3A_677 = arith.constant 1 : i32
          %swap3A_678 = arith.index_cast %swap3A_677 : i32 to index
          %swap3A_679 = arith.index_cast %scan3A_269 : i32 to index
          %swap3A_680 = arith.constant 528 : index
          %swap3A_681 = tpu.vector_load %arg9[%swap3A_678, %swap3A_679, %swap3A_680] {strides = array<i32>} : memref<4x8x1024xf32, #tpu.memory_space<vmem>>, vector<16xf32>,
          tpu.vector_store %arg9[%swap3A_678, %swap3A_679, %swap3A_680], %mul3A_676 {add = true, strides = array<i32>} : memref<4x8x1024xf32, #tpu.memory_space<vmem>>, vector<16xf32>,
          %get3A_682 = arith.constant 1 : i32
          %get3A_683 = arith.index_cast %get3A_682 : i32 to index
          %get3A_684 = arith.index_cast %scan3A_269 : i32 to index
          %get3A_685 = arith.constant 544 : index
          %get3A_686 = tpu.vector_load %arg10[%get3A_683, %get3A_684, %get3A_685] {strides = array<i32>} : memref<4x8x1024xf32, #tpu.memory_space<vmem>>, vector<16xf32>,
          %mul3A_687 = vector.broadcast %squeeze3A : f32 to vector<16xf32>
          %mul3A_688 = arith.mulf %get3A_686, %mul3A_687 : vector<16xf32>
          %swap3A_689 = arith.constant 1 : i32
          %swap3A_690 = arith.index_cast %swap3A_689 : i32 to index
          %swap3A_691 = arith.index_cast %scan3A_269 : i32 to index
          %swap3A_692 = arith.constant 544 : index
          %swap3A_693 = tpu.vector_load %arg9[%swap3A_690, %swap3A_691, %swap3A_692] {strides = array<i32>} : memref<4x8x1024xf32, #tpu.memory_space<vmem>>, vector<16xf32>,
          tpu.vector_store %arg9[%swap3A_690, %swap3A_691, %swap3A_692], %mul3A_688 {add = true, strides = array<i32>} : memref<4x8x1024xf32, #tpu.memory_space<vmem>>, vector<16xf32>,
          %get3A_694 = arith.constant 1 : i32
          %get3A_695 = arith.index_cast %get3A_694 : i32 to index
          %get3A_696 = arith.index_cast %scan3A_269 : i32 to index
          %get3A_697 = arith.constant 560 : index
          %get3A_698 = tpu.vector_load %arg10[%get3A_695, %get3A_696, %get3A_697] {strides = array<i32>} : memref<4x8x1024xf32, #tpu.memory_space<vmem>>, vector<16xf32>,
          %mul3A_699 = vector.broadcast %squeeze3A : f32 to vector<16xf32>
          %mul3A_700 = arith.mulf %get3A_698, %mul3A_699 : vector<16xf32>
          %swap3A_701 = arith.constant 1 : i32
          %swap3A_702 = arith.index_cast %swap3A_701 : i32 to index
          %swap3A_703 = arith.index_cast %scan3A_269 : i32 to index
          %swap3A_704 = arith.constant 560 : index
          %swap3A_705 = tpu.vector_load %arg9[%swap3A_702, %swap3A_703, %swap3A_704] {strides = array<i32>} : memref<4x8x1024xf32, #tpu.memory_space<vmem>>, vector<16xf32>,
          tpu.vector_store %arg9[%swap3A_702, %swap3A_703, %swap3A_704], %mul3A_700 {add = true, strides = array<i32>} : memref<4x8x1024xf32, #tpu.memory_space<vmem>>, vector<16xf32>,
          %get3A_706 = arith.constant 1 : i32
          %get3A_707 = arith.index_cast %get3A_706 : i32 to index
          %get3A_708 = arith.index_cast %scan3A_269 : i32 to index
          %get3A_709 = arith.constant 576 : index
          %get3A_710 = tpu.vector_load %arg10[%get3A_707, %get3A_708, %get3A_709] {strides = array<i32>} : memref<4x8x1024xf32, #tpu.memory_space<vmem>>, vector<16xf32>,
          %mul3A_711 = vector.broadcast %squeeze3A : f32 to vector<16xf32>
          %mul3A_712 = arith.mulf %get3A_710, %mul3A_711 : vector<16xf32>
          %swap3A_713 = arith.constant 1 : i32
          %swap3A_714 = arith.index_cast %swap3A_713 : i32 to index
          %swap3A_715 = arith.index_cast %scan3A_269 : i32 to index
          %swap3A_716 = arith.constant 576 : index
          %swap3A_717 = tpu.vector_load %arg9[%swap3A_714, %swap3A_715, %swap3A_716] {strides = array<i32>} : memref<4x8x1024xf32, #tpu.memory_space<vmem>>, vector<16xf32>,
          tpu.vector_store %arg9[%swap3A_714, %swap3A_715, %swap3A_716], %mul3A_712 {add = true, strides = array<i32>} : memref<4x8x1024xf32, #tpu.memory_space<vmem>>, vector<16xf32>,
          %get3A_718 = arith.constant 1 : i32
          %get3A_719 = arith.index_cast %get3A_718 : i32 to index
          %get3A_720 = arith.index_cast %scan3A_269 : i32 to index
          %get3A_721 = arith.constant 592 : index
          %get3A_722 = tpu.vector_load %arg10[%get3A_719, %get3A_720, %get3A_721] {strides = array<i32>} : memref<4x8x1024xf32, #tpu.memory_space<vmem>>, vector<16xf32>,
          %mul3A_723 = vector.broadcast %squeeze3A : f32 to vector<16xf32>
          %mul3A_724 = arith.mulf %get3A_722, %mul3A_723 : vector<16xf32>
          %swap3A_725 = arith.constant 1 : i32
          %swap3A_726 = arith.index_cast %swap3A_725 : i32 to index
          %swap3A_727 = arith.index_cast %scan3A_269 : i32 to index
          %swap3A_728 = arith.constant 592 : index
          %swap3A_729 = tpu.vector_load %arg9[%swap3A_726, %swap3A_727, %swap3A_728] {strides = array<i32>} : memref<4x8x1024xf32, #tpu.memory_space<vmem>>, vector<16xf32>,
          tpu.vector_store %arg9[%swap3A_726, %swap3A_727, %swap3A_728], %mul3A_724 {add = true, strides = array<i32>} : memref<4x8x1024xf32, #tpu.memory_space<vmem>>, vector<16xf32>,
          %get3A_730 = arith.constant 1 : i32
          %get3A_731 = arith.index_cast %get3A_730 : i32 to index
          %get3A_732 = arith.index_cast %scan3A_269 : i32 to index
          %get3A_733 = arith.constant 608 : index
          %get3A_734 = tpu.vector_load %arg10[%get3A_731, %get3A_732, %get3A_733] {strides = array<i32>} : memref<4x8x1024xf32, #tpu.memory_space<vmem>>, vector<16xf32>,
          %mul3A_735 = vector.broadcast %squeeze3A : f32 to vector<16xf32>
          %mul3A_736 = arith.mulf %get3A_734, %mul3A_735 : vector<16xf32>
          %swap3A_737 = arith.constant 1 : i32
          %swap3A_738 = arith.index_cast %swap3A_737 : i32 to index
          %swap3A_739 = arith.index_cast %scan3A_269 : i32 to index
          %swap3A_740 = arith.constant 608 : index
          %swap3A_741 = tpu.vector_load %arg9[%swap3A_738, %swap3A_739, %swap3A_740] {strides = array<i32>} : memref<4x8x1024xf32, #tpu.memory_space<vmem>>, vector<16xf32>,
          tpu.vector_store %arg9[%swap3A_738, %swap3A_739, %swap3A_740], %mul3A_736 {add = true, strides = array<i32>} : memref<4x8x1024xf32, #tpu.memory_space<vmem>>, vector<16xf32>,
          %get3A_742 = arith.constant 1 : i32
          %get3A_743 = arith.index_cast %get3A_742 : i32 to index
          %get3A_744 = arith.index_cast %scan3A_269 : i32 to index
          %get3A_745 = arith.constant 624 : index
          %get3A_746 = tpu.vector_load %arg10[%get3A_743, %get3A_744, %get3A_745] {strides = array<i32>} : memref<4x8x1024xf32, #tpu.memory_space<vmem>>, vector<16xf32>,
          %mul3A_747 = vector.broadcast %squeeze3A : f32 to vector<16xf32>
          %mul3A_748 = arith.mulf %get3A_746, %mul3A_747 : vector<16xf32>
          %swap3A_749 = arith.constant 1 : i32
          %swap3A_750 = arith.index_cast %swap3A_749 : i32 to index
          %swap3A_751 = arith.index_cast %scan3A_269 : i32 to index
          %swap3A_752 = arith.constant 624 : index
          %swap3A_753 = tpu.vector_load %arg9[%swap3A_750, %swap3A_751, %swap3A_752] {strides = array<i32>} : memref<4x8x1024xf32, #tpu.memory_space<vmem>>, vector<16xf32>,
          tpu.vector_store %arg9[%swap3A_750, %swap3A_751, %swap3A_752], %mul3A_748 {add = true, strides = array<i32>} : memref<4x8x1024xf32, #tpu.memory_space<vmem>>, vector<16xf32>,
          %get3A_754 = arith.constant 1 : i32
          %get3A_755 = arith.index_cast %get3A_754 : i32 to index
          %get3A_756 = arith.index_cast %scan3A_269 : i32 to index
          %get3A_757 = arith.constant 640 : index
          %get3A_758 = tpu.vector_load %arg10[%get3A_755, %get3A_756, %get3A_757] {strides = array<i32>} : memref<4x8x1024xf32, #tpu.memory_space<vmem>>, vector<16xf32>,
          %mul3A_759 = vector.broadcast %squeeze3A : f32 to vector<16xf32>
          %mul3A_760 = arith.mulf %get3A_758, %mul3A_759 : vector<16xf32>
          %swap3A_761 = arith.constant 1 : i32
          %swap3A_762 = arith.index_cast %swap3A_761 : i32 to index
          %swap3A_763 = arith.index_cast %scan3A_269 : i32 to index
          %swap3A_764 = arith.constant 640 : index
          %swap3A_765 = tpu.vector_load %arg9[%swap3A_762, %swap3A_763, %swap3A_764] {strides = array<i32>} : memref<4x8x1024xf32, #tpu.memory_space<vmem>>, vector<16xf32>,
          tpu.vector_store %arg9[%swap3A_762, %swap3A_763, %swap3A_764], %mul3A_760 {add = true, strides = array<i32>} : memref<4x8x1024xf32, #tpu.memory_space<vmem>>, vector<16xf32>,
          %get3A_766 = arith.constant 1 : i32
          %get3A_767 = arith.index_cast %get3A_766 : i32 to index
          %get3A_768 = arith.index_cast %scan3A_269 : i32 to index
          %get3A_769 = arith.constant 656 : index
          %get3A_770 = tpu.vector_load %arg10[%get3A_767, %get3A_768, %get3A_769] {strides = array<i32>} : memref<4x8x1024xf32, #tpu.memory_space<vmem>>, vector<16xf32>,
          %mul3A_771 = vector.broadcast %squeeze3A : f32 to vector<16xf32>
          %mul3A_772 = arith.mulf %get3A_770, %mul3A_771 : vector<16xf32>
          %swap3A_773 = arith.constant 1 : i32
          %swap3A_774 = arith.index_cast %swap3A_773 : i32 to index
          %swap3A_775 = arith.index_cast %scan3A_269 : i32 to index
          %swap3A_776 = arith.constant 656 : index
          %swap3A_777 = tpu.vector_load %arg9[%swap3A_774, %swap3A_775, %swap3A_776] {strides = array<i32>} : memref<4x8x1024xf32, #tpu.memory_space<vmem>>, vector<16xf32>,
          tpu.vector_store %arg9[%swap3A_774, %swap3A_775, %swap3A_776], %mul3A_772 {add = true, strides = array<i32>} : memref<4x8x1024xf32, #tpu.memory_space<vmem>>, vector<16xf32>,
          %get3A_778 = arith.constant 1 : i32
          %get3A_779 = arith.index_cast %get3A_778 : i32 to index
          %get3A_780 = arith.index_cast %scan3A_269 : i32 to index
          %get3A_781 = arith.constant 672 : index
          %get3A_782 = tpu.vector_load %arg10[%get3A_779, %get3A_780, %get3A_781] {strides = array<i32>} : memref<4x8x1024xf32, #tpu.memory_space<vmem>>, vector<16xf32>,
          %mul3A_783 = vector.broadcast %squeeze3A : f32 to vector<16xf32>
          %mul3A_784 = arith.mulf %get3A_782, %mul3A_783 : vector<16xf32>
          %swap3A_785 = arith.constant 1 : i32
          %swap3A_786 = arith.index_cast %swap3A_785 : i32 to index
          %swap3A_787 = arith.index_cast %scan3A_269 : i32 to index
          %swap3A_788 = arith.constant 672 : index
          %swap3A_789 = tpu.vector_load %arg9[%swap3A_786, %swap3A_787, %swap3A_788] {strides = array<i32>} : memref<4x8x1024xf32, #tpu.memory_space<vmem>>, vector<16xf32>,
          tpu.vector_store %arg9[%swap3A_786, %swap3A_787, %swap3A_788], %mul3A_784 {add = true, strides = array<i32>} : memref<4x8x1024xf32, #tpu.memory_space<vmem>>, vector<16xf32>,
          %get3A_790 = arith.constant 1 : i32
          %get3A_791 = arith.index_cast %get3A_790 : i32 to index
          %get3A_792 = arith.index_cast %scan3A_269 : i32 to index
          %get3A_793 = arith.constant 688 : index
          %get3A_794 = tpu.vector_load %arg10[%get3A_791, %get3A_792, %get3A_793] {strides = array<i32>} : memref<4x8x1024xf32, #tpu.memory_space<vmem>>, vector<16xf32>,
          %mul3A_795 = vector.broadcast %squeeze3A : f32 to vector<16xf32>
          %mul3A_796 = arith.mulf %get3A_794, %mul3A_795 : vector<16xf32>
          %swap3A_797 = arith.constant 1 : i32
          %swap3A_798 = arith.index_cast %swap3A_797 : i32 to index
          %swap3A_799 = arith.index_cast %scan3A_269 : i32 to index
          %swap3A_800 = arith.constant 688 : index
          %swap3A_801 = tpu.vector_load %arg9[%swap3A_798, %swap3A_799, %swap3A_800] {strides = array<i32>} : memref<4x8x1024xf32, #tpu.memory_space<vmem>>, vector<16xf32>,
          tpu.vector_store %arg9[%swap3A_798, %swap3A_799, %swap3A_800], %mul3A_796 {add = true, strides = array<i32>} : memref<4x8x1024xf32, #tpu.memory_space<vmem>>, vector<16xf32>,
          %get3A_802 = arith.constant 1 : i32
          %get3A_803 = arith.index_cast %get3A_802 : i32 to index
          %get3A_804 = arith.index_cast %scan3A_269 : i32 to index
          %get3A_805 = arith.constant 704 : index
          %get3A_806 = tpu.vector_load %arg10[%get3A_803, %get3A_804, %get3A_805] {strides = array<i32>} : memref<4x8x1024xf32, #tpu.memory_space<vmem>>, vector<16xf32>,
          %mul3A_807 = vector.broadcast %squeeze3A : f32 to vector<16xf32>
          %mul3A_808 = arith.mulf %get3A_806, %mul3A_807 : vector<16xf32>
          %swap3A_809 = arith.constant 1 : i32
          %swap3A_810 = arith.index_cast %swap3A_809 : i32 to index
          %swap3A_811 = arith.index_cast %scan3A_269 : i32 to index
          %swap3A_812 = arith.constant 704 : index
          %swap3A_813 = tpu.vector_load %arg9[%swap3A_810, %swap3A_811, %swap3A_812] {strides = array<i32>} : memref<4x8x1024xf32, #tpu.memory_space<vmem>>, vector<16xf32>,
          tpu.vector_store %arg9[%swap3A_810, %swap3A_811, %swap3A_812], %mul3A_808 {add = true, strides = array<i32>} : memref<4x8x1024xf32, #tpu.memory_space<vmem>>, vector<16xf32>,
          %get3A_814 = arith.constant 1 : i32
          %get3A_815 = arith.index_cast %get3A_814 : i32 to index
          %get3A_816 = arith.index_cast %scan3A_269 : i32 to index
          %get3A_817 = arith.constant 720 : index
          %get3A_818 = tpu.vector_load %arg10[%get3A_815, %get3A_816, %get3A_817] {strides = array<i32>} : memref<4x8x1024xf32, #tpu.memory_space<vmem>>, vector<16xf32>,
          %mul3A_819 = vector.broadcast %squeeze3A : f32 to vector<16xf32>
          %mul3A_820 = arith.mulf %get3A_818, %mul3A_819 : vector<16xf32>
          %swap3A_821 = arith.constant 1 : i32
          %swap3A_822 = arith.index_cast %swap3A_821 : i32 to index
          %swap3A_823 = arith.index_cast %scan3A_269 : i32 to index
          %swap3A_824 = arith.constant 720 : index
          %swap3A_825 = tpu.vector_load %arg9[%swap3A_822, %swap3A_823, %swap3A_824] {strides = array<i32>} : memref<4x8x1024xf32, #tpu.memory_space<vmem>>, vector<16xf32>,
          tpu.vector_store %arg9[%swap3A_822, %swap3A_823, %swap3A_824], %mul3A_820 {add = true, strides = array<i32>} : memref<4x8x1024xf32, #tpu.memory_space<vmem>>, vector<16xf32>,
          %get3A_826 = arith.constant 1 : i32
          %get3A_827 = arith.index_cast %get3A_826 : i32 to index
          %get3A_828 = arith.index_cast %scan3A_269 : i32 to index
          %get3A_829 = arith.constant 736 : index
          %get3A_830 = tpu.vector_load %arg10[%get3A_827, %get3A_828, %get3A_829] {strides = array<i32>} : memref<4x8x1024xf32, #tpu.memory_space<vmem>>, vector<16xf32>,
          %mul3A_831 = vector.broadcast %squeeze3A : f32 to vector<16xf32>
          %mul3A_832 = arith.mulf %get3A_830, %mul3A_831 : vector<16xf32>
          %swap3A_833 = arith.constant 1 : i32
          %swap3A_834 = arith.index_cast %swap3A_833 : i32 to index
          %swap3A_835 = arith.index_cast %scan3A_269 : i32 to index
          %swap3A_836 = arith.constant 736 : index
          %swap3A_837 = tpu.vector_load %arg9[%swap3A_834, %swap3A_835, %swap3A_836] {strides = array<i32>} : memref<4x8x1024xf32, #tpu.memory_space<vmem>>, vector<16xf32>,
          tpu.vector_store %arg9[%swap3A_834, %swap3A_835, %swap3A_836], %mul3A_832 {add = true, strides = array<i32>} : memref<4x8x1024xf32, #tpu.memory_space<vmem>>, vector<16xf32>,
          %get3A_838 = arith.constant 1 : i32
          %get3A_839 = arith.index_cast %get3A_838 : i32 to index
          %get3A_840 = arith.index_cast %scan3A_269 : i32 to index
          %get3A_841 = arith.constant 752 : index
          %get3A_842 = tpu.vector_load %arg10[%get3A_839, %get3A_840, %get3A_841] {strides = array<i32>} : memref<4x8x1024xf32, #tpu.memory_space<vmem>>, vector<16xf32>,
          %mul3A_843 = vector.broadcast %squeeze3A : f32 to vector<16xf32>
          %mul3A_844 = arith.mulf %get3A_842, %mul3A_843 : vector<16xf32>
          %swap3A_845 = arith.constant 1 : i32
          %swap3A_846 = arith.index_cast %swap3A_845 : i32 to index
          %swap3A_847 = arith.index_cast %scan3A_269 : i32 to index
          %swap3A_848 = arith.constant 752 : index
          %swap3A_849 = tpu.vector_load %arg9[%swap3A_846, %swap3A_847, %swap3A_848] {strides = array<i32>} : memref<4x8x1024xf32, #tpu.memory_space<vmem>>, vector<16xf32>,
          tpu.vector_store %arg9[%swap3A_846, %swap3A_847, %swap3A_848], %mul3A_844 {add = true, strides = array<i32>} : memref<4x8x1024xf32, #tpu.memory_space<vmem>>, vector<16xf32>,
          %get3A_850 = arith.constant 1 : i32
          %get3A_851 = arith.index_cast %get3A_850 : i32 to index
          %get3A_852 = arith.index_cast %scan3A_269 : i32 to index
          %get3A_853 = arith.constant 768 : index
          %get3A_854 = tpu.vector_load %arg10[%get3A_851, %get3A_852, %get3A_853] {strides = array<i32>} : memref<4x8x1024xf32, #tpu.memory_space<vmem>>, vector<16xf32>,
          %mul3A_855 = vector.broadcast %squeeze3A : f32 to vector<16xf32>
          %mul3A_856 = arith.mulf %get3A_854, %mul3A_855 : vector<16xf32>
          %swap3A_857 = arith.constant 1 : i32
          %swap3A_858 = arith.index_cast %swap3A_857 : i32 to index
          %swap3A_859 = arith.index_cast %scan3A_269 : i32 to index
          %swap3A_860 = arith.constant 768 : index
          %swap3A_861 = tpu.vector_load %arg9[%swap3A_858, %swap3A_859, %swap3A_860] {strides = array<i32>} : memref<4x8x1024xf32, #tpu.memory_space<vmem>>, vector<16xf32>,
          tpu.vector_store %arg9[%swap3A_858, %swap3A_859, %swap3A_860], %mul3A_856 {add = true, strides = array<i32>} : memref<4x8x1024xf32, #tpu.memory_space<vmem>>, vector<16xf32>,
          %get3A_862 = arith.constant 1 : i32
          %get3A_863 = arith.index_cast %get3A_862 : i32 to index
          %get3A_864 = arith.index_cast %scan3A_269 : i32 to index
          %get3A_865 = arith.constant 784 : index
          %get3A_866 = tpu.vector_load %arg10[%get3A_863, %get3A_864, %get3A_865] {strides = array<i32>} : memref<4x8x1024xf32, #tpu.memory_space<vmem>>, vector<16xf32>,
          %mul3A_867 = vector.broadcast %squeeze3A : f32 to vector<16xf32>
          %mul3A_868 = arith.mulf %get3A_866, %mul3A_867 : vector<16xf32>
          %swap3A_869 = arith.constant 1 : i32
          %swap3A_870 = arith.index_cast %swap3A_869 : i32 to index
          %swap3A_871 = arith.index_cast %scan3A_269 : i32 to index
          %swap3A_872 = arith.constant 784 : index
          %swap3A_873 = tpu.vector_load %arg9[%swap3A_870, %swap3A_871, %swap3A_872] {strides = array<i32>} : memref<4x8x1024xf32, #tpu.memory_space<vmem>>, vector<16xf32>,
          tpu.vector_store %arg9[%swap3A_870, %swap3A_871, %swap3A_872], %mul3A_868 {add = true, strides = array<i32>} : memref<4x8x1024xf32, #tpu.memory_space<vmem>>, vector<16xf32>,
          %get3A_874 = arith.constant 1 : i32
          %get3A_875 = arith.index_cast %get3A_874 : i32 to index
          %get3A_876 = arith.index_cast %scan3A_269 : i32 to index
          %get3A_877 = arith.constant 800 : index
          %get3A_878 = tpu.vector_load %arg10[%get3A_875, %get3A_876, %get3A_877] {strides = array<i32>} : memref<4x8x1024xf32, #tpu.memory_space<vmem>>, vector<16xf32>,
          %mul3A_879 = vector.broadcast %squeeze3A : f32 to vector<16xf32>
          %mul3A_880 = arith.mulf %get3A_878, %mul3A_879 : vector<16xf32>
          %swap3A_881 = arith.constant 1 : i32
          %swap3A_882 = arith.index_cast %swap3A_881 : i32 to index
          %swap3A_883 = arith.index_cast %scan3A_269 : i32 to index
          %swap3A_884 = arith.constant 800 : index
          %swap3A_885 = tpu.vector_load %arg9[%swap3A_882, %swap3A_883, %swap3A_884] {strides = array<i32>} : memref<4x8x1024xf32, #tpu.memory_space<vmem>>, vector<16xf32>,
          tpu.vector_store %arg9[%swap3A_882, %swap3A_883, %swap3A_884], %mul3A_880 {add = true, strides = array<i32>} : memref<4x8x1024xf32, #tpu.memory_space<vmem>>, vector<16xf32>,
          %get3A_886 = arith.constant 1 : i32
          %get3A_887 = arith.index_cast %get3A_886 : i32 to index
          %get3A_888 = arith.index_cast %scan3A_269 : i32 to index
          %get3A_889 = arith.constant 816 : index
          %get3A_890 = tpu.vector_load %arg10[%get3A_887, %get3A_888, %get3A_889] {strides = array<i32>} : memref<4x8x1024xf32, #tpu.memory_space<vmem>>, vector<16xf32>,
          %mul3A_891 = vector.broadcast %squeeze3A : f32 to vector<16xf32>
          %mul3A_892 = arith.mulf %get3A_890, %mul3A_891 : vector<16xf32>
          %swap3A_893 = arith.constant 1 : i32
          %swap3A_894 = arith.index_cast %swap3A_893 : i32 to index
          %swap3A_895 = arith.index_cast %scan3A_269 : i32 to index
          %swap3A_896 = arith.constant 816 : index
          %swap3A_897 = tpu.vector_load %arg9[%swap3A_894, %swap3A_895, %swap3A_896] {strides = array<i32>} : memref<4x8x1024xf32, #tpu.memory_space<vmem>>, vector<16xf32>,
          tpu.vector_store %arg9[%swap3A_894, %swap3A_895, %swap3A_896], %mul3A_892 {add = true, strides = array<i32>} : memref<4x8x1024xf32, #tpu.memory_space<vmem>>, vector<16xf32>,
          %get3A_898 = arith.constant 1 : i32
          %get3A_899 = arith.index_cast %get3A_898 : i32 to index
          %get3A_900 = arith.index_cast %scan3A_269 : i32 to index
          %get3A_901 = arith.constant 832 : index
          %get3A_902 = tpu.vector_load %arg10[%get3A_899, %get3A_900, %get3A_901] {strides = array<i32>} : memref<4x8x1024xf32, #tpu.memory_space<vmem>>, vector<16xf32>,
          %mul3A_903 = vector.broadcast %squeeze3A : f32 to vector<16xf32>
          %mul3A_904 = arith.mulf %get3A_902, %mul3A_903 : vector<16xf32>
          %swap3A_905 = arith.constant 1 : i32
          %swap3A_906 = arith.index_cast %swap3A_905 : i32 to index
          %swap3A_907 = arith.index_cast %scan3A_269 : i32 to index
          %swap3A_908 = arith.constant 832 : index
          %swap3A_909 = tpu.vector_load %arg9[%swap3A_906, %swap3A_907, %swap3A_908] {strides = array<i32>} : memref<4x8x1024xf32, #tpu.memory_space<vmem>>, vector<16xf32>,
          tpu.vector_store %arg9[%swap3A_906, %swap3A_907, %swap3A_908], %mul3A_904 {add = true, strides = array<i32>} : memref<4x8x1024xf32, #tpu.memory_space<vmem>>, vector<16xf32>,
          %get3A_910 = arith.constant 1 : i32
          %get3A_911 = arith.index_cast %get3A_910 : i32 to index
          %get3A_912 = arith.index_cast %scan3A_269 : i32 to index
          %get3A_913 = arith.constant 848 : index
          %get3A_914 = tpu.vector_load %arg10[%get3A_911, %get3A_912, %get3A_913] {strides = array<i32>} : memref<4x8x1024xf32, #tpu.memory_space<vmem>>, vector<16xf32>,
          %mul3A_915 = vector.broadcast %squeeze3A : f32 to vector<16xf32>
          %mul3A_916 = arith.mulf %get3A_914, %mul3A_915 : vector<16xf32>
          %swap3A_917 = arith.constant 1 : i32
          %swap3A_918 = arith.index_cast %swap3A_917 : i32 to index
          %swap3A_919 = arith.index_cast %scan3A_269 : i32 to index
          %swap3A_920 = arith.constant 848 : index
          %swap3A_921 = tpu.vector_load %arg9[%swap3A_918, %swap3A_919, %swap3A_920] {strides = array<i32>} : memref<4x8x1024xf32, #tpu.memory_space<vmem>>, vector<16xf32>,
          tpu.vector_store %arg9[%swap3A_918, %swap3A_919, %swap3A_920], %mul3A_916 {add = true, strides = array<i32>} : memref<4x8x1024xf32, #tpu.memory_space<vmem>>, vector<16xf32>,
          %get3A_922 = arith.constant 1 : i32
          %get3A_923 = arith.index_cast %get3A_922 : i32 to index
          %get3A_924 = arith.index_cast %scan3A_269 : i32 to index
          %get3A_925 = arith.constant 864 : index
          %get3A_926 = tpu.vector_load %arg10[%get3A_923, %get3A_924, %get3A_925] {strides = array<i32>} : memref<4x8x1024xf32, #tpu.memory_space<vmem>>, vector<16xf32>,
          %mul3A_927 = vector.broadcast %squeeze3A : f32 to vector<16xf32>
          %mul3A_928 = arith.mulf %get3A_926, %mul3A_927 : vector<16xf32>
          %swap3A_929 = arith.constant 1 : i32
          %swap3A_930 = arith.index_cast %swap3A_929 : i32 to index
          %swap3A_931 = arith.index_cast %scan3A_269 : i32 to index
          %swap3A_932 = arith.constant 864 : index
          %swap3A_933 = tpu.vector_load %arg9[%swap3A_930, %swap3A_931, %swap3A_932] {strides = array<i32>} : memref<4x8x1024xf32, #tpu.memory_space<vmem>>, vector<16xf32>,
          tpu.vector_store %arg9[%swap3A_930, %swap3A_931, %swap3A_932], %mul3A_928 {add = true, strides = array<i32>} : memref<4x8x1024xf32, #tpu.memory_space<vmem>>, vector<16xf32>,
          %get3A_934 = arith.constant 1 : i32
          %get3A_935 = arith.index_cast %get3A_934 : i32 to index
          %get3A_936 = arith.index_cast %scan3A_269 : i32 to index
          %get3A_937 = arith.constant 880 : index
          %get3A_938 = tpu.vector_load %arg10[%get3A_935, %get3A_936, %get3A_937] {strides = array<i32>} : memref<4x8x1024xf32, #tpu.memory_space<vmem>>, vector<16xf32>,
          %mul3A_939 = vector.broadcast %squeeze3A : f32 to vector<16xf32>
          %mul3A_940 = arith.mulf %get3A_938, %mul3A_939 : vector<16xf32>
          %swap3A_941 = arith.constant 1 : i32
          %swap3A_942 = arith.index_cast %swap3A_941 : i32 to index
          %swap3A_943 = arith.index_cast %scan3A_269 : i32 to index
          %swap3A_944 = arith.constant 880 : index
          %swap3A_945 = tpu.vector_load %arg9[%swap3A_942, %swap3A_943, %swap3A_944] {strides = array<i32>} : memref<4x8x1024xf32, #tpu.memory_space<vmem>>, vector<16xf32>,
          tpu.vector_store %arg9[%swap3A_942, %swap3A_943, %swap3A_944], %mul3A_940 {add = true, strides = array<i32>} : memref<4x8x1024xf32, #tpu.memory_space<vmem>>, vector<16xf32>,
          %get3A_946 = arith.constant 1 : i32
          %get3A_947 = arith.index_cast %get3A_946 : i32 to index
          %get3A_948 = arith.index_cast %scan3A_269 : i32 to index
          %get3A_949 = arith.constant 896 : index
          %get3A_950 = tpu.vector_load %arg10[%get3A_947, %get3A_948, %get3A_949] {strides = array<i32>} : memref<4x8x1024xf32, #tpu.memory_space<vmem>>, vector<16xf32>,
          %mul3A_951 = vector.broadcast %squeeze3A : f32 to vector<16xf32>
          %mul3A_952 = arith.mulf %get3A_950, %mul3A_951 : vector<16xf32>
          %swap3A_953 = arith.constant 1 : i32
          %swap3A_954 = arith.index_cast %swap3A_953 : i32 to index
          %swap3A_955 = arith.index_cast %scan3A_269 : i32 to index
          %swap3A_956 = arith.constant 896 : index
          %swap3A_957 = tpu.vector_load %arg9[%swap3A_954, %swap3A_955, %swap3A_956] {strides = array<i32>} : memref<4x8x1024xf32, #tpu.memory_space<vmem>>, vector<16xf32>,
          tpu.vector_store %arg9[%swap3A_954, %swap3A_955, %swap3A_956], %mul3A_952 {add = true, strides = array<i32>} : memref<4x8x1024xf32, #tpu.memory_space<vmem>>, vector<16xf32>,
          %get3A_958 = arith.constant 1 : i32
          %get3A_959 = arith.index_cast %get3A_958 : i32 to index
          %get3A_960 = arith.index_cast %scan3A_269 : i32 to index
          %get3A_961 = arith.constant 912 : index
          %get3A_962 = tpu.vector_load %arg10[%get3A_959, %get3A_960, %get3A_961] {strides = array<i32>} : memref<4x8x1024xf32, #tpu.memory_space<vmem>>, vector<16xf32>,
          %mul3A_963 = vector.broadcast %squeeze3A : f32 to vector<16xf32>
          %mul3A_964 = arith.mulf %get3A_962, %mul3A_963 : vector<16xf32>
          %swap3A_965 = arith.constant 1 : i32
          %swap3A_966 = arith.index_cast %swap3A_965 : i32 to index
          %swap3A_967 = arith.index_cast %scan3A_269 : i32 to index
          %swap3A_968 = arith.constant 912 : index
          %swap3A_969 = tpu.vector_load %arg9[%swap3A_966, %swap3A_967, %swap3A_968] {strides = array<i32>} : memref<4x8x1024xf32, #tpu.memory_space<vmem>>, vector<16xf32>,
          tpu.vector_store %arg9[%swap3A_966, %swap3A_967, %swap3A_968], %mul3A_964 {add = true, strides = array<i32>} : memref<4x8x1024xf32, #tpu.memory_space<vmem>>, vector<16xf32>,
          %get3A_970 = arith.constant 1 : i32
          %get3A_971 = arith.index_cast %get3A_970 : i32 to index
          %get3A_972 = arith.index_cast %scan3A_269 : i32 to index
          %get3A_973 = arith.constant 928 : index
          %get3A_974 = tpu.vector_load %arg10[%get3A_971, %get3A_972, %get3A_973] {strides = array<i32>} : memref<4x8x1024xf32, #tpu.memory_space<vmem>>, vector<16xf32>,
          %mul3A_975 = vector.broadcast %squeeze3A : f32 to vector<16xf32>
          %mul3A_976 = arith.mulf %get3A_974, %mul3A_975 : vector<16xf32>
          %swap3A_977 = arith.constant 1 : i32
          %swap3A_978 = arith.index_cast %swap3A_977 : i32 to index
          %swap3A_979 = arith.index_cast %scan3A_269 : i32 to index
          %swap3A_980 = arith.constant 928 : index
          %swap3A_981 = tpu.vector_load %arg9[%swap3A_978, %swap3A_979, %swap3A_980] {strides = array<i32>} : memref<4x8x1024xf32, #tpu.memory_space<vmem>>, vector<16xf32>,
          tpu.vector_store %arg9[%swap3A_978, %swap3A_979, %swap3A_980], %mul3A_976 {add = true, strides = array<i32>} : memref<4x8x1024xf32, #tpu.memory_space<vmem>>, vector<16xf32>,
          %get3A_982 = arith.constant 1 : i32
          %get3A_983 = arith.index_cast %get3A_982 : i32 to index
          %get3A_984 = arith.index_cast %scan3A_269 : i32 to index
          %get3A_985 = arith.constant 944 : index
          %get3A_986 = tpu.vector_load %arg10[%get3A_983, %get3A_984, %get3A_985] {strides = array<i32>} : memref<4x8x1024xf32, #tpu.memory_space<vmem>>, vector<16xf32>,
          %mul3A_987 = vector.broadcast %squeeze3A : f32 to vector<16xf32>
          %mul3A_988 = arith.mulf %get3A_986, %mul3A_987 : vector<16xf32>
          %swap3A_989 = arith.constant 1 : i32
          %swap3A_990 = arith.index_cast %swap3A_989 : i32 to index
          %swap3A_991 = arith.index_cast %scan3A_269 : i32 to index
          %swap3A_992 = arith.constant 944 : index
          %swap3A_993 = tpu.vector_load %arg9[%swap3A_990, %swap3A_991, %swap3A_992] {strides = array<i32>} : memref<4x8x1024xf32, #tpu.memory_space<vmem>>, vector<16xf32>,
          tpu.vector_store %arg9[%swap3A_990, %swap3A_991, %swap3A_992], %mul3A_988 {add = true, strides = array<i32>} : memref<4x8x1024xf32, #tpu.memory_space<vmem>>, vector<16xf32>,
          %get3A_994 = arith.constant 1 : i32
          %get3A_995 = arith.index_cast %get3A_994 : i32 to index
          %get3A_996 = arith.index_cast %scan3A_269 : i32 to index
          %get3A_997 = arith.constant 960 : index
          %get3A_998 = tpu.vector_load %arg10[%get3A_995, %get3A_996, %get3A_997] {strides = array<i32>} : memref<4x8x1024xf32, #tpu.memory_space<vmem>>, vector<16xf32>,
          %mul3A_999 = vector.broadcast %squeeze3A : f32 to vector<16xf32>
          %mul3A_1000 = arith.mulf %get3A_998, %mul3A_999 : vector<16xf32>
          %swap3A_1001 = arith.constant 1 : i32
          %swap3A_1002 = arith.index_cast %swap3A_1001 : i32 to index
          %swap3A_1003 = arith.index_cast %scan3A_269 : i32 to index
          %swap3A_1004 = arith.constant 960 : index
          %swap3A_1005 = tpu.vector_load %arg9[%swap3A_1002, %swap3A_1003, %swap3A_1004] {strides = array<i32>} : memref<4x8x1024xf32, #tpu.memory_space<vmem>>, vector<16xf32>,
          tpu.vector_store %arg9[%swap3A_1002, %swap3A_1003, %swap3A_1004], %mul3A_1000 {add = true, strides = array<i32>} : memref<4x8x1024xf32, #tpu.memory_space<vmem>>, vector<16xf32>,
          %get3A_1006 = arith.constant 1 : i32
          %get3A_1007 = arith.index_cast %get3A_1006 : i32 to index
          %get3A_1008 = arith.index_cast %scan3A_269 : i32 to index
          %get3A_1009 = arith.constant 976 : index
          %get3A_1010 = tpu.vector_load %arg10[%get3A_1007, %get3A_1008, %get3A_1009] {strides = array<i32>} : memref<4x8x1024xf32, #tpu.memory_space<vmem>>, vector<16xf32>,
          %mul3A_1011 = vector.broadcast %squeeze3A : f32 to vector<16xf32>
          %mul3A_1012 = arith.mulf %get3A_1010, %mul3A_1011 : vector<16xf32>
          %swap3A_1013 = arith.constant 1 : i32
          %swap3A_1014 = arith.index_cast %swap3A_1013 : i32 to index
          %swap3A_1015 = arith.index_cast %scan3A_269 : i32 to index
          %swap3A_1016 = arith.constant 976 : index
          %swap3A_1017 = tpu.vector_load %arg9[%swap3A_1014, %swap3A_1015, %swap3A_1016] {strides = array<i32>} : memref<4x8x1024xf32, #tpu.memory_space<vmem>>, vector<16xf32>,
          tpu.vector_store %arg9[%swap3A_1014, %swap3A_1015, %swap3A_1016], %mul3A_1012 {add = true, strides = array<i32>} : memref<4x8x1024xf32, #tpu.memory_space<vmem>>, vector<16xf32>,
          %get3A_1018 = arith.constant 1 : i32
          %get3A_1019 = arith.index_cast %get3A_1018 : i32 to index
          %get3A_1020 = arith.index_cast %scan3A_269 : i32 to index
          %get3A_1021 = arith.constant 992 : index
          %get3A_1022 = tpu.vector_load %arg10[%get3A_1019, %get3A_1020, %get3A_1021] {strides = array<i32>} : memref<4x8x1024xf32, #tpu.memory_space<vmem>>, vector<16xf32>,
          %mul3A_1023 = vector.broadcast %squeeze3A : f32 to vector<16xf32>
          %mul3A_1024 = arith.mulf %get3A_1022, %mul3A_1023 : vector<16xf32>
          %swap3A_1025 = arith.constant 1 : i32
          %swap3A_1026 = arith.index_cast %swap3A_1025 : i32 to index
          %swap3A_1027 = arith.index_cast %scan3A_269 : i32 to index
          %swap3A_1028 = arith.constant 992 : index
          %swap3A_1029 = tpu.vector_load %arg9[%swap3A_1026, %swap3A_1027, %swap3A_1028] {strides = array<i32>} : memref<4x8x1024xf32, #tpu.memory_space<vmem>>, vector<16xf32>,
          tpu.vector_store %arg9[%swap3A_1026, %swap3A_1027, %swap3A_1028], %mul3A_1024 {add = true, strides = array<i32>} : memref<4x8x1024xf32, #tpu.memory_space<vmem>>, vector<16xf32>,
          %get3A_1030 = arith.constant 1 : i32
          %get3A_1031 = arith.index_cast %get3A_1030 : i32 to index
          %get3A_1032 = arith.index_cast %scan3A_269 : i32 to index
          %get3A_1033 = arith.constant 1008 : index
          %get3A_1034 = tpu.vector_load %arg10[%get3A_1031, %get3A_1032, %get3A_1033] {strides = array<i32>} : memref<4x8x1024xf32, #tpu.memory_space<vmem>>, vector<16xf32>,
          %mul3A_1035 = vector.broadcast %squeeze3A : f32 to vector<16xf32>
          %mul3A_1036 = arith.mulf %get3A_1034, %mul3A_1035 : vector<16xf32>
          %swap3A_1037 = arith.constant 1 : i32
          %swap3A_1038 = arith.index_cast %swap3A_1037 : i32 to index
          %swap3A_1039 = arith.index_cast %scan3A_269 : i32 to index
          %swap3A_1040 = arith.constant 1008 : index
          %swap3A_1041 = tpu.vector_load %arg9[%swap3A_1038, %swap3A_1039, %swap3A_1040] {strides = array<i32>} : memref<4x8x1024xf32, #tpu.memory_space<vmem>>, vector<16xf32>,
          tpu.vector_store %arg9[%swap3A_1038, %swap3A_1039, %swap3A_1040], %mul3A_1036 {add = true, strides = array<i32>} : memref<4x8x1024xf32, #tpu.memory_space<vmem>>, vector<16xf32>,
          %scan3A_1042 = arith.constant 0 : i32
          scf.yield %scan3A_1042 : i32
        }
        %scan3A_242 = arith.constant 8 : i32
        %mul3A_243 = arith.constant 8 : i32
        %mul3A_244 = arith.muli %scan3A_181, %mul3A_243 : i32
        %add3A_245 = arith.addi %mul3A_2, %mul3A_244 : i32
        %dma_start3A_246 = arith.constant 1 : i32
        %dma_start3A_247 = arith.constant 1 : i32
        %dma_start3A_248 = arith.constant 0 : i32
        %dma_start3A_249 = arith.constant 0 : i32
        %dma_start3A_250 = tpu.memref_slice %arg9[%dma_start3A_246, %dma_start3A_248, %dma_start3A_249] : memref<4x8x1024xf32, #tpu.memory_space<vmem>> -> memref<1x8x1024xf32, #tpu.memory_space<vmem>>
        %dma_start3A_251 = tpu.memref_squeeze %dma_start3A_250 : memref<1x8x1024xf32, #tpu.memory_space<vmem>> -> memref<8x1024xf32, #tpu.memory_space<vmem>>
        %dma_start3A_252 = arith.constant 0 : i32
        %dma_start3A_253 = tpu.memref_slice %arg6[%add3A_245, %dma_start3A_252] : memref<32768x1024xf32, #tpu.memory_space<hbm>> -> memref<8x1024xf32, #tpu.memory_space<hbm>>
        %dma_start3A_254 = tpu.memref_slice %arg12[%dma_start3A_247] : memref<4x!tpu.dma_semaphore, #tpu.memory_space<semaphore_mem>> -> memref<1x!tpu.dma_semaphore, #tpu.memory_space<semaphore_mem>>
        %dma_start3A_255 = tpu.memref_squeeze %dma_start3A_254 : memref<1x!tpu.dma_semaphore, #tpu.memory_space<semaphore_mem>> -> memref<!tpu.dma_semaphore, #tpu.memory_space<semaphore_mem>>
        %dma_start3A_256 = arith.constant 0 : i32
        %dma_start3A_257 = tpu.memref_slice %arg6[%add3A_245, %dma_start3A_256] : memref<32768x1024xf32, #tpu.memory_space<hbm>> -> memref<8x1024xf32, #tpu.memory_space<hbm>>
        %dma_start3A_258 = arith.constant 0 : i32
        %dma_start3A_259 = arith.constant 0 : i32
        %dma_start3A_260 = tpu.memref_slice %arg9[%dma_start3A_246, %dma_start3A_258, %dma_start3A_259] : memref<4x8x1024xf32, #tpu.memory_space<vmem>> -> memref<1x8x1024xf32, #tpu.memory_space<vmem>>
        %dma_start3A_261 = tpu.memref_squeeze %dma_start3A_260 : memref<1x8x1024xf32, #tpu.memory_space<vmem>> -> memref<8x1024xf32, #tpu.memory_space<vmem>>
        tpu.enqueue_dma source(%dma_start3A_261 : memref<8x1024xf32, #tpu.memory_space<vmem>>) target(%dma_start3A_257 : memref<8x1024xf32, #tpu.memory_space<hbm>>) target_semaphore(%dma_start3A_255 : memref<!tpu.dma_semaphore, #tpu.memory_space<semaphore_mem>>)
        %add3A_262 = arith.constant 4 : i32
        %add3A_263 = arith.addi %scan3A_181, %add3A_262 : i32
        %sub3A = arith.constant 1 : i32
        %sub3A_264 = arith.subi %add3A_263, %sub3A : i32
        %lt3A = arith.constant 128 : i32
        %lt3A_265 = arith.cmpi slt, %sub3A_264, %lt3A : i32
        %convert_element_type3A_266 = arith.extui %lt3A_265 : i1 to i32
        %cond3A_267 = arith.constant 0 : i32
        %cond3A_268 = arith.cmpi ne, %convert_element_type3A_266, %cond3A_267 : i32
        scf.if %cond3A_268 {
          %ge3A = arith.constant 4 : i32
          %ge3A_269 = arith.cmpi sge, %sub3A_264, %ge3A : i32
          %convert_element_type3A_270 = arith.extui %ge3A_269 : i1 to i32
          %cond3A_271 = arith.constant 0 : i32
          %cond3A_272 = arith.cmpi ne, %convert_element_type3A_270, %cond3A_271 : i32
          scf.if %cond3A_272 {
            %sub3A_307 = arith.constant 4 : i32
            %sub3A_308 = arith.subi %sub3A_264, %sub3A_307 : i32
            %mul3A_309 = arith.constant 8 : i32
            %mul3A_310 = arith.muli %sub3A_308, %mul3A_309 : i32
            %add3A_311 = arith.addi %mul3A_2, %mul3A_310 : i32
            %dma_wait3A_312 = arith.constant 0 : i32
            %dma_wait3A_313 = arith.constant 0 : i32
            %dma_wait3A_314 = arith.constant 0 : i32
            %dma_wait3A_315 = arith.constant 0 : i32
            %dma_wait3A_316 = tpu.memref_slice %arg9[%dma_wait3A_312, %dma_wait3A_314, %dma_wait3A_315] : memref<4x8x1024xf32, #tpu.memory_space<vmem>> -> memref<1x8x1024xf32, #tpu.memory_space<vmem>>
            %dma_wait3A_317 = tpu.memref_squeeze %dma_wait3A_316 : memref<1x8x1024xf32, #tpu.memory_space<vmem>> -> memref<8x1024xf32, #tpu.memory_space<vmem>>
            %dma_wait3A_318 = arith.constant 0 : i32
            %dma_wait3A_319 = tpu.memref_slice %arg6[%add3A_311, %dma_wait3A_318] : memref<32768x1024xf32, #tpu.memory_space<hbm>> -> memref<8x1024xf32, #tpu.memory_space<hbm>>
            %dma_wait3A_320 = tpu.memref_slice %arg12[%dma_wait3A_313] : memref<4x!tpu.dma_semaphore, #tpu.memory_space<semaphore_mem>> -> memref<1x!tpu.dma_semaphore, #tpu.memory_space<semaphore_mem>>
            %dma_wait3A_321 = tpu.memref_squeeze %dma_wait3A_320 : memref<1x!tpu.dma_semaphore, #tpu.memory_space<semaphore_mem>> -> memref<!tpu.dma_semaphore, #tpu.memory_space<semaphore_mem>>
            %dma_wait3A_322 = arith.constant 0 : i32
            %dma_wait3A_323 = tpu.memref_slice %arg6[%add3A_311, %dma_wait3A_322] : memref<32768x1024xf32, #tpu.memory_space<hbm>> -> memref<8x1024xf32, #tpu.memory_space<hbm>>
            %dma_wait3A_324 = arith.constant 0 : i32
            %dma_wait3A_325 = arith.constant 0 : i32
            %dma_wait3A_326 = tpu.memref_slice %arg9[%dma_wait3A_312, %dma_wait3A_324, %dma_wait3A_325] : memref<4x8x1024xf32, #tpu.memory_space<vmem>> -> memref<1x8x1024xf32, #tpu.memory_space<vmem>>
            %dma_wait3A_327 = tpu.memref_squeeze %dma_wait3A_326 : memref<1x8x1024xf32, #tpu.memory_space<vmem>> -> memref<8x1024xf32, #tpu.memory_space<vmem>>
            tpu.wait_dma2 semaphore(%dma_wait3A_321 : memref<!tpu.dma_semaphore, #tpu.memory_space<semaphore_mem>>) src(%dma_wait3A_327 : memref<8x1024xf32, #tpu.memory_space<vmem>>) dst(%dma_wait3A_323 : memref<8x1024xf32, #tpu.memory_space<hbm>>)
          } else {
          }
          %mul3A_273 = arith.constant 8 : i32
          %mul3A_274 = arith.muli %sub3A_264, %mul3A_273 : i32
          %add3A_275 = arith.addi %mul3A_2, %mul3A_274 : i32
          %mul3A_276 = arith.constant 8 : i32
          %mul3A_277 = arith.muli %sub3A_264, %mul3A_276 : i32
          %multiple_of3A_278 = tpu.assume_multiple %mul3A_277, 8 : i32
          %dma_start3A_279 = arith.constant 0 : i32
          %dma_start3A_280 = arith.constant 0 : i32
          %dma_start3A_281 = arith.constant 0 : i32
          %dma_start3A_282 = arith.constant 0 : i32
          %dma_start3A_283 = tpu.memref_slice %arg9[%dma_start3A_279, %dma_start3A_281, %dma_start3A_282] : memref<4x8x1024xf32, #tpu.memory_space<vmem>> -> memref<1x8x1024xf32, #tpu.memory_space<vmem>>
          %dma_start3A_284 = tpu.memref_squeeze %dma_start3A_283 : memref<1x8x1024xf32, #tpu.memory_space<vmem>> -> memref<8x1024xf32, #tpu.memory_space<vmem>>
          %dma_start3A_285 = arith.constant 0 : i32
          %dma_start3A_286 = tpu.memref_slice %arg2[%add3A_275, %dma_start3A_285] : memref<32768x1024xf32, #tpu.memory_space<hbm>> -> memref<8x1024xf32, #tpu.memory_space<hbm>>
          %dma_start3A_287 = tpu.memref_slice %arg11[%dma_start3A_280] : memref<4x!tpu.dma_semaphore, #tpu.memory_space<semaphore_mem>> -> memref<1x!tpu.dma_semaphore, #tpu.memory_space<semaphore_mem>>
          %dma_start3A_288 = tpu.memref_squeeze %dma_start3A_287 : memref<1x!tpu.dma_semaphore, #tpu.memory_space<semaphore_mem>> -> memref<!tpu.dma_semaphore, #tpu.memory_space<semaphore_mem>>
          %dma_start3A_289 = arith.constant 0 : i32
          %dma_start3A_290 = arith.constant 0 : i32
          %dma_start3A_291 = tpu.memref_slice %arg9[%dma_start3A_279, %dma_start3A_289, %dma_start3A_290] : memref<4x8x1024xf32, #tpu.memory_space<vmem>> -> memref<1x8x1024xf32, #tpu.memory_space<vmem>>
          %dma_start3A_292 = tpu.memref_squeeze %dma_start3A_291 : memref<1x8x1024xf32, #tpu.memory_space<vmem>> -> memref<8x1024xf32, #tpu.memory_space<vmem>>
          %dma_start3A_293 = arith.constant 0 : i32
          %dma_start3A_294 = tpu.memref_slice %arg2[%add3A_275, %dma_start3A_293] : memref<32768x1024xf32, #tpu.memory_space<hbm>> -> memref<8x1024xf32, #tpu.memory_space<hbm>>
          tpu.enqueue_dma source(%dma_start3A_294 : memref<8x1024xf32, #tpu.memory_space<hbm>>) target(%dma_start3A_292 : memref<8x1024xf32, #tpu.memory_space<vmem>>) target_semaphore(%dma_start3A_288 : memref<!tpu.dma_semaphore, #tpu.memory_space<semaphore_mem>>)
          %dma_start3A_295 = arith.constant 0 : i32
          %dma_start3A_296 = arith.constant 0 : i32
          %dma_start3A_297 = arith.constant 0 : i32
          %dma_start3A_298 = arith.constant 0 : i32
          %dma_start3A_299 = tpu.memref_slice %arg10[%dma_start3A_295, %dma_start3A_297, %dma_start3A_298] : memref<4x8x1024xf32, #tpu.memory_space<vmem>> -> memref<1x8x1024xf32, #tpu.memory_space<vmem>>
          %dma_start3A_300 = tpu.memref_squeeze %dma_start3A_299 : memref<1x8x1024xf32, #tpu.memory_space<vmem>> -> memref<8x1024xf32, #tpu.memory_space<vmem>>
          %dma_start3A_301 = tpu.memref_slice %arg7[%multiple_of3A_278] : memref<1024xi32, #tpu.memory_space<vmem>> -> memref<8xi32, #tpu.memory_space<vmem>>
          %dma_start3A_302 = arith.constant 0 : i32
          %dma_start3A_303 = arith.constant 0 : i32
          %dma_start3A_304 = tpu.memref_slice %arg5[%dma_start3A_302, %dma_start3A_303] : memref<8192x1024xf32, #tpu.memory_space<hbm>> -> memref<8192x1024xf32, #tpu.memory_space<hbm>>
          %dma_start3A_305 = tpu.memref_slice %arg11[%dma_start3A_296] : memref<4x!tpu.dma_semaphore, #tpu.memory_space<semaphore_mem>> -> memref<1x!tpu.dma_semaphore, #tpu.memory_space<semaphore_mem>>
          %dma_start3A_306 = tpu.memref_squeeze %dma_start3A_305 : memref<1x!tpu.dma_semaphore, #tpu.memory_space<semaphore_mem>> -> memref<!tpu.dma_semaphore, #tpu.memory_space<semaphore_mem>>
          tpu.enqueue_indirect_dma source(%dma_start3A_304 : memref<8192x1024xf32, #tpu.memory_space<hbm>>) target(%dma_start3A_300 : memref<8x1024xf32, #tpu.memory_space<vmem>>) offsets(%dma_start3A_301 : memref<8xi32, #tpu.memory_space<vmem>>) semaphore(%dma_start3A_306 : memref<!tpu.dma_semaphore, #tpu.memory_space<semaphore_mem>>)
        } else {
        }
      } else {
      }
      %eq3A_191 = arith.constant 2 : i32
      %eq3A_192 = arith.cmpi eq, %rem3A_183, %eq3A_191 : i32
      %convert_element_type3A_193 = arith.extui %eq3A_192 : i1 to i32
      %cond3A_194 = arith.constant 0 : i32
      %cond3A_195 = arith.cmpi ne, %convert_element_type3A_193, %cond3A_194 : i32
      scf.if %cond3A_195 {
        %mul3A_202 = arith.constant 8 : i32
        %mul3A_203 = arith.muli %scan3A_181, %mul3A_202 : i32
        %add3A_204 = arith.addi %mul3A_2, %mul3A_203 : i32
        %mul3A_205 = arith.constant 8 : i32
        %mul3A_206 = arith.muli %scan3A_181, %mul3A_205 : i32
        %multiple_of3A_207 = tpu.assume_multiple %mul3A_206, 8 : i32
        %dma_wait3A_208 = arith.constant 2 : i32
        %dma_wait3A_209 = arith.constant 2 : i32
        %dma_wait3A_210 = arith.constant 0 : i32
        %dma_wait3A_211 = arith.constant 0 : i32
        %dma_wait3A_212 = tpu.memref_slice %arg9[%dma_wait3A_208, %dma_wait3A_210, %dma_wait3A_211] : memref<4x8x1024xf32, #tpu.memory_space<vmem>> -> memref<1x8x1024xf32, #tpu.memory_space<vmem>>
        %dma_wait3A_213 = tpu.memref_squeeze %dma_wait3A_212 : memref<1x8x1024xf32, #tpu.memory_space<vmem>> -> memref<8x1024xf32, #tpu.memory_space<vmem>>
        %dma_wait3A_214 = arith.constant 0 : i32
        %dma_wait3A_215 = tpu.memref_slice %arg2[%add3A_204, %dma_wait3A_214] : memref<32768x1024xf32, #tpu.memory_space<hbm>> -> memref<8x1024xf32, #tpu.memory_space<hbm>>
        %dma_wait3A_216 = tpu.memref_slice %arg11[%dma_wait3A_209] : memref<4x!tpu.dma_semaphore, #tpu.memory_space<semaphore_mem>> -> memref<1x!tpu.dma_semaphore, #tpu.memory_space<semaphore_mem>>
        %dma_wait3A_217 = tpu.memref_squeeze %dma_wait3A_216 : memref<1x!tpu.dma_semaphore, #tpu.memory_space<semaphore_mem>> -> memref<!tpu.dma_semaphore, #tpu.memory_space<semaphore_mem>>
        %dma_wait3A_218 = arith.constant 0 : i32
        %dma_wait3A_219 = arith.constant 0 : i32
        %dma_wait3A_220 = tpu.memref_slice %arg9[%dma_wait3A_208, %dma_wait3A_218, %dma_wait3A_219] : memref<4x8x1024xf32, #tpu.memory_space<vmem>> -> memref<1x8x1024xf32, #tpu.memory_space<vmem>>
        %dma_wait3A_221 = tpu.memref_squeeze %dma_wait3A_220 : memref<1x8x1024xf32, #tpu.memory_space<vmem>> -> memref<8x1024xf32, #tpu.memory_space<vmem>>
        %dma_wait3A_222 = arith.constant 0 : i32
        %dma_wait3A_223 = tpu.memref_slice %arg2[%add3A_204, %dma_wait3A_222] : memref<32768x1024xf32, #tpu.memory_space<hbm>> -> memref<8x1024xf32, #tpu.memory_space<hbm>>
        tpu.wait_dma2 semaphore(%dma_wait3A_217 : memref<!tpu.dma_semaphore, #tpu.memory_space<semaphore_mem>>) src(%dma_wait3A_223 : memref<8x1024xf32, #tpu.memory_space<hbm>>) dst(%dma_wait3A_221 : memref<8x1024xf32, #tpu.memory_space<vmem>>)
        %dma_wait3A_224 = arith.constant 2 : i32
        %dma_wait3A_225 = arith.constant 2 : i32
        %dma_wait3A_226 = arith.constant 0 : i32
        %dma_wait3A_227 = arith.constant 0 : i32
        %dma_wait3A_228 = tpu.memref_slice %arg10[%dma_wait3A_224, %dma_wait3A_226, %dma_wait3A_227] : memref<4x8x1024xf32, #tpu.memory_space<vmem>> -> memref<1x8x1024xf32, #tpu.memory_space<vmem>>
        %dma_wait3A_229 = tpu.memref_squeeze %dma_wait3A_228 : memref<1x8x1024xf32, #tpu.memory_space<vmem>> -> memref<8x1024xf32, #tpu.memory_space<vmem>>
        %dma_wait3A_230 = tpu.memref_slice %arg7[%multiple_of3A_207] : memref<1024xi32, #tpu.memory_space<vmem>> -> memref<8xi32, #tpu.memory_space<vmem>>
        %dma_wait3A_231 = arith.constant 0 : i32
        %dma_wait3A_232 = arith.constant 0 : i32
        %dma_wait3A_233 = tpu.memref_slice %arg5[%dma_wait3A_231, %dma_wait3A_232] : memref<8192x1024xf32, #tpu.memory_space<hbm>> -> memref<8192x1024xf32, #tpu.memory_space<hbm>>
        %dma_wait3A_234 = tpu.memref_slice %arg11[%dma_wait3A_225] : memref<4x!tpu.dma_semaphore, #tpu.memory_space<semaphore_mem>> -> memref<1x!tpu.dma_semaphore, #tpu.memory_space<semaphore_mem>>
        %dma_wait3A_235 = tpu.memref_squeeze %dma_wait3A_234 : memref<1x!tpu.dma_semaphore, #tpu.memory_space<semaphore_mem>> -> memref<!tpu.dma_semaphore, #tpu.memory_space<semaphore_mem>>
        tpu.wait_indirect_dma semaphore(%dma_wait3A_235 : memref<!tpu.dma_semaphore, #tpu.memory_space<semaphore_mem>>) src(%dma_wait3A_233 : memref<8192x1024xf32, #tpu.memory_space<hbm>>) dst(%dma_wait3A_229 : memref<8x1024xf32, #tpu.memory_space<vmem>>)
        %scan3A_236 = arith.constant 0 : i32
        %scan3A_237 = arith.constant 0 : i32
        %scan3A_238 = arith.constant 8 : i32
        %scan3A_239 = arith.addi %scan3A_237, %scan3A_238 : i32
        %scan3A_240 = arith.constant 1 : i32
        %scan3A_241 = scf.for %scan3A_269 = %scan3A_237 to %scan3A_239 step %scan3A_240 iter_args(%scan3A_270 = %scan3A_236) -> (i32)  : i32 {
          %mul3A_271 = arith.constant 8 : i32
          %mul3A_272 = arith.muli %scan3A_181, %mul3A_271 : i32
          %add3A_273 = arith.addi %mul3A_272, %scan3A_269 : i32
          %get3A = arith.index_cast %add3A_273 : i32 to index
          %get3A_274 = tpu.vector_load %arg8[%get3A] {strides = array<i32>} : memref<1040xf32, #tpu.memory_space<vmem>>, vector<16xf32>,
          %slice3A = vector.extract_strided_slice %get3A_274 {offsets = [0], sizes = [1], strides = [1]} : vector<16xf32> to vector<1xf32>
          %squeeze3A = vector.extract %slice3A[0] : f32 from vector<1xf32>
          %get3A_275 = arith.constant 2 : i32
          %get3A_276 = arith.index_cast %get3A_275 : i32 to index
          %get3A_277 = arith.index_cast %scan3A_269 : i32 to index
          %get3A_278 = arith.constant 0 : index
          %get3A_279 = tpu.vector_load %arg10[%get3A_276, %get3A_277, %get3A_278] {strides = array<i32>} : memref<4x8x1024xf32, #tpu.memory_space<vmem>>, vector<16xf32>,
          %mul3A_280 = vector.broadcast %squeeze3A : f32 to vector<16xf32>
          %mul3A_281 = arith.mulf %get3A_279, %mul3A_280 : vector<16xf32>
          %swap3A = arith.constant 2 : i32
          %swap3A_282 = arith.index_cast %swap3A : i32 to index
          %swap3A_283 = arith.index_cast %scan3A_269 : i32 to index
          %swap3A_284 = arith.constant 0 : index
          %swap3A_285 = tpu.vector_load %arg9[%swap3A_282, %swap3A_283, %swap3A_284] {strides = array<i32>} : memref<4x8x1024xf32, #tpu.memory_space<vmem>>, vector<16xf32>,
          tpu.vector_store %arg9[%swap3A_282, %swap3A_283, %swap3A_284], %mul3A_281 {add = true, strides = array<i32>} : memref<4x8x1024xf32, #tpu.memory_space<vmem>>, vector<16xf32>,
          %get3A_286 = arith.constant 2 : i32
          %get3A_287 = arith.index_cast %get3A_286 : i32 to index
          %get3A_288 = arith.index_cast %scan3A_269 : i32 to index
          %get3A_289 = arith.constant 16 : index
          %get3A_290 = tpu.vector_load %arg10[%get3A_287, %get3A_288, %get3A_289] {strides = array<i32>} : memref<4x8x1024xf32, #tpu.memory_space<vmem>>, vector<16xf32>,
          %mul3A_291 = vector.broadcast %squeeze3A : f32 to vector<16xf32>
          %mul3A_292 = arith.mulf %get3A_290, %mul3A_291 : vector<16xf32>
          %swap3A_293 = arith.constant 2 : i32
          %swap3A_294 = arith.index_cast %swap3A_293 : i32 to index
          %swap3A_295 = arith.index_cast %scan3A_269 : i32 to index
          %swap3A_296 = arith.constant 16 : index
          %swap3A_297 = tpu.vector_load %arg9[%swap3A_294, %swap3A_295, %swap3A_296] {strides = array<i32>} : memref<4x8x1024xf32, #tpu.memory_space<vmem>>, vector<16xf32>,
          tpu.vector_store %arg9[%swap3A_294, %swap3A_295, %swap3A_296], %mul3A_292 {add = true, strides = array<i32>} : memref<4x8x1024xf32, #tpu.memory_space<vmem>>, vector<16xf32>,
          %get3A_298 = arith.constant 2 : i32
          %get3A_299 = arith.index_cast %get3A_298 : i32 to index
          %get3A_300 = arith.index_cast %scan3A_269 : i32 to index
          %get3A_301 = arith.constant 32 : index
          %get3A_302 = tpu.vector_load %arg10[%get3A_299, %get3A_300, %get3A_301] {strides = array<i32>} : memref<4x8x1024xf32, #tpu.memory_space<vmem>>, vector<16xf32>,
          %mul3A_303 = vector.broadcast %squeeze3A : f32 to vector<16xf32>
          %mul3A_304 = arith.mulf %get3A_302, %mul3A_303 : vector<16xf32>
          %swap3A_305 = arith.constant 2 : i32
          %swap3A_306 = arith.index_cast %swap3A_305 : i32 to index
          %swap3A_307 = arith.index_cast %scan3A_269 : i32 to index
          %swap3A_308 = arith.constant 32 : index
          %swap3A_309 = tpu.vector_load %arg9[%swap3A_306, %swap3A_307, %swap3A_308] {strides = array<i32>} : memref<4x8x1024xf32, #tpu.memory_space<vmem>>, vector<16xf32>,
          tpu.vector_store %arg9[%swap3A_306, %swap3A_307, %swap3A_308], %mul3A_304 {add = true, strides = array<i32>} : memref<4x8x1024xf32, #tpu.memory_space<vmem>>, vector<16xf32>,
          %get3A_310 = arith.constant 2 : i32
          %get3A_311 = arith.index_cast %get3A_310 : i32 to index
          %get3A_312 = arith.index_cast %scan3A_269 : i32 to index
          %get3A_313 = arith.constant 48 : index
          %get3A_314 = tpu.vector_load %arg10[%get3A_311, %get3A_312, %get3A_313] {strides = array<i32>} : memref<4x8x1024xf32, #tpu.memory_space<vmem>>, vector<16xf32>,
          %mul3A_315 = vector.broadcast %squeeze3A : f32 to vector<16xf32>
          %mul3A_316 = arith.mulf %get3A_314, %mul3A_315 : vector<16xf32>
          %swap3A_317 = arith.constant 2 : i32
          %swap3A_318 = arith.index_cast %swap3A_317 : i32 to index
          %swap3A_319 = arith.index_cast %scan3A_269 : i32 to index
          %swap3A_320 = arith.constant 48 : index
          %swap3A_321 = tpu.vector_load %arg9[%swap3A_318, %swap3A_319, %swap3A_320] {strides = array<i32>} : memref<4x8x1024xf32, #tpu.memory_space<vmem>>, vector<16xf32>,
          tpu.vector_store %arg9[%swap3A_318, %swap3A_319, %swap3A_320], %mul3A_316 {add = true, strides = array<i32>} : memref<4x8x1024xf32, #tpu.memory_space<vmem>>, vector<16xf32>,
          %get3A_322 = arith.constant 2 : i32
          %get3A_323 = arith.index_cast %get3A_322 : i32 to index
          %get3A_324 = arith.index_cast %scan3A_269 : i32 to index
          %get3A_325 = arith.constant 64 : index
          %get3A_326 = tpu.vector_load %arg10[%get3A_323, %get3A_324, %get3A_325] {strides = array<i32>} : memref<4x8x1024xf32, #tpu.memory_space<vmem>>, vector<16xf32>,
          %mul3A_327 = vector.broadcast %squeeze3A : f32 to vector<16xf32>
          %mul3A_328 = arith.mulf %get3A_326, %mul3A_327 : vector<16xf32>
          %swap3A_329 = arith.constant 2 : i32
          %swap3A_330 = arith.index_cast %swap3A_329 : i32 to index
          %swap3A_331 = arith.index_cast %scan3A_269 : i32 to index
          %swap3A_332 = arith.constant 64 : index
          %swap3A_333 = tpu.vector_load %arg9[%swap3A_330, %swap3A_331, %swap3A_332] {strides = array<i32>} : memref<4x8x1024xf32, #tpu.memory_space<vmem>>, vector<16xf32>,
          tpu.vector_store %arg9[%swap3A_330, %swap3A_331, %swap3A_332], %mul3A_328 {add = true, strides = array<i32>} : memref<4x8x1024xf32, #tpu.memory_space<vmem>>, vector<16xf32>,
          %get3A_334 = arith.constant 2 : i32
          %get3A_335 = arith.index_cast %get3A_334 : i32 to index
          %get3A_336 = arith.index_cast %scan3A_269 : i32 to index
          %get3A_337 = arith.constant 80 : index
          %get3A_338 = tpu.vector_load %arg10[%get3A_335, %get3A_336, %get3A_337] {strides = array<i32>} : memref<4x8x1024xf32, #tpu.memory_space<vmem>>, vector<16xf32>,
          %mul3A_339 = vector.broadcast %squeeze3A : f32 to vector<16xf32>
          %mul3A_340 = arith.mulf %get3A_338, %mul3A_339 : vector<16xf32>
          %swap3A_341 = arith.constant 2 : i32
          %swap3A_342 = arith.index_cast %swap3A_341 : i32 to index
          %swap3A_343 = arith.index_cast %scan3A_269 : i32 to index
          %swap3A_344 = arith.constant 80 : index
          %swap3A_345 = tpu.vector_load %arg9[%swap3A_342, %swap3A_343, %swap3A_344] {strides = array<i32>} : memref<4x8x1024xf32, #tpu.memory_space<vmem>>, vector<16xf32>,
          tpu.vector_store %arg9[%swap3A_342, %swap3A_343, %swap3A_344], %mul3A_340 {add = true, strides = array<i32>} : memref<4x8x1024xf32, #tpu.memory_space<vmem>>, vector<16xf32>,
          %get3A_346 = arith.constant 2 : i32
          %get3A_347 = arith.index_cast %get3A_346 : i32 to index
          %get3A_348 = arith.index_cast %scan3A_269 : i32 to index
          %get3A_349 = arith.constant 96 : index
          %get3A_350 = tpu.vector_load %arg10[%get3A_347, %get3A_348, %get3A_349] {strides = array<i32>} : memref<4x8x1024xf32, #tpu.memory_space<vmem>>, vector<16xf32>,
          %mul3A_351 = vector.broadcast %squeeze3A : f32 to vector<16xf32>
          %mul3A_352 = arith.mulf %get3A_350, %mul3A_351 : vector<16xf32>
          %swap3A_353 = arith.constant 2 : i32
          %swap3A_354 = arith.index_cast %swap3A_353 : i32 to index
          %swap3A_355 = arith.index_cast %scan3A_269 : i32 to index
          %swap3A_356 = arith.constant 96 : index
          %swap3A_357 = tpu.vector_load %arg9[%swap3A_354, %swap3A_355, %swap3A_356] {strides = array<i32>} : memref<4x8x1024xf32, #tpu.memory_space<vmem>>, vector<16xf32>,
          tpu.vector_store %arg9[%swap3A_354, %swap3A_355, %swap3A_356], %mul3A_352 {add = true, strides = array<i32>} : memref<4x8x1024xf32, #tpu.memory_space<vmem>>, vector<16xf32>,
          %get3A_358 = arith.constant 2 : i32
          %get3A_359 = arith.index_cast %get3A_358 : i32 to index
          %get3A_360 = arith.index_cast %scan3A_269 : i32 to index
          %get3A_361 = arith.constant 112 : index
          %get3A_362 = tpu.vector_load %arg10[%get3A_359, %get3A_360, %get3A_361] {strides = array<i32>} : memref<4x8x1024xf32, #tpu.memory_space<vmem>>, vector<16xf32>,
          %mul3A_363 = vector.broadcast %squeeze3A : f32 to vector<16xf32>
          %mul3A_364 = arith.mulf %get3A_362, %mul3A_363 : vector<16xf32>
          %swap3A_365 = arith.constant 2 : i32
          %swap3A_366 = arith.index_cast %swap3A_365 : i32 to index
          %swap3A_367 = arith.index_cast %scan3A_269 : i32 to index
          %swap3A_368 = arith.constant 112 : index
          %swap3A_369 = tpu.vector_load %arg9[%swap3A_366, %swap3A_367, %swap3A_368] {strides = array<i32>} : memref<4x8x1024xf32, #tpu.memory_space<vmem>>, vector<16xf32>,
          tpu.vector_store %arg9[%swap3A_366, %swap3A_367, %swap3A_368], %mul3A_364 {add = true, strides = array<i32>} : memref<4x8x1024xf32, #tpu.memory_space<vmem>>, vector<16xf32>,
          %get3A_370 = arith.constant 2 : i32
          %get3A_371 = arith.index_cast %get3A_370 : i32 to index
          %get3A_372 = arith.index_cast %scan3A_269 : i32 to index
          %get3A_373 = arith.constant 128 : index
          %get3A_374 = tpu.vector_load %arg10[%get3A_371, %get3A_372, %get3A_373] {strides = array<i32>} : memref<4x8x1024xf32, #tpu.memory_space<vmem>>, vector<16xf32>,
          %mul3A_375 = vector.broadcast %squeeze3A : f32 to vector<16xf32>
          %mul3A_376 = arith.mulf %get3A_374, %mul3A_375 : vector<16xf32>
          %swap3A_377 = arith.constant 2 : i32
          %swap3A_378 = arith.index_cast %swap3A_377 : i32 to index
          %swap3A_379 = arith.index_cast %scan3A_269 : i32 to index
          %swap3A_380 = arith.constant 128 : index
          %swap3A_381 = tpu.vector_load %arg9[%swap3A_378, %swap3A_379, %swap3A_380] {strides = array<i32>} : memref<4x8x1024xf32, #tpu.memory_space<vmem>>, vector<16xf32>,
          tpu.vector_store %arg9[%swap3A_378, %swap3A_379, %swap3A_380], %mul3A_376 {add = true, strides = array<i32>} : memref<4x8x1024xf32, #tpu.memory_space<vmem>>, vector<16xf32>,
          %get3A_382 = arith.constant 2 : i32
          %get3A_383 = arith.index_cast %get3A_382 : i32 to index
          %get3A_384 = arith.index_cast %scan3A_269 : i32 to index
          %get3A_385 = arith.constant 144 : index
          %get3A_386 = tpu.vector_load %arg10[%get3A_383, %get3A_384, %get3A_385] {strides = array<i32>} : memref<4x8x1024xf32, #tpu.memory_space<vmem>>, vector<16xf32>,
          %mul3A_387 = vector.broadcast %squeeze3A : f32 to vector<16xf32>
          %mul3A_388 = arith.mulf %get3A_386, %mul3A_387 : vector<16xf32>
          %swap3A_389 = arith.constant 2 : i32
          %swap3A_390 = arith.index_cast %swap3A_389 : i32 to index
          %swap3A_391 = arith.index_cast %scan3A_269 : i32 to index
          %swap3A_392 = arith.constant 144 : index
          %swap3A_393 = tpu.vector_load %arg9[%swap3A_390, %swap3A_391, %swap3A_392] {strides = array<i32>} : memref<4x8x1024xf32, #tpu.memory_space<vmem>>, vector<16xf32>,
          tpu.vector_store %arg9[%swap3A_390, %swap3A_391, %swap3A_392], %mul3A_388 {add = true, strides = array<i32>} : memref<4x8x1024xf32, #tpu.memory_space<vmem>>, vector<16xf32>,
          %get3A_394 = arith.constant 2 : i32
          %get3A_395 = arith.index_cast %get3A_394 : i32 to index
          %get3A_396 = arith.index_cast %scan3A_269 : i32 to index
          %get3A_397 = arith.constant 160 : index
          %get3A_398 = tpu.vector_load %arg10[%get3A_395, %get3A_396, %get3A_397] {strides = array<i32>} : memref<4x8x1024xf32, #tpu.memory_space<vmem>>, vector<16xf32>,
          %mul3A_399 = vector.broadcast %squeeze3A : f32 to vector<16xf32>
          %mul3A_400 = arith.mulf %get3A_398, %mul3A_399 : vector<16xf32>
          %swap3A_401 = arith.constant 2 : i32
          %swap3A_402 = arith.index_cast %swap3A_401 : i32 to index
          %swap3A_403 = arith.index_cast %scan3A_269 : i32 to index
          %swap3A_404 = arith.constant 160 : index
          %swap3A_405 = tpu.vector_load %arg9[%swap3A_402, %swap3A_403, %swap3A_404] {strides = array<i32>} : memref<4x8x1024xf32, #tpu.memory_space<vmem>>, vector<16xf32>,
          tpu.vector_store %arg9[%swap3A_402, %swap3A_403, %swap3A_404], %mul3A_400 {add = true, strides = array<i32>} : memref<4x8x1024xf32, #tpu.memory_space<vmem>>, vector<16xf32>,
          %get3A_406 = arith.constant 2 : i32
          %get3A_407 = arith.index_cast %get3A_406 : i32 to index
          %get3A_408 = arith.index_cast %scan3A_269 : i32 to index
          %get3A_409 = arith.constant 176 : index
          %get3A_410 = tpu.vector_load %arg10[%get3A_407, %get3A_408, %get3A_409] {strides = array<i32>} : memref<4x8x1024xf32, #tpu.memory_space<vmem>>, vector<16xf32>,
          %mul3A_411 = vector.broadcast %squeeze3A : f32 to vector<16xf32>
          %mul3A_412 = arith.mulf %get3A_410, %mul3A_411 : vector<16xf32>
          %swap3A_413 = arith.constant 2 : i32
          %swap3A_414 = arith.index_cast %swap3A_413 : i32 to index
          %swap3A_415 = arith.index_cast %scan3A_269 : i32 to index
          %swap3A_416 = arith.constant 176 : index
          %swap3A_417 = tpu.vector_load %arg9[%swap3A_414, %swap3A_415, %swap3A_416] {strides = array<i32>} : memref<4x8x1024xf32, #tpu.memory_space<vmem>>, vector<16xf32>,
          tpu.vector_store %arg9[%swap3A_414, %swap3A_415, %swap3A_416], %mul3A_412 {add = true, strides = array<i32>} : memref<4x8x1024xf32, #tpu.memory_space<vmem>>, vector<16xf32>,
          %get3A_418 = arith.constant 2 : i32
          %get3A_419 = arith.index_cast %get3A_418 : i32 to index
          %get3A_420 = arith.index_cast %scan3A_269 : i32 to index
          %get3A_421 = arith.constant 192 : index
          %get3A_422 = tpu.vector_load %arg10[%get3A_419, %get3A_420, %get3A_421] {strides = array<i32>} : memref<4x8x1024xf32, #tpu.memory_space<vmem>>, vector<16xf32>,
          %mul3A_423 = vector.broadcast %squeeze3A : f32 to vector<16xf32>
          %mul3A_424 = arith.mulf %get3A_422, %mul3A_423 : vector<16xf32>
          %swap3A_425 = arith.constant 2 : i32
          %swap3A_426 = arith.index_cast %swap3A_425 : i32 to index
          %swap3A_427 = arith.index_cast %scan3A_269 : i32 to index
          %swap3A_428 = arith.constant 192 : index
          %swap3A_429 = tpu.vector_load %arg9[%swap3A_426, %swap3A_427, %swap3A_428] {strides = array<i32>} : memref<4x8x1024xf32, #tpu.memory_space<vmem>>, vector<16xf32>,
          tpu.vector_store %arg9[%swap3A_426, %swap3A_427, %swap3A_428], %mul3A_424 {add = true, strides = array<i32>} : memref<4x8x1024xf32, #tpu.memory_space<vmem>>, vector<16xf32>,
          %get3A_430 = arith.constant 2 : i32
          %get3A_431 = arith.index_cast %get3A_430 : i32 to index
          %get3A_432 = arith.index_cast %scan3A_269 : i32 to index
          %get3A_433 = arith.constant 208 : index
          %get3A_434 = tpu.vector_load %arg10[%get3A_431, %get3A_432, %get3A_433] {strides = array<i32>} : memref<4x8x1024xf32, #tpu.memory_space<vmem>>, vector<16xf32>,
          %mul3A_435 = vector.broadcast %squeeze3A : f32 to vector<16xf32>
          %mul3A_436 = arith.mulf %get3A_434, %mul3A_435 : vector<16xf32>
          %swap3A_437 = arith.constant 2 : i32
          %swap3A_438 = arith.index_cast %swap3A_437 : i32 to index
          %swap3A_439 = arith.index_cast %scan3A_269 : i32 to index
          %swap3A_440 = arith.constant 208 : index
          %swap3A_441 = tpu.vector_load %arg9[%swap3A_438, %swap3A_439, %swap3A_440] {strides = array<i32>} : memref<4x8x1024xf32, #tpu.memory_space<vmem>>, vector<16xf32>,
          tpu.vector_store %arg9[%swap3A_438, %swap3A_439, %swap3A_440], %mul3A_436 {add = true, strides = array<i32>} : memref<4x8x1024xf32, #tpu.memory_space<vmem>>, vector<16xf32>,
          %get3A_442 = arith.constant 2 : i32
          %get3A_443 = arith.index_cast %get3A_442 : i32 to index
          %get3A_444 = arith.index_cast %scan3A_269 : i32 to index
          %get3A_445 = arith.constant 224 : index
          %get3A_446 = tpu.vector_load %arg10[%get3A_443, %get3A_444, %get3A_445] {strides = array<i32>} : memref<4x8x1024xf32, #tpu.memory_space<vmem>>, vector<16xf32>,
          %mul3A_447 = vector.broadcast %squeeze3A : f32 to vector<16xf32>
          %mul3A_448 = arith.mulf %get3A_446, %mul3A_447 : vector<16xf32>
          %swap3A_449 = arith.constant 2 : i32
          %swap3A_450 = arith.index_cast %swap3A_449 : i32 to index
          %swap3A_451 = arith.index_cast %scan3A_269 : i32 to index
          %swap3A_452 = arith.constant 224 : index
          %swap3A_453 = tpu.vector_load %arg9[%swap3A_450, %swap3A_451, %swap3A_452] {strides = array<i32>} : memref<4x8x1024xf32, #tpu.memory_space<vmem>>, vector<16xf32>,
          tpu.vector_store %arg9[%swap3A_450, %swap3A_451, %swap3A_452], %mul3A_448 {add = true, strides = array<i32>} : memref<4x8x1024xf32, #tpu.memory_space<vmem>>, vector<16xf32>,
          %get3A_454 = arith.constant 2 : i32
          %get3A_455 = arith.index_cast %get3A_454 : i32 to index
          %get3A_456 = arith.index_cast %scan3A_269 : i32 to index
          %get3A_457 = arith.constant 240 : index
          %get3A_458 = tpu.vector_load %arg10[%get3A_455, %get3A_456, %get3A_457] {strides = array<i32>} : memref<4x8x1024xf32, #tpu.memory_space<vmem>>, vector<16xf32>,
          %mul3A_459 = vector.broadcast %squeeze3A : f32 to vector<16xf32>
          %mul3A_460 = arith.mulf %get3A_458, %mul3A_459 : vector<16xf32>
          %swap3A_461 = arith.constant 2 : i32
          %swap3A_462 = arith.index_cast %swap3A_461 : i32 to index
          %swap3A_463 = arith.index_cast %scan3A_269 : i32 to index
          %swap3A_464 = arith.constant 240 : index
          %swap3A_465 = tpu.vector_load %arg9[%swap3A_462, %swap3A_463, %swap3A_464] {strides = array<i32>} : memref<4x8x1024xf32, #tpu.memory_space<vmem>>, vector<16xf32>,
          tpu.vector_store %arg9[%swap3A_462, %swap3A_463, %swap3A_464], %mul3A_460 {add = true, strides = array<i32>} : memref<4x8x1024xf32, #tpu.memory_space<vmem>>, vector<16xf32>,
          %get3A_466 = arith.constant 2 : i32
          %get3A_467 = arith.index_cast %get3A_466 : i32 to index
          %get3A_468 = arith.index_cast %scan3A_269 : i32 to index
          %get3A_469 = arith.constant 256 : index
          %get3A_470 = tpu.vector_load %arg10[%get3A_467, %get3A_468, %get3A_469] {strides = array<i32>} : memref<4x8x1024xf32, #tpu.memory_space<vmem>>, vector<16xf32>,
          %mul3A_471 = vector.broadcast %squeeze3A : f32 to vector<16xf32>
          %mul3A_472 = arith.mulf %get3A_470, %mul3A_471 : vector<16xf32>
          %swap3A_473 = arith.constant 2 : i32
          %swap3A_474 = arith.index_cast %swap3A_473 : i32 to index
          %swap3A_475 = arith.index_cast %scan3A_269 : i32 to index
          %swap3A_476 = arith.constant 256 : index
          %swap3A_477 = tpu.vector_load %arg9[%swap3A_474, %swap3A_475, %swap3A_476] {strides = array<i32>} : memref<4x8x1024xf32, #tpu.memory_space<vmem>>, vector<16xf32>,
          tpu.vector_store %arg9[%swap3A_474, %swap3A_475, %swap3A_476], %mul3A_472 {add = true, strides = array<i32>} : memref<4x8x1024xf32, #tpu.memory_space<vmem>>, vector<16xf32>,
          %get3A_478 = arith.constant 2 : i32
          %get3A_479 = arith.index_cast %get3A_478 : i32 to index
          %get3A_480 = arith.index_cast %scan3A_269 : i32 to index
          %get3A_481 = arith.constant 272 : index
          %get3A_482 = tpu.vector_load %arg10[%get3A_479, %get3A_480, %get3A_481] {strides = array<i32>} : memref<4x8x1024xf32, #tpu.memory_space<vmem>>, vector<16xf32>,
          %mul3A_483 = vector.broadcast %squeeze3A : f32 to vector<16xf32>
          %mul3A_484 = arith.mulf %get3A_482, %mul3A_483 : vector<16xf32>
          %swap3A_485 = arith.constant 2 : i32
          %swap3A_486 = arith.index_cast %swap3A_485 : i32 to index
          %swap3A_487 = arith.index_cast %scan3A_269 : i32 to index
          %swap3A_488 = arith.constant 272 : index
          %swap3A_489 = tpu.vector_load %arg9[%swap3A_486, %swap3A_487, %swap3A_488] {strides = array<i32>} : memref<4x8x1024xf32, #tpu.memory_space<vmem>>, vector<16xf32>,
          tpu.vector_store %arg9[%swap3A_486, %swap3A_487, %swap3A_488], %mul3A_484 {add = true, strides = array<i32>} : memref<4x8x1024xf32, #tpu.memory_space<vmem>>, vector<16xf32>,
          %get3A_490 = arith.constant 2 : i32
          %get3A_491 = arith.index_cast %get3A_490 : i32 to index
          %get3A_492 = arith.index_cast %scan3A_269 : i32 to index
          %get3A_493 = arith.constant 288 : index
          %get3A_494 = tpu.vector_load %arg10[%get3A_491, %get3A_492, %get3A_493] {strides = array<i32>} : memref<4x8x1024xf32, #tpu.memory_space<vmem>>, vector<16xf32>,
          %mul3A_495 = vector.broadcast %squeeze3A : f32 to vector<16xf32>
          %mul3A_496 = arith.mulf %get3A_494, %mul3A_495 : vector<16xf32>
          %swap3A_497 = arith.constant 2 : i32
          %swap3A_498 = arith.index_cast %swap3A_497 : i32 to index
          %swap3A_499 = arith.index_cast %scan3A_269 : i32 to index
          %swap3A_500 = arith.constant 288 : index
          %swap3A_501 = tpu.vector_load %arg9[%swap3A_498, %swap3A_499, %swap3A_500] {strides = array<i32>} : memref<4x8x1024xf32, #tpu.memory_space<vmem>>, vector<16xf32>,
          tpu.vector_store %arg9[%swap3A_498, %swap3A_499, %swap3A_500], %mul3A_496 {add = true, strides = array<i32>} : memref<4x8x1024xf32, #tpu.memory_space<vmem>>, vector<16xf32>,
          %get3A_502 = arith.constant 2 : i32
          %get3A_503 = arith.index_cast %get3A_502 : i32 to index
          %get3A_504 = arith.index_cast %scan3A_269 : i32 to index
          %get3A_505 = arith.constant 304 : index
          %get3A_506 = tpu.vector_load %arg10[%get3A_503, %get3A_504, %get3A_505] {strides = array<i32>} : memref<4x8x1024xf32, #tpu.memory_space<vmem>>, vector<16xf32>,
          %mul3A_507 = vector.broadcast %squeeze3A : f32 to vector<16xf32>
          %mul3A_508 = arith.mulf %get3A_506, %mul3A_507 : vector<16xf32>
          %swap3A_509 = arith.constant 2 : i32
          %swap3A_510 = arith.index_cast %swap3A_509 : i32 to index
          %swap3A_511 = arith.index_cast %scan3A_269 : i32 to index
          %swap3A_512 = arith.constant 304 : index
          %swap3A_513 = tpu.vector_load %arg9[%swap3A_510, %swap3A_511, %swap3A_512] {strides = array<i32>} : memref<4x8x1024xf32, #tpu.memory_space<vmem>>, vector<16xf32>,
          tpu.vector_store %arg9[%swap3A_510, %swap3A_511, %swap3A_512], %mul3A_508 {add = true, strides = array<i32>} : memref<4x8x1024xf32, #tpu.memory_space<vmem>>, vector<16xf32>,
          %get3A_514 = arith.constant 2 : i32
          %get3A_515 = arith.index_cast %get3A_514 : i32 to index
          %get3A_516 = arith.index_cast %scan3A_269 : i32 to index
          %get3A_517 = arith.constant 320 : index
          %get3A_518 = tpu.vector_load %arg10[%get3A_515, %get3A_516, %get3A_517] {strides = array<i32>} : memref<4x8x1024xf32, #tpu.memory_space<vmem>>, vector<16xf32>,
          %mul3A_519 = vector.broadcast %squeeze3A : f32 to vector<16xf32>
          %mul3A_520 = arith.mulf %get3A_518, %mul3A_519 : vector<16xf32>
          %swap3A_521 = arith.constant 2 : i32
          %swap3A_522 = arith.index_cast %swap3A_521 : i32 to index
          %swap3A_523 = arith.index_cast %scan3A_269 : i32 to index
          %swap3A_524 = arith.constant 320 : index
          %swap3A_525 = tpu.vector_load %arg9[%swap3A_522, %swap3A_523, %swap3A_524] {strides = array<i32>} : memref<4x8x1024xf32, #tpu.memory_space<vmem>>, vector<16xf32>,
          tpu.vector_store %arg9[%swap3A_522, %swap3A_523, %swap3A_524], %mul3A_520 {add = true, strides = array<i32>} : memref<4x8x1024xf32, #tpu.memory_space<vmem>>, vector<16xf32>,
          %get3A_526 = arith.constant 2 : i32
          %get3A_527 = arith.index_cast %get3A_526 : i32 to index
          %get3A_528 = arith.index_cast %scan3A_269 : i32 to index
          %get3A_529 = arith.constant 336 : index
          %get3A_530 = tpu.vector_load %arg10[%get3A_527, %get3A_528, %get3A_529] {strides = array<i32>} : memref<4x8x1024xf32, #tpu.memory_space<vmem>>, vector<16xf32>,
          %mul3A_531 = vector.broadcast %squeeze3A : f32 to vector<16xf32>
          %mul3A_532 = arith.mulf %get3A_530, %mul3A_531 : vector<16xf32>
          %swap3A_533 = arith.constant 2 : i32
          %swap3A_534 = arith.index_cast %swap3A_533 : i32 to index
          %swap3A_535 = arith.index_cast %scan3A_269 : i32 to index
          %swap3A_536 = arith.constant 336 : index
          %swap3A_537 = tpu.vector_load %arg9[%swap3A_534, %swap3A_535, %swap3A_536] {strides = array<i32>} : memref<4x8x1024xf32, #tpu.memory_space<vmem>>, vector<16xf32>,
          tpu.vector_store %arg9[%swap3A_534, %swap3A_535, %swap3A_536], %mul3A_532 {add = true, strides = array<i32>} : memref<4x8x1024xf32, #tpu.memory_space<vmem>>, vector<16xf32>,
          %get3A_538 = arith.constant 2 : i32
          %get3A_539 = arith.index_cast %get3A_538 : i32 to index
          %get3A_540 = arith.index_cast %scan3A_269 : i32 to index
          %get3A_541 = arith.constant 352 : index
          %get3A_542 = tpu.vector_load %arg10[%get3A_539, %get3A_540, %get3A_541] {strides = array<i32>} : memref<4x8x1024xf32, #tpu.memory_space<vmem>>, vector<16xf32>,
          %mul3A_543 = vector.broadcast %squeeze3A : f32 to vector<16xf32>
          %mul3A_544 = arith.mulf %get3A_542, %mul3A_543 : vector<16xf32>
          %swap3A_545 = arith.constant 2 : i32
          %swap3A_546 = arith.index_cast %swap3A_545 : i32 to index
          %swap3A_547 = arith.index_cast %scan3A_269 : i32 to index
          %swap3A_548 = arith.constant 352 : index
          %swap3A_549 = tpu.vector_load %arg9[%swap3A_546, %swap3A_547, %swap3A_548] {strides = array<i32>} : memref<4x8x1024xf32, #tpu.memory_space<vmem>>, vector<16xf32>,
          tpu.vector_store %arg9[%swap3A_546, %swap3A_547, %swap3A_548], %mul3A_544 {add = true, strides = array<i32>} : memref<4x8x1024xf32, #tpu.memory_space<vmem>>, vector<16xf32>,
          %get3A_550 = arith.constant 2 : i32
          %get3A_551 = arith.index_cast %get3A_550 : i32 to index
          %get3A_552 = arith.index_cast %scan3A_269 : i32 to index
          %get3A_553 = arith.constant 368 : index
          %get3A_554 = tpu.vector_load %arg10[%get3A_551, %get3A_552, %get3A_553] {strides = array<i32>} : memref<4x8x1024xf32, #tpu.memory_space<vmem>>, vector<16xf32>,
          %mul3A_555 = vector.broadcast %squeeze3A : f32 to vector<16xf32>
          %mul3A_556 = arith.mulf %get3A_554, %mul3A_555 : vector<16xf32>
          %swap3A_557 = arith.constant 2 : i32
          %swap3A_558 = arith.index_cast %swap3A_557 : i32 to index
          %swap3A_559 = arith.index_cast %scan3A_269 : i32 to index
          %swap3A_560 = arith.constant 368 : index
          %swap3A_561 = tpu.vector_load %arg9[%swap3A_558, %swap3A_559, %swap3A_560] {strides = array<i32>} : memref<4x8x1024xf32, #tpu.memory_space<vmem>>, vector<16xf32>,
          tpu.vector_store %arg9[%swap3A_558, %swap3A_559, %swap3A_560], %mul3A_556 {add = true, strides = array<i32>} : memref<4x8x1024xf32, #tpu.memory_space<vmem>>, vector<16xf32>,
          %get3A_562 = arith.constant 2 : i32
          %get3A_563 = arith.index_cast %get3A_562 : i32 to index
          %get3A_564 = arith.index_cast %scan3A_269 : i32 to index
          %get3A_565 = arith.constant 384 : index
          %get3A_566 = tpu.vector_load %arg10[%get3A_563, %get3A_564, %get3A_565] {strides = array<i32>} : memref<4x8x1024xf32, #tpu.memory_space<vmem>>, vector<16xf32>,
          %mul3A_567 = vector.broadcast %squeeze3A : f32 to vector<16xf32>
          %mul3A_568 = arith.mulf %get3A_566, %mul3A_567 : vector<16xf32>
          %swap3A_569 = arith.constant 2 : i32
          %swap3A_570 = arith.index_cast %swap3A_569 : i32 to index
          %swap3A_571 = arith.index_cast %scan3A_269 : i32 to index
          %swap3A_572 = arith.constant 384 : index
          %swap3A_573 = tpu.vector_load %arg9[%swap3A_570, %swap3A_571, %swap3A_572] {strides = array<i32>} : memref<4x8x1024xf32, #tpu.memory_space<vmem>>, vector<16xf32>,
          tpu.vector_store %arg9[%swap3A_570, %swap3A_571, %swap3A_572], %mul3A_568 {add = true, strides = array<i32>} : memref<4x8x1024xf32, #tpu.memory_space<vmem>>, vector<16xf32>,
          %get3A_574 = arith.constant 2 : i32
          %get3A_575 = arith.index_cast %get3A_574 : i32 to index
          %get3A_576 = arith.index_cast %scan3A_269 : i32 to index
          %get3A_577 = arith.constant 400 : index
          %get3A_578 = tpu.vector_load %arg10[%get3A_575, %get3A_576, %get3A_577] {strides = array<i32>} : memref<4x8x1024xf32, #tpu.memory_space<vmem>>, vector<16xf32>,
          %mul3A_579 = vector.broadcast %squeeze3A : f32 to vector<16xf32>
          %mul3A_580 = arith.mulf %get3A_578, %mul3A_579 : vector<16xf32>
          %swap3A_581 = arith.constant 2 : i32
          %swap3A_582 = arith.index_cast %swap3A_581 : i32 to index
          %swap3A_583 = arith.index_cast %scan3A_269 : i32 to index
          %swap3A_584 = arith.constant 400 : index
          %swap3A_585 = tpu.vector_load %arg9[%swap3A_582, %swap3A_583, %swap3A_584] {strides = array<i32>} : memref<4x8x1024xf32, #tpu.memory_space<vmem>>, vector<16xf32>,
          tpu.vector_store %arg9[%swap3A_582, %swap3A_583, %swap3A_584], %mul3A_580 {add = true, strides = array<i32>} : memref<4x8x1024xf32, #tpu.memory_space<vmem>>, vector<16xf32>,
          %get3A_586 = arith.constant 2 : i32
          %get3A_587 = arith.index_cast %get3A_586 : i32 to index
          %get3A_588 = arith.index_cast %scan3A_269 : i32 to index
          %get3A_589 = arith.constant 416 : index
          %get3A_590 = tpu.vector_load %arg10[%get3A_587, %get3A_588, %get3A_589] {strides = array<i32>} : memref<4x8x1024xf32, #tpu.memory_space<vmem>>, vector<16xf32>,
          %mul3A_591 = vector.broadcast %squeeze3A : f32 to vector<16xf32>
          %mul3A_592 = arith.mulf %get3A_590, %mul3A_591 : vector<16xf32>
          %swap3A_593 = arith.constant 2 : i32
          %swap3A_594 = arith.index_cast %swap3A_593 : i32 to index
          %swap3A_595 = arith.index_cast %scan3A_269 : i32 to index
          %swap3A_596 = arith.constant 416 : index
          %swap3A_597 = tpu.vector_load %arg9[%swap3A_594, %swap3A_595, %swap3A_596] {strides = array<i32>} : memref<4x8x1024xf32, #tpu.memory_space<vmem>>, vector<16xf32>,
          tpu.vector_store %arg9[%swap3A_594, %swap3A_595, %swap3A_596], %mul3A_592 {add = true, strides = array<i32>} : memref<4x8x1024xf32, #tpu.memory_space<vmem>>, vector<16xf32>,
          %get3A_598 = arith.constant 2 : i32
          %get3A_599 = arith.index_cast %get3A_598 : i32 to index
          %get3A_600 = arith.index_cast %scan3A_269 : i32 to index
          %get3A_601 = arith.constant 432 : index
          %get3A_602 = tpu.vector_load %arg10[%get3A_599, %get3A_600, %get3A_601] {strides = array<i32>} : memref<4x8x1024xf32, #tpu.memory_space<vmem>>, vector<16xf32>,
          %mul3A_603 = vector.broadcast %squeeze3A : f32 to vector<16xf32>
          %mul3A_604 = arith.mulf %get3A_602, %mul3A_603 : vector<16xf32>
          %swap3A_605 = arith.constant 2 : i32
          %swap3A_606 = arith.index_cast %swap3A_605 : i32 to index
          %swap3A_607 = arith.index_cast %scan3A_269 : i32 to index
          %swap3A_608 = arith.constant 432 : index
          %swap3A_609 = tpu.vector_load %arg9[%swap3A_606, %swap3A_607, %swap3A_608] {strides = array<i32>} : memref<4x8x1024xf32, #tpu.memory_space<vmem>>, vector<16xf32>,
          tpu.vector_store %arg9[%swap3A_606, %swap3A_607, %swap3A_608], %mul3A_604 {add = true, strides = array<i32>} : memref<4x8x1024xf32, #tpu.memory_space<vmem>>, vector<16xf32>,
          %get3A_610 = arith.constant 2 : i32
          %get3A_611 = arith.index_cast %get3A_610 : i32 to index
          %get3A_612 = arith.index_cast %scan3A_269 : i32 to index
          %get3A_613 = arith.constant 448 : index
          %get3A_614 = tpu.vector_load %arg10[%get3A_611, %get3A_612, %get3A_613] {strides = array<i32>} : memref<4x8x1024xf32, #tpu.memory_space<vmem>>, vector<16xf32>,
          %mul3A_615 = vector.broadcast %squeeze3A : f32 to vector<16xf32>
          %mul3A_616 = arith.mulf %get3A_614, %mul3A_615 : vector<16xf32>
          %swap3A_617 = arith.constant 2 : i32
          %swap3A_618 = arith.index_cast %swap3A_617 : i32 to index
          %swap3A_619 = arith.index_cast %scan3A_269 : i32 to index
          %swap3A_620 = arith.constant 448 : index
          %swap3A_621 = tpu.vector_load %arg9[%swap3A_618, %swap3A_619, %swap3A_620] {strides = array<i32>} : memref<4x8x1024xf32, #tpu.memory_space<vmem>>, vector<16xf32>,
          tpu.vector_store %arg9[%swap3A_618, %swap3A_619, %swap3A_620], %mul3A_616 {add = true, strides = array<i32>} : memref<4x8x1024xf32, #tpu.memory_space<vmem>>, vector<16xf32>,
          %get3A_622 = arith.constant 2 : i32
          %get3A_623 = arith.index_cast %get3A_622 : i32 to index
          %get3A_624 = arith.index_cast %scan3A_269 : i32 to index
          %get3A_625 = arith.constant 464 : index
          %get3A_626 = tpu.vector_load %arg10[%get3A_623, %get3A_624, %get3A_625] {strides = array<i32>} : memref<4x8x1024xf32, #tpu.memory_space<vmem>>, vector<16xf32>,
          %mul3A_627 = vector.broadcast %squeeze3A : f32 to vector<16xf32>
          %mul3A_628 = arith.mulf %get3A_626, %mul3A_627 : vector<16xf32>
          %swap3A_629 = arith.constant 2 : i32
          %swap3A_630 = arith.index_cast %swap3A_629 : i32 to index
          %swap3A_631 = arith.index_cast %scan3A_269 : i32 to index
          %swap3A_632 = arith.constant 464 : index
          %swap3A_633 = tpu.vector_load %arg9[%swap3A_630, %swap3A_631, %swap3A_632] {strides = array<i32>} : memref<4x8x1024xf32, #tpu.memory_space<vmem>>, vector<16xf32>,
          tpu.vector_store %arg9[%swap3A_630, %swap3A_631, %swap3A_632], %mul3A_628 {add = true, strides = array<i32>} : memref<4x8x1024xf32, #tpu.memory_space<vmem>>, vector<16xf32>,
          %get3A_634 = arith.constant 2 : i32
          %get3A_635 = arith.index_cast %get3A_634 : i32 to index
          %get3A_636 = arith.index_cast %scan3A_269 : i32 to index
          %get3A_637 = arith.constant 480 : index
          %get3A_638 = tpu.vector_load %arg10[%get3A_635, %get3A_636, %get3A_637] {strides = array<i32>} : memref<4x8x1024xf32, #tpu.memory_space<vmem>>, vector<16xf32>,
          %mul3A_639 = vector.broadcast %squeeze3A : f32 to vector<16xf32>
          %mul3A_640 = arith.mulf %get3A_638, %mul3A_639 : vector<16xf32>
          %swap3A_641 = arith.constant 2 : i32
          %swap3A_642 = arith.index_cast %swap3A_641 : i32 to index
          %swap3A_643 = arith.index_cast %scan3A_269 : i32 to index
          %swap3A_644 = arith.constant 480 : index
          %swap3A_645 = tpu.vector_load %arg9[%swap3A_642, %swap3A_643, %swap3A_644] {strides = array<i32>} : memref<4x8x1024xf32, #tpu.memory_space<vmem>>, vector<16xf32>,
          tpu.vector_store %arg9[%swap3A_642, %swap3A_643, %swap3A_644], %mul3A_640 {add = true, strides = array<i32>} : memref<4x8x1024xf32, #tpu.memory_space<vmem>>, vector<16xf32>,
          %get3A_646 = arith.constant 2 : i32
          %get3A_647 = arith.index_cast %get3A_646 : i32 to index
          %get3A_648 = arith.index_cast %scan3A_269 : i32 to index
          %get3A_649 = arith.constant 496 : index
          %get3A_650 = tpu.vector_load %arg10[%get3A_647, %get3A_648, %get3A_649] {strides = array<i32>} : memref<4x8x1024xf32, #tpu.memory_space<vmem>>, vector<16xf32>,
          %mul3A_651 = vector.broadcast %squeeze3A : f32 to vector<16xf32>
          %mul3A_652 = arith.mulf %get3A_650, %mul3A_651 : vector<16xf32>
          %swap3A_653 = arith.constant 2 : i32
          %swap3A_654 = arith.index_cast %swap3A_653 : i32 to index
          %swap3A_655 = arith.index_cast %scan3A_269 : i32 to index
          %swap3A_656 = arith.constant 496 : index
          %swap3A_657 = tpu.vector_load %arg9[%swap3A_654, %swap3A_655, %swap3A_656] {strides = array<i32>} : memref<4x8x1024xf32, #tpu.memory_space<vmem>>, vector<16xf32>,
          tpu.vector_store %arg9[%swap3A_654, %swap3A_655, %swap3A_656], %mul3A_652 {add = true, strides = array<i32>} : memref<4x8x1024xf32, #tpu.memory_space<vmem>>, vector<16xf32>,
          %get3A_658 = arith.constant 2 : i32
          %get3A_659 = arith.index_cast %get3A_658 : i32 to index
          %get3A_660 = arith.index_cast %scan3A_269 : i32 to index
          %get3A_661 = arith.constant 512 : index
          %get3A_662 = tpu.vector_load %arg10[%get3A_659, %get3A_660, %get3A_661] {strides = array<i32>} : memref<4x8x1024xf32, #tpu.memory_space<vmem>>, vector<16xf32>,
          %mul3A_663 = vector.broadcast %squeeze3A : f32 to vector<16xf32>
          %mul3A_664 = arith.mulf %get3A_662, %mul3A_663 : vector<16xf32>
          %swap3A_665 = arith.constant 2 : i32
          %swap3A_666 = arith.index_cast %swap3A_665 : i32 to index
          %swap3A_667 = arith.index_cast %scan3A_269 : i32 to index
          %swap3A_668 = arith.constant 512 : index
          %swap3A_669 = tpu.vector_load %arg9[%swap3A_666, %swap3A_667, %swap3A_668] {strides = array<i32>} : memref<4x8x1024xf32, #tpu.memory_space<vmem>>, vector<16xf32>,
          tpu.vector_store %arg9[%swap3A_666, %swap3A_667, %swap3A_668], %mul3A_664 {add = true, strides = array<i32>} : memref<4x8x1024xf32, #tpu.memory_space<vmem>>, vector<16xf32>,
          %get3A_670 = arith.constant 2 : i32
          %get3A_671 = arith.index_cast %get3A_670 : i32 to index
          %get3A_672 = arith.index_cast %scan3A_269 : i32 to index
          %get3A_673 = arith.constant 528 : index
          %get3A_674 = tpu.vector_load %arg10[%get3A_671, %get3A_672, %get3A_673] {strides = array<i32>} : memref<4x8x1024xf32, #tpu.memory_space<vmem>>, vector<16xf32>,
          %mul3A_675 = vector.broadcast %squeeze3A : f32 to vector<16xf32>
          %mul3A_676 = arith.mulf %get3A_674, %mul3A_675 : vector<16xf32>
          %swap3A_677 = arith.constant 2 : i32
          %swap3A_678 = arith.index_cast %swap3A_677 : i32 to index
          %swap3A_679 = arith.index_cast %scan3A_269 : i32 to index
          %swap3A_680 = arith.constant 528 : index
          %swap3A_681 = tpu.vector_load %arg9[%swap3A_678, %swap3A_679, %swap3A_680] {strides = array<i32>} : memref<4x8x1024xf32, #tpu.memory_space<vmem>>, vector<16xf32>,
          tpu.vector_store %arg9[%swap3A_678, %swap3A_679, %swap3A_680], %mul3A_676 {add = true, strides = array<i32>} : memref<4x8x1024xf32, #tpu.memory_space<vmem>>, vector<16xf32>,
          %get3A_682 = arith.constant 2 : i32
          %get3A_683 = arith.index_cast %get3A_682 : i32 to index
          %get3A_684 = arith.index_cast %scan3A_269 : i32 to index
          %get3A_685 = arith.constant 544 : index
          %get3A_686 = tpu.vector_load %arg10[%get3A_683, %get3A_684, %get3A_685] {strides = array<i32>} : memref<4x8x1024xf32, #tpu.memory_space<vmem>>, vector<16xf32>,
          %mul3A_687 = vector.broadcast %squeeze3A : f32 to vector<16xf32>
          %mul3A_688 = arith.mulf %get3A_686, %mul3A_687 : vector<16xf32>
          %swap3A_689 = arith.constant 2 : i32
          %swap3A_690 = arith.index_cast %swap3A_689 : i32 to index
          %swap3A_691 = arith.index_cast %scan3A_269 : i32 to index
          %swap3A_692 = arith.constant 544 : index
          %swap3A_693 = tpu.vector_load %arg9[%swap3A_690, %swap3A_691, %swap3A_692] {strides = array<i32>} : memref<4x8x1024xf32, #tpu.memory_space<vmem>>, vector<16xf32>,
          tpu.vector_store %arg9[%swap3A_690, %swap3A_691, %swap3A_692], %mul3A_688 {add = true, strides = array<i32>} : memref<4x8x1024xf32, #tpu.memory_space<vmem>>, vector<16xf32>,
          %get3A_694 = arith.constant 2 : i32
          %get3A_695 = arith.index_cast %get3A_694 : i32 to index
          %get3A_696 = arith.index_cast %scan3A_269 : i32 to index
          %get3A_697 = arith.constant 560 : index
          %get3A_698 = tpu.vector_load %arg10[%get3A_695, %get3A_696, %get3A_697] {strides = array<i32>} : memref<4x8x1024xf32, #tpu.memory_space<vmem>>, vector<16xf32>,
          %mul3A_699 = vector.broadcast %squeeze3A : f32 to vector<16xf32>
          %mul3A_700 = arith.mulf %get3A_698, %mul3A_699 : vector<16xf32>
          %swap3A_701 = arith.constant 2 : i32
          %swap3A_702 = arith.index_cast %swap3A_701 : i32 to index
          %swap3A_703 = arith.index_cast %scan3A_269 : i32 to index
          %swap3A_704 = arith.constant 560 : index
          %swap3A_705 = tpu.vector_load %arg9[%swap3A_702, %swap3A_703, %swap3A_704] {strides = array<i32>} : memref<4x8x1024xf32, #tpu.memory_space<vmem>>, vector<16xf32>,
          tpu.vector_store %arg9[%swap3A_702, %swap3A_703, %swap3A_704], %mul3A_700 {add = true, strides = array<i32>} : memref<4x8x1024xf32, #tpu.memory_space<vmem>>, vector<16xf32>,
          %get3A_706 = arith.constant 2 : i32
          %get3A_707 = arith.index_cast %get3A_706 : i32 to index
          %get3A_708 = arith.index_cast %scan3A_269 : i32 to index
          %get3A_709 = arith.constant 576 : index
          %get3A_710 = tpu.vector_load %arg10[%get3A_707, %get3A_708, %get3A_709] {strides = array<i32>} : memref<4x8x1024xf32, #tpu.memory_space<vmem>>, vector<16xf32>,
          %mul3A_711 = vector.broadcast %squeeze3A : f32 to vector<16xf32>
          %mul3A_712 = arith.mulf %get3A_710, %mul3A_711 : vector<16xf32>
          %swap3A_713 = arith.constant 2 : i32
          %swap3A_714 = arith.index_cast %swap3A_713 : i32 to index
          %swap3A_715 = arith.index_cast %scan3A_269 : i32 to index
          %swap3A_716 = arith.constant 576 : index
          %swap3A_717 = tpu.vector_load %arg9[%swap3A_714, %swap3A_715, %swap3A_716] {strides = array<i32>} : memref<4x8x1024xf32, #tpu.memory_space<vmem>>, vector<16xf32>,
          tpu.vector_store %arg9[%swap3A_714, %swap3A_715, %swap3A_716], %mul3A_712 {add = true, strides = array<i32>} : memref<4x8x1024xf32, #tpu.memory_space<vmem>>, vector<16xf32>,
          %get3A_718 = arith.constant 2 : i32
          %get3A_719 = arith.index_cast %get3A_718 : i32 to index
          %get3A_720 = arith.index_cast %scan3A_269 : i32 to index
          %get3A_721 = arith.constant 592 : index
          %get3A_722 = tpu.vector_load %arg10[%get3A_719, %get3A_720, %get3A_721] {strides = array<i32>} : memref<4x8x1024xf32, #tpu.memory_space<vmem>>, vector<16xf32>,
          %mul3A_723 = vector.broadcast %squeeze3A : f32 to vector<16xf32>
          %mul3A_724 = arith.mulf %get3A_722, %mul3A_723 : vector<16xf32>
          %swap3A_725 = arith.constant 2 : i32
          %swap3A_726 = arith.index_cast %swap3A_725 : i32 to index
          %swap3A_727 = arith.index_cast %scan3A_269 : i32 to index
          %swap3A_728 = arith.constant 592 : index
          %swap3A_729 = tpu.vector_load %arg9[%swap3A_726, %swap3A_727, %swap3A_728] {strides = array<i32>} : memref<4x8x1024xf32, #tpu.memory_space<vmem>>, vector<16xf32>,
          tpu.vector_store %arg9[%swap3A_726, %swap3A_727, %swap3A_728], %mul3A_724 {add = true, strides = array<i32>} : memref<4x8x1024xf32, #tpu.memory_space<vmem>>, vector<16xf32>,
          %get3A_730 = arith.constant 2 : i32
          %get3A_731 = arith.index_cast %get3A_730 : i32 to index
          %get3A_732 = arith.index_cast %scan3A_269 : i32 to index
          %get3A_733 = arith.constant 608 : index
          %get3A_734 = tpu.vector_load %arg10[%get3A_731, %get3A_732, %get3A_733] {strides = array<i32>} : memref<4x8x1024xf32, #tpu.memory_space<vmem>>, vector<16xf32>,
          %mul3A_735 = vector.broadcast %squeeze3A : f32 to vector<16xf32>
          %mul3A_736 = arith.mulf %get3A_734, %mul3A_735 : vector<16xf32>
          %swap3A_737 = arith.constant 2 : i32
          %swap3A_738 = arith.index_cast %swap3A_737 : i32 to index
          %swap3A_739 = arith.index_cast %scan3A_269 : i32 to index
          %swap3A_740 = arith.constant 608 : index
          %swap3A_741 = tpu.vector_load %arg9[%swap3A_738, %swap3A_739, %swap3A_740] {strides = array<i32>} : memref<4x8x1024xf32, #tpu.memory_space<vmem>>, vector<16xf32>,
          tpu.vector_store %arg9[%swap3A_738, %swap3A_739, %swap3A_740], %mul3A_736 {add = true, strides = array<i32>} : memref<4x8x1024xf32, #tpu.memory_space<vmem>>, vector<16xf32>,
          %get3A_742 = arith.constant 2 : i32
          %get3A_743 = arith.index_cast %get3A_742 : i32 to index
          %get3A_744 = arith.index_cast %scan3A_269 : i32 to index
          %get3A_745 = arith.constant 624 : index
          %get3A_746 = tpu.vector_load %arg10[%get3A_743, %get3A_744, %get3A_745] {strides = array<i32>} : memref<4x8x1024xf32, #tpu.memory_space<vmem>>, vector<16xf32>,
          %mul3A_747 = vector.broadcast %squeeze3A : f32 to vector<16xf32>
          %mul3A_748 = arith.mulf %get3A_746, %mul3A_747 : vector<16xf32>
          %swap3A_749 = arith.constant 2 : i32
          %swap3A_750 = arith.index_cast %swap3A_749 : i32 to index
          %swap3A_751 = arith.index_cast %scan3A_269 : i32 to index
          %swap3A_752 = arith.constant 624 : index
          %swap3A_753 = tpu.vector_load %arg9[%swap3A_750, %swap3A_751, %swap3A_752] {strides = array<i32>} : memref<4x8x1024xf32, #tpu.memory_space<vmem>>, vector<16xf32>,
          tpu.vector_store %arg9[%swap3A_750, %swap3A_751, %swap3A_752], %mul3A_748 {add = true, strides = array<i32>} : memref<4x8x1024xf32, #tpu.memory_space<vmem>>, vector<16xf32>,
          %get3A_754 = arith.constant 2 : i32
          %get3A_755 = arith.index_cast %get3A_754 : i32 to index
          %get3A_756 = arith.index_cast %scan3A_269 : i32 to index
          %get3A_757 = arith.constant 640 : index
          %get3A_758 = tpu.vector_load %arg10[%get3A_755, %get3A_756, %get3A_757] {strides = array<i32>} : memref<4x8x1024xf32, #tpu.memory_space<vmem>>, vector<16xf32>,
          %mul3A_759 = vector.broadcast %squeeze3A : f32 to vector<16xf32>
          %mul3A_760 = arith.mulf %get3A_758, %mul3A_759 : vector<16xf32>
          %swap3A_761 = arith.constant 2 : i32
          %swap3A_762 = arith.index_cast %swap3A_761 : i32 to index
          %swap3A_763 = arith.index_cast %scan3A_269 : i32 to index
          %swap3A_764 = arith.constant 640 : index
          %swap3A_765 = tpu.vector_load %arg9[%swap3A_762, %swap3A_763, %swap3A_764] {strides = array<i32>} : memref<4x8x1024xf32, #tpu.memory_space<vmem>>, vector<16xf32>,
          tpu.vector_store %arg9[%swap3A_762, %swap3A_763, %swap3A_764], %mul3A_760 {add = true, strides = array<i32>} : memref<4x8x1024xf32, #tpu.memory_space<vmem>>, vector<16xf32>,
          %get3A_766 = arith.constant 2 : i32
          %get3A_767 = arith.index_cast %get3A_766 : i32 to index
          %get3A_768 = arith.index_cast %scan3A_269 : i32 to index
          %get3A_769 = arith.constant 656 : index
          %get3A_770 = tpu.vector_load %arg10[%get3A_767, %get3A_768, %get3A_769] {strides = array<i32>} : memref<4x8x1024xf32, #tpu.memory_space<vmem>>, vector<16xf32>,
          %mul3A_771 = vector.broadcast %squeeze3A : f32 to vector<16xf32>
          %mul3A_772 = arith.mulf %get3A_770, %mul3A_771 : vector<16xf32>
          %swap3A_773 = arith.constant 2 : i32
          %swap3A_774 = arith.index_cast %swap3A_773 : i32 to index
          %swap3A_775 = arith.index_cast %scan3A_269 : i32 to index
          %swap3A_776 = arith.constant 656 : index
          %swap3A_777 = tpu.vector_load %arg9[%swap3A_774, %swap3A_775, %swap3A_776] {strides = array<i32>} : memref<4x8x1024xf32, #tpu.memory_space<vmem>>, vector<16xf32>,
          tpu.vector_store %arg9[%swap3A_774, %swap3A_775, %swap3A_776], %mul3A_772 {add = true, strides = array<i32>} : memref<4x8x1024xf32, #tpu.memory_space<vmem>>, vector<16xf32>,
          %get3A_778 = arith.constant 2 : i32
          %get3A_779 = arith.index_cast %get3A_778 : i32 to index
          %get3A_780 = arith.index_cast %scan3A_269 : i32 to index
          %get3A_781 = arith.constant 672 : index
          %get3A_782 = tpu.vector_load %arg10[%get3A_779, %get3A_780, %get3A_781] {strides = array<i32>} : memref<4x8x1024xf32, #tpu.memory_space<vmem>>, vector<16xf32>,
          %mul3A_783 = vector.broadcast %squeeze3A : f32 to vector<16xf32>
          %mul3A_784 = arith.mulf %get3A_782, %mul3A_783 : vector<16xf32>
          %swap3A_785 = arith.constant 2 : i32
          %swap3A_786 = arith.index_cast %swap3A_785 : i32 to index
          %swap3A_787 = arith.index_cast %scan3A_269 : i32 to index
          %swap3A_788 = arith.constant 672 : index
          %swap3A_789 = tpu.vector_load %arg9[%swap3A_786, %swap3A_787, %swap3A_788] {strides = array<i32>} : memref<4x8x1024xf32, #tpu.memory_space<vmem>>, vector<16xf32>,
          tpu.vector_store %arg9[%swap3A_786, %swap3A_787, %swap3A_788], %mul3A_784 {add = true, strides = array<i32>} : memref<4x8x1024xf32, #tpu.memory_space<vmem>>, vector<16xf32>,
          %get3A_790 = arith.constant 2 : i32
          %get3A_791 = arith.index_cast %get3A_790 : i32 to index
          %get3A_792 = arith.index_cast %scan3A_269 : i32 to index
          %get3A_793 = arith.constant 688 : index
          %get3A_794 = tpu.vector_load %arg10[%get3A_791, %get3A_792, %get3A_793] {strides = array<i32>} : memref<4x8x1024xf32, #tpu.memory_space<vmem>>, vector<16xf32>,
          %mul3A_795 = vector.broadcast %squeeze3A : f32 to vector<16xf32>
          %mul3A_796 = arith.mulf %get3A_794, %mul3A_795 : vector<16xf32>
          %swap3A_797 = arith.constant 2 : i32
          %swap3A_798 = arith.index_cast %swap3A_797 : i32 to index
          %swap3A_799 = arith.index_cast %scan3A_269 : i32 to index
          %swap3A_800 = arith.constant 688 : index
          %swap3A_801 = tpu.vector_load %arg9[%swap3A_798, %swap3A_799, %swap3A_800] {strides = array<i32>} : memref<4x8x1024xf32, #tpu.memory_space<vmem>>, vector<16xf32>,
          tpu.vector_store %arg9[%swap3A_798, %swap3A_799, %swap3A_800], %mul3A_796 {add = true, strides = array<i32>} : memref<4x8x1024xf32, #tpu.memory_space<vmem>>, vector<16xf32>,
          %get3A_802 = arith.constant 2 : i32
          %get3A_803 = arith.index_cast %get3A_802 : i32 to index
          %get3A_804 = arith.index_cast %scan3A_269 : i32 to index
          %get3A_805 = arith.constant 704 : index
          %get3A_806 = tpu.vector_load %arg10[%get3A_803, %get3A_804, %get3A_805] {strides = array<i32>} : memref<4x8x1024xf32, #tpu.memory_space<vmem>>, vector<16xf32>,
          %mul3A_807 = vector.broadcast %squeeze3A : f32 to vector<16xf32>
          %mul3A_808 = arith.mulf %get3A_806, %mul3A_807 : vector<16xf32>
          %swap3A_809 = arith.constant 2 : i32
          %swap3A_810 = arith.index_cast %swap3A_809 : i32 to index
          %swap3A_811 = arith.index_cast %scan3A_269 : i32 to index
          %swap3A_812 = arith.constant 704 : index
          %swap3A_813 = tpu.vector_load %arg9[%swap3A_810, %swap3A_811, %swap3A_812] {strides = array<i32>} : memref<4x8x1024xf32, #tpu.memory_space<vmem>>, vector<16xf32>,
          tpu.vector_store %arg9[%swap3A_810, %swap3A_811, %swap3A_812], %mul3A_808 {add = true, strides = array<i32>} : memref<4x8x1024xf32, #tpu.memory_space<vmem>>, vector<16xf32>,
          %get3A_814 = arith.constant 2 : i32
          %get3A_815 = arith.index_cast %get3A_814 : i32 to index
          %get3A_816 = arith.index_cast %scan3A_269 : i32 to index
          %get3A_817 = arith.constant 720 : index
          %get3A_818 = tpu.vector_load %arg10[%get3A_815, %get3A_816, %get3A_817] {strides = array<i32>} : memref<4x8x1024xf32, #tpu.memory_space<vmem>>, vector<16xf32>,
          %mul3A_819 = vector.broadcast %squeeze3A : f32 to vector<16xf32>
          %mul3A_820 = arith.mulf %get3A_818, %mul3A_819 : vector<16xf32>
          %swap3A_821 = arith.constant 2 : i32
          %swap3A_822 = arith.index_cast %swap3A_821 : i32 to index
          %swap3A_823 = arith.index_cast %scan3A_269 : i32 to index
          %swap3A_824 = arith.constant 720 : index
          %swap3A_825 = tpu.vector_load %arg9[%swap3A_822, %swap3A_823, %swap3A_824] {strides = array<i32>} : memref<4x8x1024xf32, #tpu.memory_space<vmem>>, vector<16xf32>,
          tpu.vector_store %arg9[%swap3A_822, %swap3A_823, %swap3A_824], %mul3A_820 {add = true, strides = array<i32>} : memref<4x8x1024xf32, #tpu.memory_space<vmem>>, vector<16xf32>,
          %get3A_826 = arith.constant 2 : i32
          %get3A_827 = arith.index_cast %get3A_826 : i32 to index
          %get3A_828 = arith.index_cast %scan3A_269 : i32 to index
          %get3A_829 = arith.constant 736 : index
          %get3A_830 = tpu.vector_load %arg10[%get3A_827, %get3A_828, %get3A_829] {strides = array<i32>} : memref<4x8x1024xf32, #tpu.memory_space<vmem>>, vector<16xf32>,
          %mul3A_831 = vector.broadcast %squeeze3A : f32 to vector<16xf32>
          %mul3A_832 = arith.mulf %get3A_830, %mul3A_831 : vector<16xf32>
          %swap3A_833 = arith.constant 2 : i32
          %swap3A_834 = arith.index_cast %swap3A_833 : i32 to index
          %swap3A_835 = arith.index_cast %scan3A_269 : i32 to index
          %swap3A_836 = arith.constant 736 : index
          %swap3A_837 = tpu.vector_load %arg9[%swap3A_834, %swap3A_835, %swap3A_836] {strides = array<i32>} : memref<4x8x1024xf32, #tpu.memory_space<vmem>>, vector<16xf32>,
          tpu.vector_store %arg9[%swap3A_834, %swap3A_835, %swap3A_836], %mul3A_832 {add = true, strides = array<i32>} : memref<4x8x1024xf32, #tpu.memory_space<vmem>>, vector<16xf32>,
          %get3A_838 = arith.constant 2 : i32
          %get3A_839 = arith.index_cast %get3A_838 : i32 to index
          %get3A_840 = arith.index_cast %scan3A_269 : i32 to index
          %get3A_841 = arith.constant 752 : index
          %get3A_842 = tpu.vector_load %arg10[%get3A_839, %get3A_840, %get3A_841] {strides = array<i32>} : memref<4x8x1024xf32, #tpu.memory_space<vmem>>, vector<16xf32>,
          %mul3A_843 = vector.broadcast %squeeze3A : f32 to vector<16xf32>
          %mul3A_844 = arith.mulf %get3A_842, %mul3A_843 : vector<16xf32>
          %swap3A_845 = arith.constant 2 : i32
          %swap3A_846 = arith.index_cast %swap3A_845 : i32 to index
          %swap3A_847 = arith.index_cast %scan3A_269 : i32 to index
          %swap3A_848 = arith.constant 752 : index
          %swap3A_849 = tpu.vector_load %arg9[%swap3A_846, %swap3A_847, %swap3A_848] {strides = array<i32>} : memref<4x8x1024xf32, #tpu.memory_space<vmem>>, vector<16xf32>,
          tpu.vector_store %arg9[%swap3A_846, %swap3A_847, %swap3A_848], %mul3A_844 {add = true, strides = array<i32>} : memref<4x8x1024xf32, #tpu.memory_space<vmem>>, vector<16xf32>,
          %get3A_850 = arith.constant 2 : i32
          %get3A_851 = arith.index_cast %get3A_850 : i32 to index
          %get3A_852 = arith.index_cast %scan3A_269 : i32 to index
          %get3A_853 = arith.constant 768 : index
          %get3A_854 = tpu.vector_load %arg10[%get3A_851, %get3A_852, %get3A_853] {strides = array<i32>} : memref<4x8x1024xf32, #tpu.memory_space<vmem>>, vector<16xf32>,
          %mul3A_855 = vector.broadcast %squeeze3A : f32 to vector<16xf32>
          %mul3A_856 = arith.mulf %get3A_854, %mul3A_855 : vector<16xf32>
          %swap3A_857 = arith.constant 2 : i32
          %swap3A_858 = arith.index_cast %swap3A_857 : i32 to index
          %swap3A_859 = arith.index_cast %scan3A_269 : i32 to index
          %swap3A_860 = arith.constant 768 : index
          %swap3A_861 = tpu.vector_load %arg9[%swap3A_858, %swap3A_859, %swap3A_860] {strides = array<i32>} : memref<4x8x1024xf32, #tpu.memory_space<vmem>>, vector<16xf32>,
          tpu.vector_store %arg9[%swap3A_858, %swap3A_859, %swap3A_860], %mul3A_856 {add = true, strides = array<i32>} : memref<4x8x1024xf32, #tpu.memory_space<vmem>>, vector<16xf32>,
          %get3A_862 = arith.constant 2 : i32
          %get3A_863 = arith.index_cast %get3A_862 : i32 to index
          %get3A_864 = arith.index_cast %scan3A_269 : i32 to index
          %get3A_865 = arith.constant 784 : index
          %get3A_866 = tpu.vector_load %arg10[%get3A_863, %get3A_864, %get3A_865] {strides = array<i32>} : memref<4x8x1024xf32, #tpu.memory_space<vmem>>, vector<16xf32>,
          %mul3A_867 = vector.broadcast %squeeze3A : f32 to vector<16xf32>
          %mul3A_868 = arith.mulf %get3A_866, %mul3A_867 : vector<16xf32>
          %swap3A_869 = arith.constant 2 : i32
          %swap3A_870 = arith.index_cast %swap3A_869 : i32 to index
          %swap3A_871 = arith.index_cast %scan3A_269 : i32 to index
          %swap3A_872 = arith.constant 784 : index
          %swap3A_873 = tpu.vector_load %arg9[%swap3A_870, %swap3A_871, %swap3A_872] {strides = array<i32>} : memref<4x8x1024xf32, #tpu.memory_space<vmem>>, vector<16xf32>,
          tpu.vector_store %arg9[%swap3A_870, %swap3A_871, %swap3A_872], %mul3A_868 {add = true, strides = array<i32>} : memref<4x8x1024xf32, #tpu.memory_space<vmem>>, vector<16xf32>,
          %get3A_874 = arith.constant 2 : i32
          %get3A_875 = arith.index_cast %get3A_874 : i32 to index
          %get3A_876 = arith.index_cast %scan3A_269 : i32 to index
          %get3A_877 = arith.constant 800 : index
          %get3A_878 = tpu.vector_load %arg10[%get3A_875, %get3A_876, %get3A_877] {strides = array<i32>} : memref<4x8x1024xf32, #tpu.memory_space<vmem>>, vector<16xf32>,
          %mul3A_879 = vector.broadcast %squeeze3A : f32 to vector<16xf32>
          %mul3A_880 = arith.mulf %get3A_878, %mul3A_879 : vector<16xf32>
          %swap3A_881 = arith.constant 2 : i32
          %swap3A_882 = arith.index_cast %swap3A_881 : i32 to index
          %swap3A_883 = arith.index_cast %scan3A_269 : i32 to index
          %swap3A_884 = arith.constant 800 : index
          %swap3A_885 = tpu.vector_load %arg9[%swap3A_882, %swap3A_883, %swap3A_884] {strides = array<i32>} : memref<4x8x1024xf32, #tpu.memory_space<vmem>>, vector<16xf32>,
          tpu.vector_store %arg9[%swap3A_882, %swap3A_883, %swap3A_884], %mul3A_880 {add = true, strides = array<i32>} : memref<4x8x1024xf32, #tpu.memory_space<vmem>>, vector<16xf32>,
          %get3A_886 = arith.constant 2 : i32
          %get3A_887 = arith.index_cast %get3A_886 : i32 to index
          %get3A_888 = arith.index_cast %scan3A_269 : i32 to index
          %get3A_889 = arith.constant 816 : index
          %get3A_890 = tpu.vector_load %arg10[%get3A_887, %get3A_888, %get3A_889] {strides = array<i32>} : memref<4x8x1024xf32, #tpu.memory_space<vmem>>, vector<16xf32>,
          %mul3A_891 = vector.broadcast %squeeze3A : f32 to vector<16xf32>
          %mul3A_892 = arith.mulf %get3A_890, %mul3A_891 : vector<16xf32>
          %swap3A_893 = arith.constant 2 : i32
          %swap3A_894 = arith.index_cast %swap3A_893 : i32 to index
          %swap3A_895 = arith.index_cast %scan3A_269 : i32 to index
          %swap3A_896 = arith.constant 816 : index
          %swap3A_897 = tpu.vector_load %arg9[%swap3A_894, %swap3A_895, %swap3A_896] {strides = array<i32>} : memref<4x8x1024xf32, #tpu.memory_space<vmem>>, vector<16xf32>,
          tpu.vector_store %arg9[%swap3A_894, %swap3A_895, %swap3A_896], %mul3A_892 {add = true, strides = array<i32>} : memref<4x8x1024xf32, #tpu.memory_space<vmem>>, vector<16xf32>,
          %get3A_898 = arith.constant 2 : i32
          %get3A_899 = arith.index_cast %get3A_898 : i32 to index
          %get3A_900 = arith.index_cast %scan3A_269 : i32 to index
          %get3A_901 = arith.constant 832 : index
          %get3A_902 = tpu.vector_load %arg10[%get3A_899, %get3A_900, %get3A_901] {strides = array<i32>} : memref<4x8x1024xf32, #tpu.memory_space<vmem>>, vector<16xf32>,
          %mul3A_903 = vector.broadcast %squeeze3A : f32 to vector<16xf32>
          %mul3A_904 = arith.mulf %get3A_902, %mul3A_903 : vector<16xf32>
          %swap3A_905 = arith.constant 2 : i32
          %swap3A_906 = arith.index_cast %swap3A_905 : i32 to index
          %swap3A_907 = arith.index_cast %scan3A_269 : i32 to index
          %swap3A_908 = arith.constant 832 : index
          %swap3A_909 = tpu.vector_load %arg9[%swap3A_906, %swap3A_907, %swap3A_908] {strides = array<i32>} : memref<4x8x1024xf32, #tpu.memory_space<vmem>>, vector<16xf32>,
          tpu.vector_store %arg9[%swap3A_906, %swap3A_907, %swap3A_908], %mul3A_904 {add = true, strides = array<i32>} : memref<4x8x1024xf32, #tpu.memory_space<vmem>>, vector<16xf32>,
          %get3A_910 = arith.constant 2 : i32
          %get3A_911 = arith.index_cast %get3A_910 : i32 to index
          %get3A_912 = arith.index_cast %scan3A_269 : i32 to index
          %get3A_913 = arith.constant 848 : index
          %get3A_914 = tpu.vector_load %arg10[%get3A_911, %get3A_912, %get3A_913] {strides = array<i32>} : memref<4x8x1024xf32, #tpu.memory_space<vmem>>, vector<16xf32>,
          %mul3A_915 = vector.broadcast %squeeze3A : f32 to vector<16xf32>
          %mul3A_916 = arith.mulf %get3A_914, %mul3A_915 : vector<16xf32>
          %swap3A_917 = arith.constant 2 : i32
          %swap3A_918 = arith.index_cast %swap3A_917 : i32 to index
          %swap3A_919 = arith.index_cast %scan3A_269 : i32 to index
          %swap3A_920 = arith.constant 848 : index
          %swap3A_921 = tpu.vector_load %arg9[%swap3A_918, %swap3A_919, %swap3A_920] {strides = array<i32>} : memref<4x8x1024xf32, #tpu.memory_space<vmem>>, vector<16xf32>,
          tpu.vector_store %arg9[%swap3A_918, %swap3A_919, %swap3A_920], %mul3A_916 {add = true, strides = array<i32>} : memref<4x8x1024xf32, #tpu.memory_space<vmem>>, vector<16xf32>,
          %get3A_922 = arith.constant 2 : i32
          %get3A_923 = arith.index_cast %get3A_922 : i32 to index
          %get3A_924 = arith.index_cast %scan3A_269 : i32 to index
          %get3A_925 = arith.constant 864 : index
          %get3A_926 = tpu.vector_load %arg10[%get3A_923, %get3A_924, %get3A_925] {strides = array<i32>} : memref<4x8x1024xf32, #tpu.memory_space<vmem>>, vector<16xf32>,
          %mul3A_927 = vector.broadcast %squeeze3A : f32 to vector<16xf32>
          %mul3A_928 = arith.mulf %get3A_926, %mul3A_927 : vector<16xf32>
          %swap3A_929 = arith.constant 2 : i32
          %swap3A_930 = arith.index_cast %swap3A_929 : i32 to index
          %swap3A_931 = arith.index_cast %scan3A_269 : i32 to index
          %swap3A_932 = arith.constant 864 : index
          %swap3A_933 = tpu.vector_load %arg9[%swap3A_930, %swap3A_931, %swap3A_932] {strides = array<i32>} : memref<4x8x1024xf32, #tpu.memory_space<vmem>>, vector<16xf32>,
          tpu.vector_store %arg9[%swap3A_930, %swap3A_931, %swap3A_932], %mul3A_928 {add = true, strides = array<i32>} : memref<4x8x1024xf32, #tpu.memory_space<vmem>>, vector<16xf32>,
          %get3A_934 = arith.constant 2 : i32
          %get3A_935 = arith.index_cast %get3A_934 : i32 to index
          %get3A_936 = arith.index_cast %scan3A_269 : i32 to index
          %get3A_937 = arith.constant 880 : index
          %get3A_938 = tpu.vector_load %arg10[%get3A_935, %get3A_936, %get3A_937] {strides = array<i32>} : memref<4x8x1024xf32, #tpu.memory_space<vmem>>, vector<16xf32>,
          %mul3A_939 = vector.broadcast %squeeze3A : f32 to vector<16xf32>
          %mul3A_940 = arith.mulf %get3A_938, %mul3A_939 : vector<16xf32>
          %swap3A_941 = arith.constant 2 : i32
          %swap3A_942 = arith.index_cast %swap3A_941 : i32 to index
          %swap3A_943 = arith.index_cast %scan3A_269 : i32 to index
          %swap3A_944 = arith.constant 880 : index
          %swap3A_945 = tpu.vector_load %arg9[%swap3A_942, %swap3A_943, %swap3A_944] {strides = array<i32>} : memref<4x8x1024xf32, #tpu.memory_space<vmem>>, vector<16xf32>,
          tpu.vector_store %arg9[%swap3A_942, %swap3A_943, %swap3A_944], %mul3A_940 {add = true, strides = array<i32>} : memref<4x8x1024xf32, #tpu.memory_space<vmem>>, vector<16xf32>,
          %get3A_946 = arith.constant 2 : i32
          %get3A_947 = arith.index_cast %get3A_946 : i32 to index
          %get3A_948 = arith.index_cast %scan3A_269 : i32 to index
          %get3A_949 = arith.constant 896 : index
          %get3A_950 = tpu.vector_load %arg10[%get3A_947, %get3A_948, %get3A_949] {strides = array<i32>} : memref<4x8x1024xf32, #tpu.memory_space<vmem>>, vector<16xf32>,
          %mul3A_951 = vector.broadcast %squeeze3A : f32 to vector<16xf32>
          %mul3A_952 = arith.mulf %get3A_950, %mul3A_951 : vector<16xf32>
          %swap3A_953 = arith.constant 2 : i32
          %swap3A_954 = arith.index_cast %swap3A_953 : i32 to index
          %swap3A_955 = arith.index_cast %scan3A_269 : i32 to index
          %swap3A_956 = arith.constant 896 : index
          %swap3A_957 = tpu.vector_load %arg9[%swap3A_954, %swap3A_955, %swap3A_956] {strides = array<i32>} : memref<4x8x1024xf32, #tpu.memory_space<vmem>>, vector<16xf32>,
          tpu.vector_store %arg9[%swap3A_954, %swap3A_955, %swap3A_956], %mul3A_952 {add = true, strides = array<i32>} : memref<4x8x1024xf32, #tpu.memory_space<vmem>>, vector<16xf32>,
          %get3A_958 = arith.constant 2 : i32
          %get3A_959 = arith.index_cast %get3A_958 : i32 to index
          %get3A_960 = arith.index_cast %scan3A_269 : i32 to index
          %get3A_961 = arith.constant 912 : index
          %get3A_962 = tpu.vector_load %arg10[%get3A_959, %get3A_960, %get3A_961] {strides = array<i32>} : memref<4x8x1024xf32, #tpu.memory_space<vmem>>, vector<16xf32>,
          %mul3A_963 = vector.broadcast %squeeze3A : f32 to vector<16xf32>
          %mul3A_964 = arith.mulf %get3A_962, %mul3A_963 : vector<16xf32>
          %swap3A_965 = arith.constant 2 : i32
          %swap3A_966 = arith.index_cast %swap3A_965 : i32 to index
          %swap3A_967 = arith.index_cast %scan3A_269 : i32 to index
          %swap3A_968 = arith.constant 912 : index
          %swap3A_969 = tpu.vector_load %arg9[%swap3A_966, %swap3A_967, %swap3A_968] {strides = array<i32>} : memref<4x8x1024xf32, #tpu.memory_space<vmem>>, vector<16xf32>,
          tpu.vector_store %arg9[%swap3A_966, %swap3A_967, %swap3A_968], %mul3A_964 {add = true, strides = array<i32>} : memref<4x8x1024xf32, #tpu.memory_space<vmem>>, vector<16xf32>,
          %get3A_970 = arith.constant 2 : i32
          %get3A_971 = arith.index_cast %get3A_970 : i32 to index
          %get3A_972 = arith.index_cast %scan3A_269 : i32 to index
          %get3A_973 = arith.constant 928 : index
          %get3A_974 = tpu.vector_load %arg10[%get3A_971, %get3A_972, %get3A_973] {strides = array<i32>} : memref<4x8x1024xf32, #tpu.memory_space<vmem>>, vector<16xf32>,
          %mul3A_975 = vector.broadcast %squeeze3A : f32 to vector<16xf32>
          %mul3A_976 = arith.mulf %get3A_974, %mul3A_975 : vector<16xf32>
          %swap3A_977 = arith.constant 2 : i32
          %swap3A_978 = arith.index_cast %swap3A_977 : i32 to index
          %swap3A_979 = arith.index_cast %scan3A_269 : i32 to index
          %swap3A_980 = arith.constant 928 : index
          %swap3A_981 = tpu.vector_load %arg9[%swap3A_978, %swap3A_979, %swap3A_980] {strides = array<i32>} : memref<4x8x1024xf32, #tpu.memory_space<vmem>>, vector<16xf32>,
          tpu.vector_store %arg9[%swap3A_978, %swap3A_979, %swap3A_980], %mul3A_976 {add = true, strides = array<i32>} : memref<4x8x1024xf32, #tpu.memory_space<vmem>>, vector<16xf32>,
          %get3A_982 = arith.constant 2 : i32
          %get3A_983 = arith.index_cast %get3A_982 : i32 to index
          %get3A_984 = arith.index_cast %scan3A_269 : i32 to index
          %get3A_985 = arith.constant 944 : index
          %get3A_986 = tpu.vector_load %arg10[%get3A_983, %get3A_984, %get3A_985] {strides = array<i32>} : memref<4x8x1024xf32, #tpu.memory_space<vmem>>, vector<16xf32>,
          %mul3A_987 = vector.broadcast %squeeze3A : f32 to vector<16xf32>
          %mul3A_988 = arith.mulf %get3A_986, %mul3A_987 : vector<16xf32>
          %swap3A_989 = arith.constant 2 : i32
          %swap3A_990 = arith.index_cast %swap3A_989 : i32 to index
          %swap3A_991 = arith.index_cast %scan3A_269 : i32 to index
          %swap3A_992 = arith.constant 944 : index
          %swap3A_993 = tpu.vector_load %arg9[%swap3A_990, %swap3A_991, %swap3A_992] {strides = array<i32>} : memref<4x8x1024xf32, #tpu.memory_space<vmem>>, vector<16xf32>,
          tpu.vector_store %arg9[%swap3A_990, %swap3A_991, %swap3A_992], %mul3A_988 {add = true, strides = array<i32>} : memref<4x8x1024xf32, #tpu.memory_space<vmem>>, vector<16xf32>,
          %get3A_994 = arith.constant 2 : i32
          %get3A_995 = arith.index_cast %get3A_994 : i32 to index
          %get3A_996 = arith.index_cast %scan3A_269 : i32 to index
          %get3A_997 = arith.constant 960 : index
          %get3A_998 = tpu.vector_load %arg10[%get3A_995, %get3A_996, %get3A_997] {strides = array<i32>} : memref<4x8x1024xf32, #tpu.memory_space<vmem>>, vector<16xf32>,
          %mul3A_999 = vector.broadcast %squeeze3A : f32 to vector<16xf32>
          %mul3A_1000 = arith.mulf %get3A_998, %mul3A_999 : vector<16xf32>
          %swap3A_1001 = arith.constant 2 : i32
          %swap3A_1002 = arith.index_cast %swap3A_1001 : i32 to index
          %swap3A_1003 = arith.index_cast %scan3A_269 : i32 to index
          %swap3A_1004 = arith.constant 960 : index
          %swap3A_1005 = tpu.vector_load %arg9[%swap3A_1002, %swap3A_1003, %swap3A_1004] {strides = array<i32>} : memref<4x8x1024xf32, #tpu.memory_space<vmem>>, vector<16xf32>,
          tpu.vector_store %arg9[%swap3A_1002, %swap3A_1003, %swap3A_1004], %mul3A_1000 {add = true, strides = array<i32>} : memref<4x8x1024xf32, #tpu.memory_space<vmem>>, vector<16xf32>,
          %get3A_1006 = arith.constant 2 : i32
          %get3A_1007 = arith.index_cast %get3A_1006 : i32 to index
          %get3A_1008 = arith.index_cast %scan3A_269 : i32 to index
          %get3A_1009 = arith.constant 976 : index
          %get3A_1010 = tpu.vector_load %arg10[%get3A_1007, %get3A_1008, %get3A_1009] {strides = array<i32>} : memref<4x8x1024xf32, #tpu.memory_space<vmem>>, vector<16xf32>,
          %mul3A_1011 = vector.broadcast %squeeze3A : f32 to vector<16xf32>
          %mul3A_1012 = arith.mulf %get3A_1010, %mul3A_1011 : vector<16xf32>
          %swap3A_1013 = arith.constant 2 : i32
          %swap3A_1014 = arith.index_cast %swap3A_1013 : i32 to index
          %swap3A_1015 = arith.index_cast %scan3A_269 : i32 to index
          %swap3A_1016 = arith.constant 976 : index
          %swap3A_1017 = tpu.vector_load %arg9[%swap3A_1014, %swap3A_1015, %swap3A_1016] {strides = array<i32>} : memref<4x8x1024xf32, #tpu.memory_space<vmem>>, vector<16xf32>,
          tpu.vector_store %arg9[%swap3A_1014, %swap3A_1015, %swap3A_1016], %mul3A_1012 {add = true, strides = array<i32>} : memref<4x8x1024xf32, #tpu.memory_space<vmem>>, vector<16xf32>,
          %get3A_1018 = arith.constant 2 : i32
          %get3A_1019 = arith.index_cast %get3A_1018 : i32 to index
          %get3A_1020 = arith.index_cast %scan3A_269 : i32 to index
          %get3A_1021 = arith.constant 992 : index
          %get3A_1022 = tpu.vector_load %arg10[%get3A_1019, %get3A_1020, %get3A_1021] {strides = array<i32>} : memref<4x8x1024xf32, #tpu.memory_space<vmem>>, vector<16xf32>,
          %mul3A_1023 = vector.broadcast %squeeze3A : f32 to vector<16xf32>
          %mul3A_1024 = arith.mulf %get3A_1022, %mul3A_1023 : vector<16xf32>
          %swap3A_1025 = arith.constant 2 : i32
          %swap3A_1026 = arith.index_cast %swap3A_1025 : i32 to index
          %swap3A_1027 = arith.index_cast %scan3A_269 : i32 to index
          %swap3A_1028 = arith.constant 992 : index
          %swap3A_1029 = tpu.vector_load %arg9[%swap3A_1026, %swap3A_1027, %swap3A_1028] {strides = array<i32>} : memref<4x8x1024xf32, #tpu.memory_space<vmem>>, vector<16xf32>,
          tpu.vector_store %arg9[%swap3A_1026, %swap3A_1027, %swap3A_1028], %mul3A_1024 {add = true, strides = array<i32>} : memref<4x8x1024xf32, #tpu.memory_space<vmem>>, vector<16xf32>,
          %get3A_1030 = arith.constant 2 : i32
          %get3A_1031 = arith.index_cast %get3A_1030 : i32 to index
          %get3A_1032 = arith.index_cast %scan3A_269 : i32 to index
          %get3A_1033 = arith.constant 1008 : index
          %get3A_1034 = tpu.vector_load %arg10[%get3A_1031, %get3A_1032, %get3A_1033] {strides = array<i32>} : memref<4x8x1024xf32, #tpu.memory_space<vmem>>, vector<16xf32>,
          %mul3A_1035 = vector.broadcast %squeeze3A : f32 to vector<16xf32>
          %mul3A_1036 = arith.mulf %get3A_1034, %mul3A_1035 : vector<16xf32>
          %swap3A_1037 = arith.constant 2 : i32
          %swap3A_1038 = arith.index_cast %swap3A_1037 : i32 to index
          %swap3A_1039 = arith.index_cast %scan3A_269 : i32 to index
          %swap3A_1040 = arith.constant 1008 : index
          %swap3A_1041 = tpu.vector_load %arg9[%swap3A_1038, %swap3A_1039, %swap3A_1040] {strides = array<i32>} : memref<4x8x1024xf32, #tpu.memory_space<vmem>>, vector<16xf32>,
          tpu.vector_store %arg9[%swap3A_1038, %swap3A_1039, %swap3A_1040], %mul3A_1036 {add = true, strides = array<i32>} : memref<4x8x1024xf32, #tpu.memory_space<vmem>>, vector<16xf32>,
          %scan3A_1042 = arith.constant 0 : i32
          scf.yield %scan3A_1042 : i32
        }
        %scan3A_242 = arith.constant 8 : i32
        %mul3A_243 = arith.constant 8 : i32
        %mul3A_244 = arith.muli %scan3A_181, %mul3A_243 : i32
        %add3A_245 = arith.addi %mul3A_2, %mul3A_244 : i32
        %dma_start3A_246 = arith.constant 2 : i32
        %dma_start3A_247 = arith.constant 2 : i32
        %dma_start3A_248 = arith.constant 0 : i32
        %dma_start3A_249 = arith.constant 0 : i32
        %dma_start3A_250 = tpu.memref_slice %arg9[%dma_start3A_246, %dma_start3A_248, %dma_start3A_249] : memref<4x8x1024xf32, #tpu.memory_space<vmem>> -> memref<1x8x1024xf32, #tpu.memory_space<vmem>>
        %dma_start3A_251 = tpu.memref_squeeze %dma_start3A_250 : memref<1x8x1024xf32, #tpu.memory_space<vmem>> -> memref<8x1024xf32, #tpu.memory_space<vmem>>
        %dma_start3A_252 = arith.constant 0 : i32
        %dma_start3A_253 = tpu.memref_slice %arg6[%add3A_245, %dma_start3A_252] : memref<32768x1024xf32, #tpu.memory_space<hbm>> -> memref<8x1024xf32, #tpu.memory_space<hbm>>
        %dma_start3A_254 = tpu.memref_slice %arg12[%dma_start3A_247] : memref<4x!tpu.dma_semaphore, #tpu.memory_space<semaphore_mem>> -> memref<1x!tpu.dma_semaphore, #tpu.memory_space<semaphore_mem>>
        %dma_start3A_255 = tpu.memref_squeeze %dma_start3A_254 : memref<1x!tpu.dma_semaphore, #tpu.memory_space<semaphore_mem>> -> memref<!tpu.dma_semaphore, #tpu.memory_space<semaphore_mem>>
        %dma_start3A_256 = arith.constant 0 : i32
        %dma_start3A_257 = tpu.memref_slice %arg6[%add3A_245, %dma_start3A_256] : memref<32768x1024xf32, #tpu.memory_space<hbm>> -> memref<8x1024xf32, #tpu.memory_space<hbm>>
        %dma_start3A_258 = arith.constant 0 : i32
        %dma_start3A_259 = arith.constant 0 : i32
        %dma_start3A_260 = tpu.memref_slice %arg9[%dma_start3A_246, %dma_start3A_258, %dma_start3A_259] : memref<4x8x1024xf32, #tpu.memory_space<vmem>> -> memref<1x8x1024xf32, #tpu.memory_space<vmem>>
        %dma_start3A_261 = tpu.memref_squeeze %dma_start3A_260 : memref<1x8x1024xf32, #tpu.memory_space<vmem>> -> memref<8x1024xf32, #tpu.memory_space<vmem>>
        tpu.enqueue_dma source(%dma_start3A_261 : memref<8x1024xf32, #tpu.memory_space<vmem>>) target(%dma_start3A_257 : memref<8x1024xf32, #tpu.memory_space<hbm>>) target_semaphore(%dma_start3A_255 : memref<!tpu.dma_semaphore, #tpu.memory_space<semaphore_mem>>)
        %add3A_262 = arith.constant 4 : i32
        %add3A_263 = arith.addi %scan3A_181, %add3A_262 : i32
        %sub3A = arith.constant 1 : i32
        %sub3A_264 = arith.subi %add3A_263, %sub3A : i32
        %lt3A = arith.constant 128 : i32
        %lt3A_265 = arith.cmpi slt, %sub3A_264, %lt3A : i32
        %convert_element_type3A_266 = arith.extui %lt3A_265 : i1 to i32
        %cond3A_267 = arith.constant 0 : i32
        %cond3A_268 = arith.cmpi ne, %convert_element_type3A_266, %cond3A_267 : i32
        scf.if %cond3A_268 {
          %ge3A = arith.constant 4 : i32
          %ge3A_269 = arith.cmpi sge, %sub3A_264, %ge3A : i32
          %convert_element_type3A_270 = arith.extui %ge3A_269 : i1 to i32
          %cond3A_271 = arith.constant 0 : i32
          %cond3A_272 = arith.cmpi ne, %convert_element_type3A_270, %cond3A_271 : i32
          scf.if %cond3A_272 {
            %sub3A_307 = arith.constant 4 : i32
            %sub3A_308 = arith.subi %sub3A_264, %sub3A_307 : i32
            %mul3A_309 = arith.constant 8 : i32
            %mul3A_310 = arith.muli %sub3A_308, %mul3A_309 : i32
            %add3A_311 = arith.addi %mul3A_2, %mul3A_310 : i32
            %dma_wait3A_312 = arith.constant 1 : i32
            %dma_wait3A_313 = arith.constant 1 : i32
            %dma_wait3A_314 = arith.constant 0 : i32
            %dma_wait3A_315 = arith.constant 0 : i32
            %dma_wait3A_316 = tpu.memref_slice %arg9[%dma_wait3A_312, %dma_wait3A_314, %dma_wait3A_315] : memref<4x8x1024xf32, #tpu.memory_space<vmem>> -> memref<1x8x1024xf32, #tpu.memory_space<vmem>>
            %dma_wait3A_317 = tpu.memref_squeeze %dma_wait3A_316 : memref<1x8x1024xf32, #tpu.memory_space<vmem>> -> memref<8x1024xf32, #tpu.memory_space<vmem>>
            %dma_wait3A_318 = arith.constant 0 : i32
            %dma_wait3A_319 = tpu.memref_slice %arg6[%add3A_311, %dma_wait3A_318] : memref<32768x1024xf32, #tpu.memory_space<hbm>> -> memref<8x1024xf32, #tpu.memory_space<hbm>>
            %dma_wait3A_320 = tpu.memref_slice %arg12[%dma_wait3A_313] : memref<4x!tpu.dma_semaphore, #tpu.memory_space<semaphore_mem>> -> memref<1x!tpu.dma_semaphore, #tpu.memory_space<semaphore_mem>>
            %dma_wait3A_321 = tpu.memref_squeeze %dma_wait3A_320 : memref<1x!tpu.dma_semaphore, #tpu.memory_space<semaphore_mem>> -> memref<!tpu.dma_semaphore, #tpu.memory_space<semaphore_mem>>
            %dma_wait3A_322 = arith.constant 0 : i32
            %dma_wait3A_323 = tpu.memref_slice %arg6[%add3A_311, %dma_wait3A_322] : memref<32768x1024xf32, #tpu.memory_space<hbm>> -> memref<8x1024xf32, #tpu.memory_space<hbm>>
            %dma_wait3A_324 = arith.constant 0 : i32
            %dma_wait3A_325 = arith.constant 0 : i32
            %dma_wait3A_326 = tpu.memref_slice %arg9[%dma_wait3A_312, %dma_wait3A_324, %dma_wait3A_325] : memref<4x8x1024xf32, #tpu.memory_space<vmem>> -> memref<1x8x1024xf32, #tpu.memory_space<vmem>>
            %dma_wait3A_327 = tpu.memref_squeeze %dma_wait3A_326 : memref<1x8x1024xf32, #tpu.memory_space<vmem>> -> memref<8x1024xf32, #tpu.memory_space<vmem>>
            tpu.wait_dma2 semaphore(%dma_wait3A_321 : memref<!tpu.dma_semaphore, #tpu.memory_space<semaphore_mem>>) src(%dma_wait3A_327 : memref<8x1024xf32, #tpu.memory_space<vmem>>) dst(%dma_wait3A_323 : memref<8x1024xf32, #tpu.memory_space<hbm>>)
          } else {
          }
          %mul3A_273 = arith.constant 8 : i32
          %mul3A_274 = arith.muli %sub3A_264, %mul3A_273 : i32
          %add3A_275 = arith.addi %mul3A_2, %mul3A_274 : i32
          %mul3A_276 = arith.constant 8 : i32
          %mul3A_277 = arith.muli %sub3A_264, %mul3A_276 : i32
          %multiple_of3A_278 = tpu.assume_multiple %mul3A_277, 8 : i32
          %dma_start3A_279 = arith.constant 1 : i32
          %dma_start3A_280 = arith.constant 1 : i32
          %dma_start3A_281 = arith.constant 0 : i32
          %dma_start3A_282 = arith.constant 0 : i32
          %dma_start3A_283 = tpu.memref_slice %arg9[%dma_start3A_279, %dma_start3A_281, %dma_start3A_282] : memref<4x8x1024xf32, #tpu.memory_space<vmem>> -> memref<1x8x1024xf32, #tpu.memory_space<vmem>>
          %dma_start3A_284 = tpu.memref_squeeze %dma_start3A_283 : memref<1x8x1024xf32, #tpu.memory_space<vmem>> -> memref<8x1024xf32, #tpu.memory_space<vmem>>
          %dma_start3A_285 = arith.constant 0 : i32
          %dma_start3A_286 = tpu.memref_slice %arg2[%add3A_275, %dma_start3A_285] : memref<32768x1024xf32, #tpu.memory_space<hbm>> -> memref<8x1024xf32, #tpu.memory_space<hbm>>
          %dma_start3A_287 = tpu.memref_slice %arg11[%dma_start3A_280] : memref<4x!tpu.dma_semaphore, #tpu.memory_space<semaphore_mem>> -> memref<1x!tpu.dma_semaphore, #tpu.memory_space<semaphore_mem>>
          %dma_start3A_288 = tpu.memref_squeeze %dma_start3A_287 : memref<1x!tpu.dma_semaphore, #tpu.memory_space<semaphore_mem>> -> memref<!tpu.dma_semaphore, #tpu.memory_space<semaphore_mem>>
          %dma_start3A_289 = arith.constant 0 : i32
          %dma_start3A_290 = arith.constant 0 : i32
          %dma_start3A_291 = tpu.memref_slice %arg9[%dma_start3A_279, %dma_start3A_289, %dma_start3A_290] : memref<4x8x1024xf32, #tpu.memory_space<vmem>> -> memref<1x8x1024xf32, #tpu.memory_space<vmem>>
          %dma_start3A_292 = tpu.memref_squeeze %dma_start3A_291 : memref<1x8x1024xf32, #tpu.memory_space<vmem>> -> memref<8x1024xf32, #tpu.memory_space<vmem>>
          %dma_start3A_293 = arith.constant 0 : i32
          %dma_start3A_294 = tpu.memref_slice %arg2[%add3A_275, %dma_start3A_293] : memref<32768x1024xf32, #tpu.memory_space<hbm>> -> memref<8x1024xf32, #tpu.memory_space<hbm>>
          tpu.enqueue_dma source(%dma_start3A_294 : memref<8x1024xf32, #tpu.memory_space<hbm>>) target(%dma_start3A_292 : memref<8x1024xf32, #tpu.memory_space<vmem>>) target_semaphore(%dma_start3A_288 : memref<!tpu.dma_semaphore, #tpu.memory_space<semaphore_mem>>)
          %dma_start3A_295 = arith.constant 1 : i32
          %dma_start3A_296 = arith.constant 1 : i32
          %dma_start3A_297 = arith.constant 0 : i32
          %dma_start3A_298 = arith.constant 0 : i32
          %dma_start3A_299 = tpu.memref_slice %arg10[%dma_start3A_295, %dma_start3A_297, %dma_start3A_298] : memref<4x8x1024xf32, #tpu.memory_space<vmem>> -> memref<1x8x1024xf32, #tpu.memory_space<vmem>>
          %dma_start3A_300 = tpu.memref_squeeze %dma_start3A_299 : memref<1x8x1024xf32, #tpu.memory_space<vmem>> -> memref<8x1024xf32, #tpu.memory_space<vmem>>
          %dma_start3A_301 = tpu.memref_slice %arg7[%multiple_of3A_278] : memref<1024xi32, #tpu.memory_space<vmem>> -> memref<8xi32, #tpu.memory_space<vmem>>
          %dma_start3A_302 = arith.constant 0 : i32
          %dma_start3A_303 = arith.constant 0 : i32
          %dma_start3A_304 = tpu.memref_slice %arg5[%dma_start3A_302, %dma_start3A_303] : memref<8192x1024xf32, #tpu.memory_space<hbm>> -> memref<8192x1024xf32, #tpu.memory_space<hbm>>
          %dma_start3A_305 = tpu.memref_slice %arg11[%dma_start3A_296] : memref<4x!tpu.dma_semaphore, #tpu.memory_space<semaphore_mem>> -> memref<1x!tpu.dma_semaphore, #tpu.memory_space<semaphore_mem>>
          %dma_start3A_306 = tpu.memref_squeeze %dma_start3A_305 : memref<1x!tpu.dma_semaphore, #tpu.memory_space<semaphore_mem>> -> memref<!tpu.dma_semaphore, #tpu.memory_space<semaphore_mem>>
          tpu.enqueue_indirect_dma source(%dma_start3A_304 : memref<8192x1024xf32, #tpu.memory_space<hbm>>) target(%dma_start3A_300 : memref<8x1024xf32, #tpu.memory_space<vmem>>) offsets(%dma_start3A_301 : memref<8xi32, #tpu.memory_space<vmem>>) semaphore(%dma_start3A_306 : memref<!tpu.dma_semaphore, #tpu.memory_space<semaphore_mem>>)
        } else {
        }
      } else {
      }
      %eq3A_196 = arith.constant 3 : i32
      %eq3A_197 = arith.cmpi eq, %rem3A_183, %eq3A_196 : i32
      %convert_element_type3A_198 = arith.extui %eq3A_197 : i1 to i32
      %cond3A_199 = arith.constant 0 : i32
      %cond3A_200 = arith.cmpi ne, %convert_element_type3A_198, %cond3A_199 : i32
      scf.if %cond3A_200 {
        %mul3A_202 = arith.constant 8 : i32
        %mul3A_203 = arith.muli %scan3A_181, %mul3A_202 : i32
        %add3A_204 = arith.addi %mul3A_2, %mul3A_203 : i32
        %mul3A_205 = arith.constant 8 : i32
        %mul3A_206 = arith.muli %scan3A_181, %mul3A_205 : i32
        %multiple_of3A_207 = tpu.assume_multiple %mul3A_206, 8 : i32
        %dma_wait3A_208 = arith.constant 3 : i32
        %dma_wait3A_209 = arith.constant 3 : i32
        %dma_wait3A_210 = arith.constant 0 : i32
        %dma_wait3A_211 = arith.constant 0 : i32
        %dma_wait3A_212 = tpu.memref_slice %arg9[%dma_wait3A_208, %dma_wait3A_210, %dma_wait3A_211] : memref<4x8x1024xf32, #tpu.memory_space<vmem>> -> memref<1x8x1024xf32, #tpu.memory_space<vmem>>
        %dma_wait3A_213 = tpu.memref_squeeze %dma_wait3A_212 : memref<1x8x1024xf32, #tpu.memory_space<vmem>> -> memref<8x1024xf32, #tpu.memory_space<vmem>>
        %dma_wait3A_214 = arith.constant 0 : i32
        %dma_wait3A_215 = tpu.memref_slice %arg2[%add3A_204, %dma_wait3A_214] : memref<32768x1024xf32, #tpu.memory_space<hbm>> -> memref<8x1024xf32, #tpu.memory_space<hbm>>
        %dma_wait3A_216 = tpu.memref_slice %arg11[%dma_wait3A_209] : memref<4x!tpu.dma_semaphore, #tpu.memory_space<semaphore_mem>> -> memref<1x!tpu.dma_semaphore, #tpu.memory_space<semaphore_mem>>
        %dma_wait3A_217 = tpu.memref_squeeze %dma_wait3A_216 : memref<1x!tpu.dma_semaphore, #tpu.memory_space<semaphore_mem>> -> memref<!tpu.dma_semaphore, #tpu.memory_space<semaphore_mem>>
        %dma_wait3A_218 = arith.constant 0 : i32
        %dma_wait3A_219 = arith.constant 0 : i32
        %dma_wait3A_220 = tpu.memref_slice %arg9[%dma_wait3A_208, %dma_wait3A_218, %dma_wait3A_219] : memref<4x8x1024xf32, #tpu.memory_space<vmem>> -> memref<1x8x1024xf32, #tpu.memory_space<vmem>>
        %dma_wait3A_221 = tpu.memref_squeeze %dma_wait3A_220 : memref<1x8x1024xf32, #tpu.memory_space<vmem>> -> memref<8x1024xf32, #tpu.memory_space<vmem>>
        %dma_wait3A_222 = arith.constant 0 : i32
        %dma_wait3A_223 = tpu.memref_slice %arg2[%add3A_204, %dma_wait3A_222] : memref<32768x1024xf32, #tpu.memory_space<hbm>> -> memref<8x1024xf32, #tpu.memory_space<hbm>>
        tpu.wait_dma2 semaphore(%dma_wait3A_217 : memref<!tpu.dma_semaphore, #tpu.memory_space<semaphore_mem>>) src(%dma_wait3A_223 : memref<8x1024xf32, #tpu.memory_space<hbm>>) dst(%dma_wait3A_221 : memref<8x1024xf32, #tpu.memory_space<vmem>>)
        %dma_wait3A_224 = arith.constant 3 : i32
        %dma_wait3A_225 = arith.constant 3 : i32
        %dma_wait3A_226 = arith.constant 0 : i32
        %dma_wait3A_227 = arith.constant 0 : i32
        %dma_wait3A_228 = tpu.memref_slice %arg10[%dma_wait3A_224, %dma_wait3A_226, %dma_wait3A_227] : memref<4x8x1024xf32, #tpu.memory_space<vmem>> -> memref<1x8x1024xf32, #tpu.memory_space<vmem>>
        %dma_wait3A_229 = tpu.memref_squeeze %dma_wait3A_228 : memref<1x8x1024xf32, #tpu.memory_space<vmem>> -> memref<8x1024xf32, #tpu.memory_space<vmem>>
        %dma_wait3A_230 = tpu.memref_slice %arg7[%multiple_of3A_207] : memref<1024xi32, #tpu.memory_space<vmem>> -> memref<8xi32, #tpu.memory_space<vmem>>
        %dma_wait3A_231 = arith.constant 0 : i32
        %dma_wait3A_232 = arith.constant 0 : i32
        %dma_wait3A_233 = tpu.memref_slice %arg5[%dma_wait3A_231, %dma_wait3A_232] : memref<8192x1024xf32, #tpu.memory_space<hbm>> -> memref<8192x1024xf32, #tpu.memory_space<hbm>>
        %dma_wait3A_234 = tpu.memref_slice %arg11[%dma_wait3A_225] : memref<4x!tpu.dma_semaphore, #tpu.memory_space<semaphore_mem>> -> memref<1x!tpu.dma_semaphore, #tpu.memory_space<semaphore_mem>>
        %dma_wait3A_235 = tpu.memref_squeeze %dma_wait3A_234 : memref<1x!tpu.dma_semaphore, #tpu.memory_space<semaphore_mem>> -> memref<!tpu.dma_semaphore, #tpu.memory_space<semaphore_mem>>
        tpu.wait_indirect_dma semaphore(%dma_wait3A_235 : memref<!tpu.dma_semaphore, #tpu.memory_space<semaphore_mem>>) src(%dma_wait3A_233 : memref<8192x1024xf32, #tpu.memory_space<hbm>>) dst(%dma_wait3A_229 : memref<8x1024xf32, #tpu.memory_space<vmem>>)
        %scan3A_236 = arith.constant 0 : i32
        %scan3A_237 = arith.constant 0 : i32
        %scan3A_238 = arith.constant 8 : i32
        %scan3A_239 = arith.addi %scan3A_237, %scan3A_238 : i32
        %scan3A_240 = arith.constant 1 : i32
        %scan3A_241 = scf.for %scan3A_269 = %scan3A_237 to %scan3A_239 step %scan3A_240 iter_args(%scan3A_270 = %scan3A_236) -> (i32)  : i32 {
          %mul3A_271 = arith.constant 8 : i32
          %mul3A_272 = arith.muli %scan3A_181, %mul3A_271 : i32
          %add3A_273 = arith.addi %mul3A_272, %scan3A_269 : i32
          %get3A = arith.index_cast %add3A_273 : i32 to index
          %get3A_274 = tpu.vector_load %arg8[%get3A] {strides = array<i32>} : memref<1040xf32, #tpu.memory_space<vmem>>, vector<16xf32>,
          %slice3A = vector.extract_strided_slice %get3A_274 {offsets = [0], sizes = [1], strides = [1]} : vector<16xf32> to vector<1xf32>
          %squeeze3A = vector.extract %slice3A[0] : f32 from vector<1xf32>
          %get3A_275 = arith.constant 3 : i32
          %get3A_276 = arith.index_cast %get3A_275 : i32 to index
          %get3A_277 = arith.index_cast %scan3A_269 : i32 to index
          %get3A_278 = arith.constant 0 : index
          %get3A_279 = tpu.vector_load %arg10[%get3A_276, %get3A_277, %get3A_278] {strides = array<i32>} : memref<4x8x1024xf32, #tpu.memory_space<vmem>>, vector<16xf32>,
          %mul3A_280 = vector.broadcast %squeeze3A : f32 to vector<16xf32>
          %mul3A_281 = arith.mulf %get3A_279, %mul3A_280 : vector<16xf32>
          %swap3A = arith.constant 3 : i32
          %swap3A_282 = arith.index_cast %swap3A : i32 to index
          %swap3A_283 = arith.index_cast %scan3A_269 : i32 to index
          %swap3A_284 = arith.constant 0 : index
          %swap3A_285 = tpu.vector_load %arg9[%swap3A_282, %swap3A_283, %swap3A_284] {strides = array<i32>} : memref<4x8x1024xf32, #tpu.memory_space<vmem>>, vector<16xf32>,
          tpu.vector_store %arg9[%swap3A_282, %swap3A_283, %swap3A_284], %mul3A_281 {add = true, strides = array<i32>} : memref<4x8x1024xf32, #tpu.memory_space<vmem>>, vector<16xf32>,
          %get3A_286 = arith.constant 3 : i32
          %get3A_287 = arith.index_cast %get3A_286 : i32 to index
          %get3A_288 = arith.index_cast %scan3A_269 : i32 to index
          %get3A_289 = arith.constant 16 : index
          %get3A_290 = tpu.vector_load %arg10[%get3A_287, %get3A_288, %get3A_289] {strides = array<i32>} : memref<4x8x1024xf32, #tpu.memory_space<vmem>>, vector<16xf32>,
          %mul3A_291 = vector.broadcast %squeeze3A : f32 to vector<16xf32>
          %mul3A_292 = arith.mulf %get3A_290, %mul3A_291 : vector<16xf32>
          %swap3A_293 = arith.constant 3 : i32
          %swap3A_294 = arith.index_cast %swap3A_293 : i32 to index
          %swap3A_295 = arith.index_cast %scan3A_269 : i32 to index
          %swap3A_296 = arith.constant 16 : index
          %swap3A_297 = tpu.vector_load %arg9[%swap3A_294, %swap3A_295, %swap3A_296] {strides = array<i32>} : memref<4x8x1024xf32, #tpu.memory_space<vmem>>, vector<16xf32>,
          tpu.vector_store %arg9[%swap3A_294, %swap3A_295, %swap3A_296], %mul3A_292 {add = true, strides = array<i32>} : memref<4x8x1024xf32, #tpu.memory_space<vmem>>, vector<16xf32>,
          %get3A_298 = arith.constant 3 : i32
          %get3A_299 = arith.index_cast %get3A_298 : i32 to index
          %get3A_300 = arith.index_cast %scan3A_269 : i32 to index
          %get3A_301 = arith.constant 32 : index
          %get3A_302 = tpu.vector_load %arg10[%get3A_299, %get3A_300, %get3A_301] {strides = array<i32>} : memref<4x8x1024xf32, #tpu.memory_space<vmem>>, vector<16xf32>,
          %mul3A_303 = vector.broadcast %squeeze3A : f32 to vector<16xf32>
          %mul3A_304 = arith.mulf %get3A_302, %mul3A_303 : vector<16xf32>
          %swap3A_305 = arith.constant 3 : i32
          %swap3A_306 = arith.index_cast %swap3A_305 : i32 to index
          %swap3A_307 = arith.index_cast %scan3A_269 : i32 to index
          %swap3A_308 = arith.constant 32 : index
          %swap3A_309 = tpu.vector_load %arg9[%swap3A_306, %swap3A_307, %swap3A_308] {strides = array<i32>} : memref<4x8x1024xf32, #tpu.memory_space<vmem>>, vector<16xf32>,
          tpu.vector_store %arg9[%swap3A_306, %swap3A_307, %swap3A_308], %mul3A_304 {add = true, strides = array<i32>} : memref<4x8x1024xf32, #tpu.memory_space<vmem>>, vector<16xf32>,
          %get3A_310 = arith.constant 3 : i32
          %get3A_311 = arith.index_cast %get3A_310 : i32 to index
          %get3A_312 = arith.index_cast %scan3A_269 : i32 to index
          %get3A_313 = arith.constant 48 : index
          %get3A_314 = tpu.vector_load %arg10[%get3A_311, %get3A_312, %get3A_313] {strides = array<i32>} : memref<4x8x1024xf32, #tpu.memory_space<vmem>>, vector<16xf32>,
          %mul3A_315 = vector.broadcast %squeeze3A : f32 to vector<16xf32>
          %mul3A_316 = arith.mulf %get3A_314, %mul3A_315 : vector<16xf32>
          %swap3A_317 = arith.constant 3 : i32
          %swap3A_318 = arith.index_cast %swap3A_317 : i32 to index
          %swap3A_319 = arith.index_cast %scan3A_269 : i32 to index
          %swap3A_320 = arith.constant 48 : index
          %swap3A_321 = tpu.vector_load %arg9[%swap3A_318, %swap3A_319, %swap3A_320] {strides = array<i32>} : memref<4x8x1024xf32, #tpu.memory_space<vmem>>, vector<16xf32>,
          tpu.vector_store %arg9[%swap3A_318, %swap3A_319, %swap3A_320], %mul3A_316 {add = true, strides = array<i32>} : memref<4x8x1024xf32, #tpu.memory_space<vmem>>, vector<16xf32>,
          %get3A_322 = arith.constant 3 : i32
          %get3A_323 = arith.index_cast %get3A_322 : i32 to index
          %get3A_324 = arith.index_cast %scan3A_269 : i32 to index
          %get3A_325 = arith.constant 64 : index
          %get3A_326 = tpu.vector_load %arg10[%get3A_323, %get3A_324, %get3A_325] {strides = array<i32>} : memref<4x8x1024xf32, #tpu.memory_space<vmem>>, vector<16xf32>,
          %mul3A_327 = vector.broadcast %squeeze3A : f32 to vector<16xf32>
          %mul3A_328 = arith.mulf %get3A_326, %mul3A_327 : vector<16xf32>
          %swap3A_329 = arith.constant 3 : i32
          %swap3A_330 = arith.index_cast %swap3A_329 : i32 to index
          %swap3A_331 = arith.index_cast %scan3A_269 : i32 to index
          %swap3A_332 = arith.constant 64 : index
          %swap3A_333 = tpu.vector_load %arg9[%swap3A_330, %swap3A_331, %swap3A_332] {strides = array<i32>} : memref<4x8x1024xf32, #tpu.memory_space<vmem>>, vector<16xf32>,
          tpu.vector_store %arg9[%swap3A_330, %swap3A_331, %swap3A_332], %mul3A_328 {add = true, strides = array<i32>} : memref<4x8x1024xf32, #tpu.memory_space<vmem>>, vector<16xf32>,
          %get3A_334 = arith.constant 3 : i32
          %get3A_335 = arith.index_cast %get3A_334 : i32 to index
          %get3A_336 = arith.index_cast %scan3A_269 : i32 to index
          %get3A_337 = arith.constant 80 : index
          %get3A_338 = tpu.vector_load %arg10[%get3A_335, %get3A_336, %get3A_337] {strides = array<i32>} : memref<4x8x1024xf32, #tpu.memory_space<vmem>>, vector<16xf32>,
          %mul3A_339 = vector.broadcast %squeeze3A : f32 to vector<16xf32>
          %mul3A_340 = arith.mulf %get3A_338, %mul3A_339 : vector<16xf32>
          %swap3A_341 = arith.constant 3 : i32
          %swap3A_342 = arith.index_cast %swap3A_341 : i32 to index
          %swap3A_343 = arith.index_cast %scan3A_269 : i32 to index
          %swap3A_344 = arith.constant 80 : index
          %swap3A_345 = tpu.vector_load %arg9[%swap3A_342, %swap3A_343, %swap3A_344] {strides = array<i32>} : memref<4x8x1024xf32, #tpu.memory_space<vmem>>, vector<16xf32>,
          tpu.vector_store %arg9[%swap3A_342, %swap3A_343, %swap3A_344], %mul3A_340 {add = true, strides = array<i32>} : memref<4x8x1024xf32, #tpu.memory_space<vmem>>, vector<16xf32>,
          %get3A_346 = arith.constant 3 : i32
          %get3A_347 = arith.index_cast %get3A_346 : i32 to index
          %get3A_348 = arith.index_cast %scan3A_269 : i32 to index
          %get3A_349 = arith.constant 96 : index
          %get3A_350 = tpu.vector_load %arg10[%get3A_347, %get3A_348, %get3A_349] {strides = array<i32>} : memref<4x8x1024xf32, #tpu.memory_space<vmem>>, vector<16xf32>,
          %mul3A_351 = vector.broadcast %squeeze3A : f32 to vector<16xf32>
          %mul3A_352 = arith.mulf %get3A_350, %mul3A_351 : vector<16xf32>
          %swap3A_353 = arith.constant 3 : i32
          %swap3A_354 = arith.index_cast %swap3A_353 : i32 to index
          %swap3A_355 = arith.index_cast %scan3A_269 : i32 to index
          %swap3A_356 = arith.constant 96 : index
          %swap3A_357 = tpu.vector_load %arg9[%swap3A_354, %swap3A_355, %swap3A_356] {strides = array<i32>} : memref<4x8x1024xf32, #tpu.memory_space<vmem>>, vector<16xf32>,
          tpu.vector_store %arg9[%swap3A_354, %swap3A_355, %swap3A_356], %mul3A_352 {add = true, strides = array<i32>} : memref<4x8x1024xf32, #tpu.memory_space<vmem>>, vector<16xf32>,
          %get3A_358 = arith.constant 3 : i32
          %get3A_359 = arith.index_cast %get3A_358 : i32 to index
          %get3A_360 = arith.index_cast %scan3A_269 : i32 to index
          %get3A_361 = arith.constant 112 : index
          %get3A_362 = tpu.vector_load %arg10[%get3A_359, %get3A_360, %get3A_361] {strides = array<i32>} : memref<4x8x1024xf32, #tpu.memory_space<vmem>>, vector<16xf32>,
          %mul3A_363 = vector.broadcast %squeeze3A : f32 to vector<16xf32>
          %mul3A_364 = arith.mulf %get3A_362, %mul3A_363 : vector<16xf32>
          %swap3A_365 = arith.constant 3 : i32
          %swap3A_366 = arith.index_cast %swap3A_365 : i32 to index
          %swap3A_367 = arith.index_cast %scan3A_269 : i32 to index
          %swap3A_368 = arith.constant 112 : index
          %swap3A_369 = tpu.vector_load %arg9[%swap3A_366, %swap3A_367, %swap3A_368] {strides = array<i32>} : memref<4x8x1024xf32, #tpu.memory_space<vmem>>, vector<16xf32>,
          tpu.vector_store %arg9[%swap3A_366, %swap3A_367, %swap3A_368], %mul3A_364 {add = true, strides = array<i32>} : memref<4x8x1024xf32, #tpu.memory_space<vmem>>, vector<16xf32>,
          %get3A_370 = arith.constant 3 : i32
          %get3A_371 = arith.index_cast %get3A_370 : i32 to index
          %get3A_372 = arith.index_cast %scan3A_269 : i32 to index
          %get3A_373 = arith.constant 128 : index
          %get3A_374 = tpu.vector_load %arg10[%get3A_371, %get3A_372, %get3A_373] {strides = array<i32>} : memref<4x8x1024xf32, #tpu.memory_space<vmem>>, vector<16xf32>,
          %mul3A_375 = vector.broadcast %squeeze3A : f32 to vector<16xf32>
          %mul3A_376 = arith.mulf %get3A_374, %mul3A_375 : vector<16xf32>
          %swap3A_377 = arith.constant 3 : i32
          %swap3A_378 = arith.index_cast %swap3A_377 : i32 to index
          %swap3A_379 = arith.index_cast %scan3A_269 : i32 to index
          %swap3A_380 = arith.constant 128 : index
          %swap3A_381 = tpu.vector_load %arg9[%swap3A_378, %swap3A_379, %swap3A_380] {strides = array<i32>} : memref<4x8x1024xf32, #tpu.memory_space<vmem>>, vector<16xf32>,
          tpu.vector_store %arg9[%swap3A_378, %swap3A_379, %swap3A_380], %mul3A_376 {add = true, strides = array<i32>} : memref<4x8x1024xf32, #tpu.memory_space<vmem>>, vector<16xf32>,
          %get3A_382 = arith.constant 3 : i32
          %get3A_383 = arith.index_cast %get3A_382 : i32 to index
          %get3A_384 = arith.index_cast %scan3A_269 : i32 to index
          %get3A_385 = arith.constant 144 : index
          %get3A_386 = tpu.vector_load %arg10[%get3A_383, %get3A_384, %get3A_385] {strides = array<i32>} : memref<4x8x1024xf32, #tpu.memory_space<vmem>>, vector<16xf32>,
          %mul3A_387 = vector.broadcast %squeeze3A : f32 to vector<16xf32>
          %mul3A_388 = arith.mulf %get3A_386, %mul3A_387 : vector<16xf32>
          %swap3A_389 = arith.constant 3 : i32
          %swap3A_390 = arith.index_cast %swap3A_389 : i32 to index
          %swap3A_391 = arith.index_cast %scan3A_269 : i32 to index
          %swap3A_392 = arith.constant 144 : index
          %swap3A_393 = tpu.vector_load %arg9[%swap3A_390, %swap3A_391, %swap3A_392] {strides = array<i32>} : memref<4x8x1024xf32, #tpu.memory_space<vmem>>, vector<16xf32>,
          tpu.vector_store %arg9[%swap3A_390, %swap3A_391, %swap3A_392], %mul3A_388 {add = true, strides = array<i32>} : memref<4x8x1024xf32, #tpu.memory_space<vmem>>, vector<16xf32>,
          %get3A_394 = arith.constant 3 : i32
          %get3A_395 = arith.index_cast %get3A_394 : i32 to index
          %get3A_396 = arith.index_cast %scan3A_269 : i32 to index
          %get3A_397 = arith.constant 160 : index
          %get3A_398 = tpu.vector_load %arg10[%get3A_395, %get3A_396, %get3A_397] {strides = array<i32>} : memref<4x8x1024xf32, #tpu.memory_space<vmem>>, vector<16xf32>,
          %mul3A_399 = vector.broadcast %squeeze3A : f32 to vector<16xf32>
          %mul3A_400 = arith.mulf %get3A_398, %mul3A_399 : vector<16xf32>
          %swap3A_401 = arith.constant 3 : i32
          %swap3A_402 = arith.index_cast %swap3A_401 : i32 to index
          %swap3A_403 = arith.index_cast %scan3A_269 : i32 to index
          %swap3A_404 = arith.constant 160 : index
          %swap3A_405 = tpu.vector_load %arg9[%swap3A_402, %swap3A_403, %swap3A_404] {strides = array<i32>} : memref<4x8x1024xf32, #tpu.memory_space<vmem>>, vector<16xf32>,
          tpu.vector_store %arg9[%swap3A_402, %swap3A_403, %swap3A_404], %mul3A_400 {add = true, strides = array<i32>} : memref<4x8x1024xf32, #tpu.memory_space<vmem>>, vector<16xf32>,
          %get3A_406 = arith.constant 3 : i32
          %get3A_407 = arith.index_cast %get3A_406 : i32 to index
          %get3A_408 = arith.index_cast %scan3A_269 : i32 to index
          %get3A_409 = arith.constant 176 : index
          %get3A_410 = tpu.vector_load %arg10[%get3A_407, %get3A_408, %get3A_409] {strides = array<i32>} : memref<4x8x1024xf32, #tpu.memory_space<vmem>>, vector<16xf32>,
          %mul3A_411 = vector.broadcast %squeeze3A : f32 to vector<16xf32>
          %mul3A_412 = arith.mulf %get3A_410, %mul3A_411 : vector<16xf32>
          %swap3A_413 = arith.constant 3 : i32
          %swap3A_414 = arith.index_cast %swap3A_413 : i32 to index
          %swap3A_415 = arith.index_cast %scan3A_269 : i32 to index
          %swap3A_416 = arith.constant 176 : index
          %swap3A_417 = tpu.vector_load %arg9[%swap3A_414, %swap3A_415, %swap3A_416] {strides = array<i32>} : memref<4x8x1024xf32, #tpu.memory_space<vmem>>, vector<16xf32>,
          tpu.vector_store %arg9[%swap3A_414, %swap3A_415, %swap3A_416], %mul3A_412 {add = true, strides = array<i32>} : memref<4x8x1024xf32, #tpu.memory_space<vmem>>, vector<16xf32>,
          %get3A_418 = arith.constant 3 : i32
          %get3A_419 = arith.index_cast %get3A_418 : i32 to index
          %get3A_420 = arith.index_cast %scan3A_269 : i32 to index
          %get3A_421 = arith.constant 192 : index
          %get3A_422 = tpu.vector_load %arg10[%get3A_419, %get3A_420, %get3A_421] {strides = array<i32>} : memref<4x8x1024xf32, #tpu.memory_space<vmem>>, vector<16xf32>,
          %mul3A_423 = vector.broadcast %squeeze3A : f32 to vector<16xf32>
          %mul3A_424 = arith.mulf %get3A_422, %mul3A_423 : vector<16xf32>
          %swap3A_425 = arith.constant 3 : i32
          %swap3A_426 = arith.index_cast %swap3A_425 : i32 to index
          %swap3A_427 = arith.index_cast %scan3A_269 : i32 to index
          %swap3A_428 = arith.constant 192 : index
          %swap3A_429 = tpu.vector_load %arg9[%swap3A_426, %swap3A_427, %swap3A_428] {strides = array<i32>} : memref<4x8x1024xf32, #tpu.memory_space<vmem>>, vector<16xf32>,
          tpu.vector_store %arg9[%swap3A_426, %swap3A_427, %swap3A_428], %mul3A_424 {add = true, strides = array<i32>} : memref<4x8x1024xf32, #tpu.memory_space<vmem>>, vector<16xf32>,
          %get3A_430 = arith.constant 3 : i32
          %get3A_431 = arith.index_cast %get3A_430 : i32 to index
          %get3A_432 = arith.index_cast %scan3A_269 : i32 to index
          %get3A_433 = arith.constant 208 : index
          %get3A_434 = tpu.vector_load %arg10[%get3A_431, %get3A_432, %get3A_433] {strides = array<i32>} : memref<4x8x1024xf32, #tpu.memory_space<vmem>>, vector<16xf32>,
          %mul3A_435 = vector.broadcast %squeeze3A : f32 to vector<16xf32>
          %mul3A_436 = arith.mulf %get3A_434, %mul3A_435 : vector<16xf32>
          %swap3A_437 = arith.constant 3 : i32
          %swap3A_438 = arith.index_cast %swap3A_437 : i32 to index
          %swap3A_439 = arith.index_cast %scan3A_269 : i32 to index
          %swap3A_440 = arith.constant 208 : index
          %swap3A_441 = tpu.vector_load %arg9[%swap3A_438, %swap3A_439, %swap3A_440] {strides = array<i32>} : memref<4x8x1024xf32, #tpu.memory_space<vmem>>, vector<16xf32>,
          tpu.vector_store %arg9[%swap3A_438, %swap3A_439, %swap3A_440], %mul3A_436 {add = true, strides = array<i32>} : memref<4x8x1024xf32, #tpu.memory_space<vmem>>, vector<16xf32>,
          %get3A_442 = arith.constant 3 : i32
          %get3A_443 = arith.index_cast %get3A_442 : i32 to index
          %get3A_444 = arith.index_cast %scan3A_269 : i32 to index
          %get3A_445 = arith.constant 224 : index
          %get3A_446 = tpu.vector_load %arg10[%get3A_443, %get3A_444, %get3A_445] {strides = array<i32>} : memref<4x8x1024xf32, #tpu.memory_space<vmem>>, vector<16xf32>,
          %mul3A_447 = vector.broadcast %squeeze3A : f32 to vector<16xf32>
          %mul3A_448 = arith.mulf %get3A_446, %mul3A_447 : vector<16xf32>
          %swap3A_449 = arith.constant 3 : i32
          %swap3A_450 = arith.index_cast %swap3A_449 : i32 to index
          %swap3A_451 = arith.index_cast %scan3A_269 : i32 to index
          %swap3A_452 = arith.constant 224 : index
          %swap3A_453 = tpu.vector_load %arg9[%swap3A_450, %swap3A_451, %swap3A_452] {strides = array<i32>} : memref<4x8x1024xf32, #tpu.memory_space<vmem>>, vector<16xf32>,
          tpu.vector_store %arg9[%swap3A_450, %swap3A_451, %swap3A_452], %mul3A_448 {add = true, strides = array<i32>} : memref<4x8x1024xf32, #tpu.memory_space<vmem>>, vector<16xf32>,
          %get3A_454 = arith.constant 3 : i32
          %get3A_455 = arith.index_cast %get3A_454 : i32 to index
          %get3A_456 = arith.index_cast %scan3A_269 : i32 to index
          %get3A_457 = arith.constant 240 : index
          %get3A_458 = tpu.vector_load %arg10[%get3A_455, %get3A_456, %get3A_457] {strides = array<i32>} : memref<4x8x1024xf32, #tpu.memory_space<vmem>>, vector<16xf32>,
          %mul3A_459 = vector.broadcast %squeeze3A : f32 to vector<16xf32>
          %mul3A_460 = arith.mulf %get3A_458, %mul3A_459 : vector<16xf32>
          %swap3A_461 = arith.constant 3 : i32
          %swap3A_462 = arith.index_cast %swap3A_461 : i32 to index
          %swap3A_463 = arith.index_cast %scan3A_269 : i32 to index
          %swap3A_464 = arith.constant 240 : index
          %swap3A_465 = tpu.vector_load %arg9[%swap3A_462, %swap3A_463, %swap3A_464] {strides = array<i32>} : memref<4x8x1024xf32, #tpu.memory_space<vmem>>, vector<16xf32>,
          tpu.vector_store %arg9[%swap3A_462, %swap3A_463, %swap3A_464], %mul3A_460 {add = true, strides = array<i32>} : memref<4x8x1024xf32, #tpu.memory_space<vmem>>, vector<16xf32>,
          %get3A_466 = arith.constant 3 : i32
          %get3A_467 = arith.index_cast %get3A_466 : i32 to index
          %get3A_468 = arith.index_cast %scan3A_269 : i32 to index
          %get3A_469 = arith.constant 256 : index
          %get3A_470 = tpu.vector_load %arg10[%get3A_467, %get3A_468, %get3A_469] {strides = array<i32>} : memref<4x8x1024xf32, #tpu.memory_space<vmem>>, vector<16xf32>,
          %mul3A_471 = vector.broadcast %squeeze3A : f32 to vector<16xf32>
          %mul3A_472 = arith.mulf %get3A_470, %mul3A_471 : vector<16xf32>
          %swap3A_473 = arith.constant 3 : i32
          %swap3A_474 = arith.index_cast %swap3A_473 : i32 to index
          %swap3A_475 = arith.index_cast %scan3A_269 : i32 to index
          %swap3A_476 = arith.constant 256 : index
          %swap3A_477 = tpu.vector_load %arg9[%swap3A_474, %swap3A_475, %swap3A_476] {strides = array<i32>} : memref<4x8x1024xf32, #tpu.memory_space<vmem>>, vector<16xf32>,
          tpu.vector_store %arg9[%swap3A_474, %swap3A_475, %swap3A_476], %mul3A_472 {add = true, strides = array<i32>} : memref<4x8x1024xf32, #tpu.memory_space<vmem>>, vector<16xf32>,
          %get3A_478 = arith.constant 3 : i32
          %get3A_479 = arith.index_cast %get3A_478 : i32 to index
          %get3A_480 = arith.index_cast %scan3A_269 : i32 to index
          %get3A_481 = arith.constant 272 : index
          %get3A_482 = tpu.vector_load %arg10[%get3A_479, %get3A_480, %get3A_481] {strides = array<i32>} : memref<4x8x1024xf32, #tpu.memory_space<vmem>>, vector<16xf32>,
          %mul3A_483 = vector.broadcast %squeeze3A : f32 to vector<16xf32>
          %mul3A_484 = arith.mulf %get3A_482, %mul3A_483 : vector<16xf32>
          %swap3A_485 = arith.constant 3 : i32
          %swap3A_486 = arith.index_cast %swap3A_485 : i32 to index
          %swap3A_487 = arith.index_cast %scan3A_269 : i32 to index
          %swap3A_488 = arith.constant 272 : index
          %swap3A_489 = tpu.vector_load %arg9[%swap3A_486, %swap3A_487, %swap3A_488] {strides = array<i32>} : memref<4x8x1024xf32, #tpu.memory_space<vmem>>, vector<16xf32>,
          tpu.vector_store %arg9[%swap3A_486, %swap3A_487, %swap3A_488], %mul3A_484 {add = true, strides = array<i32>} : memref<4x8x1024xf32, #tpu.memory_space<vmem>>, vector<16xf32>,
          %get3A_490 = arith.constant 3 : i32
          %get3A_491 = arith.index_cast %get3A_490 : i32 to index
          %get3A_492 = arith.index_cast %scan3A_269 : i32 to index
          %get3A_493 = arith.constant 288 : index
          %get3A_494 = tpu.vector_load %arg10[%get3A_491, %get3A_492, %get3A_493] {strides = array<i32>} : memref<4x8x1024xf32, #tpu.memory_space<vmem>>, vector<16xf32>,
          %mul3A_495 = vector.broadcast %squeeze3A : f32 to vector<16xf32>
          %mul3A_496 = arith.mulf %get3A_494, %mul3A_495 : vector<16xf32>
          %swap3A_497 = arith.constant 3 : i32
          %swap3A_498 = arith.index_cast %swap3A_497 : i32 to index
          %swap3A_499 = arith.index_cast %scan3A_269 : i32 to index
          %swap3A_500 = arith.constant 288 : index
          %swap3A_501 = tpu.vector_load %arg9[%swap3A_498, %swap3A_499, %swap3A_500] {strides = array<i32>} : memref<4x8x1024xf32, #tpu.memory_space<vmem>>, vector<16xf32>,
          tpu.vector_store %arg9[%swap3A_498, %swap3A_499, %swap3A_500], %mul3A_496 {add = true, strides = array<i32>} : memref<4x8x1024xf32, #tpu.memory_space<vmem>>, vector<16xf32>,
          %get3A_502 = arith.constant 3 : i32
          %get3A_503 = arith.index_cast %get3A_502 : i32 to index
          %get3A_504 = arith.index_cast %scan3A_269 : i32 to index
          %get3A_505 = arith.constant 304 : index
          %get3A_506 = tpu.vector_load %arg10[%get3A_503, %get3A_504, %get3A_505] {strides = array<i32>} : memref<4x8x1024xf32, #tpu.memory_space<vmem>>, vector<16xf32>,
          %mul3A_507 = vector.broadcast %squeeze3A : f32 to vector<16xf32>
          %mul3A_508 = arith.mulf %get3A_506, %mul3A_507 : vector<16xf32>
          %swap3A_509 = arith.constant 3 : i32
          %swap3A_510 = arith.index_cast %swap3A_509 : i32 to index
          %swap3A_511 = arith.index_cast %scan3A_269 : i32 to index
          %swap3A_512 = arith.constant 304 : index
          %swap3A_513 = tpu.vector_load %arg9[%swap3A_510, %swap3A_511, %swap3A_512] {strides = array<i32>} : memref<4x8x1024xf32, #tpu.memory_space<vmem>>, vector<16xf32>,
          tpu.vector_store %arg9[%swap3A_510, %swap3A_511, %swap3A_512], %mul3A_508 {add = true, strides = array<i32>} : memref<4x8x1024xf32, #tpu.memory_space<vmem>>, vector<16xf32>,
          %get3A_514 = arith.constant 3 : i32
          %get3A_515 = arith.index_cast %get3A_514 : i32 to index
          %get3A_516 = arith.index_cast %scan3A_269 : i32 to index
          %get3A_517 = arith.constant 320 : index
          %get3A_518 = tpu.vector_load %arg10[%get3A_515, %get3A_516, %get3A_517] {strides = array<i32>} : memref<4x8x1024xf32, #tpu.memory_space<vmem>>, vector<16xf32>,
          %mul3A_519 = vector.broadcast %squeeze3A : f32 to vector<16xf32>
          %mul3A_520 = arith.mulf %get3A_518, %mul3A_519 : vector<16xf32>
          %swap3A_521 = arith.constant 3 : i32
          %swap3A_522 = arith.index_cast %swap3A_521 : i32 to index
          %swap3A_523 = arith.index_cast %scan3A_269 : i32 to index
          %swap3A_524 = arith.constant 320 : index
          %swap3A_525 = tpu.vector_load %arg9[%swap3A_522, %swap3A_523, %swap3A_524] {strides = array<i32>} : memref<4x8x1024xf32, #tpu.memory_space<vmem>>, vector<16xf32>,
          tpu.vector_store %arg9[%swap3A_522, %swap3A_523, %swap3A_524], %mul3A_520 {add = true, strides = array<i32>} : memref<4x8x1024xf32, #tpu.memory_space<vmem>>, vector<16xf32>,
          %get3A_526 = arith.constant 3 : i32
          %get3A_527 = arith.index_cast %get3A_526 : i32 to index
          %get3A_528 = arith.index_cast %scan3A_269 : i32 to index
          %get3A_529 = arith.constant 336 : index
          %get3A_530 = tpu.vector_load %arg10[%get3A_527, %get3A_528, %get3A_529] {strides = array<i32>} : memref<4x8x1024xf32, #tpu.memory_space<vmem>>, vector<16xf32>,
          %mul3A_531 = vector.broadcast %squeeze3A : f32 to vector<16xf32>
          %mul3A_532 = arith.mulf %get3A_530, %mul3A_531 : vector<16xf32>
          %swap3A_533 = arith.constant 3 : i32
          %swap3A_534 = arith.index_cast %swap3A_533 : i32 to index
          %swap3A_535 = arith.index_cast %scan3A_269 : i32 to index
          %swap3A_536 = arith.constant 336 : index
          %swap3A_537 = tpu.vector_load %arg9[%swap3A_534, %swap3A_535, %swap3A_536] {strides = array<i32>} : memref<4x8x1024xf32, #tpu.memory_space<vmem>>, vector<16xf32>,
          tpu.vector_store %arg9[%swap3A_534, %swap3A_535, %swap3A_536], %mul3A_532 {add = true, strides = array<i32>} : memref<4x8x1024xf32, #tpu.memory_space<vmem>>, vector<16xf32>,
          %get3A_538 = arith.constant 3 : i32
          %get3A_539 = arith.index_cast %get3A_538 : i32 to index
          %get3A_540 = arith.index_cast %scan3A_269 : i32 to index
          %get3A_541 = arith.constant 352 : index
          %get3A_542 = tpu.vector_load %arg10[%get3A_539, %get3A_540, %get3A_541] {strides = array<i32>} : memref<4x8x1024xf32, #tpu.memory_space<vmem>>, vector<16xf32>,
          %mul3A_543 = vector.broadcast %squeeze3A : f32 to vector<16xf32>
          %mul3A_544 = arith.mulf %get3A_542, %mul3A_543 : vector<16xf32>
          %swap3A_545 = arith.constant 3 : i32
          %swap3A_546 = arith.index_cast %swap3A_545 : i32 to index
          %swap3A_547 = arith.index_cast %scan3A_269 : i32 to index
          %swap3A_548 = arith.constant 352 : index
          %swap3A_549 = tpu.vector_load %arg9[%swap3A_546, %swap3A_547, %swap3A_548] {strides = array<i32>} : memref<4x8x1024xf32, #tpu.memory_space<vmem>>, vector<16xf32>,
          tpu.vector_store %arg9[%swap3A_546, %swap3A_547, %swap3A_548], %mul3A_544 {add = true, strides = array<i32>} : memref<4x8x1024xf32, #tpu.memory_space<vmem>>, vector<16xf32>,
          %get3A_550 = arith.constant 3 : i32
          %get3A_551 = arith.index_cast %get3A_550 : i32 to index
          %get3A_552 = arith.index_cast %scan3A_269 : i32 to index
          %get3A_553 = arith.constant 368 : index
          %get3A_554 = tpu.vector_load %arg10[%get3A_551, %get3A_552, %get3A_553] {strides = array<i32>} : memref<4x8x1024xf32, #tpu.memory_space<vmem>>, vector<16xf32>,
          %mul3A_555 = vector.broadcast %squeeze3A : f32 to vector<16xf32>
          %mul3A_556 = arith.mulf %get3A_554, %mul3A_555 : vector<16xf32>
          %swap3A_557 = arith.constant 3 : i32
          %swap3A_558 = arith.index_cast %swap3A_557 : i32 to index
          %swap3A_559 = arith.index_cast %scan3A_269 : i32 to index
          %swap3A_560 = arith.constant 368 : index
          %swap3A_561 = tpu.vector_load %arg9[%swap3A_558, %swap3A_559, %swap3A_560] {strides = array<i32>} : memref<4x8x1024xf32, #tpu.memory_space<vmem>>, vector<16xf32>,
          tpu.vector_store %arg9[%swap3A_558, %swap3A_559, %swap3A_560], %mul3A_556 {add = true, strides = array<i32>} : memref<4x8x1024xf32, #tpu.memory_space<vmem>>, vector<16xf32>,
          %get3A_562 = arith.constant 3 : i32
          %get3A_563 = arith.index_cast %get3A_562 : i32 to index
          %get3A_564 = arith.index_cast %scan3A_269 : i32 to index
          %get3A_565 = arith.constant 384 : index
          %get3A_566 = tpu.vector_load %arg10[%get3A_563, %get3A_564, %get3A_565] {strides = array<i32>} : memref<4x8x1024xf32, #tpu.memory_space<vmem>>, vector<16xf32>,
          %mul3A_567 = vector.broadcast %squeeze3A : f32 to vector<16xf32>
          %mul3A_568 = arith.mulf %get3A_566, %mul3A_567 : vector<16xf32>
          %swap3A_569 = arith.constant 3 : i32
          %swap3A_570 = arith.index_cast %swap3A_569 : i32 to index
          %swap3A_571 = arith.index_cast %scan3A_269 : i32 to index
          %swap3A_572 = arith.constant 384 : index
          %swap3A_573 = tpu.vector_load %arg9[%swap3A_570, %swap3A_571, %swap3A_572] {strides = array<i32>} : memref<4x8x1024xf32, #tpu.memory_space<vmem>>, vector<16xf32>,
          tpu.vector_store %arg9[%swap3A_570, %swap3A_571, %swap3A_572], %mul3A_568 {add = true, strides = array<i32>} : memref<4x8x1024xf32, #tpu.memory_space<vmem>>, vector<16xf32>,
          %get3A_574 = arith.constant 3 : i32
          %get3A_575 = arith.index_cast %get3A_574 : i32 to index
          %get3A_576 = arith.index_cast %scan3A_269 : i32 to index
          %get3A_577 = arith.constant 400 : index
          %get3A_578 = tpu.vector_load %arg10[%get3A_575, %get3A_576, %get3A_577] {strides = array<i32>} : memref<4x8x1024xf32, #tpu.memory_space<vmem>>, vector<16xf32>,
          %mul3A_579 = vector.broadcast %squeeze3A : f32 to vector<16xf32>
          %mul3A_580 = arith.mulf %get3A_578, %mul3A_579 : vector<16xf32>
          %swap3A_581 = arith.constant 3 : i32
          %swap3A_582 = arith.index_cast %swap3A_581 : i32 to index
          %swap3A_583 = arith.index_cast %scan3A_269 : i32 to index
          %swap3A_584 = arith.constant 400 : index
          %swap3A_585 = tpu.vector_load %arg9[%swap3A_582, %swap3A_583, %swap3A_584] {strides = array<i32>} : memref<4x8x1024xf32, #tpu.memory_space<vmem>>, vector<16xf32>,
          tpu.vector_store %arg9[%swap3A_582, %swap3A_583, %swap3A_584], %mul3A_580 {add = true, strides = array<i32>} : memref<4x8x1024xf32, #tpu.memory_space<vmem>>, vector<16xf32>,
          %get3A_586 = arith.constant 3 : i32
          %get3A_587 = arith.index_cast %get3A_586 : i32 to index
          %get3A_588 = arith.index_cast %scan3A_269 : i32 to index
          %get3A_589 = arith.constant 416 : index
          %get3A_590 = tpu.vector_load %arg10[%get3A_587, %get3A_588, %get3A_589] {strides = array<i32>} : memref<4x8x1024xf32, #tpu.memory_space<vmem>>, vector<16xf32>,
          %mul3A_591 = vector.broadcast %squeeze3A : f32 to vector<16xf32>
          %mul3A_592 = arith.mulf %get3A_590, %mul3A_591 : vector<16xf32>
          %swap3A_593 = arith.constant 3 : i32
          %swap3A_594 = arith.index_cast %swap3A_593 : i32 to index
          %swap3A_595 = arith.index_cast %scan3A_269 : i32 to index
          %swap3A_596 = arith.constant 416 : index
          %swap3A_597 = tpu.vector_load %arg9[%swap3A_594, %swap3A_595, %swap3A_596] {strides = array<i32>} : memref<4x8x1024xf32, #tpu.memory_space<vmem>>, vector<16xf32>,
          tpu.vector_store %arg9[%swap3A_594, %swap3A_595, %swap3A_596], %mul3A_592 {add = true, strides = array<i32>} : memref<4x8x1024xf32, #tpu.memory_space<vmem>>, vector<16xf32>,
          %get3A_598 = arith.constant 3 : i32
          %get3A_599 = arith.index_cast %get3A_598 : i32 to index
          %get3A_600 = arith.index_cast %scan3A_269 : i32 to index
          %get3A_601 = arith.constant 432 : index
          %get3A_602 = tpu.vector_load %arg10[%get3A_599, %get3A_600, %get3A_601] {strides = array<i32>} : memref<4x8x1024xf32, #tpu.memory_space<vmem>>, vector<16xf32>,
          %mul3A_603 = vector.broadcast %squeeze3A : f32 to vector<16xf32>
          %mul3A_604 = arith.mulf %get3A_602, %mul3A_603 : vector<16xf32>
          %swap3A_605 = arith.constant 3 : i32
          %swap3A_606 = arith.index_cast %swap3A_605 : i32 to index
          %swap3A_607 = arith.index_cast %scan3A_269 : i32 to index
          %swap3A_608 = arith.constant 432 : index
          %swap3A_609 = tpu.vector_load %arg9[%swap3A_606, %swap3A_607, %swap3A_608] {strides = array<i32>} : memref<4x8x1024xf32, #tpu.memory_space<vmem>>, vector<16xf32>,
          tpu.vector_store %arg9[%swap3A_606, %swap3A_607, %swap3A_608], %mul3A_604 {add = true, strides = array<i32>} : memref<4x8x1024xf32, #tpu.memory_space<vmem>>, vector<16xf32>,
          %get3A_610 = arith.constant 3 : i32
          %get3A_611 = arith.index_cast %get3A_610 : i32 to index
          %get3A_612 = arith.index_cast %scan3A_269 : i32 to index
          %get3A_613 = arith.constant 448 : index
          %get3A_614 = tpu.vector_load %arg10[%get3A_611, %get3A_612, %get3A_613] {strides = array<i32>} : memref<4x8x1024xf32, #tpu.memory_space<vmem>>, vector<16xf32>,
          %mul3A_615 = vector.broadcast %squeeze3A : f32 to vector<16xf32>
          %mul3A_616 = arith.mulf %get3A_614, %mul3A_615 : vector<16xf32>
          %swap3A_617 = arith.constant 3 : i32
          %swap3A_618 = arith.index_cast %swap3A_617 : i32 to index
          %swap3A_619 = arith.index_cast %scan3A_269 : i32 to index
          %swap3A_620 = arith.constant 448 : index
          %swap3A_621 = tpu.vector_load %arg9[%swap3A_618, %swap3A_619, %swap3A_620] {strides = array<i32>} : memref<4x8x1024xf32, #tpu.memory_space<vmem>>, vector<16xf32>,
          tpu.vector_store %arg9[%swap3A_618, %swap3A_619, %swap3A_620], %mul3A_616 {add = true, strides = array<i32>} : memref<4x8x1024xf32, #tpu.memory_space<vmem>>, vector<16xf32>,
          %get3A_622 = arith.constant 3 : i32
          %get3A_623 = arith.index_cast %get3A_622 : i32 to index
          %get3A_624 = arith.index_cast %scan3A_269 : i32 to index
          %get3A_625 = arith.constant 464 : index
          %get3A_626 = tpu.vector_load %arg10[%get3A_623, %get3A_624, %get3A_625] {strides = array<i32>} : memref<4x8x1024xf32, #tpu.memory_space<vmem>>, vector<16xf32>,
          %mul3A_627 = vector.broadcast %squeeze3A : f32 to vector<16xf32>
          %mul3A_628 = arith.mulf %get3A_626, %mul3A_627 : vector<16xf32>
          %swap3A_629 = arith.constant 3 : i32
          %swap3A_630 = arith.index_cast %swap3A_629 : i32 to index
          %swap3A_631 = arith.index_cast %scan3A_269 : i32 to index
          %swap3A_632 = arith.constant 464 : index
          %swap3A_633 = tpu.vector_load %arg9[%swap3A_630, %swap3A_631, %swap3A_632] {strides = array<i32>} : memref<4x8x1024xf32, #tpu.memory_space<vmem>>, vector<16xf32>,
          tpu.vector_store %arg9[%swap3A_630, %swap3A_631, %swap3A_632], %mul3A_628 {add = true, strides = array<i32>} : memref<4x8x1024xf32, #tpu.memory_space<vmem>>, vector<16xf32>,
          %get3A_634 = arith.constant 3 : i32
          %get3A_635 = arith.index_cast %get3A_634 : i32 to index
          %get3A_636 = arith.index_cast %scan3A_269 : i32 to index
          %get3A_637 = arith.constant 480 : index
          %get3A_638 = tpu.vector_load %arg10[%get3A_635, %get3A_636, %get3A_637] {strides = array<i32>} : memref<4x8x1024xf32, #tpu.memory_space<vmem>>, vector<16xf32>,
          %mul3A_639 = vector.broadcast %squeeze3A : f32 to vector<16xf32>
          %mul3A_640 = arith.mulf %get3A_638, %mul3A_639 : vector<16xf32>
          %swap3A_641 = arith.constant 3 : i32
          %swap3A_642 = arith.index_cast %swap3A_641 : i32 to index
          %swap3A_643 = arith.index_cast %scan3A_269 : i32 to index
          %swap3A_644 = arith.constant 480 : index
          %swap3A_645 = tpu.vector_load %arg9[%swap3A_642, %swap3A_643, %swap3A_644] {strides = array<i32>} : memref<4x8x1024xf32, #tpu.memory_space<vmem>>, vector<16xf32>,
          tpu.vector_store %arg9[%swap3A_642, %swap3A_643, %swap3A_644], %mul3A_640 {add = true, strides = array<i32>} : memref<4x8x1024xf32, #tpu.memory_space<vmem>>, vector<16xf32>,
          %get3A_646 = arith.constant 3 : i32
          %get3A_647 = arith.index_cast %get3A_646 : i32 to index
          %get3A_648 = arith.index_cast %scan3A_269 : i32 to index
          %get3A_649 = arith.constant 496 : index
          %get3A_650 = tpu.vector_load %arg10[%get3A_647, %get3A_648, %get3A_649] {strides = array<i32>} : memref<4x8x1024xf32, #tpu.memory_space<vmem>>, vector<16xf32>,
          %mul3A_651 = vector.broadcast %squeeze3A : f32 to vector<16xf32>
          %mul3A_652 = arith.mulf %get3A_650, %mul3A_651 : vector<16xf32>
          %swap3A_653 = arith.constant 3 : i32
          %swap3A_654 = arith.index_cast %swap3A_653 : i32 to index
          %swap3A_655 = arith.index_cast %scan3A_269 : i32 to index
          %swap3A_656 = arith.constant 496 : index
          %swap3A_657 = tpu.vector_load %arg9[%swap3A_654, %swap3A_655, %swap3A_656] {strides = array<i32>} : memref<4x8x1024xf32, #tpu.memory_space<vmem>>, vector<16xf32>,
          tpu.vector_store %arg9[%swap3A_654, %swap3A_655, %swap3A_656], %mul3A_652 {add = true, strides = array<i32>} : memref<4x8x1024xf32, #tpu.memory_space<vmem>>, vector<16xf32>,
          %get3A_658 = arith.constant 3 : i32
          %get3A_659 = arith.index_cast %get3A_658 : i32 to index
          %get3A_660 = arith.index_cast %scan3A_269 : i32 to index
          %get3A_661 = arith.constant 512 : index
          %get3A_662 = tpu.vector_load %arg10[%get3A_659, %get3A_660, %get3A_661] {strides = array<i32>} : memref<4x8x1024xf32, #tpu.memory_space<vmem>>, vector<16xf32>,
          %mul3A_663 = vector.broadcast %squeeze3A : f32 to vector<16xf32>
          %mul3A_664 = arith.mulf %get3A_662, %mul3A_663 : vector<16xf32>
          %swap3A_665 = arith.constant 3 : i32
          %swap3A_666 = arith.index_cast %swap3A_665 : i32 to index
          %swap3A_667 = arith.index_cast %scan3A_269 : i32 to index
          %swap3A_668 = arith.constant 512 : index
          %swap3A_669 = tpu.vector_load %arg9[%swap3A_666, %swap3A_667, %swap3A_668] {strides = array<i32>} : memref<4x8x1024xf32, #tpu.memory_space<vmem>>, vector<16xf32>,
          tpu.vector_store %arg9[%swap3A_666, %swap3A_667, %swap3A_668], %mul3A_664 {add = true, strides = array<i32>} : memref<4x8x1024xf32, #tpu.memory_space<vmem>>, vector<16xf32>,
          %get3A_670 = arith.constant 3 : i32
          %get3A_671 = arith.index_cast %get3A_670 : i32 to index
          %get3A_672 = arith.index_cast %scan3A_269 : i32 to index
          %get3A_673 = arith.constant 528 : index
          %get3A_674 = tpu.vector_load %arg10[%get3A_671, %get3A_672, %get3A_673] {strides = array<i32>} : memref<4x8x1024xf32, #tpu.memory_space<vmem>>, vector<16xf32>,
          %mul3A_675 = vector.broadcast %squeeze3A : f32 to vector<16xf32>
          %mul3A_676 = arith.mulf %get3A_674, %mul3A_675 : vector<16xf32>
          %swap3A_677 = arith.constant 3 : i32
          %swap3A_678 = arith.index_cast %swap3A_677 : i32 to index
          %swap3A_679 = arith.index_cast %scan3A_269 : i32 to index
          %swap3A_680 = arith.constant 528 : index
          %swap3A_681 = tpu.vector_load %arg9[%swap3A_678, %swap3A_679, %swap3A_680] {strides = array<i32>} : memref<4x8x1024xf32, #tpu.memory_space<vmem>>, vector<16xf32>,
          tpu.vector_store %arg9[%swap3A_678, %swap3A_679, %swap3A_680], %mul3A_676 {add = true, strides = array<i32>} : memref<4x8x1024xf32, #tpu.memory_space<vmem>>, vector<16xf32>,
          %get3A_682 = arith.constant 3 : i32
          %get3A_683 = arith.index_cast %get3A_682 : i32 to index
          %get3A_684 = arith.index_cast %scan3A_269 : i32 to index
          %get3A_685 = arith.constant 544 : index
          %get3A_686 = tpu.vector_load %arg10[%get3A_683, %get3A_684, %get3A_685] {strides = array<i32>} : memref<4x8x1024xf32, #tpu.memory_space<vmem>>, vector<16xf32>,
          %mul3A_687 = vector.broadcast %squeeze3A : f32 to vector<16xf32>
          %mul3A_688 = arith.mulf %get3A_686, %mul3A_687 : vector<16xf32>
          %swap3A_689 = arith.constant 3 : i32
          %swap3A_690 = arith.index_cast %swap3A_689 : i32 to index
          %swap3A_691 = arith.index_cast %scan3A_269 : i32 to index
          %swap3A_692 = arith.constant 544 : index
          %swap3A_693 = tpu.vector_load %arg9[%swap3A_690, %swap3A_691, %swap3A_692] {strides = array<i32>} : memref<4x8x1024xf32, #tpu.memory_space<vmem>>, vector<16xf32>,
          tpu.vector_store %arg9[%swap3A_690, %swap3A_691, %swap3A_692], %mul3A_688 {add = true, strides = array<i32>} : memref<4x8x1024xf32, #tpu.memory_space<vmem>>, vector<16xf32>,
          %get3A_694 = arith.constant 3 : i32
          %get3A_695 = arith.index_cast %get3A_694 : i32 to index
          %get3A_696 = arith.index_cast %scan3A_269 : i32 to index
          %get3A_697 = arith.constant 560 : index
          %get3A_698 = tpu.vector_load %arg10[%get3A_695, %get3A_696, %get3A_697] {strides = array<i32>} : memref<4x8x1024xf32, #tpu.memory_space<vmem>>, vector<16xf32>,
          %mul3A_699 = vector.broadcast %squeeze3A : f32 to vector<16xf32>
          %mul3A_700 = arith.mulf %get3A_698, %mul3A_699 : vector<16xf32>
          %swap3A_701 = arith.constant 3 : i32
          %swap3A_702 = arith.index_cast %swap3A_701 : i32 to index
          %swap3A_703 = arith.index_cast %scan3A_269 : i32 to index
          %swap3A_704 = arith.constant 560 : index
          %swap3A_705 = tpu.vector_load %arg9[%swap3A_702, %swap3A_703, %swap3A_704] {strides = array<i32>} : memref<4x8x1024xf32, #tpu.memory_space<vmem>>, vector<16xf32>,
          tpu.vector_store %arg9[%swap3A_702, %swap3A_703, %swap3A_704], %mul3A_700 {add = true, strides = array<i32>} : memref<4x8x1024xf32, #tpu.memory_space<vmem>>, vector<16xf32>,
          %get3A_706 = arith.constant 3 : i32
          %get3A_707 = arith.index_cast %get3A_706 : i32 to index
          %get3A_708 = arith.index_cast %scan3A_269 : i32 to index
          %get3A_709 = arith.constant 576 : index
          %get3A_710 = tpu.vector_load %arg10[%get3A_707, %get3A_708, %get3A_709] {strides = array<i32>} : memref<4x8x1024xf32, #tpu.memory_space<vmem>>, vector<16xf32>,
          %mul3A_711 = vector.broadcast %squeeze3A : f32 to vector<16xf32>
          %mul3A_712 = arith.mulf %get3A_710, %mul3A_711 : vector<16xf32>
          %swap3A_713 = arith.constant 3 : i32
          %swap3A_714 = arith.index_cast %swap3A_713 : i32 to index
          %swap3A_715 = arith.index_cast %scan3A_269 : i32 to index
          %swap3A_716 = arith.constant 576 : index
          %swap3A_717 = tpu.vector_load %arg9[%swap3A_714, %swap3A_715, %swap3A_716] {strides = array<i32>} : memref<4x8x1024xf32, #tpu.memory_space<vmem>>, vector<16xf32>,
          tpu.vector_store %arg9[%swap3A_714, %swap3A_715, %swap3A_716], %mul3A_712 {add = true, strides = array<i32>} : memref<4x8x1024xf32, #tpu.memory_space<vmem>>, vector<16xf32>,
          %get3A_718 = arith.constant 3 : i32
          %get3A_719 = arith.index_cast %get3A_718 : i32 to index
          %get3A_720 = arith.index_cast %scan3A_269 : i32 to index
          %get3A_721 = arith.constant 592 : index
          %get3A_722 = tpu.vector_load %arg10[%get3A_719, %get3A_720, %get3A_721] {strides = array<i32>} : memref<4x8x1024xf32, #tpu.memory_space<vmem>>, vector<16xf32>,
          %mul3A_723 = vector.broadcast %squeeze3A : f32 to vector<16xf32>
          %mul3A_724 = arith.mulf %get3A_722, %mul3A_723 : vector<16xf32>
          %swap3A_725 = arith.constant 3 : i32
          %swap3A_726 = arith.index_cast %swap3A_725 : i32 to index
          %swap3A_727 = arith.index_cast %scan3A_269 : i32 to index
          %swap3A_728 = arith.constant 592 : index
          %swap3A_729 = tpu.vector_load %arg9[%swap3A_726, %swap3A_727, %swap3A_728] {strides = array<i32>} : memref<4x8x1024xf32, #tpu.memory_space<vmem>>, vector<16xf32>,
          tpu.vector_store %arg9[%swap3A_726, %swap3A_727, %swap3A_728], %mul3A_724 {add = true, strides = array<i32>} : memref<4x8x1024xf32, #tpu.memory_space<vmem>>, vector<16xf32>,
          %get3A_730 = arith.constant 3 : i32
          %get3A_731 = arith.index_cast %get3A_730 : i32 to index
          %get3A_732 = arith.index_cast %scan3A_269 : i32 to index
          %get3A_733 = arith.constant 608 : index
          %get3A_734 = tpu.vector_load %arg10[%get3A_731, %get3A_732, %get3A_733] {strides = array<i32>} : memref<4x8x1024xf32, #tpu.memory_space<vmem>>, vector<16xf32>,
          %mul3A_735 = vector.broadcast %squeeze3A : f32 to vector<16xf32>
          %mul3A_736 = arith.mulf %get3A_734, %mul3A_735 : vector<16xf32>
          %swap3A_737 = arith.constant 3 : i32
          %swap3A_738 = arith.index_cast %swap3A_737 : i32 to index
          %swap3A_739 = arith.index_cast %scan3A_269 : i32 to index
          %swap3A_740 = arith.constant 608 : index
          %swap3A_741 = tpu.vector_load %arg9[%swap3A_738, %swap3A_739, %swap3A_740] {strides = array<i32>} : memref<4x8x1024xf32, #tpu.memory_space<vmem>>, vector<16xf32>,
          tpu.vector_store %arg9[%swap3A_738, %swap3A_739, %swap3A_740], %mul3A_736 {add = true, strides = array<i32>} : memref<4x8x1024xf32, #tpu.memory_space<vmem>>, vector<16xf32>,
          %get3A_742 = arith.constant 3 : i32
          %get3A_743 = arith.index_cast %get3A_742 : i32 to index
          %get3A_744 = arith.index_cast %scan3A_269 : i32 to index
          %get3A_745 = arith.constant 624 : index
          %get3A_746 = tpu.vector_load %arg10[%get3A_743, %get3A_744, %get3A_745] {strides = array<i32>} : memref<4x8x1024xf32, #tpu.memory_space<vmem>>, vector<16xf32>,
          %mul3A_747 = vector.broadcast %squeeze3A : f32 to vector<16xf32>
          %mul3A_748 = arith.mulf %get3A_746, %mul3A_747 : vector<16xf32>
          %swap3A_749 = arith.constant 3 : i32
          %swap3A_750 = arith.index_cast %swap3A_749 : i32 to index
          %swap3A_751 = arith.index_cast %scan3A_269 : i32 to index
          %swap3A_752 = arith.constant 624 : index
          %swap3A_753 = tpu.vector_load %arg9[%swap3A_750, %swap3A_751, %swap3A_752] {strides = array<i32>} : memref<4x8x1024xf32, #tpu.memory_space<vmem>>, vector<16xf32>,
          tpu.vector_store %arg9[%swap3A_750, %swap3A_751, %swap3A_752], %mul3A_748 {add = true, strides = array<i32>} : memref<4x8x1024xf32, #tpu.memory_space<vmem>>, vector<16xf32>,
          %get3A_754 = arith.constant 3 : i32
          %get3A_755 = arith.index_cast %get3A_754 : i32 to index
          %get3A_756 = arith.index_cast %scan3A_269 : i32 to index
          %get3A_757 = arith.constant 640 : index
          %get3A_758 = tpu.vector_load %arg10[%get3A_755, %get3A_756, %get3A_757] {strides = array<i32>} : memref<4x8x1024xf32, #tpu.memory_space<vmem>>, vector<16xf32>,
          %mul3A_759 = vector.broadcast %squeeze3A : f32 to vector<16xf32>
          %mul3A_760 = arith.mulf %get3A_758, %mul3A_759 : vector<16xf32>
          %swap3A_761 = arith.constant 3 : i32
          %swap3A_762 = arith.index_cast %swap3A_761 : i32 to index
          %swap3A_763 = arith.index_cast %scan3A_269 : i32 to index
          %swap3A_764 = arith.constant 640 : index
          %swap3A_765 = tpu.vector_load %arg9[%swap3A_762, %swap3A_763, %swap3A_764] {strides = array<i32>} : memref<4x8x1024xf32, #tpu.memory_space<vmem>>, vector<16xf32>,
          tpu.vector_store %arg9[%swap3A_762, %swap3A_763, %swap3A_764], %mul3A_760 {add = true, strides = array<i32>} : memref<4x8x1024xf32, #tpu.memory_space<vmem>>, vector<16xf32>,
          %get3A_766 = arith.constant 3 : i32
          %get3A_767 = arith.index_cast %get3A_766 : i32 to index
          %get3A_768 = arith.index_cast %scan3A_269 : i32 to index
          %get3A_769 = arith.constant 656 : index
          %get3A_770 = tpu.vector_load %arg10[%get3A_767, %get3A_768, %get3A_769] {strides = array<i32>} : memref<4x8x1024xf32, #tpu.memory_space<vmem>>, vector<16xf32>,
          %mul3A_771 = vector.broadcast %squeeze3A : f32 to vector<16xf32>
          %mul3A_772 = arith.mulf %get3A_770, %mul3A_771 : vector<16xf32>
          %swap3A_773 = arith.constant 3 : i32
          %swap3A_774 = arith.index_cast %swap3A_773 : i32 to index
          %swap3A_775 = arith.index_cast %scan3A_269 : i32 to index
          %swap3A_776 = arith.constant 656 : index
          %swap3A_777 = tpu.vector_load %arg9[%swap3A_774, %swap3A_775, %swap3A_776] {strides = array<i32>} : memref<4x8x1024xf32, #tpu.memory_space<vmem>>, vector<16xf32>,
          tpu.vector_store %arg9[%swap3A_774, %swap3A_775, %swap3A_776], %mul3A_772 {add = true, strides = array<i32>} : memref<4x8x1024xf32, #tpu.memory_space<vmem>>, vector<16xf32>,
          %get3A_778 = arith.constant 3 : i32
          %get3A_779 = arith.index_cast %get3A_778 : i32 to index
          %get3A_780 = arith.index_cast %scan3A_269 : i32 to index
          %get3A_781 = arith.constant 672 : index
          %get3A_782 = tpu.vector_load %arg10[%get3A_779, %get3A_780, %get3A_781] {strides = array<i32>} : memref<4x8x1024xf32, #tpu.memory_space<vmem>>, vector<16xf32>,
          %mul3A_783 = vector.broadcast %squeeze3A : f32 to vector<16xf32>
          %mul3A_784 = arith.mulf %get3A_782, %mul3A_783 : vector<16xf32>
          %swap3A_785 = arith.constant 3 : i32
          %swap3A_786 = arith.index_cast %swap3A_785 : i32 to index
          %swap3A_787 = arith.index_cast %scan3A_269 : i32 to index
          %swap3A_788 = arith.constant 672 : index
          %swap3A_789 = tpu.vector_load %arg9[%swap3A_786, %swap3A_787, %swap3A_788] {strides = array<i32>} : memref<4x8x1024xf32, #tpu.memory_space<vmem>>, vector<16xf32>,
          tpu.vector_store %arg9[%swap3A_786, %swap3A_787, %swap3A_788], %mul3A_784 {add = true, strides = array<i32>} : memref<4x8x1024xf32, #tpu.memory_space<vmem>>, vector<16xf32>,
          %get3A_790 = arith.constant 3 : i32
          %get3A_791 = arith.index_cast %get3A_790 : i32 to index
          %get3A_792 = arith.index_cast %scan3A_269 : i32 to index
          %get3A_793 = arith.constant 688 : index
          %get3A_794 = tpu.vector_load %arg10[%get3A_791, %get3A_792, %get3A_793] {strides = array<i32>} : memref<4x8x1024xf32, #tpu.memory_space<vmem>>, vector<16xf32>,
          %mul3A_795 = vector.broadcast %squeeze3A : f32 to vector<16xf32>
          %mul3A_796 = arith.mulf %get3A_794, %mul3A_795 : vector<16xf32>
          %swap3A_797 = arith.constant 3 : i32
          %swap3A_798 = arith.index_cast %swap3A_797 : i32 to index
          %swap3A_799 = arith.index_cast %scan3A_269 : i32 to index
          %swap3A_800 = arith.constant 688 : index
          %swap3A_801 = tpu.vector_load %arg9[%swap3A_798, %swap3A_799, %swap3A_800] {strides = array<i32>} : memref<4x8x1024xf32, #tpu.memory_space<vmem>>, vector<16xf32>,
          tpu.vector_store %arg9[%swap3A_798, %swap3A_799, %swap3A_800], %mul3A_796 {add = true, strides = array<i32>} : memref<4x8x1024xf32, #tpu.memory_space<vmem>>, vector<16xf32>,
          %get3A_802 = arith.constant 3 : i32
          %get3A_803 = arith.index_cast %get3A_802 : i32 to index
          %get3A_804 = arith.index_cast %scan3A_269 : i32 to index
          %get3A_805 = arith.constant 704 : index
          %get3A_806 = tpu.vector_load %arg10[%get3A_803, %get3A_804, %get3A_805] {strides = array<i32>} : memref<4x8x1024xf32, #tpu.memory_space<vmem>>, vector<16xf32>,
          %mul3A_807 = vector.broadcast %squeeze3A : f32 to vector<16xf32>
          %mul3A_808 = arith.mulf %get3A_806, %mul3A_807 : vector<16xf32>
          %swap3A_809 = arith.constant 3 : i32
          %swap3A_810 = arith.index_cast %swap3A_809 : i32 to index
          %swap3A_811 = arith.index_cast %scan3A_269 : i32 to index
          %swap3A_812 = arith.constant 704 : index
          %swap3A_813 = tpu.vector_load %arg9[%swap3A_810, %swap3A_811, %swap3A_812] {strides = array<i32>} : memref<4x8x1024xf32, #tpu.memory_space<vmem>>, vector<16xf32>,
          tpu.vector_store %arg9[%swap3A_810, %swap3A_811, %swap3A_812], %mul3A_808 {add = true, strides = array<i32>} : memref<4x8x1024xf32, #tpu.memory_space<vmem>>, vector<16xf32>,
          %get3A_814 = arith.constant 3 : i32
          %get3A_815 = arith.index_cast %get3A_814 : i32 to index
          %get3A_816 = arith.index_cast %scan3A_269 : i32 to index
          %get3A_817 = arith.constant 720 : index
          %get3A_818 = tpu.vector_load %arg10[%get3A_815, %get3A_816, %get3A_817] {strides = array<i32>} : memref<4x8x1024xf32, #tpu.memory_space<vmem>>, vector<16xf32>,
          %mul3A_819 = vector.broadcast %squeeze3A : f32 to vector<16xf32>
          %mul3A_820 = arith.mulf %get3A_818, %mul3A_819 : vector<16xf32>
          %swap3A_821 = arith.constant 3 : i32
          %swap3A_822 = arith.index_cast %swap3A_821 : i32 to index
          %swap3A_823 = arith.index_cast %scan3A_269 : i32 to index
          %swap3A_824 = arith.constant 720 : index
          %swap3A_825 = tpu.vector_load %arg9[%swap3A_822, %swap3A_823, %swap3A_824] {strides = array<i32>} : memref<4x8x1024xf32, #tpu.memory_space<vmem>>, vector<16xf32>,
          tpu.vector_store %arg9[%swap3A_822, %swap3A_823, %swap3A_824], %mul3A_820 {add = true, strides = array<i32>} : memref<4x8x1024xf32, #tpu.memory_space<vmem>>, vector<16xf32>,
          %get3A_826 = arith.constant 3 : i32
          %get3A_827 = arith.index_cast %get3A_826 : i32 to index
          %get3A_828 = arith.index_cast %scan3A_269 : i32 to index
          %get3A_829 = arith.constant 736 : index
          %get3A_830 = tpu.vector_load %arg10[%get3A_827, %get3A_828, %get3A_829] {strides = array<i32>} : memref<4x8x1024xf32, #tpu.memory_space<vmem>>, vector<16xf32>,
          %mul3A_831 = vector.broadcast %squeeze3A : f32 to vector<16xf32>
          %mul3A_832 = arith.mulf %get3A_830, %mul3A_831 : vector<16xf32>
          %swap3A_833 = arith.constant 3 : i32
          %swap3A_834 = arith.index_cast %swap3A_833 : i32 to index
          %swap3A_835 = arith.index_cast %scan3A_269 : i32 to index
          %swap3A_836 = arith.constant 736 : index
          %swap3A_837 = tpu.vector_load %arg9[%swap3A_834, %swap3A_835, %swap3A_836] {strides = array<i32>} : memref<4x8x1024xf32, #tpu.memory_space<vmem>>, vector<16xf32>,
          tpu.vector_store %arg9[%swap3A_834, %swap3A_835, %swap3A_836], %mul3A_832 {add = true, strides = array<i32>} : memref<4x8x1024xf32, #tpu.memory_space<vmem>>, vector<16xf32>,
          %get3A_838 = arith.constant 3 : i32
          %get3A_839 = arith.index_cast %get3A_838 : i32 to index
          %get3A_840 = arith.index_cast %scan3A_269 : i32 to index
          %get3A_841 = arith.constant 752 : index
          %get3A_842 = tpu.vector_load %arg10[%get3A_839, %get3A_840, %get3A_841] {strides = array<i32>} : memref<4x8x1024xf32, #tpu.memory_space<vmem>>, vector<16xf32>,
          %mul3A_843 = vector.broadcast %squeeze3A : f32 to vector<16xf32>
          %mul3A_844 = arith.mulf %get3A_842, %mul3A_843 : vector<16xf32>
          %swap3A_845 = arith.constant 3 : i32
          %swap3A_846 = arith.index_cast %swap3A_845 : i32 to index
          %swap3A_847 = arith.index_cast %scan3A_269 : i32 to index
          %swap3A_848 = arith.constant 752 : index
          %swap3A_849 = tpu.vector_load %arg9[%swap3A_846, %swap3A_847, %swap3A_848] {strides = array<i32>} : memref<4x8x1024xf32, #tpu.memory_space<vmem>>, vector<16xf32>,
          tpu.vector_store %arg9[%swap3A_846, %swap3A_847, %swap3A_848], %mul3A_844 {add = true, strides = array<i32>} : memref<4x8x1024xf32, #tpu.memory_space<vmem>>, vector<16xf32>,
          %get3A_850 = arith.constant 3 : i32
          %get3A_851 = arith.index_cast %get3A_850 : i32 to index
          %get3A_852 = arith.index_cast %scan3A_269 : i32 to index
          %get3A_853 = arith.constant 768 : index
          %get3A_854 = tpu.vector_load %arg10[%get3A_851, %get3A_852, %get3A_853] {strides = array<i32>} : memref<4x8x1024xf32, #tpu.memory_space<vmem>>, vector<16xf32>,
          %mul3A_855 = vector.broadcast %squeeze3A : f32 to vector<16xf32>
          %mul3A_856 = arith.mulf %get3A_854, %mul3A_855 : vector<16xf32>
          %swap3A_857 = arith.constant 3 : i32
          %swap3A_858 = arith.index_cast %swap3A_857 : i32 to index
          %swap3A_859 = arith.index_cast %scan3A_269 : i32 to index
          %swap3A_860 = arith.constant 768 : index
          %swap3A_861 = tpu.vector_load %arg9[%swap3A_858, %swap3A_859, %swap3A_860] {strides = array<i32>} : memref<4x8x1024xf32, #tpu.memory_space<vmem>>, vector<16xf32>,
          tpu.vector_store %arg9[%swap3A_858, %swap3A_859, %swap3A_860], %mul3A_856 {add = true, strides = array<i32>} : memref<4x8x1024xf32, #tpu.memory_space<vmem>>, vector<16xf32>,
          %get3A_862 = arith.constant 3 : i32
          %get3A_863 = arith.index_cast %get3A_862 : i32 to index
          %get3A_864 = arith.index_cast %scan3A_269 : i32 to index
          %get3A_865 = arith.constant 784 : index
          %get3A_866 = tpu.vector_load %arg10[%get3A_863, %get3A_864, %get3A_865] {strides = array<i32>} : memref<4x8x1024xf32, #tpu.memory_space<vmem>>, vector<16xf32>,
          %mul3A_867 = vector.broadcast %squeeze3A : f32 to vector<16xf32>
          %mul3A_868 = arith.mulf %get3A_866, %mul3A_867 : vector<16xf32>
          %swap3A_869 = arith.constant 3 : i32
          %swap3A_870 = arith.index_cast %swap3A_869 : i32 to index
          %swap3A_871 = arith.index_cast %scan3A_269 : i32 to index
          %swap3A_872 = arith.constant 784 : index
          %swap3A_873 = tpu.vector_load %arg9[%swap3A_870, %swap3A_871, %swap3A_872] {strides = array<i32>} : memref<4x8x1024xf32, #tpu.memory_space<vmem>>, vector<16xf32>,
          tpu.vector_store %arg9[%swap3A_870, %swap3A_871, %swap3A_872], %mul3A_868 {add = true, strides = array<i32>} : memref<4x8x1024xf32, #tpu.memory_space<vmem>>, vector<16xf32>,
          %get3A_874 = arith.constant 3 : i32
          %get3A_875 = arith.index_cast %get3A_874 : i32 to index
          %get3A_876 = arith.index_cast %scan3A_269 : i32 to index
          %get3A_877 = arith.constant 800 : index
          %get3A_878 = tpu.vector_load %arg10[%get3A_875, %get3A_876, %get3A_877] {strides = array<i32>} : memref<4x8x1024xf32, #tpu.memory_space<vmem>>, vector<16xf32>,
          %mul3A_879 = vector.broadcast %squeeze3A : f32 to vector<16xf32>
          %mul3A_880 = arith.mulf %get3A_878, %mul3A_879 : vector<16xf32>
          %swap3A_881 = arith.constant 3 : i32
          %swap3A_882 = arith.index_cast %swap3A_881 : i32 to index
          %swap3A_883 = arith.index_cast %scan3A_269 : i32 to index
          %swap3A_884 = arith.constant 800 : index
          %swap3A_885 = tpu.vector_load %arg9[%swap3A_882, %swap3A_883, %swap3A_884] {strides = array<i32>} : memref<4x8x1024xf32, #tpu.memory_space<vmem>>, vector<16xf32>,
          tpu.vector_store %arg9[%swap3A_882, %swap3A_883, %swap3A_884], %mul3A_880 {add = true, strides = array<i32>} : memref<4x8x1024xf32, #tpu.memory_space<vmem>>, vector<16xf32>,
          %get3A_886 = arith.constant 3 : i32
          %get3A_887 = arith.index_cast %get3A_886 : i32 to index
          %get3A_888 = arith.index_cast %scan3A_269 : i32 to index
          %get3A_889 = arith.constant 816 : index
          %get3A_890 = tpu.vector_load %arg10[%get3A_887, %get3A_888, %get3A_889] {strides = array<i32>} : memref<4x8x1024xf32, #tpu.memory_space<vmem>>, vector<16xf32>,
          %mul3A_891 = vector.broadcast %squeeze3A : f32 to vector<16xf32>
          %mul3A_892 = arith.mulf %get3A_890, %mul3A_891 : vector<16xf32>
          %swap3A_893 = arith.constant 3 : i32
          %swap3A_894 = arith.index_cast %swap3A_893 : i32 to index
          %swap3A_895 = arith.index_cast %scan3A_269 : i32 to index
          %swap3A_896 = arith.constant 816 : index
          %swap3A_897 = tpu.vector_load %arg9[%swap3A_894, %swap3A_895, %swap3A_896] {strides = array<i32>} : memref<4x8x1024xf32, #tpu.memory_space<vmem>>, vector<16xf32>,
          tpu.vector_store %arg9[%swap3A_894, %swap3A_895, %swap3A_896], %mul3A_892 {add = true, strides = array<i32>} : memref<4x8x1024xf32, #tpu.memory_space<vmem>>, vector<16xf32>,
          %get3A_898 = arith.constant 3 : i32
          %get3A_899 = arith.index_cast %get3A_898 : i32 to index
          %get3A_900 = arith.index_cast %scan3A_269 : i32 to index
          %get3A_901 = arith.constant 832 : index
          %get3A_902 = tpu.vector_load %arg10[%get3A_899, %get3A_900, %get3A_901] {strides = array<i32>} : memref<4x8x1024xf32, #tpu.memory_space<vmem>>, vector<16xf32>,
          %mul3A_903 = vector.broadcast %squeeze3A : f32 to vector<16xf32>
          %mul3A_904 = arith.mulf %get3A_902, %mul3A_903 : vector<16xf32>
          %swap3A_905 = arith.constant 3 : i32
          %swap3A_906 = arith.index_cast %swap3A_905 : i32 to index
          %swap3A_907 = arith.index_cast %scan3A_269 : i32 to index
          %swap3A_908 = arith.constant 832 : index
          %swap3A_909 = tpu.vector_load %arg9[%swap3A_906, %swap3A_907, %swap3A_908] {strides = array<i32>} : memref<4x8x1024xf32, #tpu.memory_space<vmem>>, vector<16xf32>,
          tpu.vector_store %arg9[%swap3A_906, %swap3A_907, %swap3A_908], %mul3A_904 {add = true, strides = array<i32>} : memref<4x8x1024xf32, #tpu.memory_space<vmem>>, vector<16xf32>,
          %get3A_910 = arith.constant 3 : i32
          %get3A_911 = arith.index_cast %get3A_910 : i32 to index
          %get3A_912 = arith.index_cast %scan3A_269 : i32 to index
          %get3A_913 = arith.constant 848 : index
          %get3A_914 = tpu.vector_load %arg10[%get3A_911, %get3A_912, %get3A_913] {strides = array<i32>} : memref<4x8x1024xf32, #tpu.memory_space<vmem>>, vector<16xf32>,
          %mul3A_915 = vector.broadcast %squeeze3A : f32 to vector<16xf32>
          %mul3A_916 = arith.mulf %get3A_914, %mul3A_915 : vector<16xf32>
          %swap3A_917 = arith.constant 3 : i32
          %swap3A_918 = arith.index_cast %swap3A_917 : i32 to index
          %swap3A_919 = arith.index_cast %scan3A_269 : i32 to index
          %swap3A_920 = arith.constant 848 : index
          %swap3A_921 = tpu.vector_load %arg9[%swap3A_918, %swap3A_919, %swap3A_920] {strides = array<i32>} : memref<4x8x1024xf32, #tpu.memory_space<vmem>>, vector<16xf32>,
          tpu.vector_store %arg9[%swap3A_918, %swap3A_919, %swap3A_920], %mul3A_916 {add = true, strides = array<i32>} : memref<4x8x1024xf32, #tpu.memory_space<vmem>>, vector<16xf32>,
          %get3A_922 = arith.constant 3 : i32
          %get3A_923 = arith.index_cast %get3A_922 : i32 to index
          %get3A_924 = arith.index_cast %scan3A_269 : i32 to index
          %get3A_925 = arith.constant 864 : index
          %get3A_926 = tpu.vector_load %arg10[%get3A_923, %get3A_924, %get3A_925] {strides = array<i32>} : memref<4x8x1024xf32, #tpu.memory_space<vmem>>, vector<16xf32>,
          %mul3A_927 = vector.broadcast %squeeze3A : f32 to vector<16xf32>
          %mul3A_928 = arith.mulf %get3A_926, %mul3A_927 : vector<16xf32>
          %swap3A_929 = arith.constant 3 : i32
          %swap3A_930 = arith.index_cast %swap3A_929 : i32 to index
          %swap3A_931 = arith.index_cast %scan3A_269 : i32 to index
          %swap3A_932 = arith.constant 864 : index
          %swap3A_933 = tpu.vector_load %arg9[%swap3A_930, %swap3A_931, %swap3A_932] {strides = array<i32>} : memref<4x8x1024xf32, #tpu.memory_space<vmem>>, vector<16xf32>,
          tpu.vector_store %arg9[%swap3A_930, %swap3A_931, %swap3A_932], %mul3A_928 {add = true, strides = array<i32>} : memref<4x8x1024xf32, #tpu.memory_space<vmem>>, vector<16xf32>,
          %get3A_934 = arith.constant 3 : i32
          %get3A_935 = arith.index_cast %get3A_934 : i32 to index
          %get3A_936 = arith.index_cast %scan3A_269 : i32 to index
          %get3A_937 = arith.constant 880 : index
          %get3A_938 = tpu.vector_load %arg10[%get3A_935, %get3A_936, %get3A_937] {strides = array<i32>} : memref<4x8x1024xf32, #tpu.memory_space<vmem>>, vector<16xf32>,
          %mul3A_939 = vector.broadcast %squeeze3A : f32 to vector<16xf32>
          %mul3A_940 = arith.mulf %get3A_938, %mul3A_939 : vector<16xf32>
          %swap3A_941 = arith.constant 3 : i32
          %swap3A_942 = arith.index_cast %swap3A_941 : i32 to index
          %swap3A_943 = arith.index_cast %scan3A_269 : i32 to index
          %swap3A_944 = arith.constant 880 : index
          %swap3A_945 = tpu.vector_load %arg9[%swap3A_942, %swap3A_943, %swap3A_944] {strides = array<i32>} : memref<4x8x1024xf32, #tpu.memory_space<vmem>>, vector<16xf32>,
          tpu.vector_store %arg9[%swap3A_942, %swap3A_943, %swap3A_944], %mul3A_940 {add = true, strides = array<i32>} : memref<4x8x1024xf32, #tpu.memory_space<vmem>>, vector<16xf32>,
          %get3A_946 = arith.constant 3 : i32
          %get3A_947 = arith.index_cast %get3A_946 : i32 to index
          %get3A_948 = arith.index_cast %scan3A_269 : i32 to index
          %get3A_949 = arith.constant 896 : index
          %get3A_950 = tpu.vector_load %arg10[%get3A_947, %get3A_948, %get3A_949] {strides = array<i32>} : memref<4x8x1024xf32, #tpu.memory_space<vmem>>, vector<16xf32>,
          %mul3A_951 = vector.broadcast %squeeze3A : f32 to vector<16xf32>
          %mul3A_952 = arith.mulf %get3A_950, %mul3A_951 : vector<16xf32>
          %swap3A_953 = arith.constant 3 : i32
          %swap3A_954 = arith.index_cast %swap3A_953 : i32 to index
          %swap3A_955 = arith.index_cast %scan3A_269 : i32 to index
          %swap3A_956 = arith.constant 896 : index
          %swap3A_957 = tpu.vector_load %arg9[%swap3A_954, %swap3A_955, %swap3A_956] {strides = array<i32>} : memref<4x8x1024xf32, #tpu.memory_space<vmem>>, vector<16xf32>,
          tpu.vector_store %arg9[%swap3A_954, %swap3A_955, %swap3A_956], %mul3A_952 {add = true, strides = array<i32>} : memref<4x8x1024xf32, #tpu.memory_space<vmem>>, vector<16xf32>,
          %get3A_958 = arith.constant 3 : i32
          %get3A_959 = arith.index_cast %get3A_958 : i32 to index
          %get3A_960 = arith.index_cast %scan3A_269 : i32 to index
          %get3A_961 = arith.constant 912 : index
          %get3A_962 = tpu.vector_load %arg10[%get3A_959, %get3A_960, %get3A_961] {strides = array<i32>} : memref<4x8x1024xf32, #tpu.memory_space<vmem>>, vector<16xf32>,
          %mul3A_963 = vector.broadcast %squeeze3A : f32 to vector<16xf32>
          %mul3A_964 = arith.mulf %get3A_962, %mul3A_963 : vector<16xf32>
          %swap3A_965 = arith.constant 3 : i32
          %swap3A_966 = arith.index_cast %swap3A_965 : i32 to index
          %swap3A_967 = arith.index_cast %scan3A_269 : i32 to index
          %swap3A_968 = arith.constant 912 : index
          %swap3A_969 = tpu.vector_load %arg9[%swap3A_966, %swap3A_967, %swap3A_968] {strides = array<i32>} : memref<4x8x1024xf32, #tpu.memory_space<vmem>>, vector<16xf32>,
          tpu.vector_store %arg9[%swap3A_966, %swap3A_967, %swap3A_968], %mul3A_964 {add = true, strides = array<i32>} : memref<4x8x1024xf32, #tpu.memory_space<vmem>>, vector<16xf32>,
          %get3A_970 = arith.constant 3 : i32
          %get3A_971 = arith.index_cast %get3A_970 : i32 to index
          %get3A_972 = arith.index_cast %scan3A_269 : i32 to index
          %get3A_973 = arith.constant 928 : index
          %get3A_974 = tpu.vector_load %arg10[%get3A_971, %get3A_972, %get3A_973] {strides = array<i32>} : memref<4x8x1024xf32, #tpu.memory_space<vmem>>, vector<16xf32>,
          %mul3A_975 = vector.broadcast %squeeze3A : f32 to vector<16xf32>
          %mul3A_976 = arith.mulf %get3A_974, %mul3A_975 : vector<16xf32>
          %swap3A_977 = arith.constant 3 : i32
          %swap3A_978 = arith.index_cast %swap3A_977 : i32 to index
          %swap3A_979 = arith.index_cast %scan3A_269 : i32 to index
          %swap3A_980 = arith.constant 928 : index
          %swap3A_981 = tpu.vector_load %arg9[%swap3A_978, %swap3A_979, %swap3A_980] {strides = array<i32>} : memref<4x8x1024xf32, #tpu.memory_space<vmem>>, vector<16xf32>,
          tpu.vector_store %arg9[%swap3A_978, %swap3A_979, %swap3A_980], %mul3A_976 {add = true, strides = array<i32>} : memref<4x8x1024xf32, #tpu.memory_space<vmem>>, vector<16xf32>,
          %get3A_982 = arith.constant 3 : i32
          %get3A_983 = arith.index_cast %get3A_982 : i32 to index
          %get3A_984 = arith.index_cast %scan3A_269 : i32 to index
          %get3A_985 = arith.constant 944 : index
          %get3A_986 = tpu.vector_load %arg10[%get3A_983, %get3A_984, %get3A_985] {strides = array<i32>} : memref<4x8x1024xf32, #tpu.memory_space<vmem>>, vector<16xf32>,
          %mul3A_987 = vector.broadcast %squeeze3A : f32 to vector<16xf32>
          %mul3A_988 = arith.mulf %get3A_986, %mul3A_987 : vector<16xf32>
          %swap3A_989 = arith.constant 3 : i32
          %swap3A_990 = arith.index_cast %swap3A_989 : i32 to index
          %swap3A_991 = arith.index_cast %scan3A_269 : i32 to index
          %swap3A_992 = arith.constant 944 : index
          %swap3A_993 = tpu.vector_load %arg9[%swap3A_990, %swap3A_991, %swap3A_992] {strides = array<i32>} : memref<4x8x1024xf32, #tpu.memory_space<vmem>>, vector<16xf32>,
          tpu.vector_store %arg9[%swap3A_990, %swap3A_991, %swap3A_992], %mul3A_988 {add = true, strides = array<i32>} : memref<4x8x1024xf32, #tpu.memory_space<vmem>>, vector<16xf32>,
          %get3A_994 = arith.constant 3 : i32
          %get3A_995 = arith.index_cast %get3A_994 : i32 to index
          %get3A_996 = arith.index_cast %scan3A_269 : i32 to index
          %get3A_997 = arith.constant 960 : index
          %get3A_998 = tpu.vector_load %arg10[%get3A_995, %get3A_996, %get3A_997] {strides = array<i32>} : memref<4x8x1024xf32, #tpu.memory_space<vmem>>, vector<16xf32>,
          %mul3A_999 = vector.broadcast %squeeze3A : f32 to vector<16xf32>
          %mul3A_1000 = arith.mulf %get3A_998, %mul3A_999 : vector<16xf32>
          %swap3A_1001 = arith.constant 3 : i32
          %swap3A_1002 = arith.index_cast %swap3A_1001 : i32 to index
          %swap3A_1003 = arith.index_cast %scan3A_269 : i32 to index
          %swap3A_1004 = arith.constant 960 : index
          %swap3A_1005 = tpu.vector_load %arg9[%swap3A_1002, %swap3A_1003, %swap3A_1004] {strides = array<i32>} : memref<4x8x1024xf32, #tpu.memory_space<vmem>>, vector<16xf32>,
          tpu.vector_store %arg9[%swap3A_1002, %swap3A_1003, %swap3A_1004], %mul3A_1000 {add = true, strides = array<i32>} : memref<4x8x1024xf32, #tpu.memory_space<vmem>>, vector<16xf32>,
          %get3A_1006 = arith.constant 3 : i32
          %get3A_1007 = arith.index_cast %get3A_1006 : i32 to index
          %get3A_1008 = arith.index_cast %scan3A_269 : i32 to index
          %get3A_1009 = arith.constant 976 : index
          %get3A_1010 = tpu.vector_load %arg10[%get3A_1007, %get3A_1008, %get3A_1009] {strides = array<i32>} : memref<4x8x1024xf32, #tpu.memory_space<vmem>>, vector<16xf32>,
          %mul3A_1011 = vector.broadcast %squeeze3A : f32 to vector<16xf32>
          %mul3A_1012 = arith.mulf %get3A_1010, %mul3A_1011 : vector<16xf32>
          %swap3A_1013 = arith.constant 3 : i32
          %swap3A_1014 = arith.index_cast %swap3A_1013 : i32 to index
          %swap3A_1015 = arith.index_cast %scan3A_269 : i32 to index
          %swap3A_1016 = arith.constant 976 : index
          %swap3A_1017 = tpu.vector_load %arg9[%swap3A_1014, %swap3A_1015, %swap3A_1016] {strides = array<i32>} : memref<4x8x1024xf32, #tpu.memory_space<vmem>>, vector<16xf32>,
          tpu.vector_store %arg9[%swap3A_1014, %swap3A_1015, %swap3A_1016], %mul3A_1012 {add = true, strides = array<i32>} : memref<4x8x1024xf32, #tpu.memory_space<vmem>>, vector<16xf32>,
          %get3A_1018 = arith.constant 3 : i32
          %get3A_1019 = arith.index_cast %get3A_1018 : i32 to index
          %get3A_1020 = arith.index_cast %scan3A_269 : i32 to index
          %get3A_1021 = arith.constant 992 : index
          %get3A_1022 = tpu.vector_load %arg10[%get3A_1019, %get3A_1020, %get3A_1021] {strides = array<i32>} : memref<4x8x1024xf32, #tpu.memory_space<vmem>>, vector<16xf32>,
          %mul3A_1023 = vector.broadcast %squeeze3A : f32 to vector<16xf32>
          %mul3A_1024 = arith.mulf %get3A_1022, %mul3A_1023 : vector<16xf32>
          %swap3A_1025 = arith.constant 3 : i32
          %swap3A_1026 = arith.index_cast %swap3A_1025 : i32 to index
          %swap3A_1027 = arith.index_cast %scan3A_269 : i32 to index
          %swap3A_1028 = arith.constant 992 : index
          %swap3A_1029 = tpu.vector_load %arg9[%swap3A_1026, %swap3A_1027, %swap3A_1028] {strides = array<i32>} : memref<4x8x1024xf32, #tpu.memory_space<vmem>>, vector<16xf32>,
          tpu.vector_store %arg9[%swap3A_1026, %swap3A_1027, %swap3A_1028], %mul3A_1024 {add = true, strides = array<i32>} : memref<4x8x1024xf32, #tpu.memory_space<vmem>>, vector<16xf32>,
          %get3A_1030 = arith.constant 3 : i32
          %get3A_1031 = arith.index_cast %get3A_1030 : i32 to index
          %get3A_1032 = arith.index_cast %scan3A_269 : i32 to index
          %get3A_1033 = arith.constant 1008 : index
          %get3A_1034 = tpu.vector_load %arg10[%get3A_1031, %get3A_1032, %get3A_1033] {strides = array<i32>} : memref<4x8x1024xf32, #tpu.memory_space<vmem>>, vector<16xf32>,
          %mul3A_1035 = vector.broadcast %squeeze3A : f32 to vector<16xf32>
          %mul3A_1036 = arith.mulf %get3A_1034, %mul3A_1035 : vector<16xf32>
          %swap3A_1037 = arith.constant 3 : i32
          %swap3A_1038 = arith.index_cast %swap3A_1037 : i32 to index
          %swap3A_1039 = arith.index_cast %scan3A_269 : i32 to index
          %swap3A_1040 = arith.constant 1008 : index
          %swap3A_1041 = tpu.vector_load %arg9[%swap3A_1038, %swap3A_1039, %swap3A_1040] {strides = array<i32>} : memref<4x8x1024xf32, #tpu.memory_space<vmem>>, vector<16xf32>,
          tpu.vector_store %arg9[%swap3A_1038, %swap3A_1039, %swap3A_1040], %mul3A_1036 {add = true, strides = array<i32>} : memref<4x8x1024xf32, #tpu.memory_space<vmem>>, vector<16xf32>,
          %scan3A_1042 = arith.constant 0 : i32
          scf.yield %scan3A_1042 : i32
        }
        %scan3A_242 = arith.constant 8 : i32
        %mul3A_243 = arith.constant 8 : i32
        %mul3A_244 = arith.muli %scan3A_181, %mul3A_243 : i32
        %add3A_245 = arith.addi %mul3A_2, %mul3A_244 : i32
        %dma_start3A_246 = arith.constant 3 : i32
        %dma_start3A_247 = arith.constant 3 : i32
        %dma_start3A_248 = arith.constant 0 : i32
        %dma_start3A_249 = arith.constant 0 : i32
        %dma_start3A_250 = tpu.memref_slice %arg9[%dma_start3A_246, %dma_start3A_248, %dma_start3A_249] : memref<4x8x1024xf32, #tpu.memory_space<vmem>> -> memref<1x8x1024xf32, #tpu.memory_space<vmem>>
        %dma_start3A_251 = tpu.memref_squeeze %dma_start3A_250 : memref<1x8x1024xf32, #tpu.memory_space<vmem>> -> memref<8x1024xf32, #tpu.memory_space<vmem>>
        %dma_start3A_252 = arith.constant 0 : i32
        %dma_start3A_253 = tpu.memref_slice %arg6[%add3A_245, %dma_start3A_252] : memref<32768x1024xf32, #tpu.memory_space<hbm>> -> memref<8x1024xf32, #tpu.memory_space<hbm>>
        %dma_start3A_254 = tpu.memref_slice %arg12[%dma_start3A_247] : memref<4x!tpu.dma_semaphore, #tpu.memory_space<semaphore_mem>> -> memref<1x!tpu.dma_semaphore, #tpu.memory_space<semaphore_mem>>
        %dma_start3A_255 = tpu.memref_squeeze %dma_start3A_254 : memref<1x!tpu.dma_semaphore, #tpu.memory_space<semaphore_mem>> -> memref<!tpu.dma_semaphore, #tpu.memory_space<semaphore_mem>>
        %dma_start3A_256 = arith.constant 0 : i32
        %dma_start3A_257 = tpu.memref_slice %arg6[%add3A_245, %dma_start3A_256] : memref<32768x1024xf32, #tpu.memory_space<hbm>> -> memref<8x1024xf32, #tpu.memory_space<hbm>>
        %dma_start3A_258 = arith.constant 0 : i32
        %dma_start3A_259 = arith.constant 0 : i32
        %dma_start3A_260 = tpu.memref_slice %arg9[%dma_start3A_246, %dma_start3A_258, %dma_start3A_259] : memref<4x8x1024xf32, #tpu.memory_space<vmem>> -> memref<1x8x1024xf32, #tpu.memory_space<vmem>>
        %dma_start3A_261 = tpu.memref_squeeze %dma_start3A_260 : memref<1x8x1024xf32, #tpu.memory_space<vmem>> -> memref<8x1024xf32, #tpu.memory_space<vmem>>
        tpu.enqueue_dma source(%dma_start3A_261 : memref<8x1024xf32, #tpu.memory_space<vmem>>) target(%dma_start3A_257 : memref<8x1024xf32, #tpu.memory_space<hbm>>) target_semaphore(%dma_start3A_255 : memref<!tpu.dma_semaphore, #tpu.memory_space<semaphore_mem>>)
        %add3A_262 = arith.constant 4 : i32
        %add3A_263 = arith.addi %scan3A_181, %add3A_262 : i32
        %sub3A = arith.constant 1 : i32
        %sub3A_264 = arith.subi %add3A_263, %sub3A : i32
        %lt3A = arith.constant 128 : i32
        %lt3A_265 = arith.cmpi slt, %sub3A_264, %lt3A : i32
        %convert_element_type3A_266 = arith.extui %lt3A_265 : i1 to i32
        %cond3A_267 = arith.constant 0 : i32
        %cond3A_268 = arith.cmpi ne, %convert_element_type3A_266, %cond3A_267 : i32
        scf.if %cond3A_268 {
          %ge3A = arith.constant 4 : i32
          %ge3A_269 = arith.cmpi sge, %sub3A_264, %ge3A : i32
          %convert_element_type3A_270 = arith.extui %ge3A_269 : i1 to i32
          %cond3A_271 = arith.constant 0 : i32
          %cond3A_272 = arith.cmpi ne, %convert_element_type3A_270, %cond3A_271 : i32
          scf.if %cond3A_272 {
            %sub3A_307 = arith.constant 4 : i32
            %sub3A_308 = arith.subi %sub3A_264, %sub3A_307 : i32
            %mul3A_309 = arith.constant 8 : i32
            %mul3A_310 = arith.muli %sub3A_308, %mul3A_309 : i32
            %add3A_311 = arith.addi %mul3A_2, %mul3A_310 : i32
            %dma_wait3A_312 = arith.constant 2 : i32
            %dma_wait3A_313 = arith.constant 2 : i32
            %dma_wait3A_314 = arith.constant 0 : i32
            %dma_wait3A_315 = arith.constant 0 : i32
            %dma_wait3A_316 = tpu.memref_slice %arg9[%dma_wait3A_312, %dma_wait3A_314, %dma_wait3A_315] : memref<4x8x1024xf32, #tpu.memory_space<vmem>> -> memref<1x8x1024xf32, #tpu.memory_space<vmem>>
            %dma_wait3A_317 = tpu.memref_squeeze %dma_wait3A_316 : memref<1x8x1024xf32, #tpu.memory_space<vmem>> -> memref<8x1024xf32, #tpu.memory_space<vmem>>
            %dma_wait3A_318 = arith.constant 0 : i32
            %dma_wait3A_319 = tpu.memref_slice %arg6[%add3A_311, %dma_wait3A_318] : memref<32768x1024xf32, #tpu.memory_space<hbm>> -> memref<8x1024xf32, #tpu.memory_space<hbm>>
            %dma_wait3A_320 = tpu.memref_slice %arg12[%dma_wait3A_313] : memref<4x!tpu.dma_semaphore, #tpu.memory_space<semaphore_mem>> -> memref<1x!tpu.dma_semaphore, #tpu.memory_space<semaphore_mem>>
            %dma_wait3A_321 = tpu.memref_squeeze %dma_wait3A_320 : memref<1x!tpu.dma_semaphore, #tpu.memory_space<semaphore_mem>> -> memref<!tpu.dma_semaphore, #tpu.memory_space<semaphore_mem>>
            %dma_wait3A_322 = arith.constant 0 : i32
            %dma_wait3A_323 = tpu.memref_slice %arg6[%add3A_311, %dma_wait3A_322] : memref<32768x1024xf32, #tpu.memory_space<hbm>> -> memref<8x1024xf32, #tpu.memory_space<hbm>>
            %dma_wait3A_324 = arith.constant 0 : i32
            %dma_wait3A_325 = arith.constant 0 : i32
            %dma_wait3A_326 = tpu.memref_slice %arg9[%dma_wait3A_312, %dma_wait3A_324, %dma_wait3A_325] : memref<4x8x1024xf32, #tpu.memory_space<vmem>> -> memref<1x8x1024xf32, #tpu.memory_space<vmem>>
            %dma_wait3A_327 = tpu.memref_squeeze %dma_wait3A_326 : memref<1x8x1024xf32, #tpu.memory_space<vmem>> -> memref<8x1024xf32, #tpu.memory_space<vmem>>
            tpu.wait_dma2 semaphore(%dma_wait3A_321 : memref<!tpu.dma_semaphore, #tpu.memory_space<semaphore_mem>>) src(%dma_wait3A_327 : memref<8x1024xf32, #tpu.memory_space<vmem>>) dst(%dma_wait3A_323 : memref<8x1024xf32, #tpu.memory_space<hbm>>)
          } else {
          }
          %mul3A_273 = arith.constant 8 : i32
          %mul3A_274 = arith.muli %sub3A_264, %mul3A_273 : i32
          %add3A_275 = arith.addi %mul3A_2, %mul3A_274 : i32
          %mul3A_276 = arith.constant 8 : i32
          %mul3A_277 = arith.muli %sub3A_264, %mul3A_276 : i32
          %multiple_of3A_278 = tpu.assume_multiple %mul3A_277, 8 : i32
          %dma_start3A_279 = arith.constant 2 : i32
          %dma_start3A_280 = arith.constant 2 : i32
          %dma_start3A_281 = arith.constant 0 : i32
          %dma_start3A_282 = arith.constant 0 : i32
          %dma_start3A_283 = tpu.memref_slice %arg9[%dma_start3A_279, %dma_start3A_281, %dma_start3A_282] : memref<4x8x1024xf32, #tpu.memory_space<vmem>> -> memref<1x8x1024xf32, #tpu.memory_space<vmem>>
          %dma_start3A_284 = tpu.memref_squeeze %dma_start3A_283 : memref<1x8x1024xf32, #tpu.memory_space<vmem>> -> memref<8x1024xf32, #tpu.memory_space<vmem>>
          %dma_start3A_285 = arith.constant 0 : i32
          %dma_start3A_286 = tpu.memref_slice %arg2[%add3A_275, %dma_start3A_285] : memref<32768x1024xf32, #tpu.memory_space<hbm>> -> memref<8x1024xf32, #tpu.memory_space<hbm>>
          %dma_start3A_287 = tpu.memref_slice %arg11[%dma_start3A_280] : memref<4x!tpu.dma_semaphore, #tpu.memory_space<semaphore_mem>> -> memref<1x!tpu.dma_semaphore, #tpu.memory_space<semaphore_mem>>
          %dma_start3A_288 = tpu.memref_squeeze %dma_start3A_287 : memref<1x!tpu.dma_semaphore, #tpu.memory_space<semaphore_mem>> -> memref<!tpu.dma_semaphore, #tpu.memory_space<semaphore_mem>>
          %dma_start3A_289 = arith.constant 0 : i32
          %dma_start3A_290 = arith.constant 0 : i32
          %dma_start3A_291 = tpu.memref_slice %arg9[%dma_start3A_279, %dma_start3A_289, %dma_start3A_290] : memref<4x8x1024xf32, #tpu.memory_space<vmem>> -> memref<1x8x1024xf32, #tpu.memory_space<vmem>>
          %dma_start3A_292 = tpu.memref_squeeze %dma_start3A_291 : memref<1x8x1024xf32, #tpu.memory_space<vmem>> -> memref<8x1024xf32, #tpu.memory_space<vmem>>
          %dma_start3A_293 = arith.constant 0 : i32
          %dma_start3A_294 = tpu.memref_slice %arg2[%add3A_275, %dma_start3A_293] : memref<32768x1024xf32, #tpu.memory_space<hbm>> -> memref<8x1024xf32, #tpu.memory_space<hbm>>
          tpu.enqueue_dma source(%dma_start3A_294 : memref<8x1024xf32, #tpu.memory_space<hbm>>) target(%dma_start3A_292 : memref<8x1024xf32, #tpu.memory_space<vmem>>) target_semaphore(%dma_start3A_288 : memref<!tpu.dma_semaphore, #tpu.memory_space<semaphore_mem>>)
          %dma_start3A_295 = arith.constant 2 : i32
          %dma_start3A_296 = arith.constant 2 : i32
          %dma_start3A_297 = arith.constant 0 : i32
          %dma_start3A_298 = arith.constant 0 : i32
          %dma_start3A_299 = tpu.memref_slice %arg10[%dma_start3A_295, %dma_start3A_297, %dma_start3A_298] : memref<4x8x1024xf32, #tpu.memory_space<vmem>> -> memref<1x8x1024xf32, #tpu.memory_space<vmem>>
          %dma_start3A_300 = tpu.memref_squeeze %dma_start3A_299 : memref<1x8x1024xf32, #tpu.memory_space<vmem>> -> memref<8x1024xf32, #tpu.memory_space<vmem>>
          %dma_start3A_301 = tpu.memref_slice %arg7[%multiple_of3A_278] : memref<1024xi32, #tpu.memory_space<vmem>> -> memref<8xi32, #tpu.memory_space<vmem>>
          %dma_start3A_302 = arith.constant 0 : i32
          %dma_start3A_303 = arith.constant 0 : i32
          %dma_start3A_304 = tpu.memref_slice %arg5[%dma_start3A_302, %dma_start3A_303] : memref<8192x1024xf32, #tpu.memory_space<hbm>> -> memref<8192x1024xf32, #tpu.memory_space<hbm>>
          %dma_start3A_305 = tpu.memref_slice %arg11[%dma_start3A_296] : memref<4x!tpu.dma_semaphore, #tpu.memory_space<semaphore_mem>> -> memref<1x!tpu.dma_semaphore, #tpu.memory_space<semaphore_mem>>
          %dma_start3A_306 = tpu.memref_squeeze %dma_start3A_305 : memref<1x!tpu.dma_semaphore, #tpu.memory_space<semaphore_mem>> -> memref<!tpu.dma_semaphore, #tpu.memory_space<semaphore_mem>>
          tpu.enqueue_indirect_dma source(%dma_start3A_304 : memref<8192x1024xf32, #tpu.memory_space<hbm>>) target(%dma_start3A_300 : memref<8x1024xf32, #tpu.memory_space<vmem>>) offsets(%dma_start3A_301 : memref<8xi32, #tpu.memory_space<vmem>>) semaphore(%dma_start3A_306 : memref<!tpu.dma_semaphore, #tpu.memory_space<semaphore_mem>>)
        } else {
        }
      } else {
      }
      %scan3A_201 = arith.constant 0 : i32
      scf.yield %scan3A_201 : i32
    }
    %scan3A_109 = arith.constant 128 : i32
    %add3A_110 = arith.constant 992 : i32
    %add3A_111 = arith.addi %mul3A_2, %add3A_110 : i32
    %dma_wait3A = arith.constant 0 : i32
    %dma_wait3A_112 = arith.constant 0 : i32
    %dma_wait3A_113 = arith.constant 0 : i32
    %dma_wait3A_114 = arith.constant 0 : i32
    %dma_wait3A_115 = tpu.memref_slice %arg9[%dma_wait3A, %dma_wait3A_113, %dma_wait3A_114] : memref<4x8x1024xf32, #tpu.memory_space<vmem>> -> memref<1x8x1024xf32, #tpu.memory_space<vmem>>
    %dma_wait3A_116 = tpu.memref_squeeze %dma_wait3A_115 : memref<1x8x1024xf32, #tpu.memory_space<vmem>> -> memref<8x1024xf32, #tpu.memory_space<vmem>>
    %dma_wait3A_117 = arith.constant 0 : i32
    %dma_wait3A_118 = tpu.memref_slice %arg6[%add3A_111, %dma_wait3A_117] : memref<32768x1024xf32, #tpu.memory_space<hbm>> -> memref<8x1024xf32, #tpu.memory_space<hbm>>
    %dma_wait3A_119 = tpu.memref_slice %arg12[%dma_wait3A_112] : memref<4x!tpu.dma_semaphore, #tpu.memory_space<semaphore_mem>> -> memref<1x!tpu.dma_semaphore, #tpu.memory_space<semaphore_mem>>
    %dma_wait3A_120 = tpu.memref_squeeze %dma_wait3A_119 : memref<1x!tpu.dma_semaphore, #tpu.memory_space<semaphore_mem>> -> memref<!tpu.dma_semaphore, #tpu.memory_space<semaphore_mem>>
    %dma_wait3A_121 = arith.constant 0 : i32
    %dma_wait3A_122 = tpu.memref_slice %arg6[%add3A_111, %dma_wait3A_121] : memref<32768x1024xf32, #tpu.memory_space<hbm>> -> memref<8x1024xf32, #tpu.memory_space<hbm>>
    %dma_wait3A_123 = arith.constant 0 : i32
    %dma_wait3A_124 = arith.constant 0 : i32
    %dma_wait3A_125 = tpu.memref_slice %arg9[%dma_wait3A, %dma_wait3A_123, %dma_wait3A_124] : memref<4x8x1024xf32, #tpu.memory_space<vmem>> -> memref<1x8x1024xf32, #tpu.memory_space<vmem>>
    %dma_wait3A_126 = tpu.memref_squeeze %dma_wait3A_125 : memref<1x8x1024xf32, #tpu.memory_space<vmem>> -> memref<8x1024xf32, #tpu.memory_space<vmem>>
    tpu.wait_dma2 semaphore(%dma_wait3A_120 : memref<!tpu.dma_semaphore, #tpu.memory_space<semaphore_mem>>) src(%dma_wait3A_126 : memref<8x1024xf32, #tpu.memory_space<vmem>>) dst(%dma_wait3A_122 : memref<8x1024xf32, #tpu.memory_space<hbm>>)
    %add3A_127 = arith.constant 1000 : i32
    %add3A_128 = arith.addi %mul3A_2, %add3A_127 : i32
    %dma_wait3A_129 = arith.constant 1 : i32
    %dma_wait3A_130 = arith.constant 1 : i32
    %dma_wait3A_131 = arith.constant 0 : i32
    %dma_wait3A_132 = arith.constant 0 : i32
    %dma_wait3A_133 = tpu.memref_slice %arg9[%dma_wait3A_129, %dma_wait3A_131, %dma_wait3A_132] : memref<4x8x1024xf32, #tpu.memory_space<vmem>> -> memref<1x8x1024xf32, #tpu.memory_space<vmem>>
    %dma_wait3A_134 = tpu.memref_squeeze %dma_wait3A_133 : memref<1x8x1024xf32, #tpu.memory_space<vmem>> -> memref<8x1024xf32, #tpu.memory_space<vmem>>
    %dma_wait3A_135 = arith.constant 0 : i32
    %dma_wait3A_136 = tpu.memref_slice %arg6[%add3A_128, %dma_wait3A_135] : memref<32768x1024xf32, #tpu.memory_space<hbm>> -> memref<8x1024xf32, #tpu.memory_space<hbm>>
    %dma_wait3A_137 = tpu.memref_slice %arg12[%dma_wait3A_130] : memref<4x!tpu.dma_semaphore, #tpu.memory_space<semaphore_mem>> -> memref<1x!tpu.dma_semaphore, #tpu.memory_space<semaphore_mem>>
    %dma_wait3A_138 = tpu.memref_squeeze %dma_wait3A_137 : memref<1x!tpu.dma_semaphore, #tpu.memory_space<semaphore_mem>> -> memref<!tpu.dma_semaphore, #tpu.memory_space<semaphore_mem>>
    %dma_wait3A_139 = arith.constant 0 : i32
    %dma_wait3A_140 = tpu.memref_slice %arg6[%add3A_128, %dma_wait3A_139] : memref<32768x1024xf32, #tpu.memory_space<hbm>> -> memref<8x1024xf32, #tpu.memory_space<hbm>>
    %dma_wait3A_141 = arith.constant 0 : i32
    %dma_wait3A_142 = arith.constant 0 : i32
    %dma_wait3A_143 = tpu.memref_slice %arg9[%dma_wait3A_129, %dma_wait3A_141, %dma_wait3A_142] : memref<4x8x1024xf32, #tpu.memory_space<vmem>> -> memref<1x8x1024xf32, #tpu.memory_space<vmem>>
    %dma_wait3A_144 = tpu.memref_squeeze %dma_wait3A_143 : memref<1x8x1024xf32, #tpu.memory_space<vmem>> -> memref<8x1024xf32, #tpu.memory_space<vmem>>
    tpu.wait_dma2 semaphore(%dma_wait3A_138 : memref<!tpu.dma_semaphore, #tpu.memory_space<semaphore_mem>>) src(%dma_wait3A_144 : memref<8x1024xf32, #tpu.memory_space<vmem>>) dst(%dma_wait3A_140 : memref<8x1024xf32, #tpu.memory_space<hbm>>)
    %add3A_145 = arith.constant 1008 : i32
    %add3A_146 = arith.addi %mul3A_2, %add3A_145 : i32
    %dma_wait3A_147 = arith.constant 2 : i32
    %dma_wait3A_148 = arith.constant 2 : i32
    %dma_wait3A_149 = arith.constant 0 : i32
    %dma_wait3A_150 = arith.constant 0 : i32
    %dma_wait3A_151 = tpu.memref_slice %arg9[%dma_wait3A_147, %dma_wait3A_149, %dma_wait3A_150] : memref<4x8x1024xf32, #tpu.memory_space<vmem>> -> memref<1x8x1024xf32, #tpu.memory_space<vmem>>
    %dma_wait3A_152 = tpu.memref_squeeze %dma_wait3A_151 : memref<1x8x1024xf32, #tpu.memory_space<vmem>> -> memref<8x1024xf32, #tpu.memory_space<vmem>>
    %dma_wait3A_153 = arith.constant 0 : i32
    %dma_wait3A_154 = tpu.memref_slice %arg6[%add3A_146, %dma_wait3A_153] : memref<32768x1024xf32, #tpu.memory_space<hbm>> -> memref<8x1024xf32, #tpu.memory_space<hbm>>
    %dma_wait3A_155 = tpu.memref_slice %arg12[%dma_wait3A_148] : memref<4x!tpu.dma_semaphore, #tpu.memory_space<semaphore_mem>> -> memref<1x!tpu.dma_semaphore, #tpu.memory_space<semaphore_mem>>
    %dma_wait3A_156 = tpu.memref_squeeze %dma_wait3A_155 : memref<1x!tpu.dma_semaphore, #tpu.memory_space<semaphore_mem>> -> memref<!tpu.dma_semaphore, #tpu.memory_space<semaphore_mem>>
    %dma_wait3A_157 = arith.constant 0 : i32
    %dma_wait3A_158 = tpu.memref_slice %arg6[%add3A_146, %dma_wait3A_157] : memref<32768x1024xf32, #tpu.memory_space<hbm>> -> memref<8x1024xf32, #tpu.memory_space<hbm>>
    %dma_wait3A_159 = arith.constant 0 : i32
    %dma_wait3A_160 = arith.constant 0 : i32
    %dma_wait3A_161 = tpu.memref_slice %arg9[%dma_wait3A_147, %dma_wait3A_159, %dma_wait3A_160] : memref<4x8x1024xf32, #tpu.memory_space<vmem>> -> memref<1x8x1024xf32, #tpu.memory_space<vmem>>
    %dma_wait3A_162 = tpu.memref_squeeze %dma_wait3A_161 : memref<1x8x1024xf32, #tpu.memory_space<vmem>> -> memref<8x1024xf32, #tpu.memory_space<vmem>>
    tpu.wait_dma2 semaphore(%dma_wait3A_156 : memref<!tpu.dma_semaphore, #tpu.memory_space<semaphore_mem>>) src(%dma_wait3A_162 : memref<8x1024xf32, #tpu.memory_space<vmem>>) dst(%dma_wait3A_158 : memref<8x1024xf32, #tpu.memory_space<hbm>>)
    %add3A_163 = arith.constant 1016 : i32
    %add3A_164 = arith.addi %mul3A_2, %add3A_163 : i32
    %dma_wait3A_165 = arith.constant 3 : i32
    %dma_wait3A_166 = arith.constant 3 : i32
    %dma_wait3A_167 = arith.constant 0 : i32
    %dma_wait3A_168 = arith.constant 0 : i32
    %dma_wait3A_169 = tpu.memref_slice %arg9[%dma_wait3A_165, %dma_wait3A_167, %dma_wait3A_168] : memref<4x8x1024xf32, #tpu.memory_space<vmem>> -> memref<1x8x1024xf32, #tpu.memory_space<vmem>>
    %dma_wait3A_170 = tpu.memref_squeeze %dma_wait3A_169 : memref<1x8x1024xf32, #tpu.memory_space<vmem>> -> memref<8x1024xf32, #tpu.memory_space<vmem>>
    %dma_wait3A_171 = arith.constant 0 : i32
    %dma_wait3A_172 = tpu.memref_slice %arg6[%add3A_164, %dma_wait3A_171] : memref<32768x1024xf32, #tpu.memory_space<hbm>> -> memref<8x1024xf32, #tpu.memory_space<hbm>>
    %dma_wait3A_173 = tpu.memref_slice %arg12[%dma_wait3A_166] : memref<4x!tpu.dma_semaphore, #tpu.memory_space<semaphore_mem>> -> memref<1x!tpu.dma_semaphore, #tpu.memory_space<semaphore_mem>>
    %dma_wait3A_174 = tpu.memref_squeeze %dma_wait3A_173 : memref<1x!tpu.dma_semaphore, #tpu.memory_space<semaphore_mem>> -> memref<!tpu.dma_semaphore, #tpu.memory_space<semaphore_mem>>
    %dma_wait3A_175 = arith.constant 0 : i32
    %dma_wait3A_176 = tpu.memref_slice %arg6[%add3A_164, %dma_wait3A_175] : memref<32768x1024xf32, #tpu.memory_space<hbm>> -> memref<8x1024xf32, #tpu.memory_space<hbm>>
    %dma_wait3A_177 = arith.constant 0 : i32
    %dma_wait3A_178 = arith.constant 0 : i32
    %dma_wait3A_179 = tpu.memref_slice %arg9[%dma_wait3A_165, %dma_wait3A_177, %dma_wait3A_178] : memref<4x8x1024xf32, #tpu.memory_space<vmem>> -> memref<1x8x1024xf32, #tpu.memory_space<vmem>>
    %dma_wait3A_180 = tpu.memref_squeeze %dma_wait3A_179 : memref<1x8x1024xf32, #tpu.memory_space<vmem>> -> memref<8x1024xf32, #tpu.memory_space<vmem>>
    tpu.wait_dma2 semaphore(%dma_wait3A_174 : memref<!tpu.dma_semaphore, #tpu.memory_space<semaphore_mem>>) src(%dma_wait3A_180 : memref<8x1024xf32, #tpu.memory_space<vmem>>) dst(%dma_wait3A_176 : memref<8x1024xf32, #tpu.memory_space<hbm>>)
    return
  }
}

</mosaic_0001>

<sc_bundles>
// kernel: _run.3.cloned.1.call-start
scs
__scs_entry_jumppad:
0x0: {  	(pc) =	sbr.rel $0x88, $3  }
0x1: {  	(tag) =	ssettag $0x0;
	lr =	simm.s32 $0x1  }
0x2: {  	[smem:$0x3F9D] =	sst lr;
	_ =	strace $0xD0000000  }
0x3: {  	_ = 	snop  }
0x4: {  	_ = 	snop  }
0x5: {  	_ = 	snop  }
0x6: {  	_ = 	snop  }
0x7: {  	_ = 	snop  }
__scs_overlays_trampoline_lowered:
0x8: {  	[smem:$0x3FAC] =	sst s0  }
0x9: {  	[smem:$0x3FAD] =	sst s1  }
0xa: {  	[smem:$0x3FAE] =	sst s2  }
0xb: {  	[smem:$0x3FAF] =	sst s3  }
0xc: {  	[smem:$0x3FB0] =	sst s4  }
0xd: {  	[smem:$0x3FB1] =	sst s5  }
0xe: {  	[smem:$0x3FB2] =	sst s6  }
0xf: {  	[smem:$0x3FB3] =	sst s7  }
0x10: {  	[smem:$0x3FB4] =	sst s8  }
0x11: {  	[smem:$0x3FB5] =	sst s9;
	s0 =	simm.s32 @!p0 $0x0  }
0x12: {  	s1 =	sld [smem:$0x3F9B];
	s0 =	simm.s32 @p0 $0x1  }
0x13: {  	[smem:$0x3FB6] =	sst s0;
	s0 =	simm.s32 @!p1 $0x0  }
0x14: {  	s2 =	sld [smem:$0x3F9A];
	s0 =	simm.s32 @p1 $0x1  }
0x15: {  	[smem:$0x3FB7] =	sst s0;
	s0 =	simm.s32 @!p2 $0x0  }
0x16: {  	s3 =	sld [smem:$0x3FDB];
	s0 =	simm.s32 @p2 $0x1  }
0x17: {  	s4 =	simm.s32 $0x1BF5;
	[smem:$0x3FB9] =	sst s0  }
0x18: {  	s0 =	sld [smem:$0x3F9C];
	_ =	swait.ge [sflag:s4], $0x0  }
0x19: {  	s7 =	sld [smem:$0x3F9D]  }
0x1a: {  	s8 =	sadd.s32 $0xFFFFE003, lr  }
0x1b: {  	s9 =	sadd.s32 $0xFFFFFEF7, lr;
	s5 =	simm.s32 $0xFFFFFFFF;
	p2 =	slt.u32 s8, $0xFFFFF086  }
0x1c: {  	p1 =	slt.u32 s9, $0xF7A;
	s5 =	simm.s32 @!p2 $0x0  }
0x1d: {  	s5 =	simm.s32 @p1 $0x1;
	p0 =	seq.s32 s7, s2  }
0x1e: {  	s7 =	smul.u32 @!p0 $0xF7A, s2;
	p2 =	seq.s32 @!p0 s5, $0x0  }
0x1f: {  	s9 =	smul.u32 $0xF7A, s1;
	s8 =	simm.s32 @!p0 $0x1BF5;
	p2 =	por !p2, p0  }
0x20: {  	[sflag:s8] =	ssyncset.s32 @!p0 $0xFFFFF086;
	s6 =	sadd.s32 @!p0 s3, s7;
	s7 =	simm.s32 @!p0 $0x108  }
0x21: {  	s3 =	sadd.s32 s3, s9;
	s6 =	sadd.s32 @!p0 $0x88, s6;
	s7 =	simm.s32 @p2 $0x1082  }
0x22: {  	[simem:s7], [sflag:s8] =	dma.local @!p0 [hbm:s6], $0xF7A  }
0x23: {  	s9 =	sor.u32 $0xD0000000, s2;
	s6 =	simm.s32 $0x108;
	_ =	swait.ge @!p0 [sflag:s8], $0x0  }
0x24: {  	s3 =	sadd.s32 $0x88, s3;
	s6 =	simm.s32 @!p1 $0x1082;
	[sflag:s4] =	ssyncset.s32 $0xFFFFF086  }
0x25: {  	[simem:s6], [sflag:s4] =	dma.local [hbm:s3], $0xF7A  }
0x26: {  	[smem:$0x3F9D] =	sst s1;
	(tag) =	ssettag s2;
	_ =	strace s9  }
0x27: {  	s1 =	sld [smem:$0x3FAD]  }
0x28: {  	s2 =	sld [smem:$0x3FAE]  }
0x29: {  	s4 =	sld [smem:$0x3FB0]  }
0x2a: {  	p0 =	seq.s32 s5, $0x0;
	s5 =	sld [smem:$0x3FB1]  }
0x2b: {  	s6 =	sld [smem:$0x3FB2]  }
0x2c: {  	s7 =	sld [smem:$0x3FB3]  }
0x2d: {  	s3 =	simm.s32 $0x108;
	s8 =	sld [smem:$0x3FB4]  }
0x2e: {  	s3 =	simm.s32 @!p0 $0x1082;
	s9 =	sld [smem:$0x3FB5]  }
0x2f: {  	lr =	sadd.s32 s0, s3;
	s0 =	sld [smem:$0x3FAC]  }
0x30: {  	s3 =	sld [smem:$0x3FAF]  }
0x31: {  	[smem:$0x3FB8] =	sst s10  }
0x32: {  	s10 =	sld [smem:$0x3FB6];
	_ =	sdelay $0x3  }
0x33: {  	p0 =	seq.s32 s10, $0x1;
	s10 =	sld [smem:$0x3FB8];
	_ =	sdelay $0x3  }
0x34: {  	[smem:$0x3FB8] =	sst s10  }
0x35: {  	s10 =	sld [smem:$0x3FB7];
	_ =	sdelay $0x3  }
0x36: {  	p1 =	seq.s32 s10, $0x1;
	s10 =	sld [smem:$0x3FB8];
	_ =	sdelay $0x3  }
0x37: {  	[smem:$0x3FB8] =	sst s10  }
0x38: {  	s10 =	sld [smem:$0x3FB9]  }
0x39: {  	_ = 	snop;
	(pc) =	sbr.ind lr, $3  }
0x3a: {  	_ = 	snop  }
0x3b: {  	_ = 	snop  }
0x3c: {  	p2 =	seq.s32 s10, $0x1;
	s10 =	sld [smem:$0x3FB8]  }
0x3d: {  	_ =	shalt  }
0x3e: {  	_ =	shalt  }
0x3f: {  	_ =	shalt  }
0x40: {  	_ =	shalt  }
0x41: {  	_ =	shalt  }
0x42: {  	_ =	shalt  }
0x43: {  	_ =	shalt  }
0x44: {  	_ =	shalt  }
0x45: {  	_ =	shalt  }
0x46: {  	_ =	shalt  }
0x47: {  	_ =	shalt  }
0x48: {  	_ =	shalt  }
0x49: {  	_ =	shalt  }
0x4a: {  	_ =	shalt  }
0x4b: {  	_ =	shalt  }
0x4c: {  	_ =	shalt  }
0x4d: {  	_ =	shalt  }
0x4e: {  	_ =	shalt  }
0x4f: {  	_ =	shalt  }
0x50: {  	_ =	shalt  }
0x51: {  	_ =	shalt  }
0x52: {  	_ =	shalt  }
0x53: {  	_ =	shalt  }
0x54: {  	_ =	shalt  }
0x55: {  	_ =	shalt  }
0x56: {  	_ =	shalt  }
0x57: {  	_ =	shalt  }
0x58: {  	_ =	shalt  }
0x59: {  	_ =	shalt  }
0x5a: {  	_ =	shalt  }
0x5b: {  	_ =	shalt  }
0x5c: {  	_ =	shalt  }
0x5d: {  	_ =	shalt  }
0x5e: {  	_ =	shalt  }
0x5f: {  	_ =	shalt  }
0x60: {  	_ =	shalt  }
0x61: {  	_ =	shalt  }
0x62: {  	_ =	shalt  }
0x63: {  	_ =	shalt  }
0x64: {  	_ =	shalt  }
0x65: {  	_ =	shalt  }
0x66: {  	_ =	shalt  }
0x67: {  	_ =	shalt  }
0x68: {  	_ =	shalt  }
0x69: {  	_ =	shalt  }
0x6a: {  	_ =	shalt  }
0x6b: {  	_ =	shalt  }
0x6c: {  	_ =	shalt  }
0x6d: {  	_ =	shalt  }
0x6e: {  	_ =	shalt  }
0x6f: {  	_ =	shalt  }
0x70: {  	_ =	shalt  }
0x71: {  	_ =	shalt  }
0x72: {  	_ =	shalt  }
0x73: {  	_ =	shalt  }
0x74: {  	_ =	shalt  }
0x75: {  	_ =	shalt  }
0x76: {  	_ =	shalt  }
0x77: {  	_ =	shalt  }
0x78: {  	_ =	shalt  }
0x79: {  	_ =	shalt  }
0x7a: {  	_ =	shalt  }
0x7b: {  	_ =	shalt  }
0x7c: {  	_ =	shalt  }
0x7d: {  	_ =	shalt  }
0x7e: {  	_ =	shalt  }
0x7f: {  	_ =	shalt  }
0x80: {  	_ =	shalt  }
0x81: {  	_ =	shalt  }
0x82: {  	_ =	shalt  }
0x83: {  	_ =	shalt  }
0x84: {  	_ =	shalt  }
0x85: {  	_ =	shalt  }
0x86: {  	_ =	shalt  }
0x87: {  	_ =	shalt  }
.Lfunc_end0:
.L_simem_size_0:
called_computation_lowered:
.L_overlay_start_0:
0x88: {  	s2 =	sld [smem:$0x3FD9]  }
0x89: {  	s3 =	sld [smem:$0x3FFE];
	_ =	sdelay $0x1  }
0x8a: {  	s1 =	srdreg.scid  }
0x8b: {  	s0 =	sand.u32 $0x1, s1  }
0x8c: {  	s18 =	sshll.u32 s0, $0xA;
	s2 =	sadd.s32 s3, s2  }
0x8d: {  	s2 =	sadd.s32 s2, s18  }
0x8e: {  	[smem:$0x3FC4] =	sst s2  }
0x8f: {  	_ = 	snop  }
0x90: {  	s2 =	sld [smem:$0x3FC9]  }
0x91: {  	s19 =	sld [smem:$0x3FC8]  }
0x92: {  	s4 =	sld [smem:$0x3FC7]  }
0x93: {  	s5 =	sld [smem:$0x3FC6]  }
0x94: {  	s6 =	sld [smem:$0x3FD0];
	(tm) =	ssettm $0x1  }
0x95: {  	s7 =	sld [smem:$0x3FFB];
	_ =	sdelay $0x3  }
0x96: {  	_ =	strace s7  }
0x97: {  	s7 =	sld [smem:$0x3FFC];
	_ =	sdelay $0x3  }
0x98: {  	_ =	strace s7  }
0x99: {  	s7 =	sld [smem:$0x3FFD];
	_ =	sdelay $0x3  }
0x9a: {  	_ =	strace s7  }
0x9b: {  	_ =	strace $0x8FFFFFFF  }
0x9c: {  	s20 =	sld [smem:$0x3FDB];
	_ =	sdelay $0x1  }
0x9d: {  	s8 =	simm.s32 $_scs_section_size  }
0x9e: {  	s9 =	simm.s32 $_size__tile_overlayer_lowered;
	s10 =	simm.s32 $_tile_overlayer_lowered  }
0x9f: {  	s23 =	simm.s32 $0x1BFF;
	s22 =	sshll.u32 s10, $0x1;
	s7 =	sadd.s32 s8, s20  }
0xa0: {  	s11 =	simm.s32 $0x0;
	s21 =	sshll.u32 s9, $0x1;
	s9 =	sadd.s32 s22, s7  }
0xa1: {  	[timem:s11], [sflag:s23] =	dma.local [hbm:s9], s21  }
0xa2: {  	_ =	swait.ge [sflag:s23], s21  }
0xa3: {  	s8 =	ssub.s32 $0x0, s21;
	[sflag:s23] =	ssyncset.done $0x0  }
0xa4: {  	[sflag:s23] =	ssyncadd.s32 s8;
	_ =	sdelay $0x1  }
0xa5: {  	s24 =	simm.s32 $0x1B8B  }
0xa6: {  	_ =	swait.ge [sflag:s24], $0x1  }
0xa7: {  	[sflag:s24] =	ssyncset.done $0x0  }
0xa8: {  	s25 =	simm.s32 $0x1B8E;
	[sflag:s24] =	ssyncadd.s32 $0xFFFFFFFF  }
0xa9: {  	s26 =	simm.s32 $execute0_lowered;
	[smem:$0x3FD2] =	sst s25  }
0xaa: {  	s8 =	sshll.u32 s26, $0x1;
	_ =	strace $0x80000046;
	[dreg:$0x1] =	wrdreg $0xFFFFFFFF  }
0xab: {  	s28 =	simm.s32 $_size_execute0_lowered;
	s7 =	sadd.s32 s7, s8;
	[dreg:$0x0] =	wrdreg $0x0  }
0xac: {  	s8 =	sshll.u32 s28, $0x1;
	[dreg:$0x2] =	wrdreg s7  }
0xad: {  	[dreg:$0x3] =	wrdreg s8  }
0xae: {  	[dreg:$0x4] =	wrdreg $0xC0  }
0xaf: {  	_ =	task [dreg:s11], $0x5FFFF  }
0xb0: {  	[dreg:$0x1] =	wrdreg $0xFFFFFFFF  }
0xb1: {  	[dreg:$0x0] =	wrdreg $0x60  }
0xb2: {  	[dreg:$0x2] =	wrdreg s2  }
0xb3: {  	[dreg:$0x3] =	wrdreg s19  }
0xb4: {  	[dreg:$0x4] =	wrdreg s4  }
0xb5: {  	[dreg:$0x5] =	wrdreg s5  }
0xb6: {  	[dreg:$0x6] =	wrdreg s6  }
0xb7: {  	[dreg:$0x7] =	wrdreg $0x9  }
0xb8: {  	_ =	task.clear_ibuf [dreg:s11], $0x8FFFF;
	_ =	strace $0x90000046  }
0xb9: {  	s29 =	simm.s32 $0x9;
	_ =	strace $0x80000048  }
0xba: {  	_ =	swait.ge [sflag:s29], $0x1  }
0xbb: {  	[sflag:s29] =	ssyncadd.s32 $0xFFFFFFFF  }
0xbc: {  	_ =	strace $0x90000048  }
0xbd: {  	_ =	sfence  }
0xbe: {  	s30 =	sld [smem:$0x0];
	_ =	sdelay $0x2  }
0xbf: {  	s31 =	sshll.u32 s1, $0xD;
	s1 =	sshrl.u32 s1, $0x2  }
0xc0: {  	s3 =	sand.u32 $0x4000, s31;
	s1 =	sadd.s32 s1, s30  }
0xc1: {  	s0 =	sor.u32 s3, s0;
	s1 =	sshll.u32 s1, $0x11  }
0xc2: {  	s0 =	sor.u32 s1, s0  }
0xc3: {  	s0 =	sadd.s32 $0x8F2B, s0  }
0xc4: {  	[sflag:s0] =	ssyncadd.remote.s32 $0x1  }
0xc5: {  	_ =	sfence.sel $0xFFFF  }
0xc6: {  	[dreg:$0x0] =	wrdreg $0xFFFFFFFF;
	(pc) =	sbr.abs _section_cstart, $3  }
0xc7: {  	[dreg:$0x1] =	wrdreg $0xFFFFFFFF  }
0xc8: {  	_ =	task.clear_ibuf [dreg:s11], $0x2FFFF;
	_ =	strace $0x9FFFFFFF  }
0xc9: {  	(tm) =	ssettm $0x7FFFFFFF  }
tec
execute0_lowered:
.L_overlay_start_1:
0x0: {  	(tag) =	ssettag $0x1  }
0x1: {  	s1 =	rddreg [dreg:$0x0]  }
0x2: {  	s0 =	rddreg [dreg:$0x1]  }
0x3: {  	s4 =	rddreg [dreg:$0x2]  }
0x4: {  	s2 =	rddreg [dreg:$0x3]  }
0x5: {  	s3 =	rddreg [dreg:$0x4];
	s5 =	simm.s32 $0x0;
	s6 =	srdreg.scid  }
0x6: {  	s8 =	stileid.u32;
	s16 =	simm.s32 $0x9;
	s18 =	simm.s32 $0x880  }
0x7: {  	s23 =	simm.s32 $0x2880;
	s29 =	simm.s32 $0x4880;
	s17 =	simm.s32 $0x1  }
0x8: {  	s19 =	simm.s32 $0x2;
	s20 =	simm.s32 $0x5;
	s21 =	simm.s32 $0x6  }
0x9: {  	s22 =	simm.s32 $0x7;
	s24 =	simm.s32 $0x8;
	s28 =	simm.s32 $0x6880  }
0xa: {  	s30 =	simm.s32 $0x0;
	[smem:$0x7FF] =	sst s5;
	s6 =	sand.u32 $0x1, s6  }
0xb: {  	s8 =	sshll.u32 s8, $0xB;
	s10 =	sadd.s32 $0x100, s2;
	s11 =	sadd.s32 $0x200, s2  }
0xc: {  	s12 =	sadd.s32 $0x300, s2;
	s7 =	ssub.s32 $0x2, s6;
	s6 =	sshll.u32 s6, $0xA  }
0xd: {  	_ =	strace $0x80000047;
	s9 =	sshrl.u32 s7, $0x1;
	s6 =	sor.u32 s6, s8  }
.Ltmp0:
0xe: {  	v0 =	vlaneseq.u32;
	s7 =	ssub.s32 s7, s9;
	s8 =	sshrl.u32 s6, $0x3;
	(pc) =	sbr.rel .LBB2_1-.Ltmp0, $4  }
0xf: {  	v1 =	vshrl.u32 v0, $0x3;
	s25 =	sshll.u32 s6, $0x7;
	s0 =	sadd.s32 s0, s8;
	s26 =	sadd.s32 s4, s8  }
0x10: {  	v0 =	vand.u32 $0x7, v0;
	v63 =	vmul.u32 $0x8, v1;
	s9 =	sadd.s32 s1, s25;
	s15 =	smax.u32 s7, $0x1;
	[dreg:$0x6] =	wrdreg s0  }
0x11: {  	[tilespmem:$0x1FFE0] =	vst v0;
	s25 =	simm.s32 $0x3;
	[dreg:$0x7] =	wrdreg s26;
	s31 =	sadd.s32 $0x400, s9  }
0x12: {  	vm0 =	vmmov $0xffff;
	[tilespmem:$0x1FFF0] =	vst v63;
	s14 =	sadd.s32 $0x800, s9;
	s26 =	simm.s32 $0x4;
	[dreg:$0x8] =	wrdreg s31  }
.LBB2_20:
0x13: {  	_ =	swait.ge [sflag:s20], $0x2000  }
0x14: {  	[sflag:s20] =	ssyncset.done $0x0  }
0x15: {  	[sflag:s20] =	ssyncadd.s32 $0xFFFFE000  }
0x16: {  	_ =	swait.ge [sflag:s21], $0x2000  }
0x17: {  	[sflag:s21] =	ssyncset.done $0x0  }
0x18: {  	s30 =	sadd.s32 $0x1, s30;
	[sflag:s21] =	ssyncadd.s32 $0xFFFFE000  }
0x19: {  	p0 =	sne.s32 s30, s15;
	_ =	swait.ge [sflag:s22], $0x2000  }
.Ltmp1:
0x1a: {  	[sflag:s22] =	ssyncset.done $0x0;
	(pc) =	sbr.rel @!p0 .LBB2_21-.Ltmp1, $4  }
0x1b: {  	[sflag:s22] =	ssyncadd.s32 $0xFFFFE000  }
0x1c: {  	_ =	swait.ge [sflag:s24], $0x2000  }
0x1d: {  	[sflag:s24] =	ssyncset.done $0x0  }
0x1e: {  	[sflag:s24] =	ssyncadd.s32 $0xFFFFE000  }
.LBB2_1:
0x1f: {  	s0 =	rddreg [dreg:$0x6]  }
0x20: {  	[tilespmem:s5], [sflag:$0x9] =	stream.linear.gather [hbm4b:s0+s5], $0x400, $0x38;
	[tilespmem:$0x10880] =	vst v63  }
0x21: {  	_ =	swait.ge [sflag:s16], $0x400  }
0x22: {  	[sflag:s16] =	ssyncset.done $0x0  }
0x23: {  	s4 =	simm.s32 $0x400;
	s31 =	rddreg [dreg:$0x7];
	[sflag:s16] =	ssyncadd.s32 $0xFFFFFC00  }
0x24: {  	[tilespmem:s4], [sflag:$0x9] =	stream.linear.gather [hbm4b:s31+s5], $0x400, $0x38;
	[tilespmem:$0x10880] =	vst v63  }
0x25: {  	_ =	swait.ge [sflag:s16], $0x400  }
0x26: {  	[sflag:s16] =	ssyncset.done $0x0  }
0x27: {  	s0 =	simm.s32 $0x0;
	s4 =	simm.s32 $0x40;
	[sflag:s16] =	ssyncadd.s32 $0xFFFFFC00  }
.LBB2_2:
0x28: {  	p0 =	sne.s32 s4, $0xFC0;
	v2 =	vld [tilespmem:s0+$0x0];
	_ =	sdelay $0x3  }
.Ltmp2:
0x29: {  	(pc) =	sbr.rel @p0 .LBB2_2-.Ltmp2, $4  }
0x2a: {  	vm1 =	vgt.s32 v2, $0x0  }
0x2b: {  	v2 =	vnsel vm1, $0x0, v2  }
0x2c: {  	v2 =	vmin.u32 v2, $0x1FFF  }
0x2d: {  	[tilespmem:s0+$0x0] =	vst v2;
	s0 =	sshra.s32 s4, $0x2;
	s4 =	sadd.s32 $0x40, s4  }
0x2e: {  	v2 =	vld [tilespmem:s0+$0x0];
	_ =	sdelay $0x4  }
0x2f: {  	vm1 =	vgt.s32 v2, $0x0  }
0x30: {  	v2 =	vnsel vm1, $0x0, v2  }
0x31: {  	v2 =	vmin.u32 v2, $0x1FFF  }
0x32: {  	s31 =	simm.s32 $0x0;
	[tilespmem:s0+$0x0] =	vst v2  }
0x33: {  	[tilespmem:s18], [sflag:$0x1] =	stream.linear.gather [hbm4b:s9+s31], $0x2000, $0x38;
	[tilespmem:$0x10880] =	vst v63  }
0x34: {  	v2 =	vld.msk [tilespmem:$0x0], $0xff;
	_ =	sdelay $0x2  }
0x35: {  	v0 =	vld [tilespmem:$0x1FFE0];
	_ =	sdelay $0x1  }
0x36: {  	v1 =	vld [tilespmem:$0x1FFF0];
	v3 =	vshll.u32 v2, $0x3  }
0x37: {  	v2 =	vand.u32 $0x7, v2;
	v3 =	vand.u32 $0xFFFFFFC0, v3  }
0x38: {  	v2 =	vor.u32 v2, v3  }
0x39: {  	v2 =	vperm.xlane v2, v0;
	_ =	sdelay $0x1  }
0x3a: {  	v2 =	vadd.s32 v1, v2;
	_ =	sdelay $0x3  }
0x3b: {  	s13 =	simm.s32 $0x8880  }
0x3c: {  	[tilespmem:s13], [sflag:$0x1] =	stream.indirect_vreg.gather [hbm4b:s2+s31], $0x80, v2, vm0, $0xb8;
	[tilespmem:$0x10880] =	vst v63  }
0x3d: {  	s4 =	simm.s32 $0x9080  }
0x3e: {  	[tilespmem:s4], [sflag:$0x1] =	stream.indirect_vreg.gather [hbm4b:s10+s31], $0x80, v2, vm0, $0xb8;
	[tilespmem:$0x10880] =	vst v63  }
0x3f: {  	s7 =	simm.s32 $0x9880  }
0x40: {  	[tilespmem:s7], [sflag:$0x1] =	stream.indirect_vreg.gather [hbm4b:s11+s31], $0x80, v2, vm0, $0xb8;
	[tilespmem:$0x10880] =	vst v63  }
0x41: {  	s8 =	simm.s32 $0xA080  }
0x42: {  	[tilespmem:s8], [sflag:$0x1] =	stream.indirect_vreg.gather [hbm4b:s12+s31], $0x80, v2, vm0, $0xb8;
	[tilespmem:$0x10880] =	vst v63  }
0x43: {  	s13 =	rddreg [dreg:$0x8]  }
0x44: {  	[tilespmem:s23], [sflag:$0x2] =	stream.linear.gather [hbm4b:s13+s31], $0x2000, $0x38;
	[tilespmem:$0x10880] =	vst v63  }
0x45: {  	v2 =	vld.msk [tilespmem:$0x8], $0xff;
	_ =	sdelay $0x4  }
0x46: {  	v62 =	vshll.u32 v2, $0x3  }
0x47: {  	v2 =	vand.u32 $0x7, v2;
	v3 =	vand.u32 $0xFFFFFFC0, v62  }
0x48: {  	v2 =	vor.u32 v2, v3  }
0x49: {  	v2 =	vperm.xlane v2, v0;
	_ =	sdelay $0x1  }
0x4a: {  	v2 =	vadd.s32 v1, v2;
	_ =	sdelay $0x3  }
0x4b: {  	s4 =	simm.s32 $0xA880  }
0x4c: {  	[tilespmem:s4], [sflag:$0x2] =	stream.indirect_vreg.gather [hbm4b:s2+s31], $0x80, v2, vm0, $0xb8;
	[tilespmem:$0x10880] =	vst v63  }
0x4d: {  	s7 =	simm.s32 $0xB080  }
0x4e: {  	[tilespmem:s7], [sflag:$0x2] =	stream.indirect_vreg.gather [hbm4b:s10+s31], $0x80, v2, vm0, $0xb8;
	[tilespmem:$0x10880] =	vst v63  }
0x4f: {  	s8 =	simm.s32 $0xB880  }
0x50: {  	[tilespmem:s8], [sflag:$0x2] =	stream.indirect_vreg.gather [hbm4b:s11+s31], $0x80, v2, vm0, $0xb8;
	[tilespmem:$0x10880] =	vst v63  }
0x51: {  	s13 =	simm.s32 $0xC080  }
0x52: {  	[tilespmem:s13], [sflag:$0x2] =	stream.indirect_vreg.gather [hbm4b:s12+s31], $0x80, v2, vm0, $0xb8;
	[tilespmem:$0x10880] =	vst v63  }
0x53: {  	_ = 	snop  }
0x54: {  	[tilespmem:s29], [sflag:$0x3] =	stream.linear.gather [hbm4b:s14+s31], $0x2000, $0x38;
	[tilespmem:$0x10880] =	vst v63  }
0x55: {  	v2 =	vld.msk [tilespmem:$0x10], $0xff;
	_ =	sdelay $0x4  }
0x56: {  	v63 =	vshll.u32 v2, $0x3  }
0x57: {  	v2 =	vand.u32 $0x7, v2;
	v3 =	vand.u32 $0xFFFFFFC0, v63  }
0x58: {  	v2 =	vor.u32 v2, v3  }
0x59: {  	v2 =	vperm.xlane v2, v0;
	_ =	sdelay $0x1  }
0x5a: {  	v2 =	vadd.s32 v1, v2;
	_ =	sdelay $0x3  }
0x5b: {  	s4 =	simm.s32 $0xC880  }
0x5c: {  	[tilespmem:s4], [sflag:$0x3] =	stream.indirect_vreg.gather [hbm4b:s2+s31], $0x80, v2, vm0, $0xb8;
	[tilespmem:$0x10880] =	vst v63  }
0x5d: {  	s7 =	simm.s32 $0xD080  }
0x5e: {  	[tilespmem:s7], [sflag:$0x3] =	stream.indirect_vreg.gather [hbm4b:s10+s31], $0x80, v2, vm0, $0xb8;
	[tilespmem:$0x10880] =	vst v63  }
.Ltmp3:
0x5f: {  	s8 =	simm.s32 $0xD880;
	(pc) =	sbr.rel .LBB2_4-.Ltmp3, $4  }
0x60: {  	[tilespmem:s8], [sflag:$0x3] =	stream.indirect_vreg.gather [hbm4b:s11+s31], $0x80, v2, vm0, $0xb8;
	[tilespmem:$0x10880] =	vst v63  }
0x61: {  	s13 =	simm.s32 $0xE080  }
0x62: {  	[tilespmem:s13], [sflag:$0x3] =	stream.indirect_vreg.gather [hbm4b:s12+s31], $0x80, v2, vm0, $0xb8;
	[tilespmem:$0x10880] =	vst v63  }
0x63: {  	s13 =	simm.s32 $0x400  }
.LBB2_18:
0x64: {  	v0 =	vld [tilespmem:s7+$0x10490]  }
0x65: {  	v1 =	vld [tilespmem:s7+$0x104A0]  }
0x66: {  	v60 =	vld [tilespmem:s7+$0x104B0]  }
0x67: {  	v61 =	vld [tilespmem:s7+$0x104C0]  }
0x68: {  	v62 =	vld [tilespmem:s7+$0x104D0];
	v58 =	vmul.f32 v2, v58  }
0x69: {  	v63 =	vld [tilespmem:s7+$0x104E0];
	v59 =	vmul.f32 v59, v2  }
0x6a: {  	v56 =	vmul.f32 v56, v2;
	[tilespmem:s7+$0x6880] =	vst.add.f32.msk $0xffff, v58  }
0x6b: {  	v57 =	vmul.f32 v57, v2;
	[tilespmem:s7+$0x6890] =	vst.add.f32.msk $0xffff, v59  }
0x6c: {  	v54 =	vmul.f32 v54, v2;
	[tilespmem:s7+$0x68A0] =	vst.add.f32.msk $0xffff, v56  }
0x6d: {  	v55 =	vmul.f32 v55, v2;
	[tilespmem:s7+$0x68B0] =	vst.add.f32.msk $0xffff, v57  }
0x6e: {  	v52 =	vmul.f32 v52, v2;
	[tilespmem:s7+$0x68C0] =	vst.add.f32.msk $0xffff, v54  }
0x6f: {  	v53 =	vmul.f32 v53, v2;
	[tilespmem:s7+$0x68D0] =	vst.add.f32.msk $0xffff, v55  }
0x70: {  	v50 =	vmul.f32 v50, v2;
	[tilespmem:s7+$0x68E0] =	vst.add.f32.msk $0xffff, v52  }
0x71: {  	v51 =	vmul.f32 v51, v2;
	[tilespmem:s7+$0x68F0] =	vst.add.f32.msk $0xffff, v53  }
0x72: {  	v48 =	vmul.f32 v48, v2;
	[tilespmem:s7+$0x6C80] =	vst.add.f32.msk $0xffff, v50  }
0x73: {  	v49 =	vmul.f32 v49, v2;
	[tilespmem:s7+$0x6C90] =	vst.add.f32.msk $0xffff, v51  }
0x74: {  	v46 =	vmul.f32 v46, v2;
	[tilespmem:s7+$0x6CA0] =	vst.add.f32.msk $0xffff, v48  }
0x75: {  	v47 =	vmul.f32 v47, v2;
	[tilespmem:s7+$0x6CB0] =	vst.add.f32.msk $0xffff, v49  }
0x76: {  	v44 =	vmul.f32 v44, v2;
	[tilespmem:s7+$0x6CC0] =	vst.add.f32.msk $0xffff, v46  }
0x77: {  	v45 =	vmul.f32 v45, v2;
	[tilespmem:s7+$0x6CD0] =	vst.add.f32.msk $0xffff, v47  }
0x78: {  	v42 =	vmul.f32 v42, v2;
	[tilespmem:s7+$0x6CE0] =	vst.add.f32.msk $0xffff, v44  }
0x79: {  	v43 =	vmul.f32 v43, v2;
	[tilespmem:s7+$0x6CF0] =	vst.add.f32.msk $0xffff, v45  }
0x7a: {  	v40 =	vmul.f32 v40, v2;
	[tilespmem:s7+$0x7080] =	vst.add.f32.msk $0xffff, v42  }
0x7b: {  	v41 =	vmul.f32 v41, v2;
	[tilespmem:s7+$0x7090] =	vst.add.f32.msk $0xffff, v43  }
0x7c: {  	v38 =	vmul.f32 v38, v2;
	[tilespmem:s7+$0x70A0] =	vst.add.f32.msk $0xffff, v40  }
0x7d: {  	v39 =	vmul.f32 v39, v2;
	[tilespmem:s7+$0x70B0] =	vst.add.f32.msk $0xffff, v41  }
0x7e: {  	v36 =	vmul.f32 v36, v2;
	[tilespmem:s7+$0x70C0] =	vst.add.f32.msk $0xffff, v38  }
0x7f: {  	v37 =	vmul.f32 v37, v2;
	[tilespmem:s7+$0x70D0] =	vst.add.f32.msk $0xffff, v39  }
0x80: {  	v34 =	vmul.f32 v34, v2;
	[tilespmem:s7+$0x70E0] =	vst.add.f32.msk $0xffff, v36  }
0x81: {  	v35 =	vmul.f32 v35, v2;
	[tilespmem:s7+$0x70F0] =	vst.add.f32.msk $0xffff, v37  }
0x82: {  	v32 =	vmul.f32 v32, v2;
	[tilespmem:s7+$0x7480] =	vst.add.f32.msk $0xffff, v34  }
0x83: {  	v33 =	vmul.f32 v33, v2;
	[tilespmem:s7+$0x7490] =	vst.add.f32.msk $0xffff, v35  }
0x84: {  	v30 =	vmul.f32 v30, v2;
	[tilespmem:s7+$0x74A0] =	vst.add.f32.msk $0xffff, v32  }
0x85: {  	v31 =	vmul.f32 v31, v2;
	[tilespmem:s7+$0x74B0] =	vst.add.f32.msk $0xffff, v33  }
0x86: {  	v28 =	vmul.f32 v28, v2;
	[tilespmem:s7+$0x74C0] =	vst.add.f32.msk $0xffff, v30  }
0x87: {  	v29 =	vmul.f32 v29, v2;
	[tilespmem:s7+$0x74D0] =	vst.add.f32.msk $0xffff, v31  }
0x88: {  	v26 =	vmul.f32 v26, v2;
	[tilespmem:s7+$0x74E0] =	vst.add.f32.msk $0xffff, v28  }
0x89: {  	v27 =	vmul.f32 v27, v2;
	[tilespmem:s7+$0x74F0] =	vst.add.f32.msk $0xffff, v29  }
0x8a: {  	v24 =	vmul.f32 v24, v2;
	[tilespmem:s7+$0x7880] =	vst.add.f32.msk $0xffff, v26  }
0x8b: {  	v25 =	vmul.f32 v25, v2;
	[tilespmem:s7+$0x7890] =	vst.add.f32.msk $0xffff, v27  }
0x8c: {  	v22 =	vmul.f32 v22, v2;
	[tilespmem:s7+$0x78A0] =	vst.add.f32.msk $0xffff, v24  }
0x8d: {  	v23 =	vmul.f32 v23, v2;
	[tilespmem:s7+$0x78B0] =	vst.add.f32.msk $0xffff, v25  }
0x8e: {  	v20 =	vmul.f32 v20, v2;
	[tilespmem:s7+$0x78C0] =	vst.add.f32.msk $0xffff, v22  }
0x8f: {  	v21 =	vmul.f32 v21, v2;
	[tilespmem:s7+$0x78D0] =	vst.add.f32.msk $0xffff, v23  }
0x90: {  	v18 =	vmul.f32 v18, v2;
	[tilespmem:s7+$0x78E0] =	vst.add.f32.msk $0xffff, v20  }
0x91: {  	v19 =	vmul.f32 v19, v2;
	[tilespmem:s7+$0x78F0] =	vst.add.f32.msk $0xffff, v21  }
0x92: {  	v16 =	vmul.f32 v16, v2;
	[tilespmem:s7+$0x7C80] =	vst.add.f32.msk $0xffff, v18  }
0x93: {  	v17 =	vmul.f32 v17, v2;
	[tilespmem:s7+$0x7C90] =	vst.add.f32.msk $0xffff, v19  }
0x94: {  	v14 =	vmul.f32 v14, v2;
	[tilespmem:s7+$0x7CA0] =	vst.add.f32.msk $0xffff, v16  }
0x95: {  	v15 =	vmul.f32 v15, v2;
	[tilespmem:s7+$0x7CB0] =	vst.add.f32.msk $0xffff, v17  }
0x96: {  	v12 =	vmul.f32 v12, v2;
	[tilespmem:s7+$0x7CC0] =	vst.add.f32.msk $0xffff, v14  }
0x97: {  	v13 =	vmul.f32 v13, v2;
	[tilespmem:s7+$0x7CD0] =	vst.add.f32.msk $0xffff, v15  }
0x98: {  	v10 =	vmul.f32 v10, v2;
	[tilespmem:s7+$0x7CE0] =	vst.add.f32.msk $0xffff, v12  }
0x99: {  	v11 =	vmul.f32 v11, v2;
	[tilespmem:s7+$0x7CF0] =	vst.add.f32.msk $0xffff, v13  }
0x9a: {  	v8 =	vmul.f32 v8, v2;
	[tilespmem:s7+$0x8080] =	vst.add.f32.msk $0xffff, v10  }
0x9b: {  	v9 =	vmul.f32 v9, v2;
	[tilespmem:s7+$0x8090] =	vst.add.f32.msk $0xffff, v11  }
0x9c: {  	v6 =	vmul.f32 v6, v2;
	[tilespmem:s7+$0x80A0] =	vst.add.f32.msk $0xffff, v8  }
0x9d: {  	v7 =	vmul.f32 v7, v2;
	[tilespmem:s7+$0x80B0] =	vst.add.f32.msk $0xffff, v9  }
0x9e: {  	v4 =	vmul.f32 v4, v2;
	[tilespmem:s7+$0x80C0] =	vst.add.f32.msk $0xffff, v6  }
0x9f: {  	v5 =	vmul.f32 v5, v2;
	[tilespmem:s7+$0x80D0] =	vst.add.f32.msk $0xffff, v7  }
0xa0: {  	v3 =	vmul.f32 v3, v2;
	[tilespmem:s7+$0x80E0] =	vst.add.f32.msk $0xffff, v4  }
0xa1: {  	[tilespmem:s7+$0x80F0] =	vst.add.f32.msk $0xffff, v5  }
0xa2: {  	[tilespmem:s7+$0x8480] =	vst.add.f32.msk $0xffff, v3  }
0xa3: {  	[tilespmem:$0x1FF60] =	vst v62;
	v62 =	vld [tilespmem:s7+$0x104F0];
	v0 =	vmul.f32 v0, v2  }
0xa4: {  	v1 =	vmul.f32 v1, v2;
	v58 =	vmul.f32 v60, v2;
	v60 =	vld [tilespmem:$0x1FF60]  }
0xa5: {  	[tilespmem:s7+$0x8490] =	vst.add.f32.msk $0xffff, v0  }
0xa6: {  	v59 =	vmul.f32 v61, v2;
	[tilespmem:s7+$0x84A0] =	vst.add.f32.msk $0xffff, v1  }
0xa7: {  	v61 =	vmul.f32 v63, v2;
	[tilespmem:s7+$0x84B0] =	vst.add.f32.msk $0xffff, v58  }
0xa8: {  	[tilespmem:s7+$0x84C0] =	vst.add.f32.msk $0xffff, v59;
	v63 =	vmul.f32 v62, v2  }
0xa9: {  	s0 =	sadd.s32 s6, s4;
	p0 =	sgt.u32 s31, $0x7C;
	[tilespmem:s7+$0x84E0] =	vst.add.f32.msk $0xffff, v61;
	v0 =	vmul.f32 v60, v2  }
0xaa: {  	s0 =	sshll.u32 s0, $0x7;
	p1 =	seq.s32 @!p0 s31, $0x0;
	[tilespmem:s7+$0x84F0] =	vst.add.f32.msk $0xffff, v63  }
0xab: {  	s0 =	sadd.s32 s3, s0;
	p1 =	por p1, p0;
	[tilespmem:s7+$0x84D0] =	vst.add.f32.msk $0xffff, v0  }
0xac: {  	[hbm4b:s0+s5] =	stream.linear.scatter [tilespmem:s28], [sflag:$0x8], $0x2000, $0x38;
	[tilespmem:$0x10880] =	vst v63  }
0xad: {  	s0 =	simm.s32 @!p1 $0x7  }
0xae: {  	s7 =	sadd.s32 @!p0 $0x18, s4;
	_ =	swait.ge @!p1 [sflag:s0], $0x2000  }
0xaf: {  	s7 =	sadd.s32 @!p0 s6, s7;
	[sflag:s0] =	ssyncset.done @!p1 $0x0  }
0xb0: {  	[sflag:s0] =	ssyncadd.s32 @!p1 $0xFFFFE000;
	s0 =	sshll.u32 @!p0 s7, $0x7  }
0xb1: {  	s8 =	simm.s32 @!p0 $0x4880;
	s7 =	simm.s32 @!p0 $0x0;
	s0 =	sadd.s32 @!p0 s1, s0  }
0xb2: {  	[tilespmem:s8], [sflag:$0x3] =	stream.linear.gather @!p0 [hbm4b:s0+s7], $0x2000, $0x38;
	[tilespmem:$0x10880] =	vst v63  }
0xb3: {  	v0 =	vld.msk @!p0 [tilespmem:s4+$0x18], $0xff;
	_ =	sdelay $0x4  }
0xb4: {  	v1 =	vshll.u32 @!p0 v0, $0x3  }
0xb5: {  	v2 =	vlaneseq.u32 @!p0;
	v0 =	vand.u32 @!p0 $0x7, v0;
	v1 =	vand.u32 @!p0 $0xFFFFFFC0, v1  }
0xb6: {  	v0 =	vor.u32 @!p0 v0, v1;
	v1 =	vand.u32 @!p0 $0x7, v2;
	v2 =	vshrl.u32 @!p0 v2, $0x3  }
0xb7: {  	v0 =	vperm.xlane @!p0 v0, v1;
	v1 =	vmul.u32 @!p0 $0x8, v2;
	_ =	sdelay $0x1  }
0xb8: {  	v0 =	vadd.s32 @!p0 v1, v0;
	_ =	sdelay $0x3  }
0xb9: {  	vm1 =	vmmov @!p0 $0xffff;
	s0 =	simm.s32 @!p0 $0xC880  }
0xba: {  	[tilespmem:s0], [sflag:$0x3] =	stream.indirect_vreg.gather @!p0 [hbm4b:s2+s7], $0x80, v0, vm1, $0xb8;
	[tilespmem:$0x10880] =	vst v63  }
0xbb: {  	s0 =	simm.s32 @!p0 $0xD080  }
0xbc: {  	[tilespmem:s0], [sflag:$0x3] =	stream.indirect_vreg.gather @!p0 [hbm4b:s10+s7], $0x80, v0, vm1, $0xb8;
	[tilespmem:$0x10880] =	vst v63  }
0xbd: {  	s0 =	simm.s32 @!p0 $0xD880  }
0xbe: {  	[tilespmem:s0], [sflag:$0x3] =	stream.indirect_vreg.gather @!p0 [hbm4b:s11+s7], $0x80, v0, vm1, $0xb8;
	[tilespmem:$0x10880] =	vst v63  }
0xbf: {  	s0 =	simm.s32 @!p0 $0xE080  }
0xc0: {  	[tilespmem:s0], [sflag:$0x3] =	stream.indirect_vreg.gather @!p0 [hbm4b:s12+s7], $0x80, v0, vm1, $0xb8;
	[tilespmem:$0x10880] =	vst v63  }
.LBB2_19:
0xc1: {  	s31 =	sadd.s32 $0x1, s31  }
0xc2: {  	p0 =	sne.s32 s31, $0x80  }
.Ltmp4:
0xc3: {  	_ = 	snop;
	(pc) =	sbr.rel @!p0 .LBB2_20-.Ltmp4, $2  }
0xc4: {  	_ =	sdelay $0x2  }
0xc5: {  	s13 =	sadd.s32 $0x8, s13  }
.LBB2_4:
0xc6: {  	s0 =	sand.u32 $0x3, s31  }
0xc7: {  	p0 =	sgt.s32 s0, $0x1  }
.Ltmp5:
0xc8: {  	_ = 	snop;
	(pc) =	sbr.rel @p0 .LBB2_15-.Ltmp5, $2  }
0xc9: {  	_ =	sdelay $0x2  }
0xca: {  	s4 =	sshll.u32 s31, $0x3  }
0xcb: {  	p0 =	seq.s32 s0, $0x0  }
.Ltmp6:
0xcc: {  	_ = 	snop;
	(pc) =	sbr.rel @!p0 .LBB2_9-.Ltmp6, $1  }
0xcd: {  	_ =	sdelay $0x3  }
0xce: {  	_ =	swait.ge [sflag:s17], $0x2000  }
0xcf: {  	[sflag:s17] =	ssyncset.done $0x0  }
0xd0: {  	[sflag:s17] =	ssyncadd.s32 $0xFFFFE000  }
0xd1: {  	_ =	swait.ge [sflag:s17], $0x2000  }
0xd2: {  	[sflag:s17] =	ssyncset.done $0x0  }
0xd3: {  	s7 =	simm.s32 $0x0;
	[sflag:s17] =	ssyncadd.s32 $0xFFFFE000  }
0xd4: {  	v58 =	vld [tilespmem:s7+$0x8880]  }
0xd5: {  	v59 =	vld [tilespmem:s7+$0x8890]  }
0xd6: {  	v56 =	vld [tilespmem:s7+$0x88A0]  }
0xd7: {  	v57 =	vld [tilespmem:s7+$0x88B0]  }
0xd8: {  	v54 =	vld [tilespmem:s7+$0x88C0]  }
0xd9: {  	v55 =	vld [tilespmem:s7+$0x88D0]  }
0xda: {  	v52 =	vld [tilespmem:s7+$0x88E0]  }
0xdb: {  	v53 =	vld [tilespmem:s7+$0x88F0]  }
0xdc: {  	v50 =	vld [tilespmem:s7+$0x8C80]  }
0xdd: {  	v51 =	vld [tilespmem:s7+$0x8C90]  }
0xde: {  	v48 =	vld [tilespmem:s7+$0x8CA0]  }
0xdf: {  	v49 =	vld [tilespmem:s7+$0x8CB0]  }
0xe0: {  	v46 =	vld [tilespmem:s7+$0x8CC0]  }
0xe1: {  	v47 =	vld [tilespmem:s7+$0x8CD0]  }
0xe2: {  	v44 =	vld [tilespmem:s7+$0x8CE0]  }
0xe3: {  	v45 =	vld [tilespmem:s7+$0x8CF0]  }
0xe4: {  	v42 =	vld [tilespmem:s7+$0x9080]  }
0xe5: {  	v43 =	vld [tilespmem:s7+$0x9090]  }
0xe6: {  	v40 =	vld [tilespmem:s7+$0x90A0]  }
0xe7: {  	v41 =	vld [tilespmem:s7+$0x90B0]  }
0xe8: {  	v38 =	vld [tilespmem:s7+$0x90C0]  }
0xe9: {  	v39 =	vld [tilespmem:s7+$0x90D0]  }
0xea: {  	v36 =	vld [tilespmem:s7+$0x90E0]  }
0xeb: {  	v37 =	vld [tilespmem:s7+$0x90F0]  }
0xec: {  	v34 =	vld [tilespmem:s7+$0x9480]  }
0xed: {  	v35 =	vld [tilespmem:s7+$0x9490]  }
0xee: {  	v32 =	vld [tilespmem:s7+$0x94A0]  }
0xef: {  	v33 =	vld [tilespmem:s7+$0x94B0]  }
0xf0: {  	v30 =	vld [tilespmem:s7+$0x94C0]  }
0xf1: {  	v31 =	vld [tilespmem:s7+$0x94D0]  }
0xf2: {  	v28 =	vld [tilespmem:s7+$0x94E0]  }
0xf3: {  	v29 =	vld [tilespmem:s7+$0x94F0]  }
0xf4: {  	v26 =	vld [tilespmem:s7+$0x9880]  }
0xf5: {  	v27 =	vld [tilespmem:s7+$0x9890]  }
0xf6: {  	v24 =	vld [tilespmem:s7+$0x98A0]  }
0xf7: {  	v25 =	vld [tilespmem:s7+$0x98B0]  }
0xf8: {  	v22 =	vld [tilespmem:s7+$0x98C0]  }
0xf9: {  	v23 =	vld [tilespmem:s7+$0x98D0]  }
0xfa: {  	v20 =	vld [tilespmem:s7+$0x98E0]  }
0xfb: {  	v21 =	vld [tilespmem:s7+$0x98F0]  }
0xfc: {  	v18 =	vld [tilespmem:s7+$0x9C80]  }
0xfd: {  	v19 =	vld [tilespmem:s7+$0x9C90]  }
0xfe: {  	v16 =	vld [tilespmem:s7+$0x9CA0]  }
0xff: {  	v17 =	vld [tilespmem:s7+$0x9CB0]  }
0x100: {  	v14 =	vld [tilespmem:s7+$0x9CC0]  }
0x101: {  	v15 =	vld [tilespmem:s7+$0x9CD0]  }
0x102: {  	v12 =	vld [tilespmem:s7+$0x9CE0]  }
0x103: {  	v13 =	vld [tilespmem:s7+$0x9CF0]  }
0x104: {  	v10 =	vld [tilespmem:s7+$0xA080]  }
0x105: {  	v11 =	vld [tilespmem:s7+$0xA090]  }
0x106: {  	v8 =	vld [tilespmem:s7+$0xA0A0]  }
0x107: {  	v9 =	vld [tilespmem:s7+$0xA0B0]  }
0x108: {  	v6 =	vld [tilespmem:s7+$0xA0C0]  }
0x109: {  	v7 =	vld [tilespmem:s7+$0xA0D0]  }
0x10a: {  	v4 =	vld [tilespmem:s7+$0xA0E0]  }
0x10b: {  	v5 =	vld [tilespmem:s7+$0xA0F0]  }
0x10c: {  	v3 =	vld [tilespmem:s7+$0xA480]  }
0x10d: {  	s8 =	simm.s32 $0x200;
	s0 =	smov.u32 s13;
	v2 =	vld.msk [tilespmem:s13+$0x0 ss:$0x0], $0xffff  }
.LBB2_7:
0x10e: {  	v60 =	vld [tilespmem:s7+$0xA490]  }
0x10f: {  	v0 =	vld [tilespmem:s7+$0xA4A0]  }
0x110: {  	v62 =	vld [tilespmem:s7+$0xA4B0]  }
0x111: {  	v63 =	vld [tilespmem:s7+$0xA4C0]  }
0x112: {  	v61 =	vld [tilespmem:s7+$0xA4D0]  }
0x113: {  	v1 =	vld [tilespmem:s7+$0xA4E0];
	v58 =	vmul.f32 v2, v58  }
0x114: {  	v59 =	vmul.f32 v59, v2;
	[tilespmem:$0x1FFD0] =	vst v0;
	v0 =	vld [tilespmem:s7+$0xA4F0]  }
0x115: {  	v56 =	vmul.f32 v56, v2;
	[tilespmem:s7+$0x880] =	vst.add.f32.msk $0xffff, v58  }
0x116: {  	v57 =	vmul.f32 v57, v2;
	[tilespmem:s7+$0x890] =	vst.add.f32.msk $0xffff, v59  }
0x117: {  	v54 =	vmul.f32 v54, v2;
	[tilespmem:s7+$0x8A0] =	vst.add.f32.msk $0xffff, v56  }
0x118: {  	v55 =	vmul.f32 v55, v2;
	[tilespmem:s7+$0x8B0] =	vst.add.f32.msk $0xffff, v57  }
0x119: {  	v52 =	vmul.f32 v52, v2;
	[tilespmem:s7+$0x8C0] =	vst.add.f32.msk $0xffff, v54  }
0x11a: {  	v53 =	vmul.f32 v53, v2;
	[tilespmem:s7+$0x8D0] =	vst.add.f32.msk $0xffff, v55  }
0x11b: {  	v50 =	vmul.f32 v50, v2;
	[tilespmem:s7+$0x8E0] =	vst.add.f32.msk $0xffff, v52  }
0x11c: {  	v51 =	vmul.f32 v51, v2;
	[tilespmem:s7+$0x8F0] =	vst.add.f32.msk $0xffff, v53  }
0x11d: {  	v48 =	vmul.f32 v48, v2;
	[tilespmem:s7+$0xC80] =	vst.add.f32.msk $0xffff, v50  }
0x11e: {  	v49 =	vmul.f32 v49, v2;
	[tilespmem:s7+$0xC90] =	vst.add.f32.msk $0xffff, v51  }
0x11f: {  	v46 =	vmul.f32 v46, v2;
	[tilespmem:s7+$0xCA0] =	vst.add.f32.msk $0xffff, v48  }
0x120: {  	v47 =	vmul.f32 v47, v2;
	[tilespmem:s7+$0xCB0] =	vst.add.f32.msk $0xffff, v49  }
0x121: {  	v44 =	vmul.f32 v44, v2;
	[tilespmem:s7+$0xCC0] =	vst.add.f32.msk $0xffff, v46  }
0x122: {  	v45 =	vmul.f32 v45, v2;
	[tilespmem:s7+$0xCD0] =	vst.add.f32.msk $0xffff, v47  }
0x123: {  	v42 =	vmul.f32 v42, v2;
	[tilespmem:s7+$0xCE0] =	vst.add.f32.msk $0xffff, v44  }
0x124: {  	v43 =	vmul.f32 v43, v2;
	[tilespmem:s7+$0xCF0] =	vst.add.f32.msk $0xffff, v45  }
0x125: {  	v40 =	vmul.f32 v40, v2;
	[tilespmem:s7+$0x1080] =	vst.add.f32.msk $0xffff, v42  }
0x126: {  	v41 =	vmul.f32 v41, v2;
	[tilespmem:s7+$0x1090] =	vst.add.f32.msk $0xffff, v43  }
0x127: {  	v38 =	vmul.f32 v38, v2;
	[tilespmem:s7+$0x10A0] =	vst.add.f32.msk $0xffff, v40  }
0x128: {  	v39 =	vmul.f32 v39, v2;
	[tilespmem:s7+$0x10B0] =	vst.add.f32.msk $0xffff, v41  }
0x129: {  	v36 =	vmul.f32 v36, v2;
	[tilespmem:s7+$0x10C0] =	vst.add.f32.msk $0xffff, v38  }
0x12a: {  	v37 =	vmul.f32 v37, v2;
	[tilespmem:s7+$0x10D0] =	vst.add.f32.msk $0xffff, v39  }
0x12b: {  	v34 =	vmul.f32 v34, v2;
	[tilespmem:s7+$0x10E0] =	vst.add.f32.msk $0xffff, v36  }
0x12c: {  	v35 =	vmul.f32 v35, v2;
	[tilespmem:s7+$0x10F0] =	vst.add.f32.msk $0xffff, v37  }
0x12d: {  	v32 =	vmul.f32 v32, v2;
	[tilespmem:s7+$0x1480] =	vst.add.f32.msk $0xffff, v34  }
0x12e: {  	v33 =	vmul.f32 v33, v2;
	[tilespmem:s7+$0x1490] =	vst.add.f32.msk $0xffff, v35  }
0x12f: {  	[tilespmem:s7+$0x14A0] =	vst.add.f32.msk $0xffff, v32  }
0x130: {  	v30 =	vmul.f32 v30, v2;
	[tilespmem:s7+$0x14B0] =	vst.add.f32.msk $0xffff, v33  }
0x131: {  	v31 =	vmul.f32 v31, v2;
	v59 =	vmul.f32 v60, v2;
	v60 =	vld [tilespmem:$0x1FFD0]  }
0x132: {  	v28 =	vmul.f32 v28, v2;
	[tilespmem:s7+$0x14C0] =	vst.add.f32.msk $0xffff, v30  }
0x133: {  	v29 =	vmul.f32 v29, v2;
	[tilespmem:s7+$0x14D0] =	vst.add.f32.msk $0xffff, v31  }
0x134: {  	v26 =	vmul.f32 v26, v2;
	[tilespmem:s7+$0x14E0] =	vst.add.f32.msk $0xffff, v28  }
0x135: {  	v27 =	vmul.f32 v27, v2;
	[tilespmem:s7+$0x14F0] =	vst.add.f32.msk $0xffff, v29  }
0x136: {  	v24 =	vmul.f32 v24, v2;
	[tilespmem:s7+$0x1880] =	vst.add.f32.msk $0xffff, v26  }
0x137: {  	v25 =	vmul.f32 v25, v2;
	[tilespmem:s7+$0x1890] =	vst.add.f32.msk $0xffff, v27  }
0x138: {  	v22 =	vmul.f32 v22, v2;
	[tilespmem:s7+$0x18A0] =	vst.add.f32.msk $0xffff, v24  }
0x139: {  	v23 =	vmul.f32 v23, v2;
	[tilespmem:s7+$0x18B0] =	vst.add.f32.msk $0xffff, v25  }
0x13a: {  	v20 =	vmul.f32 v20, v2;
	[tilespmem:s7+$0x18C0] =	vst.add.f32.msk $0xffff, v22  }
0x13b: {  	v21 =	vmul.f32 v21, v2;
	[tilespmem:s7+$0x18D0] =	vst.add.f32.msk $0xffff, v23  }
0x13c: {  	v18 =	vmul.f32 v18, v2;
	[tilespmem:s7+$0x18E0] =	vst.add.f32.msk $0xffff, v20  }
0x13d: {  	v19 =	vmul.f32 v19, v2;
	[tilespmem:s7+$0x18F0] =	vst.add.f32.msk $0xffff, v21  }
0x13e: {  	v16 =	vmul.f32 v16, v2;
	[tilespmem:s7+$0x1C80] =	vst.add.f32.msk $0xffff, v18  }
0x13f: {  	v17 =	vmul.f32 v17, v2;
	[tilespmem:s7+$0x1C90] =	vst.add.f32.msk $0xffff, v19  }
0x140: {  	v14 =	vmul.f32 v14, v2;
	[tilespmem:s7+$0x1CA0] =	vst.add.f32.msk $0xffff, v16  }
0x141: {  	v15 =	vmul.f32 v15, v2;
	[tilespmem:s7+$0x1CB0] =	vst.add.f32.msk $0xffff, v17  }
0x142: {  	v12 =	vmul.f32 v12, v2;
	[tilespmem:s7+$0x1CC0] =	vst.add.f32.msk $0xffff, v14  }
0x143: {  	v13 =	vmul.f32 v13, v2;
	[tilespmem:s7+$0x1CD0] =	vst.add.f32.msk $0xffff, v15  }
0x144: {  	v10 =	vmul.f32 v10, v2;
	[tilespmem:s7+$0x1CE0] =	vst.add.f32.msk $0xffff, v12  }
0x145: {  	v11 =	vmul.f32 v11, v2;
	[tilespmem:s7+$0x1CF0] =	vst.add.f32.msk $0xffff, v13  }
0x146: {  	v8 =	vmul.f32 v8, v2;
	[tilespmem:s7+$0x2080] =	vst.add.f32.msk $0xffff, v10  }
0x147: {  	v9 =	vmul.f32 v9, v2;
	[tilespmem:s7+$0x2090] =	vst.add.f32.msk $0xffff, v11  }
0x148: {  	v6 =	vmul.f32 v6, v2;
	[tilespmem:s7+$0x20A0] =	vst.add.f32.msk $0xffff, v8  }
0x149: {  	v7 =	vmul.f32 v7, v2;
	[tilespmem:s7+$0x20B0] =	vst.add.f32.msk $0xffff, v9  }
0x14a: {  	v4 =	vmul.f32 v4, v2;
	[tilespmem:s7+$0x20C0] =	vst.add.f32.msk $0xffff, v6  }
0x14b: {  	v5 =	vmul.f32 v5, v2;
	[tilespmem:s7+$0x20D0] =	vst.add.f32.msk $0xffff, v7  }
0x14c: {  	v3 =	vmul.f32 v3, v2;
	[tilespmem:s7+$0x20E0] =	vst.add.f32.msk $0xffff, v4  }
0x14d: {  	v62 =	vmul.f32 v62, v2;
	[tilespmem:s7+$0x20F0] =	vst.add.f32.msk $0xffff, v5  }
0x14e: {  	v1 =	vmul.f32 v1, v2;
	[tilespmem:s7+$0x2480] =	vst.add.f32.msk $0xffff, v3  }
0x14f: {  	[tilespmem:s7+$0x24B0] =	vst.add.f32.msk $0xffff, v62  }
0x150: {  	v30 =	vmul.f32 v63, v2;
	[tilespmem:s7+$0x24E0] =	vst.add.f32.msk $0xffff, v1  }
0x151: {  	v63 =	vmul.f32 v61, v2;
	[tilespmem:s7+$0x2490] =	vst.add.f32.msk $0xffff, v59  }
0x152: {  	[tilespmem:s7+$0x24C0] =	vst.add.f32.msk $0xffff, v30;
	v0 =	vmul.f32 v0, v2  }
0x153: {  	[tilespmem:s7+$0x24D0] =	vst.add.f32.msk $0xffff, v63;
	v33 =	vmul.f32 v60, v2  }
0x154: {  	[tilespmem:s7+$0x24F0] =	vst.add.f32.msk $0xffff, v0  }
0x155: {  	[tilespmem:s7+$0x24A0] =	vst.add.f32.msk $0xffff, v33;
	s7 =	sshra.s32 s8, $0x2  }
0x156: {  	v58 =	vld [tilespmem:s7+$0x8880]  }
0x157: {  	v59 =	vld [tilespmem:s7+$0x8890]  }
0x158: {  	v56 =	vld [tilespmem:s7+$0x88A0]  }
0x159: {  	v57 =	vld [tilespmem:s7+$0x88B0]  }
0x15a: {  	v54 =	vld [tilespmem:s7+$0x88C0]  }
0x15b: {  	v55 =	vld [tilespmem:s7+$0x88D0]  }
0x15c: {  	v52 =	vld [tilespmem:s7+$0x88E0]  }
0x15d: {  	v53 =	vld [tilespmem:s7+$0x88F0]  }
0x15e: {  	v50 =	vld [tilespmem:s7+$0x8C80]  }
0x15f: {  	v51 =	vld [tilespmem:s7+$0x8C90]  }
0x160: {  	v48 =	vld [tilespmem:s7+$0x8CA0]  }
0x161: {  	v49 =	vld [tilespmem:s7+$0x8CB0]  }
0x162: {  	v46 =	vld [tilespmem:s7+$0x8CC0]  }
0x163: {  	v47 =	vld [tilespmem:s7+$0x8CD0]  }
0x164: {  	v44 =	vld [tilespmem:s7+$0x8CE0]  }
0x165: {  	v45 =	vld [tilespmem:s7+$0x8CF0]  }
0x166: {  	v42 =	vld [tilespmem:s7+$0x9080]  }
0x167: {  	v43 =	vld [tilespmem:s7+$0x9090]  }
0x168: {  	v40 =	vld [tilespmem:s7+$0x90A0]  }
0x169: {  	v41 =	vld [tilespmem:s7+$0x90B0]  }
0x16a: {  	v38 =	vld [tilespmem:s7+$0x90C0]  }
0x16b: {  	v39 =	vld [tilespmem:s7+$0x90D0]  }
0x16c: {  	v36 =	vld [tilespmem:s7+$0x90E0]  }
0x16d: {  	v37 =	vld [tilespmem:s7+$0x90F0]  }
0x16e: {  	v34 =	vld [tilespmem:s7+$0x9480]  }
0x16f: {  	v35 =	vld [tilespmem:s7+$0x9490]  }
0x170: {  	v32 =	vld [tilespmem:s7+$0x94A0]  }
0x171: {  	v33 =	vld [tilespmem:s7+$0x94B0]  }
0x172: {  	v30 =	vld [tilespmem:s7+$0x94C0]  }
0x173: {  	v31 =	vld [tilespmem:s7+$0x94D0]  }
0x174: {  	v28 =	vld [tilespmem:s7+$0x94E0]  }
0x175: {  	v29 =	vld [tilespmem:s7+$0x94F0]  }
0x176: {  	v26 =	vld [tilespmem:s7+$0x9880]  }
0x177: {  	v27 =	vld [tilespmem:s7+$0x9890]  }
0x178: {  	v24 =	vld [tilespmem:s7+$0x98A0]  }
0x179: {  	v25 =	vld [tilespmem:s7+$0x98B0]  }
0x17a: {  	v22 =	vld [tilespmem:s7+$0x98C0]  }
0x17b: {  	v23 =	vld [tilespmem:s7+$0x98D0]  }
0x17c: {  	v20 =	vld [tilespmem:s7+$0x98E0]  }
0x17d: {  	v21 =	vld [tilespmem:s7+$0x98F0]  }
0x17e: {  	v18 =	vld [tilespmem:s7+$0x9C80]  }
0x17f: {  	v19 =	vld [tilespmem:s7+$0x9C90]  }
0x180: {  	v16 =	vld [tilespmem:s7+$0x9CA0]  }
0x181: {  	v17 =	vld [tilespmem:s7+$0x9CB0]  }
0x182: {  	v14 =	vld [tilespmem:s7+$0x9CC0]  }
0x183: {  	v15 =	vld [tilespmem:s7+$0x9CD0]  }
0x184: {  	v12 =	vld [tilespmem:s7+$0x9CE0]  }
0x185: {  	v13 =	vld [tilespmem:s7+$0x9CF0]  }
0x186: {  	v10 =	vld [tilespmem:s7+$0xA080]  }
0x187: {  	v11 =	vld [tilespmem:s7+$0xA090]  }
0x188: {  	v8 =	vld [tilespmem:s7+$0xA0A0]  }
0x189: {  	v9 =	vld [tilespmem:s7+$0xA0B0]  }
0x18a: {  	p0 =	sne.s32 s8, $0xE00;
	v6 =	vld [tilespmem:s7+$0xA0C0]  }
.Ltmp7:
0x18b: {  	v7 =	vld [tilespmem:s7+$0xA0D0];
	(pc) =	sbr.rel @p0 .LBB2_7-.Ltmp7, $4  }
0x18c: {  	v4 =	vld [tilespmem:s7+$0xA0E0]  }
0x18d: {  	v5 =	vld [tilespmem:s7+$0xA0F0]  }
0x18e: {  	s0 =	sadd.s32 $0x1, s0;
	v3 =	vld [tilespmem:s7+$0xA480]  }
0x18f: {  	s8 =	sadd.s32 $0x200, s8;
	v2 =	vld.msk [tilespmem:s0+$0x0 ss:$0x0], $0xffff  }
0x190: {  	v0 =	vld [tilespmem:s7+$0xA490]  }
0x191: {  	v62 =	vld [tilespmem:s7+$0xA4D0]  }
0x192: {  	v1 =	vld [tilespmem:s7+$0xA4A0]  }
0x193: {  	v60 =	vld [tilespmem:s7+$0xA4B0]  }
0x194: {  	v61 =	vld [tilespmem:s7+$0xA4C0]  }
0x195: {  	v63 =	vld [tilespmem:s7+$0xA4E0];
	v58 =	vmul.f32 v2, v58  }
0x196: {  	v59 =	vmul.f32 v59, v2;
	[tilespmem:$0x1FFC0] =	vst v62;
	v62 =	vld [tilespmem:s7+$0xA4F0]  }
0x197: {  	v56 =	vmul.f32 v56, v2;
	[tilespmem:s7+$0x880] =	vst.add.f32.msk $0xffff, v58  }
0x198: {  	v57 =	vmul.f32 v57, v2;
	[tilespmem:s7+$0x890] =	vst.add.f32.msk $0xffff, v59  }
0x199: {  	v54 =	vmul.f32 v54, v2;
	[tilespmem:s7+$0x8A0] =	vst.add.f32.msk $0xffff, v56  }
0x19a: {  	v55 =	vmul.f32 v55, v2;
	[tilespmem:s7+$0x8B0] =	vst.add.f32.msk $0xffff, v57  }
0x19b: {  	v52 =	vmul.f32 v52, v2;
	[tilespmem:s7+$0x8C0] =	vst.add.f32.msk $0xffff, v54  }
0x19c: {  	v53 =	vmul.f32 v53, v2;
	[tilespmem:s7+$0x8D0] =	vst.add.f32.msk $0xffff, v55  }
0x19d: {  	v50 =	vmul.f32 v50, v2;
	[tilespmem:s7+$0x8E0] =	vst.add.f32.msk $0xffff, v52  }
0x19e: {  	v51 =	vmul.f32 v51, v2;
	[tilespmem:s7+$0x8F0] =	vst.add.f32.msk $0xffff, v53  }
0x19f: {  	v48 =	vmul.f32 v48, v2;
	[tilespmem:s7+$0xC80] =	vst.add.f32.msk $0xffff, v50  }
0x1a0: {  	v49 =	vmul.f32 v49, v2;
	[tilespmem:s7+$0xC90] =	vst.add.f32.msk $0xffff, v51  }
0x1a1: {  	v46 =	vmul.f32 v46, v2;
	[tilespmem:s7+$0xCA0] =	vst.add.f32.msk $0xffff, v48  }
0x1a2: {  	v47 =	vmul.f32 v47, v2;
	[tilespmem:s7+$0xCB0] =	vst.add.f32.msk $0xffff, v49  }
0x1a3: {  	v44 =	vmul.f32 v44, v2;
	[tilespmem:s7+$0xCC0] =	vst.add.f32.msk $0xffff, v46  }
0x1a4: {  	v45 =	vmul.f32 v45, v2;
	[tilespmem:s7+$0xCD0] =	vst.add.f32.msk $0xffff, v47  }
0x1a5: {  	v42 =	vmul.f32 v42, v2;
	[tilespmem:s7+$0xCE0] =	vst.add.f32.msk $0xffff, v44  }
0x1a6: {  	v43 =	vmul.f32 v43, v2;
	[tilespmem:s7+$0xCF0] =	vst.add.f32.msk $0xffff, v45  }
0x1a7: {  	v40 =	vmul.f32 v40, v2;
	[tilespmem:s7+$0x1080] =	vst.add.f32.msk $0xffff, v42  }
0x1a8: {  	v41 =	vmul.f32 v41, v2;
	[tilespmem:s7+$0x1090] =	vst.add.f32.msk $0xffff, v43  }
0x1a9: {  	v38 =	vmul.f32 v38, v2;
	[tilespmem:s7+$0x10A0] =	vst.add.f32.msk $0xffff, v40  }
0x1aa: {  	v39 =	vmul.f32 v39, v2;
	[tilespmem:s7+$0x10B0] =	vst.add.f32.msk $0xffff, v41  }
0x1ab: {  	v36 =	vmul.f32 v36, v2;
	[tilespmem:s7+$0x10C0] =	vst.add.f32.msk $0xffff, v38  }
0x1ac: {  	v37 =	vmul.f32 v37, v2;
	[tilespmem:s7+$0x10D0] =	vst.add.f32.msk $0xffff, v39  }
0x1ad: {  	v34 =	vmul.f32 v34, v2;
	[tilespmem:s7+$0x10E0] =	vst.add.f32.msk $0xffff, v36  }
0x1ae: {  	v35 =	vmul.f32 v35, v2;
	[tilespmem:s7+$0x10F0] =	vst.add.f32.msk $0xffff, v37  }
0x1af: {  	v32 =	vmul.f32 v32, v2;
	[tilespmem:s7+$0x1480] =	vst.add.f32.msk $0xffff, v34  }
0x1b0: {  	v33 =	vmul.f32 v33, v2;
	[tilespmem:s7+$0x1490] =	vst.add.f32.msk $0xffff, v35  }
0x1b1: {  	v30 =	vmul.f32 v30, v2;
	[tilespmem:s7+$0x14A0] =	vst.add.f32.msk $0xffff, v32  }
0x1b2: {  	v31 =	vmul.f32 v31, v2;
	[tilespmem:s7+$0x14B0] =	vst.add.f32.msk $0xffff, v33  }
0x1b3: {  	v28 =	vmul.f32 v28, v2;
	[tilespmem:s7+$0x14C0] =	vst.add.f32.msk $0xffff, v30  }
0x1b4: {  	v29 =	vmul.f32 v29, v2;
	[tilespmem:s7+$0x14D0] =	vst.add.f32.msk $0xffff, v31  }
0x1b5: {  	v26 =	vmul.f32 v26, v2;
	[tilespmem:s7+$0x14E0] =	vst.add.f32.msk $0xffff, v28  }
0x1b6: {  	v27 =	vmul.f32 v27, v2;
	[tilespmem:s7+$0x14F0] =	vst.add.f32.msk $0xffff, v29  }
0x1b7: {  	v24 =	vmul.f32 v24, v2;
	[tilespmem:s7+$0x1880] =	vst.add.f32.msk $0xffff, v26  }
0x1b8: {  	v25 =	vmul.f32 v25, v2;
	[tilespmem:s7+$0x1890] =	vst.add.f32.msk $0xffff, v27  }
0x1b9: {  	v22 =	vmul.f32 v22, v2;
	[tilespmem:s7+$0x18A0] =	vst.add.f32.msk $0xffff, v24  }
0x1ba: {  	v23 =	vmul.f32 v23, v2;
	[tilespmem:s7+$0x18B0] =	vst.add.f32.msk $0xffff, v25  }
0x1bb: {  	v20 =	vmul.f32 v20, v2;
	[tilespmem:s7+$0x18C0] =	vst.add.f32.msk $0xffff, v22  }
0x1bc: {  	v21 =	vmul.f32 v21, v2;
	[tilespmem:s7+$0x18D0] =	vst.add.f32.msk $0xffff, v23  }
0x1bd: {  	v18 =	vmul.f32 v18, v2;
	[tilespmem:s7+$0x18E0] =	vst.add.f32.msk $0xffff, v20  }
0x1be: {  	v19 =	vmul.f32 v19, v2;
	[tilespmem:s7+$0x18F0] =	vst.add.f32.msk $0xffff, v21  }
0x1bf: {  	v16 =	vmul.f32 v16, v2;
	[tilespmem:s7+$0x1C80] =	vst.add.f32.msk $0xffff, v18  }
0x1c0: {  	v17 =	vmul.f32 v17, v2;
	[tilespmem:s7+$0x1C90] =	vst.add.f32.msk $0xffff, v19  }
0x1c1: {  	v14 =	vmul.f32 v14, v2;
	[tilespmem:s7+$0x1CA0] =	vst.add.f32.msk $0xffff, v16  }
0x1c2: {  	v15 =	vmul.f32 v15, v2;
	[tilespmem:s7+$0x1CB0] =	vst.add.f32.msk $0xffff, v17  }
0x1c3: {  	v12 =	vmul.f32 v12, v2;
	[tilespmem:s7+$0x1CC0] =	vst.add.f32.msk $0xffff, v14  }
0x1c4: {  	v13 =	vmul.f32 v13, v2;
	[tilespmem:s7+$0x1CD0] =	vst.add.f32.msk $0xffff, v15  }
0x1c5: {  	v10 =	vmul.f32 v10, v2;
	[tilespmem:s7+$0x1CE0] =	vst.add.f32.msk $0xffff, v12  }
0x1c6: {  	v11 =	vmul.f32 v11, v2;
	[tilespmem:s7+$0x1CF0] =	vst.add.f32.msk $0xffff, v13  }
0x1c7: {  	v8 =	vmul.f32 v8, v2;
	[tilespmem:s7+$0x2080] =	vst.add.f32.msk $0xffff, v10  }
0x1c8: {  	v9 =	vmul.f32 v9, v2;
	[tilespmem:s7+$0x2090] =	vst.add.f32.msk $0xffff, v11  }
0x1c9: {  	v6 =	vmul.f32 v6, v2;
	[tilespmem:s7+$0x20A0] =	vst.add.f32.msk $0xffff, v8  }
0x1ca: {  	v7 =	vmul.f32 v7, v2;
	[tilespmem:s7+$0x20B0] =	vst.add.f32.msk $0xffff, v9  }
0x1cb: {  	v4 =	vmul.f32 v4, v2;
	[tilespmem:s7+$0x20C0] =	vst.add.f32.msk $0xffff, v6  }
0x1cc: {  	v5 =	vmul.f32 v5, v2;
	[tilespmem:s7+$0x20D0] =	vst.add.f32.msk $0xffff, v7  }
0x1cd: {  	v3 =	vmul.f32 v3, v2;
	[tilespmem:s7+$0x20E0] =	vst.add.f32.msk $0xffff, v4  }
0x1ce: {  	[tilespmem:s7+$0x20F0] =	vst.add.f32.msk $0xffff, v5  }
0x1cf: {  	v0 =	vmul.f32 v0, v2;
	[tilespmem:s7+$0x2480] =	vst.add.f32.msk $0xffff, v3  }
0x1d0: {  	v1 =	vmul.f32 v1, v2;
	v58 =	vmul.f32 v60, v2;
	v60 =	vld [tilespmem:$0x1FFC0]  }
0x1d1: {  	[tilespmem:s7+$0x2490] =	vst.add.f32.msk $0xffff, v0  }
0x1d2: {  	v59 =	vmul.f32 v61, v2;
	[tilespmem:s7+$0x24A0] =	vst.add.f32.msk $0xffff, v1  }
0x1d3: {  	v61 =	vmul.f32 v63, v2;
	[tilespmem:s7+$0x24B0] =	vst.add.f32.msk $0xffff, v58  }
0x1d4: {  	[tilespmem:s7+$0x24C0] =	vst.add.f32.msk $0xffff, v59;
	v63 =	vmul.f32 v62, v2  }
0x1d5: {  	s0 =	sadd.s32 s6, s4;
	p0 =	sgt.u32 s31, $0x7C;
	[tilespmem:s7+$0x24E0] =	vst.add.f32.msk $0xffff, v61;
	v0 =	vmul.f32 v60, v2  }
0x1d6: {  	s0 =	sshll.u32 s0, $0x7;
	p1 =	seq.s32 @!p0 s31, $0x0;
	[tilespmem:s7+$0x24F0] =	vst.add.f32.msk $0xffff, v63  }
0x1d7: {  	s0 =	sadd.s32 s3, s0;
	p1 =	por p1, p0;
	[tilespmem:s7+$0x24D0] =	vst.add.f32.msk $0xffff, v0  }
0x1d8: {  	[hbm4b:s0+s5] =	stream.linear.scatter [tilespmem:s18], [sflag:$0x5], $0x2000, $0x38;
	[tilespmem:$0x10880] =	vst v63  }
0x1d9: {  	s0 =	simm.s32 @!p1 $0x8  }
0x1da: {  	s7 =	sadd.s32 @!p0 $0x18, s4;
	_ =	swait.ge @!p1 [sflag:s0], $0x2000  }
0x1db: {  	s7 =	sadd.s32 @!p0 s6, s7;
	[sflag:s0] =	ssyncset.done @!p1 $0x0  }
0x1dc: {  	[sflag:s0] =	ssyncadd.s32 @!p1 $0xFFFFE000;
	s0 =	sshll.u32 @!p0 s7, $0x7  }
0x1dd: {  	s8 =	simm.s32 @!p0 $0x6880;
	s7 =	simm.s32 @!p0 $0x0;
	s0 =	sadd.s32 @!p0 s1, s0  }
0x1de: {  	[tilespmem:s8], [sflag:$0x4] =	stream.linear.gather @!p0 [hbm4b:s0+s7], $0x2000, $0x38;
	[tilespmem:$0x10880] =	vst v63  }
0x1df: {  	v0 =	vld.msk @!p0 [tilespmem:s4+$0x18], $0xff;
	_ =	sdelay $0x4  }
0x1e0: {  	v1 =	vshll.u32 @!p0 v0, $0x3  }
0x1e1: {  	v2 =	vlaneseq.u32 @!p0;
	v0 =	vand.u32 @!p0 $0x7, v0;
	v1 =	vand.u32 @!p0 $0xFFFFFFC0, v1  }
0x1e2: {  	v0 =	vor.u32 @!p0 v0, v1;
	v1 =	vand.u32 @!p0 $0x7, v2;
	v2 =	vshrl.u32 @!p0 v2, $0x3  }
0x1e3: {  	v0 =	vperm.xlane @!p0 v0, v1;
	v1 =	vmul.u32 @!p0 $0x8, v2;
	_ =	sdelay $0x1  }
0x1e4: {  	v0 =	vadd.s32 @!p0 v1, v0;
	_ =	sdelay $0x3  }
0x1e5: {  	vm1 =	vmmov @!p0 $0xffff;
	s0 =	simm.s32 @!p0 $0xE880  }
0x1e6: {  	[tilespmem:s0], [sflag:$0x4] =	stream.indirect_vreg.gather @!p0 [hbm4b:s2+s7], $0x80, v0, vm1, $0xb8;
	[tilespmem:$0x10880] =	vst v63  }
0x1e7: {  	s0 =	simm.s32 @!p0 $0xF080  }
0x1e8: {  	[tilespmem:s0], [sflag:$0x4] =	stream.indirect_vreg.gather @!p0 [hbm4b:s10+s7], $0x80, v0, vm1, $0xb8;
	[tilespmem:$0x10880] =	vst v63  }
.Ltmp8:
0x1e9: {  	_ = 	snop;
	(pc) =	sbr.rel .LBB2_19-.Ltmp8, $4  }
0x1ea: {  	s0 =	simm.s32 @!p0 $0xF880  }
0x1eb: {  	[tilespmem:s0], [sflag:$0x4] =	stream.indirect_vreg.gather @!p0 [hbm4b:s11+s7], $0x80, v0, vm1, $0xb8;
	[tilespmem:$0x10880] =	vst v63  }
0x1ec: {  	s0 =	simm.s32 @!p0 $0x10080  }
0x1ed: {  	[tilespmem:s0], [sflag:$0x4] =	stream.indirect_vreg.gather @!p0 [hbm4b:s12+s7], $0x80, v0, vm1, $0xb8;
	[tilespmem:$0x10880] =	vst v63  }
.LBB2_15:
0x1ee: {  	p0 =	seq.s32 s0, $0x2  }
.Ltmp9:
0x1ef: {  	_ = 	snop;
	(pc) =	sbr.rel @!p0 .LBB2_16-.Ltmp9, $1  }
0x1f0: {  	_ =	sdelay $0x3  }
0x1f1: {  	_ =	swait.ge [sflag:s25], $0x2000  }
0x1f2: {  	[sflag:s25] =	ssyncset.done $0x0  }
0x1f3: {  	[sflag:s25] =	ssyncadd.s32 $0xFFFFE000  }
0x1f4: {  	_ =	swait.ge [sflag:s25], $0x2000  }
0x1f5: {  	[sflag:s25] =	ssyncset.done $0x0  }
0x1f6: {  	s7 =	simm.s32 $0x0;
	[sflag:s25] =	ssyncadd.s32 $0xFFFFE000  }
0x1f7: {  	v58 =	vld [tilespmem:s7+$0xC880]  }
0x1f8: {  	v59 =	vld [tilespmem:s7+$0xC890]  }
0x1f9: {  	v56 =	vld [tilespmem:s7+$0xC8A0]  }
0x1fa: {  	v57 =	vld [tilespmem:s7+$0xC8B0]  }
0x1fb: {  	v54 =	vld [tilespmem:s7+$0xC8C0]  }
0x1fc: {  	v55 =	vld [tilespmem:s7+$0xC8D0]  }
0x1fd: {  	v52 =	vld [tilespmem:s7+$0xC8E0]  }
0x1fe: {  	v53 =	vld [tilespmem:s7+$0xC8F0]  }
0x1ff: {  	v50 =	vld [tilespmem:s7+$0xCC80]  }
0x200: {  	v51 =	vld [tilespmem:s7+$0xCC90]  }
0x201: {  	v48 =	vld [tilespmem:s7+$0xCCA0]  }
0x202: {  	v49 =	vld [tilespmem:s7+$0xCCB0]  }
0x203: {  	v46 =	vld [tilespmem:s7+$0xCCC0]  }
0x204: {  	v47 =	vld [tilespmem:s7+$0xCCD0]  }
0x205: {  	v44 =	vld [tilespmem:s7+$0xCCE0]  }
0x206: {  	v45 =	vld [tilespmem:s7+$0xCCF0]  }
0x207: {  	v42 =	vld [tilespmem:s7+$0xD080]  }
0x208: {  	v43 =	vld [tilespmem:s7+$0xD090]  }
0x209: {  	v40 =	vld [tilespmem:s7+$0xD0A0]  }
0x20a: {  	v41 =	vld [tilespmem:s7+$0xD0B0]  }
0x20b: {  	v38 =	vld [tilespmem:s7+$0xD0C0]  }
0x20c: {  	v39 =	vld [tilespmem:s7+$0xD0D0]  }
0x20d: {  	v36 =	vld [tilespmem:s7+$0xD0E0]  }
0x20e: {  	v37 =	vld [tilespmem:s7+$0xD0F0]  }
0x20f: {  	v34 =	vld [tilespmem:s7+$0xD480]  }
0x210: {  	v35 =	vld [tilespmem:s7+$0xD490]  }
0x211: {  	v32 =	vld [tilespmem:s7+$0xD4A0]  }
0x212: {  	v33 =	vld [tilespmem:s7+$0xD4B0]  }
0x213: {  	v30 =	vld [tilespmem:s7+$0xD4C0]  }
0x214: {  	v31 =	vld [tilespmem:s7+$0xD4D0]  }
0x215: {  	v28 =	vld [tilespmem:s7+$0xD4E0]  }
0x216: {  	v29 =	vld [tilespmem:s7+$0xD4F0]  }
0x217: {  	v26 =	vld [tilespmem:s7+$0xD880]  }
0x218: {  	v27 =	vld [tilespmem:s7+$0xD890]  }
0x219: {  	v24 =	vld [tilespmem:s7+$0xD8A0]  }
0x21a: {  	v25 =	vld [tilespmem:s7+$0xD8B0]  }
0x21b: {  	v22 =	vld [tilespmem:s7+$0xD8C0]  }
0x21c: {  	v23 =	vld [tilespmem:s7+$0xD8D0]  }
0x21d: {  	v20 =	vld [tilespmem:s7+$0xD8E0]  }
0x21e: {  	v21 =	vld [tilespmem:s7+$0xD8F0]  }
0x21f: {  	v18 =	vld [tilespmem:s7+$0xDC80]  }
0x220: {  	v19 =	vld [tilespmem:s7+$0xDC90]  }
0x221: {  	v16 =	vld [tilespmem:s7+$0xDCA0]  }
0x222: {  	v17 =	vld [tilespmem:s7+$0xDCB0]  }
0x223: {  	v14 =	vld [tilespmem:s7+$0xDCC0]  }
0x224: {  	v15 =	vld [tilespmem:s7+$0xDCD0]  }
0x225: {  	v12 =	vld [tilespmem:s7+$0xDCE0]  }
0x226: {  	v13 =	vld [tilespmem:s7+$0xDCF0]  }
0x227: {  	v10 =	vld [tilespmem:s7+$0xE080]  }
0x228: {  	v11 =	vld [tilespmem:s7+$0xE090]  }
0x229: {  	v8 =	vld [tilespmem:s7+$0xE0A0]  }
0x22a: {  	v9 =	vld [tilespmem:s7+$0xE0B0]  }
0x22b: {  	v6 =	vld [tilespmem:s7+$0xE0C0]  }
0x22c: {  	v7 =	vld [tilespmem:s7+$0xE0D0]  }
0x22d: {  	v4 =	vld [tilespmem:s7+$0xE0E0]  }
0x22e: {  	v5 =	vld [tilespmem:s7+$0xE0F0]  }
0x22f: {  	v3 =	vld [tilespmem:s7+$0xE480]  }
0x230: {  	s8 =	simm.s32 $0x200;
	s0 =	smov.u32 s13;
	v2 =	vld.msk [tilespmem:s13+$0x0 ss:$0x0], $0xffff  }
.LBB2_13:
0x231: {  	v1 =	vld [tilespmem:s7+$0xE490]  }
0x232: {  	v0 =	vld [tilespmem:s7+$0xE4A0]  }
0x233: {  	v60 =	vld [tilespmem:s7+$0xE4B0]  }
0x234: {  	v61 =	vld [tilespmem:s7+$0xE4C0]  }
0x235: {  	v62 =	vld [tilespmem:s7+$0xE4D0]  }
0x236: {  	v63 =	vld [tilespmem:s7+$0xE4E0];
	v58 =	vmul.f32 v2, v58  }
0x237: {  	v59 =	vmul.f32 v59, v2;
	[tilespmem:$0x1FF90] =	vst v0;
	v0 =	vld [tilespmem:s7+$0xE4F0]  }
0x238: {  	v56 =	vmul.f32 v56, v2;
	[tilespmem:s7+$0x4880] =	vst.add.f32.msk $0xffff, v58  }
0x239: {  	v57 =	vmul.f32 v57, v2;
	[tilespmem:s7+$0x4890] =	vst.add.f32.msk $0xffff, v59  }
0x23a: {  	v54 =	vmul.f32 v54, v2;
	[tilespmem:s7+$0x48A0] =	vst.add.f32.msk $0xffff, v56  }
0x23b: {  	v55 =	vmul.f32 v55, v2;
	[tilespmem:s7+$0x48B0] =	vst.add.f32.msk $0xffff, v57  }
0x23c: {  	v52 =	vmul.f32 v52, v2;
	[tilespmem:s7+$0x48C0] =	vst.add.f32.msk $0xffff, v54  }
0x23d: {  	v53 =	vmul.f32 v53, v2;
	[tilespmem:s7+$0x48D0] =	vst.add.f32.msk $0xffff, v55  }
0x23e: {  	v50 =	vmul.f32 v50, v2;
	[tilespmem:s7+$0x48E0] =	vst.add.f32.msk $0xffff, v52  }
0x23f: {  	v51 =	vmul.f32 v51, v2;
	[tilespmem:s7+$0x48F0] =	vst.add.f32.msk $0xffff, v53  }
0x240: {  	v48 =	vmul.f32 v48, v2;
	[tilespmem:s7+$0x4C80] =	vst.add.f32.msk $0xffff, v50  }
0x241: {  	v49 =	vmul.f32 v49, v2;
	[tilespmem:s7+$0x4C90] =	vst.add.f32.msk $0xffff, v51  }
0x242: {  	v46 =	vmul.f32 v46, v2;
	[tilespmem:s7+$0x4CA0] =	vst.add.f32.msk $0xffff, v48  }
0x243: {  	v47 =	vmul.f32 v47, v2;
	[tilespmem:s7+$0x4CB0] =	vst.add.f32.msk $0xffff, v49  }
0x244: {  	v44 =	vmul.f32 v44, v2;
	[tilespmem:s7+$0x4CC0] =	vst.add.f32.msk $0xffff, v46  }
0x245: {  	v45 =	vmul.f32 v45, v2;
	[tilespmem:s7+$0x4CD0] =	vst.add.f32.msk $0xffff, v47  }
0x246: {  	v42 =	vmul.f32 v42, v2;
	[tilespmem:s7+$0x4CE0] =	vst.add.f32.msk $0xffff, v44  }
0x247: {  	v43 =	vmul.f32 v43, v2;
	[tilespmem:s7+$0x4CF0] =	vst.add.f32.msk $0xffff, v45  }
0x248: {  	v40 =	vmul.f32 v40, v2;
	[tilespmem:s7+$0x5080] =	vst.add.f32.msk $0xffff, v42  }
0x249: {  	v41 =	vmul.f32 v41, v2;
	[tilespmem:s7+$0x5090] =	vst.add.f32.msk $0xffff, v43  }
0x24a: {  	v38 =	vmul.f32 v38, v2;
	[tilespmem:s7+$0x50A0] =	vst.add.f32.msk $0xffff, v40  }
0x24b: {  	v39 =	vmul.f32 v39, v2;
	[tilespmem:s7+$0x50B0] =	vst.add.f32.msk $0xffff, v41  }
0x24c: {  	v36 =	vmul.f32 v36, v2;
	[tilespmem:s7+$0x50C0] =	vst.add.f32.msk $0xffff, v38  }
0x24d: {  	v37 =	vmul.f32 v37, v2;
	[tilespmem:s7+$0x50D0] =	vst.add.f32.msk $0xffff, v39  }
0x24e: {  	v34 =	vmul.f32 v34, v2;
	[tilespmem:s7+$0x50E0] =	vst.add.f32.msk $0xffff, v36  }
0x24f: {  	v35 =	vmul.f32 v35, v2;
	[tilespmem:s7+$0x50F0] =	vst.add.f32.msk $0xffff, v37  }
0x250: {  	v32 =	vmul.f32 v32, v2;
	[tilespmem:s7+$0x5480] =	vst.add.f32.msk $0xffff, v34  }
0x251: {  	v33 =	vmul.f32 v33, v2;
	[tilespmem:s7+$0x5490] =	vst.add.f32.msk $0xffff, v35  }
0x252: {  	[tilespmem:s7+$0x54A0] =	vst.add.f32.msk $0xffff, v32  }
0x253: {  	v30 =	vmul.f32 v30, v2;
	[tilespmem:s7+$0x54B0] =	vst.add.f32.msk $0xffff, v33  }
0x254: {  	v31 =	vmul.f32 v31, v2;
	v59 =	vld [tilespmem:$0x1FF90]  }
0x255: {  	v28 =	vmul.f32 v28, v2;
	[tilespmem:s7+$0x54C0] =	vst.add.f32.msk $0xffff, v30  }
0x256: {  	v29 =	vmul.f32 v29, v2;
	[tilespmem:s7+$0x54D0] =	vst.add.f32.msk $0xffff, v31  }
0x257: {  	v26 =	vmul.f32 v26, v2;
	[tilespmem:s7+$0x54E0] =	vst.add.f32.msk $0xffff, v28  }
0x258: {  	v27 =	vmul.f32 v27, v2;
	[tilespmem:s7+$0x54F0] =	vst.add.f32.msk $0xffff, v29  }
0x259: {  	v24 =	vmul.f32 v24, v2;
	[tilespmem:s7+$0x5880] =	vst.add.f32.msk $0xffff, v26  }
0x25a: {  	v25 =	vmul.f32 v25, v2;
	[tilespmem:s7+$0x5890] =	vst.add.f32.msk $0xffff, v27  }
0x25b: {  	v22 =	vmul.f32 v22, v2;
	[tilespmem:s7+$0x58A0] =	vst.add.f32.msk $0xffff, v24  }
0x25c: {  	v23 =	vmul.f32 v23, v2;
	[tilespmem:s7+$0x58B0] =	vst.add.f32.msk $0xffff, v25  }
0x25d: {  	v20 =	vmul.f32 v20, v2;
	[tilespmem:s7+$0x58C0] =	vst.add.f32.msk $0xffff, v22  }
0x25e: {  	v21 =	vmul.f32 v21, v2;
	[tilespmem:s7+$0x58D0] =	vst.add.f32.msk $0xffff, v23  }
0x25f: {  	v18 =	vmul.f32 v18, v2;
	[tilespmem:s7+$0x58E0] =	vst.add.f32.msk $0xffff, v20  }
0x260: {  	v19 =	vmul.f32 v19, v2;
	[tilespmem:s7+$0x58F0] =	vst.add.f32.msk $0xffff, v21  }
0x261: {  	v16 =	vmul.f32 v16, v2;
	[tilespmem:s7+$0x5C80] =	vst.add.f32.msk $0xffff, v18  }
0x262: {  	v17 =	vmul.f32 v17, v2;
	[tilespmem:s7+$0x5C90] =	vst.add.f32.msk $0xffff, v19  }
0x263: {  	v14 =	vmul.f32 v14, v2;
	[tilespmem:s7+$0x5CA0] =	vst.add.f32.msk $0xffff, v16  }
0x264: {  	v15 =	vmul.f32 v15, v2;
	[tilespmem:s7+$0x5CB0] =	vst.add.f32.msk $0xffff, v17  }
0x265: {  	v12 =	vmul.f32 v12, v2;
	[tilespmem:s7+$0x5CC0] =	vst.add.f32.msk $0xffff, v14  }
0x266: {  	v13 =	vmul.f32 v13, v2;
	[tilespmem:s7+$0x5CD0] =	vst.add.f32.msk $0xffff, v15  }
0x267: {  	v10 =	vmul.f32 v10, v2;
	[tilespmem:s7+$0x5CE0] =	vst.add.f32.msk $0xffff, v12  }
0x268: {  	v11 =	vmul.f32 v11, v2;
	[tilespmem:s7+$0x5CF0] =	vst.add.f32.msk $0xffff, v13  }
0x269: {  	v8 =	vmul.f32 v8, v2;
	[tilespmem:s7+$0x6080] =	vst.add.f32.msk $0xffff, v10  }
0x26a: {  	v9 =	vmul.f32 v9, v2;
	[tilespmem:s7+$0x6090] =	vst.add.f32.msk $0xffff, v11  }
0x26b: {  	v6 =	vmul.f32 v6, v2;
	[tilespmem:s7+$0x60A0] =	vst.add.f32.msk $0xffff, v8  }
0x26c: {  	v7 =	vmul.f32 v7, v2;
	[tilespmem:s7+$0x60B0] =	vst.add.f32.msk $0xffff, v9  }
0x26d: {  	v4 =	vmul.f32 v4, v2;
	[tilespmem:s7+$0x60C0] =	vst.add.f32.msk $0xffff, v6  }
0x26e: {  	v5 =	vmul.f32 v5, v2;
	[tilespmem:s7+$0x60D0] =	vst.add.f32.msk $0xffff, v7  }
0x26f: {  	v3 =	vmul.f32 v3, v2;
	[tilespmem:s7+$0x60E0] =	vst.add.f32.msk $0xffff, v4  }
0x270: {  	v1 =	vmul.f32 v1, v2;
	[tilespmem:s7+$0x60F0] =	vst.add.f32.msk $0xffff, v5  }
0x271: {  	v60 =	vmul.f32 v60, v2;
	[tilespmem:s7+$0x6480] =	vst.add.f32.msk $0xffff, v3  }
0x272: {  	v62 =	vmul.f32 v62, v2;
	[tilespmem:s7+$0x6490] =	vst.add.f32.msk $0xffff, v1  }
0x273: {  	v30 =	vmul.f32 v61, v2;
	[tilespmem:s7+$0x64B0] =	vst.add.f32.msk $0xffff, v60  }
0x274: {  	v31 =	vmul.f32 v63, v2;
	[tilespmem:s7+$0x64D0] =	vst.add.f32.msk $0xffff, v62  }
0x275: {  	[tilespmem:s7+$0x64C0] =	vst.add.f32.msk $0xffff, v30;
	v0 =	vmul.f32 v0, v2  }
0x276: {  	[tilespmem:s7+$0x64E0] =	vst.add.f32.msk $0xffff, v31;
	v32 =	vmul.f32 v59, v2  }
0x277: {  	[tilespmem:s7+$0x64F0] =	vst.add.f32.msk $0xffff, v0  }
0x278: {  	[tilespmem:s7+$0x64A0] =	vst.add.f32.msk $0xffff, v32;
	s7 =	sshra.s32 s8, $0x2  }
0x279: {  	v58 =	vld [tilespmem:s7+$0xC880]  }
0x27a: {  	v59 =	vld [tilespmem:s7+$0xC890]  }
0x27b: {  	v56 =	vld [tilespmem:s7+$0xC8A0]  }
0x27c: {  	v57 =	vld [tilespmem:s7+$0xC8B0]  }
0x27d: {  	v54 =	vld [tilespmem:s7+$0xC8C0]  }
0x27e: {  	v55 =	vld [tilespmem:s7+$0xC8D0]  }
0x27f: {  	v52 =	vld [tilespmem:s7+$0xC8E0]  }
0x280: {  	v53 =	vld [tilespmem:s7+$0xC8F0]  }
0x281: {  	v50 =	vld [tilespmem:s7+$0xCC80]  }
0x282: {  	v51 =	vld [tilespmem:s7+$0xCC90]  }
0x283: {  	v48 =	vld [tilespmem:s7+$0xCCA0]  }
0x284: {  	v49 =	vld [tilespmem:s7+$0xCCB0]  }
0x285: {  	v46 =	vld [tilespmem:s7+$0xCCC0]  }
0x286: {  	v47 =	vld [tilespmem:s7+$0xCCD0]  }
0x287: {  	v44 =	vld [tilespmem:s7+$0xCCE0]  }
0x288: {  	v45 =	vld [tilespmem:s7+$0xCCF0]  }
0x289: {  	v42 =	vld [tilespmem:s7+$0xD080]  }
0x28a: {  	v43 =	vld [tilespmem:s7+$0xD090]  }
0x28b: {  	v40 =	vld [tilespmem:s7+$0xD0A0]  }
0x28c: {  	v41 =	vld [tilespmem:s7+$0xD0B0]  }
0x28d: {  	v38 =	vld [tilespmem:s7+$0xD0C0]  }
0x28e: {  	v39 =	vld [tilespmem:s7+$0xD0D0]  }
0x28f: {  	v36 =	vld [tilespmem:s7+$0xD0E0]  }
0x290: {  	v37 =	vld [tilespmem:s7+$0xD0F0]  }
0x291: {  	v34 =	vld [tilespmem:s7+$0xD480]  }
0x292: {  	v35 =	vld [tilespmem:s7+$0xD490]  }
0x293: {  	v32 =	vld [tilespmem:s7+$0xD4A0]  }
0x294: {  	v33 =	vld [tilespmem:s7+$0xD4B0]  }
0x295: {  	v30 =	vld [tilespmem:s7+$0xD4C0]  }
0x296: {  	v31 =	vld [tilespmem:s7+$0xD4D0]  }
0x297: {  	v28 =	vld [tilespmem:s7+$0xD4E0]  }
0x298: {  	v29 =	vld [tilespmem:s7+$0xD4F0]  }
0x299: {  	v26 =	vld [tilespmem:s7+$0xD880]  }
0x29a: {  	v27 =	vld [tilespmem:s7+$0xD890]  }
0x29b: {  	v24 =	vld [tilespmem:s7+$0xD8A0]  }
0x29c: {  	v25 =	vld [tilespmem:s7+$0xD8B0]  }
0x29d: {  	v22 =	vld [tilespmem:s7+$0xD8C0]  }
0x29e: {  	v23 =	vld [tilespmem:s7+$0xD8D0]  }
0x29f: {  	v20 =	vld [tilespmem:s7+$0xD8E0]  }
0x2a0: {  	v21 =	vld [tilespmem:s7+$0xD8F0]  }
0x2a1: {  	v18 =	vld [tilespmem:s7+$0xDC80]  }
0x2a2: {  	v19 =	vld [tilespmem:s7+$0xDC90]  }
0x2a3: {  	v16 =	vld [tilespmem:s7+$0xDCA0]  }
0x2a4: {  	v17 =	vld [tilespmem:s7+$0xDCB0]  }
0x2a5: {  	v14 =	vld [tilespmem:s7+$0xDCC0]  }
0x2a6: {  	v15 =	vld [tilespmem:s7+$0xDCD0]  }
0x2a7: {  	v12 =	vld [tilespmem:s7+$0xDCE0]  }
0x2a8: {  	v13 =	vld [tilespmem:s7+$0xDCF0]  }
0x2a9: {  	v10 =	vld [tilespmem:s7+$0xE080]  }
0x2aa: {  	v11 =	vld [tilespmem:s7+$0xE090]  }
0x2ab: {  	v8 =	vld [tilespmem:s7+$0xE0A0]  }
0x2ac: {  	v9 =	vld [tilespmem:s7+$0xE0B0]  }
0x2ad: {  	p0 =	sne.s32 s8, $0xE00;
	v6 =	vld [tilespmem:s7+$0xE0C0]  }
.Ltmp10:
0x2ae: {  	v7 =	vld [tilespmem:s7+$0xE0D0];
	(pc) =	sbr.rel @p0 .LBB2_13-.Ltmp10, $4  }
0x2af: {  	v4 =	vld [tilespmem:s7+$0xE0E0]  }
0x2b0: {  	v5 =	vld [tilespmem:s7+$0xE0F0]  }
0x2b1: {  	s0 =	sadd.s32 $0x1, s0;
	v3 =	vld [tilespmem:s7+$0xE480]  }
0x2b2: {  	s8 =	sadd.s32 $0x200, s8;
	v2 =	vld.msk [tilespmem:s0+$0x0 ss:$0x0], $0xffff  }
0x2b3: {  	v0 =	vld [tilespmem:s7+$0xE490]  }
0x2b4: {  	v62 =	vld [tilespmem:s7+$0xE4D0]  }
0x2b5: {  	v1 =	vld [tilespmem:s7+$0xE4A0]  }
0x2b6: {  	v60 =	vld [tilespmem:s7+$0xE4B0]  }
0x2b7: {  	v61 =	vld [tilespmem:s7+$0xE4C0]  }
0x2b8: {  	v63 =	vld [tilespmem:s7+$0xE4E0];
	v58 =	vmul.f32 v2, v58  }
0x2b9: {  	v59 =	vmul.f32 v59, v2;
	[tilespmem:$0x1FF80] =	vst v62;
	v62 =	vld [tilespmem:s7+$0xE4F0]  }
0x2ba: {  	v56 =	vmul.f32 v56, v2;
	[tilespmem:s7+$0x4880] =	vst.add.f32.msk $0xffff, v58  }
0x2bb: {  	v57 =	vmul.f32 v57, v2;
	[tilespmem:s7+$0x4890] =	vst.add.f32.msk $0xffff, v59  }
0x2bc: {  	v54 =	vmul.f32 v54, v2;
	[tilespmem:s7+$0x48A0] =	vst.add.f32.msk $0xffff, v56  }
0x2bd: {  	v55 =	vmul.f32 v55, v2;
	[tilespmem:s7+$0x48B0] =	vst.add.f32.msk $0xffff, v57  }
0x2be: {  	v52 =	vmul.f32 v52, v2;
	[tilespmem:s7+$0x48C0] =	vst.add.f32.msk $0xffff, v54  }
0x2bf: {  	v53 =	vmul.f32 v53, v2;
	[tilespmem:s7+$0x48D0] =	vst.add.f32.msk $0xffff, v55  }
0x2c0: {  	v50 =	vmul.f32 v50, v2;
	[tilespmem:s7+$0x48E0] =	vst.add.f32.msk $0xffff, v52  }
0x2c1: {  	v51 =	vmul.f32 v51, v2;
	[tilespmem:s7+$0x48F0] =	vst.add.f32.msk $0xffff, v53  }
0x2c2: {  	v48 =	vmul.f32 v48, v2;
	[tilespmem:s7+$0x4C80] =	vst.add.f32.msk $0xffff, v50  }
0x2c3: {  	v49 =	vmul.f32 v49, v2;
	[tilespmem:s7+$0x4C90] =	vst.add.f32.msk $0xffff, v51  }
0x2c4: {  	v46 =	vmul.f32 v46, v2;
	[tilespmem:s7+$0x4CA0] =	vst.add.f32.msk $0xffff, v48  }
0x2c5: {  	v47 =	vmul.f32 v47, v2;
	[tilespmem:s7+$0x4CB0] =	vst.add.f32.msk $0xffff, v49  }
0x2c6: {  	v44 =	vmul.f32 v44, v2;
	[tilespmem:s7+$0x4CC0] =	vst.add.f32.msk $0xffff, v46  }
0x2c7: {  	v45 =	vmul.f32 v45, v2;
	[tilespmem:s7+$0x4CD0] =	vst.add.f32.msk $0xffff, v47  }
0x2c8: {  	v42 =	vmul.f32 v42, v2;
	[tilespmem:s7+$0x4CE0] =	vst.add.f32.msk $0xffff, v44  }
0x2c9: {  	v43 =	vmul.f32 v43, v2;
	[tilespmem:s7+$0x4CF0] =	vst.add.f32.msk $0xffff, v45  }
0x2ca: {  	v40 =	vmul.f32 v40, v2;
	[tilespmem:s7+$0x5080] =	vst.add.f32.msk $0xffff, v42  }
0x2cb: {  	v41 =	vmul.f32 v41, v2;
	[tilespmem:s7+$0x5090] =	vst.add.f32.msk $0xffff, v43  }
0x2cc: {  	v38 =	vmul.f32 v38, v2;
	[tilespmem:s7+$0x50A0] =	vst.add.f32.msk $0xffff, v40  }
0x2cd: {  	v39 =	vmul.f32 v39, v2;
	[tilespmem:s7+$0x50B0] =	vst.add.f32.msk $0xffff, v41  }
0x2ce: {  	v36 =	vmul.f32 v36, v2;
	[tilespmem:s7+$0x50C0] =	vst.add.f32.msk $0xffff, v38  }
0x2cf: {  	v37 =	vmul.f32 v37, v2;
	[tilespmem:s7+$0x50D0] =	vst.add.f32.msk $0xffff, v39  }
0x2d0: {  	v34 =	vmul.f32 v34, v2;
	[tilespmem:s7+$0x50E0] =	vst.add.f32.msk $0xffff, v36  }
0x2d1: {  	v35 =	vmul.f32 v35, v2;
	[tilespmem:s7+$0x50F0] =	vst.add.f32.msk $0xffff, v37  }
0x2d2: {  	v32 =	vmul.f32 v32, v2;
	[tilespmem:s7+$0x5480] =	vst.add.f32.msk $0xffff, v34  }
0x2d3: {  	v33 =	vmul.f32 v33, v2;
	[tilespmem:s7+$0x5490] =	vst.add.f32.msk $0xffff, v35  }
0x2d4: {  	v30 =	vmul.f32 v30, v2;
	[tilespmem:s7+$0x54A0] =	vst.add.f32.msk $0xffff, v32  }
0x2d5: {  	v31 =	vmul.f32 v31, v2;
	[tilespmem:s7+$0x54B0] =	vst.add.f32.msk $0xffff, v33  }
0x2d6: {  	v28 =	vmul.f32 v28, v2;
	[tilespmem:s7+$0x54C0] =	vst.add.f32.msk $0xffff, v30  }
0x2d7: {  	v29 =	vmul.f32 v29, v2;
	[tilespmem:s7+$0x54D0] =	vst.add.f32.msk $0xffff, v31  }
0x2d8: {  	v26 =	vmul.f32 v26, v2;
	[tilespmem:s7+$0x54E0] =	vst.add.f32.msk $0xffff, v28  }
0x2d9: {  	v27 =	vmul.f32 v27, v2;
	[tilespmem:s7+$0x54F0] =	vst.add.f32.msk $0xffff, v29  }
0x2da: {  	v24 =	vmul.f32 v24, v2;
	[tilespmem:s7+$0x5880] =	vst.add.f32.msk $0xffff, v26  }
0x2db: {  	v25 =	vmul.f32 v25, v2;
	[tilespmem:s7+$0x5890] =	vst.add.f32.msk $0xffff, v27  }
0x2dc: {  	v22 =	vmul.f32 v22, v2;
	[tilespmem:s7+$0x58A0] =	vst.add.f32.msk $0xffff, v24  }
0x2dd: {  	v23 =	vmul.f32 v23, v2;
	[tilespmem:s7+$0x58B0] =	vst.add.f32.msk $0xffff, v25  }
0x2de: {  	v20 =	vmul.f32 v20, v2;
	[tilespmem:s7+$0x58C0] =	vst.add.f32.msk $0xffff, v22  }
0x2df: {  	v21 =	vmul.f32 v21, v2;
	[tilespmem:s7+$0x58D0] =	vst.add.f32.msk $0xffff, v23  }
0x2e0: {  	v18 =	vmul.f32 v18, v2;
	[tilespmem:s7+$0x58E0] =	vst.add.f32.msk $0xffff, v20  }
0x2e1: {  	v19 =	vmul.f32 v19, v2;
	[tilespmem:s7+$0x58F0] =	vst.add.f32.msk $0xffff, v21  }
0x2e2: {  	v16 =	vmul.f32 v16, v2;
	[tilespmem:s7+$0x5C80] =	vst.add.f32.msk $0xffff, v18  }
0x2e3: {  	v17 =	vmul.f32 v17, v2;
	[tilespmem:s7+$0x5C90] =	vst.add.f32.msk $0xffff, v19  }
0x2e4: {  	v14 =	vmul.f32 v14, v2;
	[tilespmem:s7+$0x5CA0] =	vst.add.f32.msk $0xffff, v16  }
0x2e5: {  	v15 =	vmul.f32 v15, v2;
	[tilespmem:s7+$0x5CB0] =	vst.add.f32.msk $0xffff, v17  }
0x2e6: {  	v12 =	vmul.f32 v12, v2;
	[tilespmem:s7+$0x5CC0] =	vst.add.f32.msk $0xffff, v14  }
0x2e7: {  	v13 =	vmul.f32 v13, v2;
	[tilespmem:s7+$0x5CD0] =	vst.add.f32.msk $0xffff, v15  }
0x2e8: {  	v10 =	vmul.f32 v10, v2;
	[tilespmem:s7+$0x5CE0] =	vst.add.f32.msk $0xffff, v12  }
0x2e9: {  	v11 =	vmul.f32 v11, v2;
	[tilespmem:s7+$0x5CF0] =	vst.add.f32.msk $0xffff, v13  }
0x2ea: {  	v8 =	vmul.f32 v8, v2;
	[tilespmem:s7+$0x6080] =	vst.add.f32.msk $0xffff, v10  }
0x2eb: {  	v9 =	vmul.f32 v9, v2;
	[tilespmem:s7+$0x6090] =	vst.add.f32.msk $0xffff, v11  }
0x2ec: {  	v6 =	vmul.f32 v6, v2;
	[tilespmem:s7+$0x60A0] =	vst.add.f32.msk $0xffff, v8  }
0x2ed: {  	v7 =	vmul.f32 v7, v2;
	[tilespmem:s7+$0x60B0] =	vst.add.f32.msk $0xffff, v9  }
0x2ee: {  	v4 =	vmul.f32 v4, v2;
	[tilespmem:s7+$0x60C0] =	vst.add.f32.msk $0xffff, v6  }
0x2ef: {  	v5 =	vmul.f32 v5, v2;
	[tilespmem:s7+$0x60D0] =	vst.add.f32.msk $0xffff, v7  }
0x2f0: {  	v3 =	vmul.f32 v3, v2;
	[tilespmem:s7+$0x60E0] =	vst.add.f32.msk $0xffff, v4  }
0x2f1: {  	[tilespmem:s7+$0x60F0] =	vst.add.f32.msk $0xffff, v5  }
0x2f2: {  	v0 =	vmul.f32 v0, v2;
	[tilespmem:s7+$0x6480] =	vst.add.f32.msk $0xffff, v3  }
0x2f3: {  	v1 =	vmul.f32 v1, v2;
	v58 =	vmul.f32 v60, v2;
	v60 =	vld [tilespmem:$0x1FF80]  }
0x2f4: {  	[tilespmem:s7+$0x6490] =	vst.add.f32.msk $0xffff, v0  }
0x2f5: {  	v59 =	vmul.f32 v61, v2;
	[tilespmem:s7+$0x64A0] =	vst.add.f32.msk $0xffff, v1  }
0x2f6: {  	v61 =	vmul.f32 v63, v2;
	[tilespmem:s7+$0x64B0] =	vst.add.f32.msk $0xffff, v58  }
0x2f7: {  	[tilespmem:s7+$0x64C0] =	vst.add.f32.msk $0xffff, v59;
	v63 =	vmul.f32 v62, v2  }
0x2f8: {  	s0 =	sadd.s32 s6, s4;
	p0 =	sgt.u32 s31, $0x7C;
	[tilespmem:s7+$0x64E0] =	vst.add.f32.msk $0xffff, v61;
	v0 =	vmul.f32 v60, v2  }
0x2f9: {  	s0 =	sshll.u32 s0, $0x7;
	p1 =	seq.s32 @!p0 s31, $0x0;
	[tilespmem:s7+$0x64F0] =	vst.add.f32.msk $0xffff, v63  }
0x2fa: {  	s0 =	sadd.s32 s3, s0;
	p1 =	por p1, p0;
	[tilespmem:s7+$0x64D0] =	vst.add.f32.msk $0xffff, v0  }
0x2fb: {  	[hbm4b:s0+s5] =	stream.linear.scatter [tilespmem:s29], [sflag:$0x7], $0x2000, $0x38;
	[tilespmem:$0x10880] =	vst v63  }
0x2fc: {  	s0 =	simm.s32 @!p1 $0x6  }
0x2fd: {  	s7 =	sadd.s32 @!p0 $0x18, s4;
	_ =	swait.ge @!p1 [sflag:s0], $0x2000  }
0x2fe: {  	s7 =	sadd.s32 @!p0 s6, s7;
	[sflag:s0] =	ssyncset.done @!p1 $0x0  }
0x2ff: {  	[sflag:s0] =	ssyncadd.s32 @!p1 $0xFFFFE000;
	s0 =	sshll.u32 @!p0 s7, $0x7  }
0x300: {  	s8 =	simm.s32 @!p0 $0x2880;
	s7 =	simm.s32 @!p0 $0x0;
	s0 =	sadd.s32 @!p0 s1, s0  }
0x301: {  	[tilespmem:s8], [sflag:$0x2] =	stream.linear.gather @!p0 [hbm4b:s0+s7], $0x2000, $0x38;
	[tilespmem:$0x10880] =	vst v63  }
0x302: {  	v0 =	vld.msk @!p0 [tilespmem:s4+$0x18], $0xff;
	_ =	sdelay $0x4  }
0x303: {  	v1 =	vshll.u32 @!p0 v0, $0x3  }
0x304: {  	v2 =	vlaneseq.u32 @!p0;
	v0 =	vand.u32 @!p0 $0x7, v0;
	v1 =	vand.u32 @!p0 $0xFFFFFFC0, v1  }
0x305: {  	v0 =	vor.u32 @!p0 v0, v1;
	v1 =	vand.u32 @!p0 $0x7, v2;
	v2 =	vshrl.u32 @!p0 v2, $0x3  }
0x306: {  	v0 =	vperm.xlane @!p0 v0, v1;
	v1 =	vmul.u32 @!p0 $0x8, v2;
	_ =	sdelay $0x1  }
0x307: {  	v0 =	vadd.s32 @!p0 v1, v0;
	_ =	sdelay $0x3  }
0x308: {  	vm1 =	vmmov @!p0 $0xffff;
	s0 =	simm.s32 @!p0 $0xA880  }
0x309: {  	[tilespmem:s0], [sflag:$0x2] =	stream.indirect_vreg.gather @!p0 [hbm4b:s2+s7], $0x80, v0, vm1, $0xb8;
	[tilespmem:$0x10880] =	vst v63  }
0x30a: {  	s0 =	simm.s32 @!p0 $0xB080  }
0x30b: {  	[tilespmem:s0], [sflag:$0x2] =	stream.indirect_vreg.gather @!p0 [hbm4b:s10+s7], $0x80, v0, vm1, $0xb8;
	[tilespmem:$0x10880] =	vst v63  }
.Ltmp11:
0x30c: {  	_ = 	snop;
	(pc) =	sbr.rel .LBB2_19-.Ltmp11, $4  }
0x30d: {  	s0 =	simm.s32 @!p0 $0xB880  }
0x30e: {  	[tilespmem:s0], [sflag:$0x2] =	stream.indirect_vreg.gather @!p0 [hbm4b:s11+s7], $0x80, v0, vm1, $0xb8;
	[tilespmem:$0x10880] =	vst v63  }
0x30f: {  	s0 =	simm.s32 @!p0 $0xC080  }
0x310: {  	[tilespmem:s0], [sflag:$0x2] =	stream.indirect_vreg.gather @!p0 [hbm4b:s12+s7], $0x80, v0, vm1, $0xb8;
	[tilespmem:$0x10880] =	vst v63  }
.LBB2_9:
0x311: {  	_ =	swait.ge [sflag:s19], $0x2000  }
0x312: {  	[sflag:s19] =	ssyncset.done $0x0  }
0x313: {  	[sflag:s19] =	ssyncadd.s32 $0xFFFFE000  }
0x314: {  	_ =	swait.ge [sflag:s19], $0x2000  }
0x315: {  	[sflag:s19] =	ssyncset.done $0x0  }
0x316: {  	s7 =	simm.s32 $0x0;
	[sflag:s19] =	ssyncadd.s32 $0xFFFFE000  }
0x317: {  	v58 =	vld [tilespmem:s7+$0xA880]  }
0x318: {  	v59 =	vld [tilespmem:s7+$0xA890]  }
0x319: {  	v56 =	vld [tilespmem:s7+$0xA8A0]  }
0x31a: {  	v57 =	vld [tilespmem:s7+$0xA8B0]  }
0x31b: {  	v54 =	vld [tilespmem:s7+$0xA8C0]  }
0x31c: {  	v55 =	vld [tilespmem:s7+$0xA8D0]  }
0x31d: {  	v52 =	vld [tilespmem:s7+$0xA8E0]  }
0x31e: {  	v53 =	vld [tilespmem:s7+$0xA8F0]  }
0x31f: {  	v50 =	vld [tilespmem:s7+$0xAC80]  }
0x320: {  	v51 =	vld [tilespmem:s7+$0xAC90]  }
0x321: {  	v48 =	vld [tilespmem:s7+$0xACA0]  }
0x322: {  	v49 =	vld [tilespmem:s7+$0xACB0]  }
0x323: {  	v46 =	vld [tilespmem:s7+$0xACC0]  }
0x324: {  	v47 =	vld [tilespmem:s7+$0xACD0]  }
0x325: {  	v44 =	vld [tilespmem:s7+$0xACE0]  }
0x326: {  	v45 =	vld [tilespmem:s7+$0xACF0]  }
0x327: {  	v42 =	vld [tilespmem:s7+$0xB080]  }
0x328: {  	v43 =	vld [tilespmem:s7+$0xB090]  }
0x329: {  	v40 =	vld [tilespmem:s7+$0xB0A0]  }
0x32a: {  	v41 =	vld [tilespmem:s7+$0xB0B0]  }
0x32b: {  	v38 =	vld [tilespmem:s7+$0xB0C0]  }
0x32c: {  	v39 =	vld [tilespmem:s7+$0xB0D0]  }
0x32d: {  	v36 =	vld [tilespmem:s7+$0xB0E0]  }
0x32e: {  	v37 =	vld [tilespmem:s7+$0xB0F0]  }
0x32f: {  	v34 =	vld [tilespmem:s7+$0xB480]  }
0x330: {  	v35 =	vld [tilespmem:s7+$0xB490]  }
0x331: {  	v32 =	vld [tilespmem:s7+$0xB4A0]  }
0x332: {  	v33 =	vld [tilespmem:s7+$0xB4B0]  }
0x333: {  	v30 =	vld [tilespmem:s7+$0xB4C0]  }
0x334: {  	v31 =	vld [tilespmem:s7+$0xB4D0]  }
0x335: {  	v28 =	vld [tilespmem:s7+$0xB4E0]  }
0x336: {  	v29 =	vld [tilespmem:s7+$0xB4F0]  }
0x337: {  	v26 =	vld [tilespmem:s7+$0xB880]  }
0x338: {  	v27 =	vld [tilespmem:s7+$0xB890]  }
0x339: {  	v24 =	vld [tilespmem:s7+$0xB8A0]  }
0x33a: {  	v25 =	vld [tilespmem:s7+$0xB8B0]  }
0x33b: {  	v22 =	vld [tilespmem:s7+$0xB8C0]  }
0x33c: {  	v23 =	vld [tilespmem:s7+$0xB8D0]  }
0x33d: {  	v20 =	vld [tilespmem:s7+$0xB8E0]  }
0x33e: {  	v21 =	vld [tilespmem:s7+$0xB8F0]  }
0x33f: {  	v18 =	vld [tilespmem:s7+$0xBC80]  }
0x340: {  	v19 =	vld [tilespmem:s7+$0xBC90]  }
0x341: {  	v16 =	vld [tilespmem:s7+$0xBCA0]  }
0x342: {  	v17 =	vld [tilespmem:s7+$0xBCB0]  }
0x343: {  	v14 =	vld [tilespmem:s7+$0xBCC0]  }
0x344: {  	v15 =	vld [tilespmem:s7+$0xBCD0]  }
0x345: {  	v12 =	vld [tilespmem:s7+$0xBCE0]  }
0x346: {  	v13 =	vld [tilespmem:s7+$0xBCF0]  }
0x347: {  	v10 =	vld [tilespmem:s7+$0xC080]  }
0x348: {  	v11 =	vld [tilespmem:s7+$0xC090]  }
0x349: {  	v8 =	vld [tilespmem:s7+$0xC0A0]  }
0x34a: {  	v9 =	vld [tilespmem:s7+$0xC0B0]  }
0x34b: {  	v6 =	vld [tilespmem:s7+$0xC0C0]  }
0x34c: {  	v7 =	vld [tilespmem:s7+$0xC0D0]  }
0x34d: {  	v4 =	vld [tilespmem:s7+$0xC0E0]  }
0x34e: {  	v5 =	vld [tilespmem:s7+$0xC0F0]  }
0x34f: {  	v3 =	vld [tilespmem:s7+$0xC480]  }
0x350: {  	s8 =	simm.s32 $0x200;
	s0 =	smov.u32 s13;
	v2 =	vld.msk [tilespmem:s13+$0x0 ss:$0x0], $0xffff  }
.LBB2_10:
0x351: {  	v1 =	vld [tilespmem:s7+$0xC490]  }
0x352: {  	v0 =	vld [tilespmem:s7+$0xC4A0]  }
0x353: {  	v60 =	vld [tilespmem:s7+$0xC4B0]  }
0x354: {  	v61 =	vld [tilespmem:s7+$0xC4C0]  }
0x355: {  	v62 =	vld [tilespmem:s7+$0xC4D0]  }
0x356: {  	v63 =	vld [tilespmem:s7+$0xC4E0];
	v58 =	vmul.f32 v2, v58  }
0x357: {  	v59 =	vmul.f32 v59, v2;
	[tilespmem:$0x1FFB0] =	vst v0;
	v0 =	vld [tilespmem:s7+$0xC4F0]  }
0x358: {  	v56 =	vmul.f32 v56, v2;
	[tilespmem:s7+$0x2880] =	vst.add.f32.msk $0xffff, v58  }
0x359: {  	v57 =	vmul.f32 v57, v2;
	[tilespmem:s7+$0x2890] =	vst.add.f32.msk $0xffff, v59  }
0x35a: {  	v54 =	vmul.f32 v54, v2;
	[tilespmem:s7+$0x28A0] =	vst.add.f32.msk $0xffff, v56  }
0x35b: {  	v55 =	vmul.f32 v55, v2;
	[tilespmem:s7+$0x28B0] =	vst.add.f32.msk $0xffff, v57  }
0x35c: {  	v52 =	vmul.f32 v52, v2;
	[tilespmem:s7+$0x28C0] =	vst.add.f32.msk $0xffff, v54  }
0x35d: {  	v53 =	vmul.f32 v53, v2;
	[tilespmem:s7+$0x28D0] =	vst.add.f32.msk $0xffff, v55  }
0x35e: {  	v50 =	vmul.f32 v50, v2;
	[tilespmem:s7+$0x28E0] =	vst.add.f32.msk $0xffff, v52  }
0x35f: {  	v51 =	vmul.f32 v51, v2;
	[tilespmem:s7+$0x28F0] =	vst.add.f32.msk $0xffff, v53  }
0x360: {  	v48 =	vmul.f32 v48, v2;
	[tilespmem:s7+$0x2C80] =	vst.add.f32.msk $0xffff, v50  }
0x361: {  	v49 =	vmul.f32 v49, v2;
	[tilespmem:s7+$0x2C90] =	vst.add.f32.msk $0xffff, v51  }
0x362: {  	v46 =	vmul.f32 v46, v2;
	[tilespmem:s7+$0x2CA0] =	vst.add.f32.msk $0xffff, v48  }
0x363: {  	v47 =	vmul.f32 v47, v2;
	[tilespmem:s7+$0x2CB0] =	vst.add.f32.msk $0xffff, v49  }
0x364: {  	v44 =	vmul.f32 v44, v2;
	[tilespmem:s7+$0x2CC0] =	vst.add.f32.msk $0xffff, v46  }
0x365: {  	v45 =	vmul.f32 v45, v2;
	[tilespmem:s7+$0x2CD0] =	vst.add.f32.msk $0xffff, v47  }
0x366: {  	v42 =	vmul.f32 v42, v2;
	[tilespmem:s7+$0x2CE0] =	vst.add.f32.msk $0xffff, v44  }
0x367: {  	v43 =	vmul.f32 v43, v2;
	[tilespmem:s7+$0x2CF0] =	vst.add.f32.msk $0xffff, v45  }
0x368: {  	v40 =	vmul.f32 v40, v2;
	[tilespmem:s7+$0x3080] =	vst.add.f32.msk $0xffff, v42  }
0x369: {  	v41 =	vmul.f32 v41, v2;
	[tilespmem:s7+$0x3090] =	vst.add.f32.msk $0xffff, v43  }
0x36a: {  	v38 =	vmul.f32 v38, v2;
	[tilespmem:s7+$0x30A0] =	vst.add.f32.msk $0xffff, v40  }
0x36b: {  	v39 =	vmul.f32 v39, v2;
	[tilespmem:s7+$0x30B0] =	vst.add.f32.msk $0xffff, v41  }
0x36c: {  	v36 =	vmul.f32 v36, v2;
	[tilespmem:s7+$0x30C0] =	vst.add.f32.msk $0xffff, v38  }
0x36d: {  	v37 =	vmul.f32 v37, v2;
	[tilespmem:s7+$0x30D0] =	vst.add.f32.msk $0xffff, v39  }
0x36e: {  	v34 =	vmul.f32 v34, v2;
	[tilespmem:s7+$0x30E0] =	vst.add.f32.msk $0xffff, v36  }
0x36f: {  	v35 =	vmul.f32 v35, v2;
	[tilespmem:s7+$0x30F0] =	vst.add.f32.msk $0xffff, v37  }
0x370: {  	v32 =	vmul.f32 v32, v2;
	[tilespmem:s7+$0x3480] =	vst.add.f32.msk $0xffff, v34  }
0x371: {  	v33 =	vmul.f32 v33, v2;
	[tilespmem:s7+$0x3490] =	vst.add.f32.msk $0xffff, v35  }
0x372: {  	[tilespmem:s7+$0x34A0] =	vst.add.f32.msk $0xffff, v32  }
0x373: {  	v30 =	vmul.f32 v30, v2;
	[tilespmem:s7+$0x34B0] =	vst.add.f32.msk $0xffff, v33  }
0x374: {  	v31 =	vmul.f32 v31, v2;
	v59 =	vld [tilespmem:$0x1FFB0]  }
0x375: {  	v28 =	vmul.f32 v28, v2;
	[tilespmem:s7+$0x34C0] =	vst.add.f32.msk $0xffff, v30  }
0x376: {  	v29 =	vmul.f32 v29, v2;
	[tilespmem:s7+$0x34D0] =	vst.add.f32.msk $0xffff, v31  }
0x377: {  	v26 =	vmul.f32 v26, v2;
	[tilespmem:s7+$0x34E0] =	vst.add.f32.msk $0xffff, v28  }
0x378: {  	v27 =	vmul.f32 v27, v2;
	[tilespmem:s7+$0x34F0] =	vst.add.f32.msk $0xffff, v29  }
0x379: {  	v24 =	vmul.f32 v24, v2;
	[tilespmem:s7+$0x3880] =	vst.add.f32.msk $0xffff, v26  }
0x37a: {  	v25 =	vmul.f32 v25, v2;
	[tilespmem:s7+$0x3890] =	vst.add.f32.msk $0xffff, v27  }
0x37b: {  	v22 =	vmul.f32 v22, v2;
	[tilespmem:s7+$0x38A0] =	vst.add.f32.msk $0xffff, v24  }
0x37c: {  	v23 =	vmul.f32 v23, v2;
	[tilespmem:s7+$0x38B0] =	vst.add.f32.msk $0xffff, v25  }
0x37d: {  	v20 =	vmul.f32 v20, v2;
	[tilespmem:s7+$0x38C0] =	vst.add.f32.msk $0xffff, v22  }
0x37e: {  	v21 =	vmul.f32 v21, v2;
	[tilespmem:s7+$0x38D0] =	vst.add.f32.msk $0xffff, v23  }
0x37f: {  	v18 =	vmul.f32 v18, v2;
	[tilespmem:s7+$0x38E0] =	vst.add.f32.msk $0xffff, v20  }
0x380: {  	v19 =	vmul.f32 v19, v2;
	[tilespmem:s7+$0x38F0] =	vst.add.f32.msk $0xffff, v21  }
0x381: {  	v16 =	vmul.f32 v16, v2;
	[tilespmem:s7+$0x3C80] =	vst.add.f32.msk $0xffff, v18  }
0x382: {  	v17 =	vmul.f32 v17, v2;
	[tilespmem:s7+$0x3C90] =	vst.add.f32.msk $0xffff, v19  }
0x383: {  	v14 =	vmul.f32 v14, v2;
	[tilespmem:s7+$0x3CA0] =	vst.add.f32.msk $0xffff, v16  }
0x384: {  	v15 =	vmul.f32 v15, v2;
	[tilespmem:s7+$0x3CB0] =	vst.add.f32.msk $0xffff, v17  }
0x385: {  	v12 =	vmul.f32 v12, v2;
	[tilespmem:s7+$0x3CC0] =	vst.add.f32.msk $0xffff, v14  }
0x386: {  	v13 =	vmul.f32 v13, v2;
	[tilespmem:s7+$0x3CD0] =	vst.add.f32.msk $0xffff, v15  }
0x387: {  	v10 =	vmul.f32 v10, v2;
	[tilespmem:s7+$0x3CE0] =	vst.add.f32.msk $0xffff, v12  }
0x388: {  	v11 =	vmul.f32 v11, v2;
	[tilespmem:s7+$0x3CF0] =	vst.add.f32.msk $0xffff, v13  }
0x389: {  	v8 =	vmul.f32 v8, v2;
	[tilespmem:s7+$0x4080] =	vst.add.f32.msk $0xffff, v10  }
0x38a: {  	v9 =	vmul.f32 v9, v2;
	[tilespmem:s7+$0x4090] =	vst.add.f32.msk $0xffff, v11  }
0x38b: {  	v6 =	vmul.f32 v6, v2;
	[tilespmem:s7+$0x40A0] =	vst.add.f32.msk $0xffff, v8  }
0x38c: {  	v7 =	vmul.f32 v7, v2;
	[tilespmem:s7+$0x40B0] =	vst.add.f32.msk $0xffff, v9  }
0x38d: {  	v4 =	vmul.f32 v4, v2;
	[tilespmem:s7+$0x40C0] =	vst.add.f32.msk $0xffff, v6  }
0x38e: {  	v5 =	vmul.f32 v5, v2;
	[tilespmem:s7+$0x40D0] =	vst.add.f32.msk $0xffff, v7  }
0x38f: {  	v3 =	vmul.f32 v3, v2;
	[tilespmem:s7+$0x40E0] =	vst.add.f32.msk $0xffff, v4  }
0x390: {  	v1 =	vmul.f32 v1, v2;
	[tilespmem:s7+$0x40F0] =	vst.add.f32.msk $0xffff, v5  }
0x391: {  	v60 =	vmul.f32 v60, v2;
	[tilespmem:s7+$0x4480] =	vst.add.f32.msk $0xffff, v3  }
0x392: {  	v62 =	vmul.f32 v62, v2;
	[tilespmem:s7+$0x4490] =	vst.add.f32.msk $0xffff, v1  }
0x393: {  	v30 =	vmul.f32 v61, v2;
	[tilespmem:s7+$0x44B0] =	vst.add.f32.msk $0xffff, v60  }
0x394: {  	v31 =	vmul.f32 v63, v2;
	[tilespmem:s7+$0x44D0] =	vst.add.f32.msk $0xffff, v62  }
0x395: {  	[tilespmem:s7+$0x44C0] =	vst.add.f32.msk $0xffff, v30;
	v0 =	vmul.f32 v0, v2  }
0x396: {  	[tilespmem:s7+$0x44E0] =	vst.add.f32.msk $0xffff, v31;
	v32 =	vmul.f32 v59, v2  }
0x397: {  	[tilespmem:s7+$0x44F0] =	vst.add.f32.msk $0xffff, v0  }
0x398: {  	[tilespmem:s7+$0x44A0] =	vst.add.f32.msk $0xffff, v32;
	s7 =	sshra.s32 s8, $0x2  }
0x399: {  	v58 =	vld [tilespmem:s7+$0xA880]  }
0x39a: {  	v59 =	vld [tilespmem:s7+$0xA890]  }
0x39b: {  	v56 =	vld [tilespmem:s7+$0xA8A0]  }
0x39c: {  	v57 =	vld [tilespmem:s7+$0xA8B0]  }
0x39d: {  	v54 =	vld [tilespmem:s7+$0xA8C0]  }
0x39e: {  	v55 =	vld [tilespmem:s7+$0xA8D0]  }
0x39f: {  	v52 =	vld [tilespmem:s7+$0xA8E0]  }
0x3a0: {  	v53 =	vld [tilespmem:s7+$0xA8F0]  }
0x3a1: {  	v50 =	vld [tilespmem:s7+$0xAC80]  }
0x3a2: {  	v51 =	vld [tilespmem:s7+$0xAC90]  }
0x3a3: {  	v48 =	vld [tilespmem:s7+$0xACA0]  }
0x3a4: {  	v49 =	vld [tilespmem:s7+$0xACB0]  }
0x3a5: {  	v46 =	vld [tilespmem:s7+$0xACC0]  }
0x3a6: {  	v47 =	vld [tilespmem:s7+$0xACD0]  }
0x3a7: {  	v44 =	vld [tilespmem:s7+$0xACE0]  }
0x3a8: {  	v45 =	vld [tilespmem:s7+$0xACF0]  }
0x3a9: {  	v42 =	vld [tilespmem:s7+$0xB080]  }
0x3aa: {  	v43 =	vld [tilespmem:s7+$0xB090]  }
0x3ab: {  	v40 =	vld [tilespmem:s7+$0xB0A0]  }
0x3ac: {  	v41 =	vld [tilespmem:s7+$0xB0B0]  }
0x3ad: {  	v38 =	vld [tilespmem:s7+$0xB0C0]  }
0x3ae: {  	v39 =	vld [tilespmem:s7+$0xB0D0]  }
0x3af: {  	v36 =	vld [tilespmem:s7+$0xB0E0]  }
0x3b0: {  	v37 =	vld [tilespmem:s7+$0xB0F0]  }
0x3b1: {  	v34 =	vld [tilespmem:s7+$0xB480]  }
0x3b2: {  	v35 =	vld [tilespmem:s7+$0xB490]  }
0x3b3: {  	v32 =	vld [tilespmem:s7+$0xB4A0]  }
0x3b4: {  	v33 =	vld [tilespmem:s7+$0xB4B0]  }
0x3b5: {  	v30 =	vld [tilespmem:s7+$0xB4C0]  }
0x3b6: {  	v31 =	vld [tilespmem:s7+$0xB4D0]  }
0x3b7: {  	v28 =	vld [tilespmem:s7+$0xB4E0]  }
0x3b8: {  	v29 =	vld [tilespmem:s7+$0xB4F0]  }
0x3b9: {  	v26 =	vld [tilespmem:s7+$0xB880]  }
0x3ba: {  	v27 =	vld [tilespmem:s7+$0xB890]  }
0x3bb: {  	v24 =	vld [tilespmem:s7+$0xB8A0]  }
0x3bc: {  	v25 =	vld [tilespmem:s7+$0xB8B0]  }
0x3bd: {  	v22 =	vld [tilespmem:s7+$0xB8C0]  }
0x3be: {  	v23 =	vld [tilespmem:s7+$0xB8D0]  }
0x3bf: {  	v20 =	vld [tilespmem:s7+$0xB8E0]  }
0x3c0: {  	v21 =	vld [tilespmem:s7+$0xB8F0]  }
0x3c1: {  	v18 =	vld [tilespmem:s7+$0xBC80]  }
0x3c2: {  	v19 =	vld [tilespmem:s7+$0xBC90]  }
0x3c3: {  	v16 =	vld [tilespmem:s7+$0xBCA0]  }
0x3c4: {  	v17 =	vld [tilespmem:s7+$0xBCB0]  }
0x3c5: {  	v14 =	vld [tilespmem:s7+$0xBCC0]  }
0x3c6: {  	v15 =	vld [tilespmem:s7+$0xBCD0]  }
0x3c7: {  	v12 =	vld [tilespmem:s7+$0xBCE0]  }
0x3c8: {  	v13 =	vld [tilespmem:s7+$0xBCF0]  }
0x3c9: {  	v10 =	vld [tilespmem:s7+$0xC080]  }
0x3ca: {  	v11 =	vld [tilespmem:s7+$0xC090]  }
0x3cb: {  	v8 =	vld [tilespmem:s7+$0xC0A0]  }
0x3cc: {  	v9 =	vld [tilespmem:s7+$0xC0B0]  }
0x3cd: {  	p0 =	sne.s32 s8, $0xE00;
	v6 =	vld [tilespmem:s7+$0xC0C0]  }
.Ltmp12:
0x3ce: {  	v7 =	vld [tilespmem:s7+$0xC0D0];
	(pc) =	sbr.rel @p0 .LBB2_10-.Ltmp12, $4  }
0x3cf: {  	v4 =	vld [tilespmem:s7+$0xC0E0]  }
0x3d0: {  	v5 =	vld [tilespmem:s7+$0xC0F0]  }
0x3d1: {  	s0 =	sadd.s32 $0x1, s0;
	v3 =	vld [tilespmem:s7+$0xC480]  }
0x3d2: {  	s8 =	sadd.s32 $0x200, s8;
	v2 =	vld.msk [tilespmem:s0+$0x0 ss:$0x0], $0xffff  }
0x3d3: {  	v0 =	vld [tilespmem:s7+$0xC490]  }
0x3d4: {  	v62 =	vld [tilespmem:s7+$0xC4D0]  }
0x3d5: {  	v1 =	vld [tilespmem:s7+$0xC4A0]  }
0x3d6: {  	v60 =	vld [tilespmem:s7+$0xC4B0]  }
0x3d7: {  	v61 =	vld [tilespmem:s7+$0xC4C0]  }
0x3d8: {  	v63 =	vld [tilespmem:s7+$0xC4E0];
	v58 =	vmul.f32 v2, v58  }
0x3d9: {  	v59 =	vmul.f32 v59, v2;
	[tilespmem:$0x1FFA0] =	vst v62;
	v62 =	vld [tilespmem:s7+$0xC4F0]  }
0x3da: {  	v56 =	vmul.f32 v56, v2;
	[tilespmem:s7+$0x2880] =	vst.add.f32.msk $0xffff, v58  }
0x3db: {  	v57 =	vmul.f32 v57, v2;
	[tilespmem:s7+$0x2890] =	vst.add.f32.msk $0xffff, v59  }
0x3dc: {  	v54 =	vmul.f32 v54, v2;
	[tilespmem:s7+$0x28A0] =	vst.add.f32.msk $0xffff, v56  }
0x3dd: {  	v55 =	vmul.f32 v55, v2;
	[tilespmem:s7+$0x28B0] =	vst.add.f32.msk $0xffff, v57  }
0x3de: {  	v52 =	vmul.f32 v52, v2;
	[tilespmem:s7+$0x28C0] =	vst.add.f32.msk $0xffff, v54  }
0x3df: {  	v53 =	vmul.f32 v53, v2;
	[tilespmem:s7+$0x28D0] =	vst.add.f32.msk $0xffff, v55  }
0x3e0: {  	v50 =	vmul.f32 v50, v2;
	[tilespmem:s7+$0x28E0] =	vst.add.f32.msk $0xffff, v52  }
0x3e1: {  	v51 =	vmul.f32 v51, v2;
	[tilespmem:s7+$0x28F0] =	vst.add.f32.msk $0xffff, v53  }
0x3e2: {  	v48 =	vmul.f32 v48, v2;
	[tilespmem:s7+$0x2C80] =	vst.add.f32.msk $0xffff, v50  }
0x3e3: {  	v49 =	vmul.f32 v49, v2;
	[tilespmem:s7+$0x2C90] =	vst.add.f32.msk $0xffff, v51  }
0x3e4: {  	v46 =	vmul.f32 v46, v2;
	[tilespmem:s7+$0x2CA0] =	vst.add.f32.msk $0xffff, v48  }
0x3e5: {  	v47 =	vmul.f32 v47, v2;
	[tilespmem:s7+$0x2CB0] =	vst.add.f32.msk $0xffff, v49  }
0x3e6: {  	v44 =	vmul.f32 v44, v2;
	[tilespmem:s7+$0x2CC0] =	vst.add.f32.msk $0xffff, v46  }
0x3e7: {  	v45 =	vmul.f32 v45, v2;
	[tilespmem:s7+$0x2CD0] =	vst.add.f32.msk $0xffff, v47  }
0x3e8: {  	v42 =	vmul.f32 v42, v2;
	[tilespmem:s7+$0x2CE0] =	vst.add.f32.msk $0xffff, v44  }
0x3e9: {  	v43 =	vmul.f32 v43, v2;
	[tilespmem:s7+$0x2CF0] =	vst.add.f32.msk $0xffff, v45  }
0x3ea: {  	v40 =	vmul.f32 v40, v2;
	[tilespmem:s7+$0x3080] =	vst.add.f32.msk $0xffff, v42  }
0x3eb: {  	v41 =	vmul.f32 v41, v2;
	[tilespmem:s7+$0x3090] =	vst.add.f32.msk $0xffff, v43  }
0x3ec: {  	v38 =	vmul.f32 v38, v2;
	[tilespmem:s7+$0x30A0] =	vst.add.f32.msk $0xffff, v40  }
0x3ed: {  	v39 =	vmul.f32 v39, v2;
	[tilespmem:s7+$0x30B0] =	vst.add.f32.msk $0xffff, v41  }
0x3ee: {  	v36 =	vmul.f32 v36, v2;
	[tilespmem:s7+$0x30C0] =	vst.add.f32.msk $0xffff, v38  }
0x3ef: {  	v37 =	vmul.f32 v37, v2;
	[tilespmem:s7+$0x30D0] =	vst.add.f32.msk $0xffff, v39  }
0x3f0: {  	v34 =	vmul.f32 v34, v2;
	[tilespmem:s7+$0x30E0] =	vst.add.f32.msk $0xffff, v36  }
0x3f1: {  	v35 =	vmul.f32 v35, v2;
	[tilespmem:s7+$0x30F0] =	vst.add.f32.msk $0xffff, v37  }
0x3f2: {  	v32 =	vmul.f32 v32, v2;
	[tilespmem:s7+$0x3480] =	vst.add.f32.msk $0xffff, v34  }
0x3f3: {  	v33 =	vmul.f32 v33, v2;
	[tilespmem:s7+$0x3490] =	vst.add.f32.msk $0xffff, v35  }
0x3f4: {  	v30 =	vmul.f32 v30, v2;
	[tilespmem:s7+$0x34A0] =	vst.add.f32.msk $0xffff, v32  }
0x3f5: {  	v31 =	vmul.f32 v31, v2;
	[tilespmem:s7+$0x34B0] =	vst.add.f32.msk $0xffff, v33  }
0x3f6: {  	v28 =	vmul.f32 v28, v2;
	[tilespmem:s7+$0x34C0] =	vst.add.f32.msk $0xffff, v30  }
0x3f7: {  	v29 =	vmul.f32 v29, v2;
	[tilespmem:s7+$0x34D0] =	vst.add.f32.msk $0xffff, v31  }
0x3f8: {  	v26 =	vmul.f32 v26, v2;
	[tilespmem:s7+$0x34E0] =	vst.add.f32.msk $0xffff, v28  }
0x3f9: {  	v27 =	vmul.f32 v27, v2;
	[tilespmem:s7+$0x34F0] =	vst.add.f32.msk $0xffff, v29  }
0x3fa: {  	v24 =	vmul.f32 v24, v2;
	[tilespmem:s7+$0x3880] =	vst.add.f32.msk $0xffff, v26  }
0x3fb: {  	v25 =	vmul.f32 v25, v2;
	[tilespmem:s7+$0x3890] =	vst.add.f32.msk $0xffff, v27  }
0x3fc: {  	v22 =	vmul.f32 v22, v2;
	[tilespmem:s7+$0x38A0] =	vst.add.f32.msk $0xffff, v24  }
0x3fd: {  	v23 =	vmul.f32 v23, v2;
	[tilespmem:s7+$0x38B0] =	vst.add.f32.msk $0xffff, v25  }
0x3fe: {  	v20 =	vmul.f32 v20, v2;
	[tilespmem:s7+$0x38C0] =	vst.add.f32.msk $0xffff, v22  }
0x3ff: {  	v21 =	vmul.f32 v21, v2;
	[tilespmem:s7+$0x38D0] =	vst.add.f32.msk $0xffff, v23  }
0x400: {  	v18 =	vmul.f32 v18, v2;
	[tilespmem:s7+$0x38E0] =	vst.add.f32.msk $0xffff, v20  }
0x401: {  	v19 =	vmul.f32 v19, v2;
	[tilespmem:s7+$0x38F0] =	vst.add.f32.msk $0xffff, v21  }
0x402: {  	v16 =	vmul.f32 v16, v2;
	[tilespmem:s7+$0x3C80] =	vst.add.f32.msk $0xffff, v18  }
0x403: {  	v17 =	vmul.f32 v17, v2;
	[tilespmem:s7+$0x3C90] =	vst.add.f32.msk $0xffff, v19  }
0x404: {  	v14 =	vmul.f32 v14, v2;
	[tilespmem:s7+$0x3CA0] =	vst.add.f32.msk $0xffff, v16  }
0x405: {  	v15 =	vmul.f32 v15, v2;
	[tilespmem:s7+$0x3CB0] =	vst.add.f32.msk $0xffff, v17  }
0x406: {  	v12 =	vmul.f32 v12, v2;
	[tilespmem:s7+$0x3CC0] =	vst.add.f32.msk $0xffff, v14  }
0x407: {  	v13 =	vmul.f32 v13, v2;
	[tilespmem:s7+$0x3CD0] =	vst.add.f32.msk $0xffff, v15  }
0x408: {  	v10 =	vmul.f32 v10, v2;
	[tilespmem:s7+$0x3CE0] =	vst.add.f32.msk $0xffff, v12  }
0x409: {  	v11 =	vmul.f32 v11, v2;
	[tilespmem:s7+$0x3CF0] =	vst.add.f32.msk $0xffff, v13  }
0x40a: {  	v8 =	vmul.f32 v8, v2;
	[tilespmem:s7+$0x4080] =	vst.add.f32.msk $0xffff, v10  }
0x40b: {  	v9 =	vmul.f32 v9, v2;
	[tilespmem:s7+$0x4090] =	vst.add.f32.msk $0xffff, v11  }
0x40c: {  	v6 =	vmul.f32 v6, v2;
	[tilespmem:s7+$0x40A0] =	vst.add.f32.msk $0xffff, v8  }
0x40d: {  	v7 =	vmul.f32 v7, v2;
	[tilespmem:s7+$0x40B0] =	vst.add.f32.msk $0xffff, v9  }
0x40e: {  	v4 =	vmul.f32 v4, v2;
	[tilespmem:s7+$0x40C0] =	vst.add.f32.msk $0xffff, v6  }
0x40f: {  	v5 =	vmul.f32 v5, v2;
	[tilespmem:s7+$0x40D0] =	vst.add.f32.msk $0xffff, v7  }
0x410: {  	v3 =	vmul.f32 v3, v2;
	[tilespmem:s7+$0x40E0] =	vst.add.f32.msk $0xffff, v4  }
0x411: {  	[tilespmem:s7+$0x40F0] =	vst.add.f32.msk $0xffff, v5  }
0x412: {  	v0 =	vmul.f32 v0, v2;
	[tilespmem:s7+$0x4480] =	vst.add.f32.msk $0xffff, v3  }
0x413: {  	v1 =	vmul.f32 v1, v2;
	v58 =	vmul.f32 v60, v2;
	v60 =	vld [tilespmem:$0x1FFA0]  }
0x414: {  	[tilespmem:s7+$0x4490] =	vst.add.f32.msk $0xffff, v0  }
0x415: {  	v59 =	vmul.f32 v61, v2;
	[tilespmem:s7+$0x44A0] =	vst.add.f32.msk $0xffff, v1  }
0x416: {  	v61 =	vmul.f32 v63, v2;
	[tilespmem:s7+$0x44B0] =	vst.add.f32.msk $0xffff, v58  }
0x417: {  	[tilespmem:s7+$0x44C0] =	vst.add.f32.msk $0xffff, v59;
	v63 =	vmul.f32 v62, v2  }
0x418: {  	s0 =	sadd.s32 s6, s4;
	p0 =	sgt.u32 s31, $0x7C;
	[tilespmem:s7+$0x44E0] =	vst.add.f32.msk $0xffff, v61;
	v0 =	vmul.f32 v60, v2  }
0x419: {  	s0 =	sshll.u32 s0, $0x7;
	p1 =	seq.s32 @!p0 s31, $0x0;
	[tilespmem:s7+$0x44F0] =	vst.add.f32.msk $0xffff, v63  }
0x41a: {  	s0 =	sadd.s32 s3, s0;
	p1 =	por p1, p0;
	[tilespmem:s7+$0x44D0] =	vst.add.f32.msk $0xffff, v0  }
0x41b: {  	[hbm4b:s0+s5] =	stream.linear.scatter [tilespmem:s23], [sflag:$0x6], $0x2000, $0x38;
	[tilespmem:$0x10880] =	vst v63  }
0x41c: {  	s0 =	simm.s32 @!p1 $0x5  }
0x41d: {  	s7 =	sadd.s32 @!p0 $0x18, s4;
	_ =	swait.ge @!p1 [sflag:s0], $0x2000  }
0x41e: {  	s7 =	sadd.s32 @!p0 s6, s7;
	[sflag:s0] =	ssyncset.done @!p1 $0x0  }
0x41f: {  	[sflag:s0] =	ssyncadd.s32 @!p1 $0xFFFFE000;
	s0 =	sshll.u32 @!p0 s7, $0x7  }
0x420: {  	s8 =	simm.s32 @!p0 $0x880;
	s7 =	simm.s32 @!p0 $0x0;
	s0 =	sadd.s32 @!p0 s1, s0  }
0x421: {  	[tilespmem:s8], [sflag:$0x1] =	stream.linear.gather @!p0 [hbm4b:s0+s7], $0x2000, $0x38;
	[tilespmem:$0x10880] =	vst v63  }
0x422: {  	v0 =	vld.msk @!p0 [tilespmem:s4+$0x18], $0xff;
	_ =	sdelay $0x4  }
0x423: {  	v1 =	vshll.u32 @!p0 v0, $0x3  }
0x424: {  	v2 =	vlaneseq.u32 @!p0;
	v0 =	vand.u32 @!p0 $0x7, v0;
	v1 =	vand.u32 @!p0 $0xFFFFFFC0, v1  }
0x425: {  	v0 =	vor.u32 @!p0 v0, v1;
	v1 =	vand.u32 @!p0 $0x7, v2;
	v2 =	vshrl.u32 @!p0 v2, $0x3  }
0x426: {  	v0 =	vperm.xlane @!p0 v0, v1;
	v1 =	vmul.u32 @!p0 $0x8, v2;
	_ =	sdelay $0x1  }
0x427: {  	v0 =	vadd.s32 @!p0 v1, v0;
	_ =	sdelay $0x3  }
0x428: {  	vm1 =	vmmov @!p0 $0xffff;
	s0 =	simm.s32 @!p0 $0x8880  }
0x429: {  	[tilespmem:s0], [sflag:$0x1] =	stream.indirect_vreg.gather @!p0 [hbm4b:s2+s7], $0x80, v0, vm1, $0xb8;
	[tilespmem:$0x10880] =	vst v63  }
0x42a: {  	s0 =	simm.s32 @!p0 $0x9080  }
0x42b: {  	[tilespmem:s0], [sflag:$0x1] =	stream.indirect_vreg.gather @!p0 [hbm4b:s10+s7], $0x80, v0, vm1, $0xb8;
	[tilespmem:$0x10880] =	vst v63  }
.Ltmp13:
0x42c: {  	_ = 	snop;
	(pc) =	sbr.rel .LBB2_19-.Ltmp13, $4  }
0x42d: {  	s0 =	simm.s32 @!p0 $0x9880  }
0x42e: {  	[tilespmem:s0], [sflag:$0x1] =	stream.indirect_vreg.gather @!p0 [hbm4b:s11+s7], $0x80, v0, vm1, $0xb8;
	[tilespmem:$0x10880] =	vst v63  }
0x42f: {  	s0 =	simm.s32 @!p0 $0xA080  }
0x430: {  	[tilespmem:s0], [sflag:$0x1] =	stream.indirect_vreg.gather @!p0 [hbm4b:s12+s7], $0x80, v0, vm1, $0xb8;
	[tilespmem:$0x10880] =	vst v63  }
.LBB2_16:
0x431: {  	_ =	swait.ge [sflag:s26], $0x2000  }
0x432: {  	[sflag:s26] =	ssyncset.done $0x0  }
0x433: {  	[sflag:s26] =	ssyncadd.s32 $0xFFFFE000  }
0x434: {  	_ =	swait.ge [sflag:s26], $0x2000  }
0x435: {  	[sflag:s26] =	ssyncset.done $0x0  }
0x436: {  	s7 =	simm.s32 $0x0;
	[sflag:s26] =	ssyncadd.s32 $0xFFFFE000  }
0x437: {  	v58 =	vld [tilespmem:s7+$0xE880]  }
0x438: {  	v59 =	vld [tilespmem:s7+$0xE890]  }
0x439: {  	v56 =	vld [tilespmem:s7+$0xE8A0]  }
0x43a: {  	v57 =	vld [tilespmem:s7+$0xE8B0]  }
0x43b: {  	v54 =	vld [tilespmem:s7+$0xE8C0]  }
0x43c: {  	v55 =	vld [tilespmem:s7+$0xE8D0]  }
0x43d: {  	v52 =	vld [tilespmem:s7+$0xE8E0]  }
0x43e: {  	v53 =	vld [tilespmem:s7+$0xE8F0]  }
0x43f: {  	v50 =	vld [tilespmem:s7+$0xEC80]  }
0x440: {  	v51 =	vld [tilespmem:s7+$0xEC90]  }
0x441: {  	v48 =	vld [tilespmem:s7+$0xECA0]  }
0x442: {  	v49 =	vld [tilespmem:s7+$0xECB0]  }
0x443: {  	v46 =	vld [tilespmem:s7+$0xECC0]  }
0x444: {  	v47 =	vld [tilespmem:s7+$0xECD0]  }
0x445: {  	v44 =	vld [tilespmem:s7+$0xECE0]  }
0x446: {  	v45 =	vld [tilespmem:s7+$0xECF0]  }
0x447: {  	v42 =	vld [tilespmem:s7+$0xF080]  }
0x448: {  	v43 =	vld [tilespmem:s7+$0xF090]  }
0x449: {  	v40 =	vld [tilespmem:s7+$0xF0A0]  }
0x44a: {  	v41 =	vld [tilespmem:s7+$0xF0B0]  }
0x44b: {  	v38 =	vld [tilespmem:s7+$0xF0C0]  }
0x44c: {  	v39 =	vld [tilespmem:s7+$0xF0D0]  }
0x44d: {  	v36 =	vld [tilespmem:s7+$0xF0E0]  }
0x44e: {  	v37 =	vld [tilespmem:s7+$0xF0F0]  }
0x44f: {  	v34 =	vld [tilespmem:s7+$0xF480]  }
0x450: {  	v35 =	vld [tilespmem:s7+$0xF490]  }
0x451: {  	v32 =	vld [tilespmem:s7+$0xF4A0]  }
0x452: {  	v33 =	vld [tilespmem:s7+$0xF4B0]  }
0x453: {  	v30 =	vld [tilespmem:s7+$0xF4C0]  }
0x454: {  	v31 =	vld [tilespmem:s7+$0xF4D0]  }
0x455: {  	v28 =	vld [tilespmem:s7+$0xF4E0]  }
0x456: {  	v29 =	vld [tilespmem:s7+$0xF4F0]  }
0x457: {  	v26 =	vld [tilespmem:s7+$0xF880]  }
0x458: {  	v27 =	vld [tilespmem:s7+$0xF890]  }
0x459: {  	v24 =	vld [tilespmem:s7+$0xF8A0]  }
0x45a: {  	v25 =	vld [tilespmem:s7+$0xF8B0]  }
0x45b: {  	v22 =	vld [tilespmem:s7+$0xF8C0]  }
0x45c: {  	v23 =	vld [tilespmem:s7+$0xF8D0]  }
0x45d: {  	v20 =	vld [tilespmem:s7+$0xF8E0]  }
0x45e: {  	v21 =	vld [tilespmem:s7+$0xF8F0]  }
0x45f: {  	v18 =	vld [tilespmem:s7+$0xFC80]  }
0x460: {  	v19 =	vld [tilespmem:s7+$0xFC90]  }
0x461: {  	v16 =	vld [tilespmem:s7+$0xFCA0]  }
0x462: {  	v17 =	vld [tilespmem:s7+$0xFCB0]  }
0x463: {  	v14 =	vld [tilespmem:s7+$0xFCC0]  }
0x464: {  	v15 =	vld [tilespmem:s7+$0xFCD0]  }
0x465: {  	v12 =	vld [tilespmem:s7+$0xFCE0]  }
0x466: {  	v13 =	vld [tilespmem:s7+$0xFCF0]  }
0x467: {  	v10 =	vld [tilespmem:s7+$0x10080]  }
0x468: {  	v11 =	vld [tilespmem:s7+$0x10090]  }
0x469: {  	v8 =	vld [tilespmem:s7+$0x100A0]  }
0x46a: {  	v9 =	vld [tilespmem:s7+$0x100B0]  }
0x46b: {  	v6 =	vld [tilespmem:s7+$0x100C0]  }
0x46c: {  	v7 =	vld [tilespmem:s7+$0x100D0]  }
0x46d: {  	v4 =	vld [tilespmem:s7+$0x100E0]  }
0x46e: {  	v5 =	vld [tilespmem:s7+$0x100F0]  }
0x46f: {  	v3 =	vld [tilespmem:s7+$0x10480]  }
0x470: {  	s8 =	simm.s32 $0x200;
	s0 =	smov.u32 s13;
	v2 =	vld.msk [tilespmem:s13+$0x0 ss:$0x0], $0xffff  }
.LBB2_17:
0x471: {  	v1 =	vld [tilespmem:s7+$0x10490]  }
0x472: {  	v0 =	vld [tilespmem:s7+$0x104A0]  }
0x473: {  	v60 =	vld [tilespmem:s7+$0x104B0]  }
0x474: {  	v61 =	vld [tilespmem:s7+$0x104C0]  }
0x475: {  	v62 =	vld [tilespmem:s7+$0x104D0];
	v58 =	vmul.f32 v2, v58  }
0x476: {  	v59 =	vmul.f32 v59, v2;
	v63 =	vld [tilespmem:s7+$0x104E0]  }
0x477: {  	v56 =	vmul.f32 v56, v2;
	[tilespmem:s7+$0x6880] =	vst.add.f32.msk $0xffff, v58  }
0x478: {  	v57 =	vmul.f32 v57, v2;
	[tilespmem:s7+$0x6890] =	vst.add.f32.msk $0xffff, v59  }
0x479: {  	v54 =	vmul.f32 v54, v2;
	[tilespmem:s7+$0x68A0] =	vst.add.f32.msk $0xffff, v56  }
0x47a: {  	v55 =	vmul.f32 v55, v2;
	[tilespmem:s7+$0x68B0] =	vst.add.f32.msk $0xffff, v57  }
0x47b: {  	v52 =	vmul.f32 v52, v2;
	[tilespmem:s7+$0x68C0] =	vst.add.f32.msk $0xffff, v54  }
0x47c: {  	v53 =	vmul.f32 v53, v2;
	[tilespmem:s7+$0x68D0] =	vst.add.f32.msk $0xffff, v55  }
0x47d: {  	v50 =	vmul.f32 v50, v2;
	[tilespmem:s7+$0x68E0] =	vst.add.f32.msk $0xffff, v52  }
0x47e: {  	v51 =	vmul.f32 v51, v2;
	[tilespmem:s7+$0x68F0] =	vst.add.f32.msk $0xffff, v53  }
0x47f: {  	v48 =	vmul.f32 v48, v2;
	[tilespmem:s7+$0x6C80] =	vst.add.f32.msk $0xffff, v50  }
0x480: {  	v49 =	vmul.f32 v49, v2;
	[tilespmem:s7+$0x6C90] =	vst.add.f32.msk $0xffff, v51  }
0x481: {  	v46 =	vmul.f32 v46, v2;
	[tilespmem:s7+$0x6CA0] =	vst.add.f32.msk $0xffff, v48  }
0x482: {  	v47 =	vmul.f32 v47, v2;
	[tilespmem:s7+$0x6CB0] =	vst.add.f32.msk $0xffff, v49  }
0x483: {  	v44 =	vmul.f32 v44, v2;
	[tilespmem:s7+$0x6CC0] =	vst.add.f32.msk $0xffff, v46  }
0x484: {  	v45 =	vmul.f32 v45, v2;
	[tilespmem:s7+$0x6CD0] =	vst.add.f32.msk $0xffff, v47  }
0x485: {  	v42 =	vmul.f32 v42, v2;
	[tilespmem:s7+$0x6CE0] =	vst.add.f32.msk $0xffff, v44  }
0x486: {  	v43 =	vmul.f32 v43, v2;
	[tilespmem:s7+$0x6CF0] =	vst.add.f32.msk $0xffff, v45  }
0x487: {  	v40 =	vmul.f32 v40, v2;
	[tilespmem:s7+$0x7080] =	vst.add.f32.msk $0xffff, v42  }
0x488: {  	v41 =	vmul.f32 v41, v2;
	[tilespmem:s7+$0x7090] =	vst.add.f32.msk $0xffff, v43  }
0x489: {  	v38 =	vmul.f32 v38, v2;
	[tilespmem:s7+$0x70A0] =	vst.add.f32.msk $0xffff, v40  }
0x48a: {  	v39 =	vmul.f32 v39, v2;
	[tilespmem:s7+$0x70B0] =	vst.add.f32.msk $0xffff, v41  }
0x48b: {  	v36 =	vmul.f32 v36, v2;
	[tilespmem:s7+$0x70C0] =	vst.add.f32.msk $0xffff, v38  }
0x48c: {  	v37 =	vmul.f32 v37, v2;
	[tilespmem:s7+$0x70D0] =	vst.add.f32.msk $0xffff, v39  }
0x48d: {  	v34 =	vmul.f32 v34, v2;
	[tilespmem:s7+$0x70E0] =	vst.add.f32.msk $0xffff, v36  }
0x48e: {  	v35 =	vmul.f32 v35, v2;
	[tilespmem:s7+$0x70F0] =	vst.add.f32.msk $0xffff, v37  }
0x48f: {  	v32 =	vmul.f32 v32, v2;
	[tilespmem:s7+$0x7480] =	vst.add.f32.msk $0xffff, v34  }
0x490: {  	v33 =	vmul.f32 v33, v2;
	[tilespmem:s7+$0x7490] =	vst.add.f32.msk $0xffff, v35  }
0x491: {  	v30 =	vmul.f32 v30, v2;
	[tilespmem:s7+$0x74A0] =	vst.add.f32.msk $0xffff, v32  }
0x492: {  	v31 =	vmul.f32 v31, v2;
	[tilespmem:s7+$0x74B0] =	vst.add.f32.msk $0xffff, v33  }
0x493: {  	v28 =	vmul.f32 v28, v2;
	[tilespmem:s7+$0x74C0] =	vst.add.f32.msk $0xffff, v30  }
0x494: {  	v29 =	vmul.f32 v29, v2;
	[tilespmem:s7+$0x74D0] =	vst.add.f32.msk $0xffff, v31  }
0x495: {  	v26 =	vmul.f32 v26, v2;
	[tilespmem:s7+$0x74E0] =	vst.add.f32.msk $0xffff, v28  }
0x496: {  	v27 =	vmul.f32 v27, v2;
	[tilespmem:s7+$0x74F0] =	vst.add.f32.msk $0xffff, v29  }
0x497: {  	v24 =	vmul.f32 v24, v2;
	[tilespmem:s7+$0x7880] =	vst.add.f32.msk $0xffff, v26  }
0x498: {  	v25 =	vmul.f32 v25, v2;
	[tilespmem:s7+$0x7890] =	vst.add.f32.msk $0xffff, v27  }
0x499: {  	v22 =	vmul.f32 v22, v2;
	[tilespmem:s7+$0x78A0] =	vst.add.f32.msk $0xffff, v24  }
0x49a: {  	v23 =	vmul.f32 v23, v2;
	[tilespmem:s7+$0x78B0] =	vst.add.f32.msk $0xffff, v25  }
0x49b: {  	v20 =	vmul.f32 v20, v2;
	[tilespmem:s7+$0x78C0] =	vst.add.f32.msk $0xffff, v22  }
0x49c: {  	v21 =	vmul.f32 v21, v2;
	[tilespmem:s7+$0x78D0] =	vst.add.f32.msk $0xffff, v23  }
0x49d: {  	v18 =	vmul.f32 v18, v2;
	[tilespmem:s7+$0x78E0] =	vst.add.f32.msk $0xffff, v20  }
0x49e: {  	v19 =	vmul.f32 v19, v2;
	[tilespmem:s7+$0x78F0] =	vst.add.f32.msk $0xffff, v21  }
0x49f: {  	v16 =	vmul.f32 v16, v2;
	[tilespmem:s7+$0x7C80] =	vst.add.f32.msk $0xffff, v18  }
0x4a0: {  	v17 =	vmul.f32 v17, v2;
	[tilespmem:s7+$0x7C90] =	vst.add.f32.msk $0xffff, v19  }
0x4a1: {  	v14 =	vmul.f32 v14, v2;
	[tilespmem:s7+$0x7CA0] =	vst.add.f32.msk $0xffff, v16  }
0x4a2: {  	v15 =	vmul.f32 v15, v2;
	[tilespmem:s7+$0x7CB0] =	vst.add.f32.msk $0xffff, v17  }
0x4a3: {  	v12 =	vmul.f32 v12, v2;
	[tilespmem:s7+$0x7CC0] =	vst.add.f32.msk $0xffff, v14  }
0x4a4: {  	v13 =	vmul.f32 v13, v2;
	[tilespmem:s7+$0x7CD0] =	vst.add.f32.msk $0xffff, v15  }
0x4a5: {  	v10 =	vmul.f32 v10, v2;
	[tilespmem:s7+$0x7CE0] =	vst.add.f32.msk $0xffff, v12  }
0x4a6: {  	v11 =	vmul.f32 v11, v2;
	[tilespmem:s7+$0x7CF0] =	vst.add.f32.msk $0xffff, v13  }
0x4a7: {  	v8 =	vmul.f32 v8, v2;
	[tilespmem:s7+$0x8080] =	vst.add.f32.msk $0xffff, v10  }
0x4a8: {  	v9 =	vmul.f32 v9, v2;
	[tilespmem:s7+$0x8090] =	vst.add.f32.msk $0xffff, v11  }
0x4a9: {  	v6 =	vmul.f32 v6, v2;
	[tilespmem:s7+$0x80A0] =	vst.add.f32.msk $0xffff, v8  }
0x4aa: {  	v7 =	vmul.f32 v7, v2;
	[tilespmem:s7+$0x80B0] =	vst.add.f32.msk $0xffff, v9  }
0x4ab: {  	v4 =	vmul.f32 v4, v2;
	[tilespmem:s7+$0x80C0] =	vst.add.f32.msk $0xffff, v6  }
0x4ac: {  	v5 =	vmul.f32 v5, v2;
	[tilespmem:s7+$0x80D0] =	vst.add.f32.msk $0xffff, v7  }
0x4ad: {  	v3 =	vmul.f32 v3, v2;
	[tilespmem:s7+$0x80E0] =	vst.add.f32.msk $0xffff, v4  }
0x4ae: {  	[tilespmem:s7+$0x80F0] =	vst.add.f32.msk $0xffff, v5  }
0x4af: {  	[tilespmem:s7+$0x8480] =	vst.add.f32.msk $0xffff, v3  }
0x4b0: {  	[tilespmem:$0x1FF70] =	vst v0;
	v0 =	vld [tilespmem:s7+$0x104F0];
	v1 =	vmul.f32 v1, v2  }
0x4b1: {  	v60 =	vmul.f32 v60, v2;
	v59 =	vld [tilespmem:$0x1FF70]  }
0x4b2: {  	v30 =	vmul.f32 v61, v2;
	[tilespmem:s7+$0x8490] =	vst.add.f32.msk $0xffff, v1  }
0x4b3: {  	v62 =	vmul.f32 v62, v2;
	[tilespmem:s7+$0x84B0] =	vst.add.f32.msk $0xffff, v60  }
0x4b4: {  	v31 =	vmul.f32 v63, v2;
	[tilespmem:s7+$0x84C0] =	vst.add.f32.msk $0xffff, v30  }
0x4b5: {  	[tilespmem:s7+$0x84D0] =	vst.add.f32.msk $0xffff, v62;
	v0 =	vmul.f32 v0, v2  }
0x4b6: {  	[tilespmem:s7+$0x84E0] =	vst.add.f32.msk $0xffff, v31;
	v32 =	vmul.f32 v59, v2  }
0x4b7: {  	[tilespmem:s7+$0x84F0] =	vst.add.f32.msk $0xffff, v0  }
0x4b8: {  	[tilespmem:s7+$0x84A0] =	vst.add.f32.msk $0xffff, v32;
	s7 =	sshra.s32 s8, $0x2  }
0x4b9: {  	v58 =	vld [tilespmem:s7+$0xE880]  }
0x4ba: {  	v59 =	vld [tilespmem:s7+$0xE890]  }
0x4bb: {  	v56 =	vld [tilespmem:s7+$0xE8A0]  }
0x4bc: {  	v57 =	vld [tilespmem:s7+$0xE8B0]  }
0x4bd: {  	v54 =	vld [tilespmem:s7+$0xE8C0]  }
0x4be: {  	v55 =	vld [tilespmem:s7+$0xE8D0]  }
0x4bf: {  	v52 =	vld [tilespmem:s7+$0xE8E0]  }
0x4c0: {  	v53 =	vld [tilespmem:s7+$0xE8F0]  }
0x4c1: {  	v50 =	vld [tilespmem:s7+$0xEC80]  }
0x4c2: {  	v51 =	vld [tilespmem:s7+$0xEC90]  }
0x4c3: {  	v48 =	vld [tilespmem:s7+$0xECA0]  }
0x4c4: {  	v49 =	vld [tilespmem:s7+$0xECB0]  }
0x4c5: {  	v46 =	vld [tilespmem:s7+$0xECC0]  }
0x4c6: {  	v47 =	vld [tilespmem:s7+$0xECD0]  }
0x4c7: {  	v44 =	vld [tilespmem:s7+$0xECE0]  }
0x4c8: {  	v45 =	vld [tilespmem:s7+$0xECF0]  }
0x4c9: {  	v42 =	vld [tilespmem:s7+$0xF080]  }
0x4ca: {  	v43 =	vld [tilespmem:s7+$0xF090]  }
0x4cb: {  	v40 =	vld [tilespmem:s7+$0xF0A0]  }
0x4cc: {  	v41 =	vld [tilespmem:s7+$0xF0B0]  }
0x4cd: {  	v38 =	vld [tilespmem:s7+$0xF0C0]  }
0x4ce: {  	v39 =	vld [tilespmem:s7+$0xF0D0]  }
0x4cf: {  	v36 =	vld [tilespmem:s7+$0xF0E0]  }
0x4d0: {  	v37 =	vld [tilespmem:s7+$0xF0F0]  }
0x4d1: {  	v34 =	vld [tilespmem:s7+$0xF480]  }
0x4d2: {  	v35 =	vld [tilespmem:s7+$0xF490]  }
0x4d3: {  	v32 =	vld [tilespmem:s7+$0xF4A0]  }
0x4d4: {  	v33 =	vld [tilespmem:s7+$0xF4B0]  }
0x4d5: {  	v30 =	vld [tilespmem:s7+$0xF4C0]  }
0x4d6: {  	v31 =	vld [tilespmem:s7+$0xF4D0]  }
0x4d7: {  	v28 =	vld [tilespmem:s7+$0xF4E0]  }
0x4d8: {  	v29 =	vld [tilespmem:s7+$0xF4F0]  }
0x4d9: {  	v26 =	vld [tilespmem:s7+$0xF880]  }
0x4da: {  	v27 =	vld [tilespmem:s7+$0xF890]  }
0x4db: {  	v24 =	vld [tilespmem:s7+$0xF8A0]  }
0x4dc: {  	v25 =	vld [tilespmem:s7+$0xF8B0]  }
0x4dd: {  	v22 =	vld [tilespmem:s7+$0xF8C0]  }
0x4de: {  	v23 =	vld [tilespmem:s7+$0xF8D0]  }
0x4df: {  	v20 =	vld [tilespmem:s7+$0xF8E0]  }
0x4e0: {  	v21 =	vld [tilespmem:s7+$0xF8F0]  }
0x4e1: {  	v18 =	vld [tilespmem:s7+$0xFC80]  }
0x4e2: {  	v19 =	vld [tilespmem:s7+$0xFC90]  }
0x4e3: {  	v16 =	vld [tilespmem:s7+$0xFCA0]  }
0x4e4: {  	v17 =	vld [tilespmem:s7+$0xFCB0]  }
0x4e5: {  	v14 =	vld [tilespmem:s7+$0xFCC0]  }
0x4e6: {  	v15 =	vld [tilespmem:s7+$0xFCD0]  }
0x4e7: {  	v12 =	vld [tilespmem:s7+$0xFCE0]  }
0x4e8: {  	v13 =	vld [tilespmem:s7+$0xFCF0]  }
0x4e9: {  	v10 =	vld [tilespmem:s7+$0x10080]  }
0x4ea: {  	v11 =	vld [tilespmem:s7+$0x10090]  }
0x4eb: {  	v8 =	vld [tilespmem:s7+$0x100A0]  }
0x4ec: {  	v9 =	vld [tilespmem:s7+$0x100B0]  }
0x4ed: {  	p0 =	sne.s32 s8, $0xE00;
	v6 =	vld [tilespmem:s7+$0x100C0]  }
.Ltmp14:
0x4ee: {  	v7 =	vld [tilespmem:s7+$0x100D0];
	(pc) =	sbr.rel @p0 .LBB2_17-.Ltmp14, $4  }
0x4ef: {  	v4 =	vld [tilespmem:s7+$0x100E0]  }
0x4f0: {  	v5 =	vld [tilespmem:s7+$0x100F0]  }
0x4f1: {  	s0 =	sadd.s32 $0x1, s0;
	v3 =	vld [tilespmem:s7+$0x10480]  }
0x4f2: {  	s8 =	sadd.s32 $0x200, s8;
	v2 =	vld.msk [tilespmem:s0+$0x0 ss:$0x0], $0xffff  }
.Ltmp15:
0x4f3: {  	_ = 	snop;
	(pc) =	sbr.rel .LBB2_18-.Ltmp15, $1  }
0x4f4: {  	_ =	sdelay $0x3  }
.LBB2_21:
0x4f5: {  	_ =	sfence.sel $0x180000  }
0x4f6: {  	[bflag:$0x0] =	sbarrier.arrive $0xFFFF  }
0x4f7: {  	_ =	strace $0x90000047  }
0x4f8: {  	s0 =	stileid.u32;
	[bflag:$0x2] =	sbarrier.arrive $0xFFFF  }
0x4f9: {  	p0 =	sne.s32 s0, $0x0;
	s0 =	rddreg [dreg:$0x5]  }
0x4fa: {  	s0 =	sadd.s32 @!p0 $0x100000, s0  }
0x4fb: {  	[sflag:s0] =	ssyncadd.tile.s32 @!p0 $0x1;
	_ =	shalt  }
.Lfunc_end2:
_tile_overlayer_lowered:
.L_overlay_start_2:
0x4fc: {  	(tag) =	ssettag $0x2  }
0x4fd: {  	s0 =	rddreg [dreg:$0x0];
	s2 =	stileid.u32  }
0x4fe: {  	s1 =	rddreg [dreg:$0x1];
	p0 =	sne.s32 s2, $0x0  }
0x4ff: {  	s3 =	rddreg [dreg:$0x2];
	[bflag:$0x3] =	sbarrier.arrive $0xFFFF;
	s2 =	simm.s32 @!p0 $0x1C09  }
0x500: {  	[timem:s3], [sflag:s2] =	dma.local @!p0 [hbm:s0], s1  }
0x501: {  	s0 =	simm.s32 @!p0 $0x9  }
0x502: {  	_ =	swait.ge @!p0 [sflag:s0], s1  }
0x503: {  	s1 =	ssub.s32 @!p0 $0x0, s1;
	[sflag:s0] =	ssyncset.done @!p0 $0x0  }
0x504: {  	[sflag:s0] =	ssyncadd.s32 @!p0 s1  }
0x505: {  	[bflag:$0x3] =	sbarrier.arrive $0xFFFF  }
0x506: {  	_ =	shalt  }

</sc_bundles>
